<compile_context>
chip_gen: v7x
topology: tpu7x:2x2x1
jax: 0.10.2.dev20260603
libtpu: 0.0.44.dev20260713+nightly
codegen_flags: <defaults>
</compile_context>

<pallas_src>
import functools

import jax
import jax.numpy as jnp
from jax import lax
from jax.experimental import pallas as pl
from jax.experimental.pallas import tpu as pltpu
from jax.experimental.pallas import tpu_sc as plsc

N = 10000
E = 160000
IN = 128
H = 16
EF = 16

NC = 2
NS = 16
NW = NC * NS
E_PAD = 163840
EPW = E_PAD // NW
CH = 128
CHG = 256
NPAIR = EPW // (2 * CHG)
NCHUNK = EPW // CH
NPAD = 10240
NQ = 2
QR = NPAD // NQ
QG = QR + 8
DGR = NPAD // 16

_mesh = plsc.VectorSubcoreMesh(core_axis_name="c", subcore_axis_name="s")


def _make_gather(d):

    @functools.partial(
        pl.kernel,
        out_type=jax.ShapeDtypeStruct((E_PAD, d), jnp.float32),
        mesh=_mesh,
        scratch_types=[
            pltpu.VMEM((CHG,), jnp.int32),
            pltpu.VMEM((CHG,), jnp.int32),
            pltpu.VMEM((CHG, d), jnp.float32),
            pltpu.VMEM((CHG, d), jnp.float32),
            pltpu.SemaphoreType.DMA,
            pltpu.SemaphoreType.DMA,
            pltpu.SemaphoreType.DMA,
            pltpu.SemaphoreType.DMA,
        ],
    )
    def gather_k(tab_hbm, src_hbm, out_hbm,
                 idxa, idxb, rowsa, rowsb, gsa, gsb, wsa, wsb):
        wid = lax.axis_index("s") * NC + lax.axis_index("c")
        base = wid * EPW
        npair = NPAIR

        pltpu.sync_copy(src_hbm.at[pl.ds(base, CHG)], idxa)
        pltpu.async_copy(tab_hbm.at[idxa], rowsa, gsa)

        def pair(p, carry):
            ca = base + (2 * p) * CHG
            cb = ca + CHG
            pltpu.sync_copy(src_hbm.at[pl.ds(cb, CHG)], idxb)

            @pl.when(p > 0)
            def _():
                pltpu.make_async_copy(
                    rowsb, out_hbm.at[pl.ds(ca - CHG, CHG)], wsb).wait()

            pltpu.async_copy(tab_hbm.at[idxb], rowsb, gsb)
            pltpu.make_async_copy(tab_hbm.at[idxa], rowsa, gsa).wait()
            pltpu.async_copy(rowsa, out_hbm.at[pl.ds(ca, CHG)], wsa)

            @pl.when(p + 1 < npair)
            def _():
                pltpu.sync_copy(src_hbm.at[pl.ds(ca + 2 * CHG, CHG)], idxa)
                pltpu.make_async_copy(
                    rowsa, out_hbm.at[pl.ds(ca, CHG)], wsa).wait()
                pltpu.async_copy(tab_hbm.at[idxa], rowsa, gsa)

            pltpu.make_async_copy(tab_hbm.at[idxb], rowsb, gsb).wait()
            pltpu.async_copy(rowsb, out_hbm.at[pl.ds(cb, CHG)], wsb)
            return carry

        lax.fori_loop(0, npair, pair, 0)
        last = base + (2 * npair - 2) * CHG
        pltpu.make_async_copy(
            rowsa, out_hbm.at[pl.ds(last, CHG)], wsa).wait()
        pltpu.make_async_copy(
            rowsb, out_hbm.at[pl.ds(last + CHG, CHG)], wsb).wait()

    return gather_k


_gather_x = _make_gather(IN)


@functools.partial(
    pl.kernel,
    out_type=[jax.ShapeDtypeStruct((NW * NPAD * 16,), jnp.float32),
              jax.ShapeDtypeStruct((NW * NPAD,), jnp.float32)],
    mesh=_mesh,
    scratch_types=[
        pltpu.VMEM((CH,), jnp.int32),
        pltpu.VMEM((CH * 16,), jnp.float32),
        pltpu.VMEM((QG * 16,), jnp.float32),
        pltpu.VMEM((DGR * 16,), jnp.float32),
    ],
)
def _scatter_k(r_hbm, dst_hbm, outm_hbm, outd_hbm,
               idx_v, rows_v, tab_v, deg_v):
    c = lax.axis_index("c")
    s = lax.axis_index("s")
    w = s * NC + c
    base = w * EPW
    iota16 = lax.iota(jnp.int32, 16)

    for q in range(NQ):
        qlo = q * QR

        def zrow(i, carry2):
            tab_v[pl.ds(i * 16, 16)] = jnp.zeros((16,), jnp.float32)
            return carry2

        lax.fori_loop(0, QG, zrow, 0)
        if q == 0:
            def zdeg(i, carry2):
                deg_v[pl.ds(i * 16, 16)] = jnp.zeros((16,), jnp.float32)
                return carry2

            lax.fori_loop(0, DGR, zdeg, 0)

        def body(j, carry2, q=q, qlo=qlo):
            off = base + j * CH
            pltpu.sync_copy(dst_hbm.at[pl.ds(off, CH)], idx_v)
            pltpu.sync_copy(r_hbm.at[pl.ds(off * 16, CH * 16)], rows_v)

            def grp16(g, carry3):
                dvec = idx_v[pl.ds(g * 16, 16)]
                dm = dvec - qlo
                inrange = jnp.logical_and(dm >= 0, dm < QR)
                dmi = jnp.where(inrange, dm, QR) * 16
                for e16 in range(16):
                    d = dmi[e16]
                    e = (g * 16 + e16) * 16
                    tab_v[pl.ds(d, 16)] = (
                        tab_v[pl.ds(d, 16)] + rows_v[pl.ds(e, 16)])
                if q == 0:
                    rvec = (dvec >> 4) * 16
                    lvec = dvec & 15
                    for e16 in range(16):
                        dr = rvec[e16]
                        oh = jnp.where(iota16 == lvec[e16], 1.0, 0.0)
                        deg_v[pl.ds(dr, 16)] = deg_v[pl.ds(dr, 16)] + oh
                return carry3

            lax.fori_loop(0, CH // 16, grp16, 0)
            return carry2

        lax.fori_loop(0, NCHUNK, body, 0)
        pltpu.sync_copy(tab_v.at[pl.ds(0, QR * 16)],
                        outm_hbm.at[pl.ds((w * NPAD + qlo) * 16, QR * 16)])

    pltpu.sync_copy(deg_v, outd_hbm.at[pl.ds(w * NPAD, NPAD)])


def _make_msg(din, eb):
    grid = E_PAD // eb

    def body(xs_ref, f_ref, w_ref, b_ref, r_ref):
        i = pl.program_id(0)
        xs = xs_ref[...]
        a = jnp.dot(xs, w_ref[...], preferred_element_type=jnp.float32)
        p = a * jnp.tile(f_ref[...], (1, H))
        jj = lax.broadcasted_iota(jnp.int32, (H * EF, H), 0)
        oo = lax.broadcasted_iota(jnp.int32, (H * EF, H), 1)
        sel = (jj // EF == oo).astype(jnp.float32)
        m = jnp.dot(p, sel, preferred_element_type=jnp.float32)
        m = m + jnp.dot(xs, b_ref[...], preferred_element_type=jnp.float32)
        ridx = i * eb + lax.broadcasted_iota(jnp.int32, (eb, H), 0)
        r_ref[...] = jnp.where(ridx < E, m, 0.0)

    return pl.pallas_call(
        body,
        grid=(grid,),
        in_specs=[
            pl.BlockSpec((eb, din), lambda i: (i, 0)),
            pl.BlockSpec((eb, EF), lambda i: (i, 0)),
            pl.BlockSpec((din, H * EF), lambda i: (0, 0)),
            pl.BlockSpec((din, H), lambda i: (0, 0)),
        ],
        out_specs=pl.BlockSpec((eb, H), lambda i: (i, 0)),
        out_shape=jax.ShapeDtypeStruct((E_PAD, H), jnp.float32),
    )


_msg1 = _make_msg(IN, 4096)


NB = 512


def _psum(p_ref):
    t = p_ref[0]
    for k in range(1, NW):
        t = t + p_ref[k]
    return t


def _degsum_body(pd_ref, o_ref):
    o_ref[...] = _psum(pd_ref)


_degsum = pl.pallas_call(
    _degsum_body,
    out_shape=jax.ShapeDtypeStruct((DGR, 16), jnp.float32))


def _norm_body_relu(pm_ref, dg_ref, bc_ref, o_ref):
    t = _psum(pm_ref)
    h = t / jnp.maximum(dg_ref[...], 1.0) + bc_ref[...]
    h = jnp.maximum(h, 0.0)
    o_ref[...] = jnp.concatenate(
        [h, jnp.zeros((NB, IN - H), jnp.float32)], axis=1)


def _norm_body(pm_ref, dg_ref, bc_ref, o_ref):
    t = _psum(pm_ref)
    o_ref[...] = t / jnp.maximum(dg_ref[...], 1.0) + bc_ref[...]


def _make_norm(body, d_out):
    return pl.pallas_call(
        body,
        grid=(NPAD // NB,),
        in_specs=[
            pl.BlockSpec((NW, NB, H), lambda i: (0, i, 0)),
            pl.BlockSpec((NB, H), lambda i: (i, 0)),
            pl.BlockSpec((1, H), lambda i: (0, 0)),
        ],
        out_specs=pl.BlockSpec((NB, d_out), lambda i: (i, 0)),
        out_shape=jax.ShapeDtypeStruct((NPAD, d_out), jnp.float32),
    )


_norm_relu = _make_norm(_norm_body_relu, IN)
_norm = _make_norm(_norm_body, H)


def _pad_idx(a, fill=0):
    return jnp.concatenate(
        [a.astype(jnp.int32),
         jnp.full((E_PAD - E,), fill, jnp.int32)])


def _pad_f(a):
    return jnp.concatenate(
        [a, jnp.zeros((E_PAD - E, a.shape[1]), jnp.float32)])


def kernel(edge_index1, edge_index2, in_feat, edge_feats, edge_feats1,
           W_ef1, b_ef1, W_ef2, b_ef2, b_conv1, b_conv2):
    src1, dst1 = _pad_idx(edge_index1[0]), _pad_idx(edge_index1[1], NPAD - 1)
    src2, dst2 = _pad_idx(edge_index2[0]), _pad_idx(edge_index2[1], NPAD - 1)
    f1, f2 = _pad_f(edge_feats), _pad_f(edge_feats1)
    W1d = W_ef1.reshape(IN, H * EF)
    b1d = b_ef1.reshape(IN, H)
    W2d = jnp.pad(W_ef2.reshape(H, H * EF), ((0, IN - H), (0, 0)))
    b2d = jnp.pad(b_ef2.reshape(H, H), ((0, IN - H), (0, 0)))

    def _agg(r, dst):
        pm, pd = _scatter_k(r.reshape(-1), dst)
        degsum = _degsum(pd.reshape(NW, DGR, 16))
        degf = jnp.broadcast_to(degsum.reshape(NPAD, 1), (NPAD, H))
        return pm.reshape(NW, NPAD, H), degf

    xs = _gather_x(in_feat, src1)
    r1 = _msg1(xs, f1, W1d, b1d)
    pm1, degf1 = _agg(r1, dst1)
    h = _norm_relu(pm1, degf1, b_conv1.reshape(1, H))
    hs = _gather_x(h, src2)
    r2 = _msg1(hs, f2, W2d, b2d)
    pm2, degf2 = _agg(r2, dst2)
    out = _norm(pm2, degf2, b_conv2.reshape(1, H))
    return out[:N]

# --- scband reference (transcript-rebuilt; emitter-appended) ---
"""Pipeline reference for scband-nmp-22832046146013 (READ-ONLY COPY).

The authoritative reference and input builder live on the scoring server;
editing this copy changes nothing except your own understanding.
"""

import jax, jax.numpy as jnp
import numpy as np

N = 10000
E = 160000
IN = 128
H = 16
EF = 16


def setup_inputs(seed: int = 0) -> dict:
    key = jax.random.key(seed)
    ks = jax.random.split(key, 12)
    edge_index1 = jax.random.randint(ks[0], (2, E), 0, N)
    edge_index2 = jax.random.randint(ks[1], (2, E), 0, N)
    in_feat = jax.random.normal(ks[2], (N, IN), dtype=jnp.float32)
    edge_feats = jax.random.normal(ks[3], (E, EF), dtype=jnp.float32)
    edge_feats1 = jax.random.normal(ks[4], (E, EF), dtype=jnp.float32)
    # edge_func1: Linear(EF, IN*H); edge_func2: Linear(EF, H*H)
    W_ef1 = jax.random.normal(ks[5], (IN * H, EF), dtype=jnp.float32) * 0.05
    b_ef1 = jnp.zeros((IN * H,), dtype=jnp.float32)
    W_ef2 = jax.random.normal(ks[6], (H * H, EF), dtype=jnp.float32) * 0.1
    b_ef2 = jnp.zeros((H * H,), dtype=jnp.float32)
    # NNConv output biases (bias=True default in DGL NNConv)
    b_conv1 = jnp.zeros((H,), dtype=jnp.float32)
    b_conv2 = jnp.zeros((H,), dtype=jnp.float32)
    return {
        'edge_index1': edge_index1,
        'edge_index2': edge_index2,
        'in_feat': in_feat,
        'edge_feats': edge_feats,
        'edge_feats1': edge_feats1,
        'W_ef1': W_ef1, 'b_ef1': b_ef1,
        'W_ef2': W_ef2, 'b_ef2': b_ef2,
        'b_conv1': b_conv1, 'b_conv2': b_conv2,
    }


def _nnconv(x, src, dst, eattr, W, b, in_c, out_c, bias):
    # edge_func: Linear on edge attributes -> per-edge weight matrix Theta(e)
    theta = (eattr @ W.T + b).reshape(-1, in_c, out_c)
    # gather source node features, per-edge matvec
    m = jnp.einsum('ei,eio->eo', x[src], theta)
    # mean aggregation over destination nodes
    s = jax.ops.segment_sum(m, dst, num_segments=N)
    deg = jax.ops.segment_sum(jnp.ones((m.shape[0],), dtype=jnp.float32), dst, num_segments=N)
    return s / jnp.maximum(deg, 1.0)[:, None] + bias


def reference(edge_index1, edge_index2, in_feat, edge_feats, edge_feats1, W_ef1, b_ef1, W_ef2, b_ef2, b_conv1, b_conv2):
    h = _nnconv(in_feat, edge_index1[0], edge_index1[1], edge_feats, W_ef1, b_ef1, IN, H, b_conv1)
    h = jax.nn.relu(h)
    h = _nnconv(h, edge_index2[0], edge_index2[1], edge_feats1, W_ef2, b_ef2, H, H, b_conv2)
    return h

if __name__ == "__main__":
    import jax
    _d = setup_inputs()
    print(jax.jit(kernel)(*tuple(_d.values())))

</pallas_src>

<mosaic_0001>
#map = affine_map<(d0, d1) -> (0, 0)>
#map1 = affine_map<(d0, d1) -> (0)>
module attributes {stable_mosaic.version = 14 : i64} {
  func.func @gather_k(%arg0: i32, %arg1: i32, %arg2: memref<10000x128xf32, #tpu.memory_space<hbm>>, %arg3: memref<163840xi32, #tpu.memory_space<hbm>>, %arg4: memref<163840x128xf32, #tpu.memory_space<hbm>>, %arg5: memref<256xi32, #tpu.memory_space<vmem>>, %arg6: memref<256xi32, #tpu.memory_space<vmem>>, %arg7: memref<256x128xf32, #tpu.memory_space<vmem>>, %arg8: memref<256x128xf32, #tpu.memory_space<vmem>>, %arg9: memref<!tpu.dma_semaphore, #tpu.memory_space<semaphore_mem>>, %arg10: memref<!tpu.dma_semaphore, #tpu.memory_space<semaphore_mem>>, %arg11: memref<!tpu.dma_semaphore, #tpu.memory_space<semaphore_mem>>, %arg12: memref<!tpu.dma_semaphore, #tpu.memory_space<semaphore_mem>>) attributes {dimension_semantics = [#tpu.dimension_semantics<core_parallel>, #tpu.dimension_semantics<subcore_parallel>], iteration_bounds = array<i64: 2, 16>, scalar_prefetch = 0 : i64, scratch_operands = 8 : i64, tpu.core_type = #tpu.core_type<sc_vector_subcore>, window_params = [{transform_indices = #map}, {transform_indices = #map1}, {transform_indices = #map}]} {
    %mul3A = arith.constant 2 : i32
    %mul3A_0 = arith.muli %arg1, %mul3A : i32
    %add3A = arith.addi %mul3A_0, %arg0 : i32
    %mul3A_1 = arith.constant 5120 : i32
    %mul3A_2 = arith.muli %add3A, %mul3A_1 : i32
    "tpu.region"() ({
      %run_scoped3A = tpu.sem_alloc : memref<!tpu.dma_semaphore, #tpu.memory_space<semaphore_mem>>
      %dma_start3A_21 = tpu.memref_slice %arg3[%mul3A_2] : memref<163840xi32, #tpu.memory_space<hbm>> -> memref<256xi32, #tpu.memory_space<hbm>>
      %dma_start3A_22 = tpu.memref_slice %arg3[%mul3A_2] : memref<163840xi32, #tpu.memory_space<hbm>> -> memref<256xi32, #tpu.memory_space<hbm>>
      tpu.enqueue_dma source(%dma_start3A_22 : memref<256xi32, #tpu.memory_space<hbm>>) target(%arg5 : memref<256xi32, #tpu.memory_space<vmem>>) target_semaphore(%run_scoped3A : memref<!tpu.dma_semaphore, #tpu.memory_space<semaphore_mem>>)
      %dma_wait3A_23 = tpu.memref_slice %arg3[%mul3A_2] : memref<163840xi32, #tpu.memory_space<hbm>> -> memref<256xi32, #tpu.memory_space<hbm>>
      %dma_wait3A_24 = tpu.memref_slice %arg3[%mul3A_2] : memref<163840xi32, #tpu.memory_space<hbm>> -> memref<256xi32, #tpu.memory_space<hbm>>
      tpu.wait_dma2 semaphore(%run_scoped3A : memref<!tpu.dma_semaphore, #tpu.memory_space<semaphore_mem>>) src(%dma_wait3A_24 : memref<256xi32, #tpu.memory_space<hbm>>) dst(%arg5 : memref<256xi32, #tpu.memory_space<vmem>>)
      tpu.yield
    }) : () -> ()
    %dma_start3A = arith.constant 0 : i32
    %dma_start3A_3 = arith.constant 0 : i32
    %dma_start3A_4 = tpu.memref_slice %arg2[%dma_start3A, %dma_start3A_3] : memref<10000x128xf32, #tpu.memory_space<hbm>> -> memref<10000x128xf32, #tpu.memory_space<hbm>>
    tpu.enqueue_indirect_dma source(%dma_start3A_4 : memref<10000x128xf32, #tpu.memory_space<hbm>>) target(%arg7 : memref<256x128xf32, #tpu.memory_space<vmem>>) offsets(%arg5 : memref<256xi32, #tpu.memory_space<vmem>>) semaphore(%arg9 : memref<!tpu.dma_semaphore, #tpu.memory_space<semaphore_mem>>)
    %scan3A = arith.constant 0 : i32
    %scan3A_5 = arith.constant 0 : i32
    %scan3A_6 = arith.constant 10 : i32
    %scan3A_7 = arith.addi %scan3A_5, %scan3A_6 : i32
    %scan3A_8 = arith.constant 1 : i32
    scf.for %scan3A_21 = %scan3A_5 to %scan3A_7 step %scan3A_8  : i32 {
      %mul3A_22 = arith.constant 2 : i32
      %mul3A_23 = arith.muli %mul3A_22, %scan3A_21 : i32
      %mul3A_24 = arith.constant 256 : i32
      %mul3A_25 = arith.muli %mul3A_23, %mul3A_24 : i32
      %add3A_26 = arith.addi %mul3A_2, %mul3A_25 : i32
      %add3A_27 = arith.constant 256 : i32
      %add3A_28 = arith.addi %add3A_26, %add3A_27 : i32
      "tpu.region"() ({
        %run_scoped3A = tpu.sem_alloc : memref<!tpu.dma_semaphore, #tpu.memory_space<semaphore_mem>>
        %dma_start3A_54 = tpu.memref_slice %arg3[%add3A_28] : memref<163840xi32, #tpu.memory_space<hbm>> -> memref<256xi32, #tpu.memory_space<hbm>>
        %dma_start3A_55 = tpu.memref_slice %arg3[%add3A_28] : memref<163840xi32, #tpu.memory_space<hbm>> -> memref<256xi32, #tpu.memory_space<hbm>>
        tpu.enqueue_dma source(%dma_start3A_55 : memref<256xi32, #tpu.memory_space<hbm>>) target(%arg6 : memref<256xi32, #tpu.memory_space<vmem>>) target_semaphore(%run_scoped3A : memref<!tpu.dma_semaphore, #tpu.memory_space<semaphore_mem>>)
        %dma_wait3A_56 = tpu.memref_slice %arg3[%add3A_28] : memref<163840xi32, #tpu.memory_space<hbm>> -> memref<256xi32, #tpu.memory_space<hbm>>
        %dma_wait3A_57 = tpu.memref_slice %arg3[%add3A_28] : memref<163840xi32, #tpu.memory_space<hbm>> -> memref<256xi32, #tpu.memory_space<hbm>>
        tpu.wait_dma2 semaphore(%run_scoped3A : memref<!tpu.dma_semaphore, #tpu.memory_space<semaphore_mem>>) src(%dma_wait3A_57 : memref<256xi32, #tpu.memory_space<hbm>>) dst(%arg6 : memref<256xi32, #tpu.memory_space<vmem>>)
        tpu.yield
      }) : () -> ()
      %gt3A = arith.constant 0 : i32
      %gt3A_29 = arith.cmpi sgt, %scan3A_21, %gt3A : i32
      %convert_element_type3A = arith.extui %gt3A_29 : i1 to i32
      %cond3A = arith.constant 0 : i32
      %cond3A_30 = arith.cmpi ne, %convert_element_type3A, %cond3A : i32
      scf.if %cond3A_30 {
        %sub3A = arith.constant 256 : i32
        %sub3A_54 = arith.subi %add3A_26, %sub3A : i32
        %dma_wait3A_55 = arith.constant 0 : i32
        %dma_wait3A_56 = tpu.memref_slice %arg4[%sub3A_54, %dma_wait3A_55] : memref<163840x128xf32, #tpu.memory_space<hbm>> -> memref<256x128xf32, #tpu.memory_space<hbm>>
        %dma_wait3A_57 = arith.constant 0 : i32
        %dma_wait3A_58 = tpu.memref_slice %arg4[%sub3A_54, %dma_wait3A_57] : memref<163840x128xf32, #tpu.memory_space<hbm>> -> memref<256x128xf32, #tpu.memory_space<hbm>>
        tpu.wait_dma2 semaphore(%arg12 : memref<!tpu.dma_semaphore, #tpu.memory_space<semaphore_mem>>) src(%arg8 : memref<256x128xf32, #tpu.memory_space<vmem>>) dst(%dma_wait3A_58 : memref<256x128xf32, #tpu.memory_space<hbm>>)
      } else {
      }
      %dma_start3A_31 = arith.constant 0 : i32
      %dma_start3A_32 = arith.constant 0 : i32
      %dma_start3A_33 = tpu.memref_slice %arg2[%dma_start3A_31, %dma_start3A_32] : memref<10000x128xf32, #tpu.memory_space<hbm>> -> memref<10000x128xf32, #tpu.memory_space<hbm>>
      tpu.enqueue_indirect_dma source(%dma_start3A_33 : memref<10000x128xf32, #tpu.memory_space<hbm>>) target(%arg8 : memref<256x128xf32, #tpu.memory_space<vmem>>) offsets(%arg6 : memref<256xi32, #tpu.memory_space<vmem>>) semaphore(%arg10 : memref<!tpu.dma_semaphore, #tpu.memory_space<semaphore_mem>>)
      %dma_wait3A_34 = arith.constant 0 : i32
      %dma_wait3A_35 = arith.constant 0 : i32
      %dma_wait3A_36 = tpu.memref_slice %arg2[%dma_wait3A_34, %dma_wait3A_35] : memref<10000x128xf32, #tpu.memory_space<hbm>> -> memref<10000x128xf32, #tpu.memory_space<hbm>>
      tpu.wait_indirect_dma semaphore(%arg9 : memref<!tpu.dma_semaphore, #tpu.memory_space<semaphore_mem>>) src(%dma_wait3A_36 : memref<10000x128xf32, #tpu.memory_space<hbm>>) dst(%arg7 : memref<256x128xf32, #tpu.memory_space<vmem>>)
      %dma_start3A_37 = arith.constant 0 : i32
      %dma_start3A_38 = tpu.memref_slice %arg4[%add3A_26, %dma_start3A_37] : memref<163840x128xf32, #tpu.memory_space<hbm>> -> memref<256x128xf32, #tpu.memory_space<hbm>>
      %dma_start3A_39 = arith.constant 0 : i32
      %dma_start3A_40 = tpu.memref_slice %arg4[%add3A_26, %dma_start3A_39] : memref<163840x128xf32, #tpu.memory_space<hbm>> -> memref<256x128xf32, #tpu.memory_space<hbm>>
      tpu.enqueue_dma source(%arg7 : memref<256x128xf32, #tpu.memory_space<vmem>>) target(%dma_start3A_40 : memref<256x128xf32, #tpu.memory_space<hbm>>) target_semaphore(%arg11 : memref<!tpu.dma_semaphore, #tpu.memory_space<semaphore_mem>>)
      %add3A_41 = arith.constant 1 : i32
      %add3A_42 = arith.addi %scan3A_21, %add3A_41 : i32
      %lt3A = arith.constant 10 : i32
      %lt3A_43 = arith.cmpi slt, %add3A_42, %lt3A : i32
      %convert_element_type3A_44 = arith.extui %lt3A_43 : i1 to i32
      %cond3A_45 = arith.constant 0 : i32
      %cond3A_46 = arith.cmpi ne, %convert_element_type3A_44, %cond3A_45 : i32
      scf.if %cond3A_46 {
        %add3A_54 = arith.constant 512 : i32
        %add3A_55 = arith.addi %add3A_26, %add3A_54 : i32
        "tpu.region"() ({
          %run_scoped3A = tpu.sem_alloc : memref<!tpu.dma_semaphore, #tpu.memory_space<semaphore_mem>>
          %dma_start3A_63 = tpu.memref_slice %arg3[%add3A_55] : memref<163840xi32, #tpu.memory_space<hbm>> -> memref<256xi32, #tpu.memory_space<hbm>>
          %dma_start3A_64 = tpu.memref_slice %arg3[%add3A_55] : memref<163840xi32, #tpu.memory_space<hbm>> -> memref<256xi32, #tpu.memory_space<hbm>>
          tpu.enqueue_dma source(%dma_start3A_64 : memref<256xi32, #tpu.memory_space<hbm>>) target(%arg5 : memref<256xi32, #tpu.memory_space<vmem>>) target_semaphore(%run_scoped3A : memref<!tpu.dma_semaphore, #tpu.memory_space<semaphore_mem>>)
          %dma_wait3A_65 = tpu.memref_slice %arg3[%add3A_55] : memref<163840xi32, #tpu.memory_space<hbm>> -> memref<256xi32, #tpu.memory_space<hbm>>
          %dma_wait3A_66 = tpu.memref_slice %arg3[%add3A_55] : memref<163840xi32, #tpu.memory_space<hbm>> -> memref<256xi32, #tpu.memory_space<hbm>>
          tpu.wait_dma2 semaphore(%run_scoped3A : memref<!tpu.dma_semaphore, #tpu.memory_space<semaphore_mem>>) src(%dma_wait3A_66 : memref<256xi32, #tpu.memory_space<hbm>>) dst(%arg5 : memref<256xi32, #tpu.memory_space<vmem>>)
          tpu.yield
        }) : () -> ()
        %dma_wait3A_56 = arith.constant 0 : i32
        %dma_wait3A_57 = tpu.memref_slice %arg4[%add3A_26, %dma_wait3A_56] : memref<163840x128xf32, #tpu.memory_space<hbm>> -> memref<256x128xf32, #tpu.memory_space<hbm>>
        %dma_wait3A_58 = arith.constant 0 : i32
        %dma_wait3A_59 = tpu.memref_slice %arg4[%add3A_26, %dma_wait3A_58] : memref<163840x128xf32, #tpu.memory_space<hbm>> -> memref<256x128xf32, #tpu.memory_space<hbm>>
        tpu.wait_dma2 semaphore(%arg11 : memref<!tpu.dma_semaphore, #tpu.memory_space<semaphore_mem>>) src(%arg7 : memref<256x128xf32, #tpu.memory_space<vmem>>) dst(%dma_wait3A_59 : memref<256x128xf32, #tpu.memory_space<hbm>>)
        %dma_start3A_60 = arith.constant 0 : i32
        %dma_start3A_61 = arith.constant 0 : i32
        %dma_start3A_62 = tpu.memref_slice %arg2[%dma_start3A_60, %dma_start3A_61] : memref<10000x128xf32, #tpu.memory_space<hbm>> -> memref<10000x128xf32, #tpu.memory_space<hbm>>
        tpu.enqueue_indirect_dma source(%dma_start3A_62 : memref<10000x128xf32, #tpu.memory_space<hbm>>) target(%arg7 : memref<256x128xf32, #tpu.memory_space<vmem>>) offsets(%arg5 : memref<256xi32, #tpu.memory_space<vmem>>) semaphore(%arg9 : memref<!tpu.dma_semaphore, #tpu.memory_space<semaphore_mem>>)
      } else {
      }
      %dma_wait3A_47 = arith.constant 0 : i32
      %dma_wait3A_48 = arith.constant 0 : i32
      %dma_wait3A_49 = tpu.memref_slice %arg2[%dma_wait3A_47, %dma_wait3A_48] : memref<10000x128xf32, #tpu.memory_space<hbm>> -> memref<10000x128xf32, #tpu.memory_space<hbm>>
      tpu.wait_indirect_dma semaphore(%arg10 : memref<!tpu.dma_semaphore, #tpu.memory_space<semaphore_mem>>) src(%dma_wait3A_49 : memref<10000x128xf32, #tpu.memory_space<hbm>>) dst(%arg8 : memref<256x128xf32, #tpu.memory_space<vmem>>)
      %dma_start3A_50 = arith.constant 0 : i32
      %dma_start3A_51 = tpu.memref_slice %arg4[%add3A_28, %dma_start3A_50] : memref<163840x128xf32, #tpu.memory_space<hbm>> -> memref<256x128xf32, #tpu.memory_space<hbm>>
      %dma_start3A_52 = arith.constant 0 : i32
      %dma_start3A_53 = tpu.memref_slice %arg4[%add3A_28, %dma_start3A_52] : memref<163840x128xf32, #tpu.memory_space<hbm>> -> memref<256x128xf32, #tpu.memory_space<hbm>>
      tpu.enqueue_dma source(%arg8 : memref<256x128xf32, #tpu.memory_space<vmem>>) target(%dma_start3A_53 : memref<256x128xf32, #tpu.memory_space<hbm>>) target_semaphore(%arg12 : memref<!tpu.dma_semaphore, #tpu.memory_space<semaphore_mem>>)
    }
    %scan3A_9 = arith.constant 10 : i32
    %add3A_10 = arith.constant 4608 : i32
    %add3A_11 = arith.addi %mul3A_2, %add3A_10 : i32
    %dma_wait3A = arith.constant 0 : i32
    %dma_wait3A_12 = tpu.memref_slice %arg4[%add3A_11, %dma_wait3A] : memref<163840x128xf32, #tpu.memory_space<hbm>> -> memref<256x128xf32, #tpu.memory_space<hbm>>
    %dma_wait3A_13 = arith.constant 0 : i32
    %dma_wait3A_14 = tpu.memref_slice %arg4[%add3A_11, %dma_wait3A_13] : memref<163840x128xf32, #tpu.memory_space<hbm>> -> memref<256x128xf32, #tpu.memory_space<hbm>>
    tpu.wait_dma2 semaphore(%arg11 : memref<!tpu.dma_semaphore, #tpu.memory_space<semaphore_mem>>) src(%arg7 : memref<256x128xf32, #tpu.memory_space<vmem>>) dst(%dma_wait3A_14 : memref<256x128xf32, #tpu.memory_space<hbm>>)
    %add3A_15 = arith.constant 256 : i32
    %add3A_16 = arith.addi %add3A_11, %add3A_15 : i32
    %dma_wait3A_17 = arith.constant 0 : i32
    %dma_wait3A_18 = tpu.memref_slice %arg4[%add3A_16, %dma_wait3A_17] : memref<163840x128xf32, #tpu.memory_space<hbm>> -> memref<256x128xf32, #tpu.memory_space<hbm>>
    %dma_wait3A_19 = arith.constant 0 : i32
    %dma_wait3A_20 = tpu.memref_slice %arg4[%add3A_16, %dma_wait3A_19] : memref<163840x128xf32, #tpu.memory_space<hbm>> -> memref<256x128xf32, #tpu.memory_space<hbm>>
    tpu.wait_dma2 semaphore(%arg12 : memref<!tpu.dma_semaphore, #tpu.memory_space<semaphore_mem>>) src(%arg8 : memref<256x128xf32, #tpu.memory_space<vmem>>) dst(%dma_wait3A_20 : memref<256x128xf32, #tpu.memory_space<hbm>>)
    return
  }
}

#map = affine_map<(d0, d1) -> (0, 0)>
#map1 = affine_map<(d0, d1) -> (0)>
module attributes {stable_mosaic.version = 14 : i64} {
  func.func @gather_k(%arg0: i32, %arg1: i32, %arg2: memref<10240x128xf32, #tpu.memory_space<hbm>>, %arg3: memref<163840xi32, #tpu.memory_space<hbm>>, %arg4: memref<163840x128xf32, #tpu.memory_space<hbm>>, %arg5: memref<256xi32, #tpu.memory_space<vmem>>, %arg6: memref<256xi32, #tpu.memory_space<vmem>>, %arg7: memref<256x128xf32, #tpu.memory_space<vmem>>, %arg8: memref<256x128xf32, #tpu.memory_space<vmem>>, %arg9: memref<!tpu.dma_semaphore, #tpu.memory_space<semaphore_mem>>, %arg10: memref<!tpu.dma_semaphore, #tpu.memory_space<semaphore_mem>>, %arg11: memref<!tpu.dma_semaphore, #tpu.memory_space<semaphore_mem>>, %arg12: memref<!tpu.dma_semaphore, #tpu.memory_space<semaphore_mem>>) attributes {dimension_semantics = [#tpu.dimension_semantics<core_parallel>, #tpu.dimension_semantics<subcore_parallel>], iteration_bounds = array<i64: 2, 16>, scalar_prefetch = 0 : i64, scratch_operands = 8 : i64, tpu.core_type = #tpu.core_type<sc_vector_subcore>, window_params = [{transform_indices = #map}, {transform_indices = #map1}, {transform_indices = #map}]} {
    %mul3A = arith.constant 2 : i32
    %mul3A_0 = arith.muli %arg1, %mul3A : i32
    %add3A = arith.addi %mul3A_0, %arg0 : i32
    %mul3A_1 = arith.constant 5120 : i32
    %mul3A_2 = arith.muli %add3A, %mul3A_1 : i32
    "tpu.region"() ({
      %run_scoped3A = tpu.sem_alloc : memref<!tpu.dma_semaphore, #tpu.memory_space<semaphore_mem>>
      %dma_start3A_21 = tpu.memref_slice %arg3[%mul3A_2] : memref<163840xi32, #tpu.memory_space<hbm>> -> memref<256xi32, #tpu.memory_space<hbm>>
      %dma_start3A_22 = tpu.memref_slice %arg3[%mul3A_2] : memref<163840xi32, #tpu.memory_space<hbm>> -> memref<256xi32, #tpu.memory_space<hbm>>
      tpu.enqueue_dma source(%dma_start3A_22 : memref<256xi32, #tpu.memory_space<hbm>>) target(%arg5 : memref<256xi32, #tpu.memory_space<vmem>>) target_semaphore(%run_scoped3A : memref<!tpu.dma_semaphore, #tpu.memory_space<semaphore_mem>>)
      %dma_wait3A_23 = tpu.memref_slice %arg3[%mul3A_2] : memref<163840xi32, #tpu.memory_space<hbm>> -> memref<256xi32, #tpu.memory_space<hbm>>
      %dma_wait3A_24 = tpu.memref_slice %arg3[%mul3A_2] : memref<163840xi32, #tpu.memory_space<hbm>> -> memref<256xi32, #tpu.memory_space<hbm>>
      tpu.wait_dma2 semaphore(%run_scoped3A : memref<!tpu.dma_semaphore, #tpu.memory_space<semaphore_mem>>) src(%dma_wait3A_24 : memref<256xi32, #tpu.memory_space<hbm>>) dst(%arg5 : memref<256xi32, #tpu.memory_space<vmem>>)
      tpu.yield
    }) : () -> ()
    %dma_start3A = arith.constant 0 : i32
    %dma_start3A_3 = arith.constant 0 : i32
    %dma_start3A_4 = tpu.memref_slice %arg2[%dma_start3A, %dma_start3A_3] : memref<10240x128xf32, #tpu.memory_space<hbm>> -> memref<10240x128xf32, #tpu.memory_space<hbm>>
    tpu.enqueue_indirect_dma source(%dma_start3A_4 : memref<10240x128xf32, #tpu.memory_space<hbm>>) target(%arg7 : memref<256x128xf32, #tpu.memory_space<vmem>>) offsets(%arg5 : memref<256xi32, #tpu.memory_space<vmem>>) semaphore(%arg9 : memref<!tpu.dma_semaphore, #tpu.memory_space<semaphore_mem>>)
    %scan3A = arith.constant 0 : i32
    %scan3A_5 = arith.constant 0 : i32
    %scan3A_6 = arith.constant 10 : i32
    %scan3A_7 = arith.addi %scan3A_5, %scan3A_6 : i32
    %scan3A_8 = arith.constant 1 : i32
    scf.for %scan3A_21 = %scan3A_5 to %scan3A_7 step %scan3A_8  : i32 {
      %mul3A_22 = arith.constant 2 : i32
      %mul3A_23 = arith.muli %mul3A_22, %scan3A_21 : i32
      %mul3A_24 = arith.constant 256 : i32
      %mul3A_25 = arith.muli %mul3A_23, %mul3A_24 : i32
      %add3A_26 = arith.addi %mul3A_2, %mul3A_25 : i32
      %add3A_27 = arith.constant 256 : i32
      %add3A_28 = arith.addi %add3A_26, %add3A_27 : i32
      "tpu.region"() ({
        %run_scoped3A = tpu.sem_alloc : memref<!tpu.dma_semaphore, #tpu.memory_space<semaphore_mem>>
        %dma_start3A_54 = tpu.memref_slice %arg3[%add3A_28] : memref<163840xi32, #tpu.memory_space<hbm>> -> memref<256xi32, #tpu.memory_space<hbm>>
        %dma_start3A_55 = tpu.memref_slice %arg3[%add3A_28] : memref<163840xi32, #tpu.memory_space<hbm>> -> memref<256xi32, #tpu.memory_space<hbm>>
        tpu.enqueue_dma source(%dma_start3A_55 : memref<256xi32, #tpu.memory_space<hbm>>) target(%arg6 : memref<256xi32, #tpu.memory_space<vmem>>) target_semaphore(%run_scoped3A : memref<!tpu.dma_semaphore, #tpu.memory_space<semaphore_mem>>)
        %dma_wait3A_56 = tpu.memref_slice %arg3[%add3A_28] : memref<163840xi32, #tpu.memory_space<hbm>> -> memref<256xi32, #tpu.memory_space<hbm>>
        %dma_wait3A_57 = tpu.memref_slice %arg3[%add3A_28] : memref<163840xi32, #tpu.memory_space<hbm>> -> memref<256xi32, #tpu.memory_space<hbm>>
        tpu.wait_dma2 semaphore(%run_scoped3A : memref<!tpu.dma_semaphore, #tpu.memory_space<semaphore_mem>>) src(%dma_wait3A_57 : memref<256xi32, #tpu.memory_space<hbm>>) dst(%arg6 : memref<256xi32, #tpu.memory_space<vmem>>)
        tpu.yield
      }) : () -> ()
      %gt3A = arith.constant 0 : i32
      %gt3A_29 = arith.cmpi sgt, %scan3A_21, %gt3A : i32
      %convert_element_type3A = arith.extui %gt3A_29 : i1 to i32
      %cond3A = arith.constant 0 : i32
      %cond3A_30 = arith.cmpi ne, %convert_element_type3A, %cond3A : i32
      scf.if %cond3A_30 {
        %sub3A = arith.constant 256 : i32
        %sub3A_54 = arith.subi %add3A_26, %sub3A : i32
        %dma_wait3A_55 = arith.constant 0 : i32
        %dma_wait3A_56 = tpu.memref_slice %arg4[%sub3A_54, %dma_wait3A_55] : memref<163840x128xf32, #tpu.memory_space<hbm>> -> memref<256x128xf32, #tpu.memory_space<hbm>>
        %dma_wait3A_57 = arith.constant 0 : i32
        %dma_wait3A_58 = tpu.memref_slice %arg4[%sub3A_54, %dma_wait3A_57] : memref<163840x128xf32, #tpu.memory_space<hbm>> -> memref<256x128xf32, #tpu.memory_space<hbm>>
        tpu.wait_dma2 semaphore(%arg12 : memref<!tpu.dma_semaphore, #tpu.memory_space<semaphore_mem>>) src(%arg8 : memref<256x128xf32, #tpu.memory_space<vmem>>) dst(%dma_wait3A_58 : memref<256x128xf32, #tpu.memory_space<hbm>>)
      } else {
      }
      %dma_start3A_31 = arith.constant 0 : i32
      %dma_start3A_32 = arith.constant 0 : i32
      %dma_start3A_33 = tpu.memref_slice %arg2[%dma_start3A_31, %dma_start3A_32] : memref<10240x128xf32, #tpu.memory_space<hbm>> -> memref<10240x128xf32, #tpu.memory_space<hbm>>
      tpu.enqueue_indirect_dma source(%dma_start3A_33 : memref<10240x128xf32, #tpu.memory_space<hbm>>) target(%arg8 : memref<256x128xf32, #tpu.memory_space<vmem>>) offsets(%arg6 : memref<256xi32, #tpu.memory_space<vmem>>) semaphore(%arg10 : memref<!tpu.dma_semaphore, #tpu.memory_space<semaphore_mem>>)
      %dma_wait3A_34 = arith.constant 0 : i32
      %dma_wait3A_35 = arith.constant 0 : i32
      %dma_wait3A_36 = tpu.memref_slice %arg2[%dma_wait3A_34, %dma_wait3A_35] : memref<10240x128xf32, #tpu.memory_space<hbm>> -> memref<10240x128xf32, #tpu.memory_space<hbm>>
      tpu.wait_indirect_dma semaphore(%arg9 : memref<!tpu.dma_semaphore, #tpu.memory_space<semaphore_mem>>) src(%dma_wait3A_36 : memref<10240x128xf32, #tpu.memory_space<hbm>>) dst(%arg7 : memref<256x128xf32, #tpu.memory_space<vmem>>)
      %dma_start3A_37 = arith.constant 0 : i32
      %dma_start3A_38 = tpu.memref_slice %arg4[%add3A_26, %dma_start3A_37] : memref<163840x128xf32, #tpu.memory_space<hbm>> -> memref<256x128xf32, #tpu.memory_space<hbm>>
      %dma_start3A_39 = arith.constant 0 : i32
      %dma_start3A_40 = tpu.memref_slice %arg4[%add3A_26, %dma_start3A_39] : memref<163840x128xf32, #tpu.memory_space<hbm>> -> memref<256x128xf32, #tpu.memory_space<hbm>>
      tpu.enqueue_dma source(%arg7 : memref<256x128xf32, #tpu.memory_space<vmem>>) target(%dma_start3A_40 : memref<256x128xf32, #tpu.memory_space<hbm>>) target_semaphore(%arg11 : memref<!tpu.dma_semaphore, #tpu.memory_space<semaphore_mem>>)
      %add3A_41 = arith.constant 1 : i32
      %add3A_42 = arith.addi %scan3A_21, %add3A_41 : i32
      %lt3A = arith.constant 10 : i32
      %lt3A_43 = arith.cmpi slt, %add3A_42, %lt3A : i32
      %convert_element_type3A_44 = arith.extui %lt3A_43 : i1 to i32
      %cond3A_45 = arith.constant 0 : i32
      %cond3A_46 = arith.cmpi ne, %convert_element_type3A_44, %cond3A_45 : i32
      scf.if %cond3A_46 {
        %add3A_54 = arith.constant 512 : i32
        %add3A_55 = arith.addi %add3A_26, %add3A_54 : i32
        "tpu.region"() ({
          %run_scoped3A = tpu.sem_alloc : memref<!tpu.dma_semaphore, #tpu.memory_space<semaphore_mem>>
          %dma_start3A_63 = tpu.memref_slice %arg3[%add3A_55] : memref<163840xi32, #tpu.memory_space<hbm>> -> memref<256xi32, #tpu.memory_space<hbm>>
          %dma_start3A_64 = tpu.memref_slice %arg3[%add3A_55] : memref<163840xi32, #tpu.memory_space<hbm>> -> memref<256xi32, #tpu.memory_space<hbm>>
          tpu.enqueue_dma source(%dma_start3A_64 : memref<256xi32, #tpu.memory_space<hbm>>) target(%arg5 : memref<256xi32, #tpu.memory_space<vmem>>) target_semaphore(%run_scoped3A : memref<!tpu.dma_semaphore, #tpu.memory_space<semaphore_mem>>)
          %dma_wait3A_65 = tpu.memref_slice %arg3[%add3A_55] : memref<163840xi32, #tpu.memory_space<hbm>> -> memref<256xi32, #tpu.memory_space<hbm>>
          %dma_wait3A_66 = tpu.memref_slice %arg3[%add3A_55] : memref<163840xi32, #tpu.memory_space<hbm>> -> memref<256xi32, #tpu.memory_space<hbm>>
          tpu.wait_dma2 semaphore(%run_scoped3A : memref<!tpu.dma_semaphore, #tpu.memory_space<semaphore_mem>>) src(%dma_wait3A_66 : memref<256xi32, #tpu.memory_space<hbm>>) dst(%arg5 : memref<256xi32, #tpu.memory_space<vmem>>)
          tpu.yield
        }) : () -> ()
        %dma_wait3A_56 = arith.constant 0 : i32
        %dma_wait3A_57 = tpu.memref_slice %arg4[%add3A_26, %dma_wait3A_56] : memref<163840x128xf32, #tpu.memory_space<hbm>> -> memref<256x128xf32, #tpu.memory_space<hbm>>
        %dma_wait3A_58 = arith.constant 0 : i32
        %dma_wait3A_59 = tpu.memref_slice %arg4[%add3A_26, %dma_wait3A_58] : memref<163840x128xf32, #tpu.memory_space<hbm>> -> memref<256x128xf32, #tpu.memory_space<hbm>>
        tpu.wait_dma2 semaphore(%arg11 : memref<!tpu.dma_semaphore, #tpu.memory_space<semaphore_mem>>) src(%arg7 : memref<256x128xf32, #tpu.memory_space<vmem>>) dst(%dma_wait3A_59 : memref<256x128xf32, #tpu.memory_space<hbm>>)
        %dma_start3A_60 = arith.constant 0 : i32
        %dma_start3A_61 = arith.constant 0 : i32
        %dma_start3A_62 = tpu.memref_slice %arg2[%dma_start3A_60, %dma_start3A_61] : memref<10240x128xf32, #tpu.memory_space<hbm>> -> memref<10240x128xf32, #tpu.memory_space<hbm>>
        tpu.enqueue_indirect_dma source(%dma_start3A_62 : memref<10240x128xf32, #tpu.memory_space<hbm>>) target(%arg7 : memref<256x128xf32, #tpu.memory_space<vmem>>) offsets(%arg5 : memref<256xi32, #tpu.memory_space<vmem>>) semaphore(%arg9 : memref<!tpu.dma_semaphore, #tpu.memory_space<semaphore_mem>>)
      } else {
      }
      %dma_wait3A_47 = arith.constant 0 : i32
      %dma_wait3A_48 = arith.constant 0 : i32
      %dma_wait3A_49 = tpu.memref_slice %arg2[%dma_wait3A_47, %dma_wait3A_48] : memref<10240x128xf32, #tpu.memory_space<hbm>> -> memref<10240x128xf32, #tpu.memory_space<hbm>>
      tpu.wait_indirect_dma semaphore(%arg10 : memref<!tpu.dma_semaphore, #tpu.memory_space<semaphore_mem>>) src(%dma_wait3A_49 : memref<10240x128xf32, #tpu.memory_space<hbm>>) dst(%arg8 : memref<256x128xf32, #tpu.memory_space<vmem>>)
      %dma_start3A_50 = arith.constant 0 : i32
      %dma_start3A_51 = tpu.memref_slice %arg4[%add3A_28, %dma_start3A_50] : memref<163840x128xf32, #tpu.memory_space<hbm>> -> memref<256x128xf32, #tpu.memory_space<hbm>>
      %dma_start3A_52 = arith.constant 0 : i32
      %dma_start3A_53 = tpu.memref_slice %arg4[%add3A_28, %dma_start3A_52] : memref<163840x128xf32, #tpu.memory_space<hbm>> -> memref<256x128xf32, #tpu.memory_space<hbm>>
      tpu.enqueue_dma source(%arg8 : memref<256x128xf32, #tpu.memory_space<vmem>>) target(%dma_start3A_53 : memref<256x128xf32, #tpu.memory_space<hbm>>) target_semaphore(%arg12 : memref<!tpu.dma_semaphore, #tpu.memory_space<semaphore_mem>>)
    }
    %scan3A_9 = arith.constant 10 : i32
    %add3A_10 = arith.constant 4608 : i32
    %add3A_11 = arith.addi %mul3A_2, %add3A_10 : i32
    %dma_wait3A = arith.constant 0 : i32
    %dma_wait3A_12 = tpu.memref_slice %arg4[%add3A_11, %dma_wait3A] : memref<163840x128xf32, #tpu.memory_space<hbm>> -> memref<256x128xf32, #tpu.memory_space<hbm>>
    %dma_wait3A_13 = arith.constant 0 : i32
    %dma_wait3A_14 = tpu.memref_slice %arg4[%add3A_11, %dma_wait3A_13] : memref<163840x128xf32, #tpu.memory_space<hbm>> -> memref<256x128xf32, #tpu.memory_space<hbm>>
    tpu.wait_dma2 semaphore(%arg11 : memref<!tpu.dma_semaphore, #tpu.memory_space<semaphore_mem>>) src(%arg7 : memref<256x128xf32, #tpu.memory_space<vmem>>) dst(%dma_wait3A_14 : memref<256x128xf32, #tpu.memory_space<hbm>>)
    %add3A_15 = arith.constant 256 : i32
    %add3A_16 = arith.addi %add3A_11, %add3A_15 : i32
    %dma_wait3A_17 = arith.constant 0 : i32
    %dma_wait3A_18 = tpu.memref_slice %arg4[%add3A_16, %dma_wait3A_17] : memref<163840x128xf32, #tpu.memory_space<hbm>> -> memref<256x128xf32, #tpu.memory_space<hbm>>
    %dma_wait3A_19 = arith.constant 0 : i32
    %dma_wait3A_20 = tpu.memref_slice %arg4[%add3A_16, %dma_wait3A_19] : memref<163840x128xf32, #tpu.memory_space<hbm>> -> memref<256x128xf32, #tpu.memory_space<hbm>>
    tpu.wait_dma2 semaphore(%arg12 : memref<!tpu.dma_semaphore, #tpu.memory_space<semaphore_mem>>) src(%arg8 : memref<256x128xf32, #tpu.memory_space<vmem>>) dst(%dma_wait3A_20 : memref<256x128xf32, #tpu.memory_space<hbm>>)
    return
  }
}

#map = affine_map<(d0, d1) -> (0)>
module attributes {stable_mosaic.version = 14 : i64} {
  func.func @_scatter_k(%arg0: i32, %arg1: i32, %arg2: memref<2621440xf32, #tpu.memory_space<hbm>>, %arg3: memref<163840xi32, #tpu.memory_space<hbm>>, %arg4: memref<5242880xf32, #tpu.memory_space<hbm>>, %arg5: memref<327680xf32, #tpu.memory_space<hbm>>, %arg6: memref<128xi32, #tpu.memory_space<vmem>>, %arg7: memref<2048xf32, #tpu.memory_space<vmem>>, %arg8: memref<82048xf32, #tpu.memory_space<vmem>>, %arg9: memref<10240xf32, #tpu.memory_space<vmem>>) attributes {dimension_semantics = [#tpu.dimension_semantics<core_parallel>, #tpu.dimension_semantics<subcore_parallel>], iteration_bounds = array<i64: 2, 16>, scalar_prefetch = 0 : i64, scratch_operands = 4 : i64, tpu.core_type = #tpu.core_type<sc_vector_subcore>, window_params = [{transform_indices = #map}, {transform_indices = #map}, {transform_indices = #map}, {transform_indices = #map}]} {
    %mul3A = arith.constant 2 : i32
    %mul3A_0 = arith.muli %arg1, %mul3A : i32
    %add3A = arith.addi %mul3A_0, %arg0 : i32
    %mul3A_1 = arith.constant 5120 : i32
    %mul3A_2 = arith.muli %add3A, %mul3A_1 : i32
    %iota3A = tpu.iota {dimensions = array<i32: 0>} : vector<16xi32>
    %scan3A = arith.constant 0 : i32
    %scan3A_3 = arith.constant 0 : i32
    %scan3A_4 = arith.constant 5128 : i32
    %scan3A_5 = arith.addi %scan3A_3, %scan3A_4 : i32
    %scan3A_6 = arith.constant 1 : i32
    scf.for %scan3A_46 = %scan3A_3 to %scan3A_5 step %scan3A_6  : i32 {
      %broadcast_in_dim3A = arith.constant 0.000000e+00 : f32
      %broadcast_in_dim3A_47 = vector.broadcast %broadcast_in_dim3A : f32 to vector<16xf32>
      %mul3A_48 = arith.constant 16 : i32
      %mul3A_49 = arith.muli %scan3A_46, %mul3A_48 : i32
      %swap3A = arith.index_cast %mul3A_49 : i32 to index
      %swap3A_50 = tpu.vector_load %arg8[%swap3A] {strides = array<i32>} : memref<82048xf32, #tpu.memory_space<vmem>>, vector<16xf32>,
      %swap3A_51 = vector.shape_cast %swap3A_50 : vector<16xf32> to vector<16xf32>
      %swap3A_52 = vector.shape_cast %broadcast_in_dim3A_47 : vector<16xf32> to vector<16xf32>
      tpu.vector_store %arg8[%swap3A], %swap3A_52 {strides = array<i32>} : memref<82048xf32, #tpu.memory_space<vmem>>, vector<16xf32>,
    }
    %scan3A_7 = arith.constant 5128 : i32
    %scan3A_8 = arith.constant 0 : i32
    %scan3A_9 = arith.constant 0 : i32
    %scan3A_10 = arith.constant 640 : i32
    %scan3A_11 = arith.addi %scan3A_9, %scan3A_10 : i32
    %scan3A_12 = arith.constant 1 : i32
    scf.for %scan3A_46 = %scan3A_9 to %scan3A_11 step %scan3A_12  : i32 {
      %broadcast_in_dim3A = arith.constant 0.000000e+00 : f32
      %broadcast_in_dim3A_47 = vector.broadcast %broadcast_in_dim3A : f32 to vector<16xf32>
      %mul3A_48 = arith.constant 16 : i32
      %mul3A_49 = arith.muli %scan3A_46, %mul3A_48 : i32
      %swap3A = arith.index_cast %mul3A_49 : i32 to index
      %swap3A_50 = tpu.vector_load %arg9[%swap3A] {strides = array<i32>} : memref<10240xf32, #tpu.memory_space<vmem>>, vector<16xf32>,
      %swap3A_51 = vector.shape_cast %swap3A_50 : vector<16xf32> to vector<16xf32>
      %swap3A_52 = vector.shape_cast %broadcast_in_dim3A_47 : vector<16xf32> to vector<16xf32>
      tpu.vector_store %arg9[%swap3A], %swap3A_52 {strides = array<i32>} : memref<10240xf32, #tpu.memory_space<vmem>>, vector<16xf32>,
    }
    %scan3A_13 = arith.constant 640 : i32
    %scan3A_14 = arith.constant 0 : i32
    %scan3A_15 = arith.constant 0 : i32
    %scan3A_16 = arith.constant 40 : i32
    %scan3A_17 = arith.addi %scan3A_15, %scan3A_16 : i32
    %scan3A_18 = arith.constant 1 : i32
    scf.for %scan3A_46 = %scan3A_15 to %scan3A_17 step %scan3A_18  : i32 {
      %mul3A_47 = arith.constant 128 : i32
      %mul3A_48 = arith.muli %scan3A_46, %mul3A_47 : i32
      %add3A_49 = arith.addi %mul3A_2, %mul3A_48 : i32
      "tpu.region"() ({
        %run_scoped3A = tpu.sem_alloc : memref<!tpu.dma_semaphore, #tpu.memory_space<semaphore_mem>>
        %dma_start3A = tpu.memref_slice %arg3[%add3A_49] : memref<163840xi32, #tpu.memory_space<hbm>> -> memref<128xi32, #tpu.memory_space<hbm>>
        %dma_start3A_58 = tpu.memref_slice %arg3[%add3A_49] : memref<163840xi32, #tpu.memory_space<hbm>> -> memref<128xi32, #tpu.memory_space<hbm>>
        tpu.enqueue_dma source(%dma_start3A_58 : memref<128xi32, #tpu.memory_space<hbm>>) target(%arg6 : memref<128xi32, #tpu.memory_space<vmem>>) target_semaphore(%run_scoped3A : memref<!tpu.dma_semaphore, #tpu.memory_space<semaphore_mem>>)
        %dma_wait3A = tpu.memref_slice %arg3[%add3A_49] : memref<163840xi32, #tpu.memory_space<hbm>> -> memref<128xi32, #tpu.memory_space<hbm>>
        %dma_wait3A_59 = tpu.memref_slice %arg3[%add3A_49] : memref<163840xi32, #tpu.memory_space<hbm>> -> memref<128xi32, #tpu.memory_space<hbm>>
        tpu.wait_dma2 semaphore(%run_scoped3A : memref<!tpu.dma_semaphore, #tpu.memory_space<semaphore_mem>>) src(%dma_wait3A_59 : memref<128xi32, #tpu.memory_space<hbm>>) dst(%arg6 : memref<128xi32, #tpu.memory_space<vmem>>)
        tpu.yield
      }) : () -> ()
      %mul3A_50 = arith.constant 16 : i32
      %mul3A_51 = arith.muli %add3A_49, %mul3A_50 : i32
      "tpu.region"() ({
        %run_scoped3A = tpu.sem_alloc : memref<!tpu.dma_semaphore, #tpu.memory_space<semaphore_mem>>
        %dma_start3A = tpu.memref_slice %arg2[%mul3A_51] : memref<2621440xf32, #tpu.memory_space<hbm>> -> memref<2048xf32, #tpu.memory_space<hbm>>
        %dma_start3A_58 = tpu.memref_slice %arg2[%mul3A_51] : memref<2621440xf32, #tpu.memory_space<hbm>> -> memref<2048xf32, #tpu.memory_space<hbm>>
        tpu.enqueue_dma source(%dma_start3A_58 : memref<2048xf32, #tpu.memory_space<hbm>>) target(%arg7 : memref<2048xf32, #tpu.memory_space<vmem>>) target_semaphore(%run_scoped3A : memref<!tpu.dma_semaphore, #tpu.memory_space<semaphore_mem>>)
        %dma_wait3A = tpu.memref_slice %arg2[%mul3A_51] : memref<2621440xf32, #tpu.memory_space<hbm>> -> memref<2048xf32, #tpu.memory_space<hbm>>
        %dma_wait3A_59 = tpu.memref_slice %arg2[%mul3A_51] : memref<2621440xf32, #tpu.memory_space<hbm>> -> memref<2048xf32, #tpu.memory_space<hbm>>
        tpu.wait_dma2 semaphore(%run_scoped3A : memref<!tpu.dma_semaphore, #tpu.memory_space<semaphore_mem>>) src(%dma_wait3A_59 : memref<2048xf32, #tpu.memory_space<hbm>>) dst(%arg7 : memref<2048xf32, #tpu.memory_space<vmem>>)
        tpu.yield
      }) : () -> ()
      %scan3A_52 = arith.constant 0 : i32
      %scan3A_53 = arith.constant 0 : i32
      %scan3A_54 = arith.constant 8 : i32
      %scan3A_55 = arith.addi %scan3A_53, %scan3A_54 : i32
      %scan3A_56 = arith.constant 1 : i32
      scf.for %scan3A_58 = %scan3A_53 to %scan3A_55 step %scan3A_56  : i32 {
        %mul3A_59 = arith.constant 16 : i32
        %mul3A_60 = arith.muli %scan3A_58, %mul3A_59 : i32
        %get3A = arith.index_cast %mul3A_60 : i32 to index
        %get3A_61 = tpu.vector_load %arg6[%get3A] {strides = array<i32>} : memref<128xi32, #tpu.memory_space<vmem>>, vector<16xi32>,
        %get3A_62 = vector.shape_cast %get3A_61 : vector<16xi32> to vector<16xi32>
        %sub3A = arith.constant 0 : i32
        %sub3A_63 = vector.broadcast %sub3A : i32 to vector<16xi32>
        %sub3A_64 = arith.subi %get3A_62, %sub3A_63 : vector<16xi32>
        %ge3A = arith.constant 0 : i32
        %ge3A_65 = vector.broadcast %ge3A : i32 to vector<16xi32>
        %ge3A_66 = arith.cmpi sge, %sub3A_64, %ge3A_65 : vector<16xi32>
        %lt3A = arith.constant 5120 : i32
        %lt3A_67 = vector.broadcast %lt3A : i32 to vector<16xi32>
        %lt3A_68 = arith.cmpi slt, %sub3A_64, %lt3A_67 : vector<16xi32>
        %and3A = arith.andi %ge3A_66, %lt3A_68 : vector<16xi1>
        %jit3A = arith.constant 5120 : i32
        %broadcast_in_dim3A = vector.broadcast %jit3A : i32 to vector<16xi32>
        %select_n3A = arith.select %and3A, %sub3A_64, %broadcast_in_dim3A : vector<16xi1>, vector<16xi32>
        %mul3A_69 = arith.constant 16 : i32
        %mul3A_70 = vector.broadcast %mul3A_69 : i32 to vector<16xi32>
        %mul3A_71 = arith.muli %select_n3A, %mul3A_70 : vector<16xi32>
        %slice3A = vector.extract_strided_slice %mul3A_71 {offsets = [0], sizes = [1], strides = [1]} : vector<16xi32> to vector<1xi32>
        %squeeze3A = vector.extract %slice3A[0] : i32 from vector<1xi32>
        %mul3A_72 = arith.constant 16 : i32
        %mul3A_73 = arith.muli %scan3A_58, %mul3A_72 : i32
        %add3A_74 = arith.constant 0 : i32
        %add3A_75 = arith.addi %mul3A_73, %add3A_74 : i32
        %mul3A_76 = arith.constant 16 : i32
        %mul3A_77 = arith.muli %add3A_75, %mul3A_76 : i32
        %get3A_78 = arith.index_cast %squeeze3A : i32 to index
        %get3A_79 = tpu.vector_load %arg8[%get3A_78] {strides = array<i32>} : memref<82048xf32, #tpu.memory_space<vmem>>, vector<16xf32>,
        %get3A_80 = vector.shape_cast %get3A_79 : vector<16xf32> to vector<16xf32>
        %get3A_81 = arith.index_cast %mul3A_77 : i32 to index
        %get3A_82 = tpu.vector_load %arg7[%get3A_81] {strides = array<i32>} : memref<2048xf32, #tpu.memory_space<vmem>>, vector<16xf32>,
        %get3A_83 = vector.shape_cast %get3A_82 : vector<16xf32> to vector<16xf32>
        %add3A_84 = arith.addf %get3A_80, %get3A_83 : vector<16xf32>
        %swap3A = arith.index_cast %squeeze3A : i32 to index
        %swap3A_85 = tpu.vector_load %arg8[%swap3A] {strides = array<i32>} : memref<82048xf32, #tpu.memory_space<vmem>>, vector<16xf32>,
        %swap3A_86 = vector.shape_cast %swap3A_85 : vector<16xf32> to vector<16xf32>
        %swap3A_87 = vector.shape_cast %add3A_84 : vector<16xf32> to vector<16xf32>
        tpu.vector_store %arg8[%swap3A], %swap3A_87 {strides = array<i32>} : memref<82048xf32, #tpu.memory_space<vmem>>, vector<16xf32>,
        %slice3A_88 = vector.extract_strided_slice %mul3A_71 {offsets = [1], sizes = [1], strides = [1]} : vector<16xi32> to vector<1xi32>
        %squeeze3A_89 = vector.extract %slice3A_88[0] : i32 from vector<1xi32>
        %mul3A_90 = arith.constant 16 : i32
        %mul3A_91 = arith.muli %scan3A_58, %mul3A_90 : i32
        %add3A_92 = arith.constant 1 : i32
        %add3A_93 = arith.addi %mul3A_91, %add3A_92 : i32
        %mul3A_94 = arith.constant 16 : i32
        %mul3A_95 = arith.muli %add3A_93, %mul3A_94 : i32
        %get3A_96 = arith.index_cast %squeeze3A_89 : i32 to index
        %get3A_97 = tpu.vector_load %arg8[%get3A_96] {strides = array<i32>} : memref<82048xf32, #tpu.memory_space<vmem>>, vector<16xf32>,
        %get3A_98 = vector.shape_cast %get3A_97 : vector<16xf32> to vector<16xf32>
        %get3A_99 = arith.index_cast %mul3A_95 : i32 to index
        %get3A_100 = tpu.vector_load %arg7[%get3A_99] {strides = array<i32>} : memref<2048xf32, #tpu.memory_space<vmem>>, vector<16xf32>,
        %get3A_101 = vector.shape_cast %get3A_100 : vector<16xf32> to vector<16xf32>
        %add3A_102 = arith.addf %get3A_98, %get3A_101 : vector<16xf32>
        %swap3A_103 = arith.index_cast %squeeze3A_89 : i32 to index
        %swap3A_104 = tpu.vector_load %arg8[%swap3A_103] {strides = array<i32>} : memref<82048xf32, #tpu.memory_space<vmem>>, vector<16xf32>,
        %swap3A_105 = vector.shape_cast %swap3A_104 : vector<16xf32> to vector<16xf32>
        %swap3A_106 = vector.shape_cast %add3A_102 : vector<16xf32> to vector<16xf32>
        tpu.vector_store %arg8[%swap3A_103], %swap3A_106 {strides = array<i32>} : memref<82048xf32, #tpu.memory_space<vmem>>, vector<16xf32>,
        %slice3A_107 = vector.extract_strided_slice %mul3A_71 {offsets = [2], sizes = [1], strides = [1]} : vector<16xi32> to vector<1xi32>
        %squeeze3A_108 = vector.extract %slice3A_107[0] : i32 from vector<1xi32>
        %mul3A_109 = arith.constant 16 : i32
        %mul3A_110 = arith.muli %scan3A_58, %mul3A_109 : i32
        %add3A_111 = arith.constant 2 : i32
        %add3A_112 = arith.addi %mul3A_110, %add3A_111 : i32
        %mul3A_113 = arith.constant 16 : i32
        %mul3A_114 = arith.muli %add3A_112, %mul3A_113 : i32
        %get3A_115 = arith.index_cast %squeeze3A_108 : i32 to index
        %get3A_116 = tpu.vector_load %arg8[%get3A_115] {strides = array<i32>} : memref<82048xf32, #tpu.memory_space<vmem>>, vector<16xf32>,
        %get3A_117 = vector.shape_cast %get3A_116 : vector<16xf32> to vector<16xf32>
        %get3A_118 = arith.index_cast %mul3A_114 : i32 to index
        %get3A_119 = tpu.vector_load %arg7[%get3A_118] {strides = array<i32>} : memref<2048xf32, #tpu.memory_space<vmem>>, vector<16xf32>,
        %get3A_120 = vector.shape_cast %get3A_119 : vector<16xf32> to vector<16xf32>
        %add3A_121 = arith.addf %get3A_117, %get3A_120 : vector<16xf32>
        %swap3A_122 = arith.index_cast %squeeze3A_108 : i32 to index
        %swap3A_123 = tpu.vector_load %arg8[%swap3A_122] {strides = array<i32>} : memref<82048xf32, #tpu.memory_space<vmem>>, vector<16xf32>,
        %swap3A_124 = vector.shape_cast %swap3A_123 : vector<16xf32> to vector<16xf32>
        %swap3A_125 = vector.shape_cast %add3A_121 : vector<16xf32> to vector<16xf32>
        tpu.vector_store %arg8[%swap3A_122], %swap3A_125 {strides = array<i32>} : memref<82048xf32, #tpu.memory_space<vmem>>, vector<16xf32>,
        %slice3A_126 = vector.extract_strided_slice %mul3A_71 {offsets = [3], sizes = [1], strides = [1]} : vector<16xi32> to vector<1xi32>
        %squeeze3A_127 = vector.extract %slice3A_126[0] : i32 from vector<1xi32>
        %mul3A_128 = arith.constant 16 : i32
        %mul3A_129 = arith.muli %scan3A_58, %mul3A_128 : i32
        %add3A_130 = arith.constant 3 : i32
        %add3A_131 = arith.addi %mul3A_129, %add3A_130 : i32
        %mul3A_132 = arith.constant 16 : i32
        %mul3A_133 = arith.muli %add3A_131, %mul3A_132 : i32
        %get3A_134 = arith.index_cast %squeeze3A_127 : i32 to index
        %get3A_135 = tpu.vector_load %arg8[%get3A_134] {strides = array<i32>} : memref<82048xf32, #tpu.memory_space<vmem>>, vector<16xf32>,
        %get3A_136 = vector.shape_cast %get3A_135 : vector<16xf32> to vector<16xf32>
        %get3A_137 = arith.index_cast %mul3A_133 : i32 to index
        %get3A_138 = tpu.vector_load %arg7[%get3A_137] {strides = array<i32>} : memref<2048xf32, #tpu.memory_space<vmem>>, vector<16xf32>,
        %get3A_139 = vector.shape_cast %get3A_138 : vector<16xf32> to vector<16xf32>
        %add3A_140 = arith.addf %get3A_136, %get3A_139 : vector<16xf32>
        %swap3A_141 = arith.index_cast %squeeze3A_127 : i32 to index
        %swap3A_142 = tpu.vector_load %arg8[%swap3A_141] {strides = array<i32>} : memref<82048xf32, #tpu.memory_space<vmem>>, vector<16xf32>,
        %swap3A_143 = vector.shape_cast %swap3A_142 : vector<16xf32> to vector<16xf32>
        %swap3A_144 = vector.shape_cast %add3A_140 : vector<16xf32> to vector<16xf32>
        tpu.vector_store %arg8[%swap3A_141], %swap3A_144 {strides = array<i32>} : memref<82048xf32, #tpu.memory_space<vmem>>, vector<16xf32>,
        %slice3A_145 = vector.extract_strided_slice %mul3A_71 {offsets = [4], sizes = [1], strides = [1]} : vector<16xi32> to vector<1xi32>
        %squeeze3A_146 = vector.extract %slice3A_145[0] : i32 from vector<1xi32>
        %mul3A_147 = arith.constant 16 : i32
        %mul3A_148 = arith.muli %scan3A_58, %mul3A_147 : i32
        %add3A_149 = arith.constant 4 : i32
        %add3A_150 = arith.addi %mul3A_148, %add3A_149 : i32
        %mul3A_151 = arith.constant 16 : i32
        %mul3A_152 = arith.muli %add3A_150, %mul3A_151 : i32
        %get3A_153 = arith.index_cast %squeeze3A_146 : i32 to index
        %get3A_154 = tpu.vector_load %arg8[%get3A_153] {strides = array<i32>} : memref<82048xf32, #tpu.memory_space<vmem>>, vector<16xf32>,
        %get3A_155 = vector.shape_cast %get3A_154 : vector<16xf32> to vector<16xf32>
        %get3A_156 = arith.index_cast %mul3A_152 : i32 to index
        %get3A_157 = tpu.vector_load %arg7[%get3A_156] {strides = array<i32>} : memref<2048xf32, #tpu.memory_space<vmem>>, vector<16xf32>,
        %get3A_158 = vector.shape_cast %get3A_157 : vector<16xf32> to vector<16xf32>
        %add3A_159 = arith.addf %get3A_155, %get3A_158 : vector<16xf32>
        %swap3A_160 = arith.index_cast %squeeze3A_146 : i32 to index
        %swap3A_161 = tpu.vector_load %arg8[%swap3A_160] {strides = array<i32>} : memref<82048xf32, #tpu.memory_space<vmem>>, vector<16xf32>,
        %swap3A_162 = vector.shape_cast %swap3A_161 : vector<16xf32> to vector<16xf32>
        %swap3A_163 = vector.shape_cast %add3A_159 : vector<16xf32> to vector<16xf32>
        tpu.vector_store %arg8[%swap3A_160], %swap3A_163 {strides = array<i32>} : memref<82048xf32, #tpu.memory_space<vmem>>, vector<16xf32>,
        %slice3A_164 = vector.extract_strided_slice %mul3A_71 {offsets = [5], sizes = [1], strides = [1]} : vector<16xi32> to vector<1xi32>
        %squeeze3A_165 = vector.extract %slice3A_164[0] : i32 from vector<1xi32>
        %mul3A_166 = arith.constant 16 : i32
        %mul3A_167 = arith.muli %scan3A_58, %mul3A_166 : i32
        %add3A_168 = arith.constant 5 : i32
        %add3A_169 = arith.addi %mul3A_167, %add3A_168 : i32
        %mul3A_170 = arith.constant 16 : i32
        %mul3A_171 = arith.muli %add3A_169, %mul3A_170 : i32
        %get3A_172 = arith.index_cast %squeeze3A_165 : i32 to index
        %get3A_173 = tpu.vector_load %arg8[%get3A_172] {strides = array<i32>} : memref<82048xf32, #tpu.memory_space<vmem>>, vector<16xf32>,
        %get3A_174 = vector.shape_cast %get3A_173 : vector<16xf32> to vector<16xf32>
        %get3A_175 = arith.index_cast %mul3A_171 : i32 to index
        %get3A_176 = tpu.vector_load %arg7[%get3A_175] {strides = array<i32>} : memref<2048xf32, #tpu.memory_space<vmem>>, vector<16xf32>,
        %get3A_177 = vector.shape_cast %get3A_176 : vector<16xf32> to vector<16xf32>
        %add3A_178 = arith.addf %get3A_174, %get3A_177 : vector<16xf32>
        %swap3A_179 = arith.index_cast %squeeze3A_165 : i32 to index
        %swap3A_180 = tpu.vector_load %arg8[%swap3A_179] {strides = array<i32>} : memref<82048xf32, #tpu.memory_space<vmem>>, vector<16xf32>,
        %swap3A_181 = vector.shape_cast %swap3A_180 : vector<16xf32> to vector<16xf32>
        %swap3A_182 = vector.shape_cast %add3A_178 : vector<16xf32> to vector<16xf32>
        tpu.vector_store %arg8[%swap3A_179], %swap3A_182 {strides = array<i32>} : memref<82048xf32, #tpu.memory_space<vmem>>, vector<16xf32>,
        %slice3A_183 = vector.extract_strided_slice %mul3A_71 {offsets = [6], sizes = [1], strides = [1]} : vector<16xi32> to vector<1xi32>
        %squeeze3A_184 = vector.extract %slice3A_183[0] : i32 from vector<1xi32>
        %mul3A_185 = arith.constant 16 : i32
        %mul3A_186 = arith.muli %scan3A_58, %mul3A_185 : i32
        %add3A_187 = arith.constant 6 : i32
        %add3A_188 = arith.addi %mul3A_186, %add3A_187 : i32
        %mul3A_189 = arith.constant 16 : i32
        %mul3A_190 = arith.muli %add3A_188, %mul3A_189 : i32
        %get3A_191 = arith.index_cast %squeeze3A_184 : i32 to index
        %get3A_192 = tpu.vector_load %arg8[%get3A_191] {strides = array<i32>} : memref<82048xf32, #tpu.memory_space<vmem>>, vector<16xf32>,
        %get3A_193 = vector.shape_cast %get3A_192 : vector<16xf32> to vector<16xf32>
        %get3A_194 = arith.index_cast %mul3A_190 : i32 to index
        %get3A_195 = tpu.vector_load %arg7[%get3A_194] {strides = array<i32>} : memref<2048xf32, #tpu.memory_space<vmem>>, vector<16xf32>,
        %get3A_196 = vector.shape_cast %get3A_195 : vector<16xf32> to vector<16xf32>
        %add3A_197 = arith.addf %get3A_193, %get3A_196 : vector<16xf32>
        %swap3A_198 = arith.index_cast %squeeze3A_184 : i32 to index
        %swap3A_199 = tpu.vector_load %arg8[%swap3A_198] {strides = array<i32>} : memref<82048xf32, #tpu.memory_space<vmem>>, vector<16xf32>,
        %swap3A_200 = vector.shape_cast %swap3A_199 : vector<16xf32> to vector<16xf32>
        %swap3A_201 = vector.shape_cast %add3A_197 : vector<16xf32> to vector<16xf32>
        tpu.vector_store %arg8[%swap3A_198], %swap3A_201 {strides = array<i32>} : memref<82048xf32, #tpu.memory_space<vmem>>, vector<16xf32>,
        %slice3A_202 = vector.extract_strided_slice %mul3A_71 {offsets = [7], sizes = [1], strides = [1]} : vector<16xi32> to vector<1xi32>
        %squeeze3A_203 = vector.extract %slice3A_202[0] : i32 from vector<1xi32>
        %mul3A_204 = arith.constant 16 : i32
        %mul3A_205 = arith.muli %scan3A_58, %mul3A_204 : i32
        %add3A_206 = arith.constant 7 : i32
        %add3A_207 = arith.addi %mul3A_205, %add3A_206 : i32
        %mul3A_208 = arith.constant 16 : i32
        %mul3A_209 = arith.muli %add3A_207, %mul3A_208 : i32
        %get3A_210 = arith.index_cast %squeeze3A_203 : i32 to index
        %get3A_211 = tpu.vector_load %arg8[%get3A_210] {strides = array<i32>} : memref<82048xf32, #tpu.memory_space<vmem>>, vector<16xf32>,
        %get3A_212 = vector.shape_cast %get3A_211 : vector<16xf32> to vector<16xf32>
        %get3A_213 = arith.index_cast %mul3A_209 : i32 to index
        %get3A_214 = tpu.vector_load %arg7[%get3A_213] {strides = array<i32>} : memref<2048xf32, #tpu.memory_space<vmem>>, vector<16xf32>,
        %get3A_215 = vector.shape_cast %get3A_214 : vector<16xf32> to vector<16xf32>
        %add3A_216 = arith.addf %get3A_212, %get3A_215 : vector<16xf32>
        %swap3A_217 = arith.index_cast %squeeze3A_203 : i32 to index
        %swap3A_218 = tpu.vector_load %arg8[%swap3A_217] {strides = array<i32>} : memref<82048xf32, #tpu.memory_space<vmem>>, vector<16xf32>,
        %swap3A_219 = vector.shape_cast %swap3A_218 : vector<16xf32> to vector<16xf32>
        %swap3A_220 = vector.shape_cast %add3A_216 : vector<16xf32> to vector<16xf32>
        tpu.vector_store %arg8[%swap3A_217], %swap3A_220 {strides = array<i32>} : memref<82048xf32, #tpu.memory_space<vmem>>, vector<16xf32>,
        %slice3A_221 = vector.extract_strided_slice %mul3A_71 {offsets = [8], sizes = [1], strides = [1]} : vector<16xi32> to vector<1xi32>
        %squeeze3A_222 = vector.extract %slice3A_221[0] : i32 from vector<1xi32>
        %mul3A_223 = arith.constant 16 : i32
        %mul3A_224 = arith.muli %scan3A_58, %mul3A_223 : i32
        %add3A_225 = arith.constant 8 : i32
        %add3A_226 = arith.addi %mul3A_224, %add3A_225 : i32
        %mul3A_227 = arith.constant 16 : i32
        %mul3A_228 = arith.muli %add3A_226, %mul3A_227 : i32
        %get3A_229 = arith.index_cast %squeeze3A_222 : i32 to index
        %get3A_230 = tpu.vector_load %arg8[%get3A_229] {strides = array<i32>} : memref<82048xf32, #tpu.memory_space<vmem>>, vector<16xf32>,
        %get3A_231 = vector.shape_cast %get3A_230 : vector<16xf32> to vector<16xf32>
        %get3A_232 = arith.index_cast %mul3A_228 : i32 to index
        %get3A_233 = tpu.vector_load %arg7[%get3A_232] {strides = array<i32>} : memref<2048xf32, #tpu.memory_space<vmem>>, vector<16xf32>,
        %get3A_234 = vector.shape_cast %get3A_233 : vector<16xf32> to vector<16xf32>
        %add3A_235 = arith.addf %get3A_231, %get3A_234 : vector<16xf32>
        %swap3A_236 = arith.index_cast %squeeze3A_222 : i32 to index
        %swap3A_237 = tpu.vector_load %arg8[%swap3A_236] {strides = array<i32>} : memref<82048xf32, #tpu.memory_space<vmem>>, vector<16xf32>,
        %swap3A_238 = vector.shape_cast %swap3A_237 : vector<16xf32> to vector<16xf32>
        %swap3A_239 = vector.shape_cast %add3A_235 : vector<16xf32> to vector<16xf32>
        tpu.vector_store %arg8[%swap3A_236], %swap3A_239 {strides = array<i32>} : memref<82048xf32, #tpu.memory_space<vmem>>, vector<16xf32>,
        %slice3A_240 = vector.extract_strided_slice %mul3A_71 {offsets = [9], sizes = [1], strides = [1]} : vector<16xi32> to vector<1xi32>
        %squeeze3A_241 = vector.extract %slice3A_240[0] : i32 from vector<1xi32>
        %mul3A_242 = arith.constant 16 : i32
        %mul3A_243 = arith.muli %scan3A_58, %mul3A_242 : i32
        %add3A_244 = arith.constant 9 : i32
        %add3A_245 = arith.addi %mul3A_243, %add3A_244 : i32
        %mul3A_246 = arith.constant 16 : i32
        %mul3A_247 = arith.muli %add3A_245, %mul3A_246 : i32
        %get3A_248 = arith.index_cast %squeeze3A_241 : i32 to index
        %get3A_249 = tpu.vector_load %arg8[%get3A_248] {strides = array<i32>} : memref<82048xf32, #tpu.memory_space<vmem>>, vector<16xf32>,
        %get3A_250 = vector.shape_cast %get3A_249 : vector<16xf32> to vector<16xf32>
        %get3A_251 = arith.index_cast %mul3A_247 : i32 to index
        %get3A_252 = tpu.vector_load %arg7[%get3A_251] {strides = array<i32>} : memref<2048xf32, #tpu.memory_space<vmem>>, vector<16xf32>,
        %get3A_253 = vector.shape_cast %get3A_252 : vector<16xf32> to vector<16xf32>
        %add3A_254 = arith.addf %get3A_250, %get3A_253 : vector<16xf32>
        %swap3A_255 = arith.index_cast %squeeze3A_241 : i32 to index
        %swap3A_256 = tpu.vector_load %arg8[%swap3A_255] {strides = array<i32>} : memref<82048xf32, #tpu.memory_space<vmem>>, vector<16xf32>,
        %swap3A_257 = vector.shape_cast %swap3A_256 : vector<16xf32> to vector<16xf32>
        %swap3A_258 = vector.shape_cast %add3A_254 : vector<16xf32> to vector<16xf32>
        tpu.vector_store %arg8[%swap3A_255], %swap3A_258 {strides = array<i32>} : memref<82048xf32, #tpu.memory_space<vmem>>, vector<16xf32>,
        %slice3A_259 = vector.extract_strided_slice %mul3A_71 {offsets = [10], sizes = [1], strides = [1]} : vector<16xi32> to vector<1xi32>
        %squeeze3A_260 = vector.extract %slice3A_259[0] : i32 from vector<1xi32>
        %mul3A_261 = arith.constant 16 : i32
        %mul3A_262 = arith.muli %scan3A_58, %mul3A_261 : i32
        %add3A_263 = arith.constant 10 : i32
        %add3A_264 = arith.addi %mul3A_262, %add3A_263 : i32
        %mul3A_265 = arith.constant 16 : i32
        %mul3A_266 = arith.muli %add3A_264, %mul3A_265 : i32
        %get3A_267 = arith.index_cast %squeeze3A_260 : i32 to index
        %get3A_268 = tpu.vector_load %arg8[%get3A_267] {strides = array<i32>} : memref<82048xf32, #tpu.memory_space<vmem>>, vector<16xf32>,
        %get3A_269 = vector.shape_cast %get3A_268 : vector<16xf32> to vector<16xf32>
        %get3A_270 = arith.index_cast %mul3A_266 : i32 to index
        %get3A_271 = tpu.vector_load %arg7[%get3A_270] {strides = array<i32>} : memref<2048xf32, #tpu.memory_space<vmem>>, vector<16xf32>,
        %get3A_272 = vector.shape_cast %get3A_271 : vector<16xf32> to vector<16xf32>
        %add3A_273 = arith.addf %get3A_269, %get3A_272 : vector<16xf32>
        %swap3A_274 = arith.index_cast %squeeze3A_260 : i32 to index
        %swap3A_275 = tpu.vector_load %arg8[%swap3A_274] {strides = array<i32>} : memref<82048xf32, #tpu.memory_space<vmem>>, vector<16xf32>,
        %swap3A_276 = vector.shape_cast %swap3A_275 : vector<16xf32> to vector<16xf32>
        %swap3A_277 = vector.shape_cast %add3A_273 : vector<16xf32> to vector<16xf32>
        tpu.vector_store %arg8[%swap3A_274], %swap3A_277 {strides = array<i32>} : memref<82048xf32, #tpu.memory_space<vmem>>, vector<16xf32>,
        %slice3A_278 = vector.extract_strided_slice %mul3A_71 {offsets = [11], sizes = [1], strides = [1]} : vector<16xi32> to vector<1xi32>
        %squeeze3A_279 = vector.extract %slice3A_278[0] : i32 from vector<1xi32>
        %mul3A_280 = arith.constant 16 : i32
        %mul3A_281 = arith.muli %scan3A_58, %mul3A_280 : i32
        %add3A_282 = arith.constant 11 : i32
        %add3A_283 = arith.addi %mul3A_281, %add3A_282 : i32
        %mul3A_284 = arith.constant 16 : i32
        %mul3A_285 = arith.muli %add3A_283, %mul3A_284 : i32
        %get3A_286 = arith.index_cast %squeeze3A_279 : i32 to index
        %get3A_287 = tpu.vector_load %arg8[%get3A_286] {strides = array<i32>} : memref<82048xf32, #tpu.memory_space<vmem>>, vector<16xf32>,
        %get3A_288 = vector.shape_cast %get3A_287 : vector<16xf32> to vector<16xf32>
        %get3A_289 = arith.index_cast %mul3A_285 : i32 to index
        %get3A_290 = tpu.vector_load %arg7[%get3A_289] {strides = array<i32>} : memref<2048xf32, #tpu.memory_space<vmem>>, vector<16xf32>,
        %get3A_291 = vector.shape_cast %get3A_290 : vector<16xf32> to vector<16xf32>
        %add3A_292 = arith.addf %get3A_288, %get3A_291 : vector<16xf32>
        %swap3A_293 = arith.index_cast %squeeze3A_279 : i32 to index
        %swap3A_294 = tpu.vector_load %arg8[%swap3A_293] {strides = array<i32>} : memref<82048xf32, #tpu.memory_space<vmem>>, vector<16xf32>,
        %swap3A_295 = vector.shape_cast %swap3A_294 : vector<16xf32> to vector<16xf32>
        %swap3A_296 = vector.shape_cast %add3A_292 : vector<16xf32> to vector<16xf32>
        tpu.vector_store %arg8[%swap3A_293], %swap3A_296 {strides = array<i32>} : memref<82048xf32, #tpu.memory_space<vmem>>, vector<16xf32>,
        %slice3A_297 = vector.extract_strided_slice %mul3A_71 {offsets = [12], sizes = [1], strides = [1]} : vector<16xi32> to vector<1xi32>
        %squeeze3A_298 = vector.extract %slice3A_297[0] : i32 from vector<1xi32>
        %mul3A_299 = arith.constant 16 : i32
        %mul3A_300 = arith.muli %scan3A_58, %mul3A_299 : i32
        %add3A_301 = arith.constant 12 : i32
        %add3A_302 = arith.addi %mul3A_300, %add3A_301 : i32
        %mul3A_303 = arith.constant 16 : i32
        %mul3A_304 = arith.muli %add3A_302, %mul3A_303 : i32
        %get3A_305 = arith.index_cast %squeeze3A_298 : i32 to index
        %get3A_306 = tpu.vector_load %arg8[%get3A_305] {strides = array<i32>} : memref<82048xf32, #tpu.memory_space<vmem>>, vector<16xf32>,
        %get3A_307 = vector.shape_cast %get3A_306 : vector<16xf32> to vector<16xf32>
        %get3A_308 = arith.index_cast %mul3A_304 : i32 to index
        %get3A_309 = tpu.vector_load %arg7[%get3A_308] {strides = array<i32>} : memref<2048xf32, #tpu.memory_space<vmem>>, vector<16xf32>,
        %get3A_310 = vector.shape_cast %get3A_309 : vector<16xf32> to vector<16xf32>
        %add3A_311 = arith.addf %get3A_307, %get3A_310 : vector<16xf32>
        %swap3A_312 = arith.index_cast %squeeze3A_298 : i32 to index
        %swap3A_313 = tpu.vector_load %arg8[%swap3A_312] {strides = array<i32>} : memref<82048xf32, #tpu.memory_space<vmem>>, vector<16xf32>,
        %swap3A_314 = vector.shape_cast %swap3A_313 : vector<16xf32> to vector<16xf32>
        %swap3A_315 = vector.shape_cast %add3A_311 : vector<16xf32> to vector<16xf32>
        tpu.vector_store %arg8[%swap3A_312], %swap3A_315 {strides = array<i32>} : memref<82048xf32, #tpu.memory_space<vmem>>, vector<16xf32>,
        %slice3A_316 = vector.extract_strided_slice %mul3A_71 {offsets = [13], sizes = [1], strides = [1]} : vector<16xi32> to vector<1xi32>
        %squeeze3A_317 = vector.extract %slice3A_316[0] : i32 from vector<1xi32>
        %mul3A_318 = arith.constant 16 : i32
        %mul3A_319 = arith.muli %scan3A_58, %mul3A_318 : i32
        %add3A_320 = arith.constant 13 : i32
        %add3A_321 = arith.addi %mul3A_319, %add3A_320 : i32
        %mul3A_322 = arith.constant 16 : i32
        %mul3A_323 = arith.muli %add3A_321, %mul3A_322 : i32
        %get3A_324 = arith.index_cast %squeeze3A_317 : i32 to index
        %get3A_325 = tpu.vector_load %arg8[%get3A_324] {strides = array<i32>} : memref<82048xf32, #tpu.memory_space<vmem>>, vector<16xf32>,
        %get3A_326 = vector.shape_cast %get3A_325 : vector<16xf32> to vector<16xf32>
        %get3A_327 = arith.index_cast %mul3A_323 : i32 to index
        %get3A_328 = tpu.vector_load %arg7[%get3A_327] {strides = array<i32>} : memref<2048xf32, #tpu.memory_space<vmem>>, vector<16xf32>,
        %get3A_329 = vector.shape_cast %get3A_328 : vector<16xf32> to vector<16xf32>
        %add3A_330 = arith.addf %get3A_326, %get3A_329 : vector<16xf32>
        %swap3A_331 = arith.index_cast %squeeze3A_317 : i32 to index
        %swap3A_332 = tpu.vector_load %arg8[%swap3A_331] {strides = array<i32>} : memref<82048xf32, #tpu.memory_space<vmem>>, vector<16xf32>,
        %swap3A_333 = vector.shape_cast %swap3A_332 : vector<16xf32> to vector<16xf32>
        %swap3A_334 = vector.shape_cast %add3A_330 : vector<16xf32> to vector<16xf32>
        tpu.vector_store %arg8[%swap3A_331], %swap3A_334 {strides = array<i32>} : memref<82048xf32, #tpu.memory_space<vmem>>, vector<16xf32>,
        %slice3A_335 = vector.extract_strided_slice %mul3A_71 {offsets = [14], sizes = [1], strides = [1]} : vector<16xi32> to vector<1xi32>
        %squeeze3A_336 = vector.extract %slice3A_335[0] : i32 from vector<1xi32>
        %mul3A_337 = arith.constant 16 : i32
        %mul3A_338 = arith.muli %scan3A_58, %mul3A_337 : i32
        %add3A_339 = arith.constant 14 : i32
        %add3A_340 = arith.addi %mul3A_338, %add3A_339 : i32
        %mul3A_341 = arith.constant 16 : i32
        %mul3A_342 = arith.muli %add3A_340, %mul3A_341 : i32
        %get3A_343 = arith.index_cast %squeeze3A_336 : i32 to index
        %get3A_344 = tpu.vector_load %arg8[%get3A_343] {strides = array<i32>} : memref<82048xf32, #tpu.memory_space<vmem>>, vector<16xf32>,
        %get3A_345 = vector.shape_cast %get3A_344 : vector<16xf32> to vector<16xf32>
        %get3A_346 = arith.index_cast %mul3A_342 : i32 to index
        %get3A_347 = tpu.vector_load %arg7[%get3A_346] {strides = array<i32>} : memref<2048xf32, #tpu.memory_space<vmem>>, vector<16xf32>,
        %get3A_348 = vector.shape_cast %get3A_347 : vector<16xf32> to vector<16xf32>
        %add3A_349 = arith.addf %get3A_345, %get3A_348 : vector<16xf32>
        %swap3A_350 = arith.index_cast %squeeze3A_336 : i32 to index
        %swap3A_351 = tpu.vector_load %arg8[%swap3A_350] {strides = array<i32>} : memref<82048xf32, #tpu.memory_space<vmem>>, vector<16xf32>,
        %swap3A_352 = vector.shape_cast %swap3A_351 : vector<16xf32> to vector<16xf32>
        %swap3A_353 = vector.shape_cast %add3A_349 : vector<16xf32> to vector<16xf32>
        tpu.vector_store %arg8[%swap3A_350], %swap3A_353 {strides = array<i32>} : memref<82048xf32, #tpu.memory_space<vmem>>, vector<16xf32>,
        %slice3A_354 = vector.extract_strided_slice %mul3A_71 {offsets = [15], sizes = [1], strides = [1]} : vector<16xi32> to vector<1xi32>
        %squeeze3A_355 = vector.extract %slice3A_354[0] : i32 from vector<1xi32>
        %mul3A_356 = arith.constant 16 : i32
        %mul3A_357 = arith.muli %scan3A_58, %mul3A_356 : i32
        %add3A_358 = arith.constant 15 : i32
        %add3A_359 = arith.addi %mul3A_357, %add3A_358 : i32
        %mul3A_360 = arith.constant 16 : i32
        %mul3A_361 = arith.muli %add3A_359, %mul3A_360 : i32
        %get3A_362 = arith.index_cast %squeeze3A_355 : i32 to index
        %get3A_363 = tpu.vector_load %arg8[%get3A_362] {strides = array<i32>} : memref<82048xf32, #tpu.memory_space<vmem>>, vector<16xf32>,
        %get3A_364 = vector.shape_cast %get3A_363 : vector<16xf32> to vector<16xf32>
        %get3A_365 = arith.index_cast %mul3A_361 : i32 to index
        %get3A_366 = tpu.vector_load %arg7[%get3A_365] {strides = array<i32>} : memref<2048xf32, #tpu.memory_space<vmem>>, vector<16xf32>,
        %get3A_367 = vector.shape_cast %get3A_366 : vector<16xf32> to vector<16xf32>
        %add3A_368 = arith.addf %get3A_364, %get3A_367 : vector<16xf32>
        %swap3A_369 = arith.index_cast %squeeze3A_355 : i32 to index
        %swap3A_370 = tpu.vector_load %arg8[%swap3A_369] {strides = array<i32>} : memref<82048xf32, #tpu.memory_space<vmem>>, vector<16xf32>,
        %swap3A_371 = vector.shape_cast %swap3A_370 : vector<16xf32> to vector<16xf32>
        %swap3A_372 = vector.shape_cast %add3A_368 : vector<16xf32> to vector<16xf32>
        tpu.vector_store %arg8[%swap3A_369], %swap3A_372 {strides = array<i32>} : memref<82048xf32, #tpu.memory_space<vmem>>, vector<16xf32>,
        %shift_right_arithmetic3A = arith.constant 4 : i32
        %shift_right_arithmetic3A_373 = vector.broadcast %shift_right_arithmetic3A : i32 to vector<16xi32>
        %shift_right_arithmetic3A_374 = arith.shrsi %get3A_62, %shift_right_arithmetic3A_373 : vector<16xi32>
        %mul3A_375 = arith.constant 16 : i32
        %mul3A_376 = vector.broadcast %mul3A_375 : i32 to vector<16xi32>
        %mul3A_377 = arith.muli %shift_right_arithmetic3A_374, %mul3A_376 : vector<16xi32>
        %and3A_378 = arith.constant 15 : i32
        %and3A_379 = vector.broadcast %and3A_378 : i32 to vector<16xi32>
        %and3A_380 = arith.andi %get3A_62, %and3A_379 : vector<16xi32>
        %slice3A_381 = vector.extract_strided_slice %mul3A_377 {offsets = [0], sizes = [1], strides = [1]} : vector<16xi32> to vector<1xi32>
        %squeeze3A_382 = vector.extract %slice3A_381[0] : i32 from vector<1xi32>
        %slice3A_383 = vector.extract_strided_slice %and3A_380 {offsets = [0], sizes = [1], strides = [1]} : vector<16xi32> to vector<1xi32>
        %squeeze3A_384 = vector.extract %slice3A_383[0] : i32 from vector<1xi32>
        %eq3A = vector.broadcast %squeeze3A_384 : i32 to vector<16xi32>
        %eq3A_385 = arith.cmpi eq, %iota3A, %eq3A : vector<16xi32>
        %jit3A_386 = arith.constant 1.000000e+00 : f32
        %jit3A_387 = arith.constant 0.000000e+00 : f32
        %broadcast_in_dim3A_388 = vector.broadcast %jit3A_386 : f32 to vector<16xf32>
        %broadcast_in_dim3A_389 = vector.broadcast %jit3A_387 : f32 to vector<16xf32>
        %select_n3A_390 = arith.select %eq3A_385, %broadcast_in_dim3A_388, %broadcast_in_dim3A_389 : vector<16xi1>, vector<16xf32>
        %get3A_391 = arith.index_cast %squeeze3A_382 : i32 to index
        %get3A_392 = tpu.vector_load %arg9[%get3A_391] {strides = array<i32>} : memref<10240xf32, #tpu.memory_space<vmem>>, vector<16xf32>,
        %get3A_393 = vector.shape_cast %get3A_392 : vector<16xf32> to vector<16xf32>
        %add3A_394 = arith.addf %get3A_393, %select_n3A_390 : vector<16xf32>
        %swap3A_395 = arith.index_cast %squeeze3A_382 : i32 to index
        %swap3A_396 = tpu.vector_load %arg9[%swap3A_395] {strides = array<i32>} : memref<10240xf32, #tpu.memory_space<vmem>>, vector<16xf32>,
        %swap3A_397 = vector.shape_cast %swap3A_396 : vector<16xf32> to vector<16xf32>
        %swap3A_398 = vector.shape_cast %add3A_394 : vector<16xf32> to vector<16xf32>
        tpu.vector_store %arg9[%swap3A_395], %swap3A_398 {strides = array<i32>} : memref<10240xf32, #tpu.memory_space<vmem>>, vector<16xf32>,
        %slice3A_399 = vector.extract_strided_slice %mul3A_377 {offsets = [1], sizes = [1], strides = [1]} : vector<16xi32> to vector<1xi32>
        %squeeze3A_400 = vector.extract %slice3A_399[0] : i32 from vector<1xi32>
        %slice3A_401 = vector.extract_strided_slice %and3A_380 {offsets = [1], sizes = [1], strides = [1]} : vector<16xi32> to vector<1xi32>
        %squeeze3A_402 = vector.extract %slice3A_401[0] : i32 from vector<1xi32>
        %eq3A_403 = vector.broadcast %squeeze3A_402 : i32 to vector<16xi32>
        %eq3A_404 = arith.cmpi eq, %iota3A, %eq3A_403 : vector<16xi32>
        %jit3A_405 = arith.constant 1.000000e+00 : f32
        %jit3A_406 = arith.constant 0.000000e+00 : f32
        %broadcast_in_dim3A_407 = vector.broadcast %jit3A_405 : f32 to vector<16xf32>
        %broadcast_in_dim3A_408 = vector.broadcast %jit3A_406 : f32 to vector<16xf32>
        %select_n3A_409 = arith.select %eq3A_404, %broadcast_in_dim3A_407, %broadcast_in_dim3A_408 : vector<16xi1>, vector<16xf32>
        %get3A_410 = arith.index_cast %squeeze3A_400 : i32 to index
        %get3A_411 = tpu.vector_load %arg9[%get3A_410] {strides = array<i32>} : memref<10240xf32, #tpu.memory_space<vmem>>, vector<16xf32>,
        %get3A_412 = vector.shape_cast %get3A_411 : vector<16xf32> to vector<16xf32>
        %add3A_413 = arith.addf %get3A_412, %select_n3A_409 : vector<16xf32>
        %swap3A_414 = arith.index_cast %squeeze3A_400 : i32 to index
        %swap3A_415 = tpu.vector_load %arg9[%swap3A_414] {strides = array<i32>} : memref<10240xf32, #tpu.memory_space<vmem>>, vector<16xf32>,
        %swap3A_416 = vector.shape_cast %swap3A_415 : vector<16xf32> to vector<16xf32>
        %swap3A_417 = vector.shape_cast %add3A_413 : vector<16xf32> to vector<16xf32>
        tpu.vector_store %arg9[%swap3A_414], %swap3A_417 {strides = array<i32>} : memref<10240xf32, #tpu.memory_space<vmem>>, vector<16xf32>,
        %slice3A_418 = vector.extract_strided_slice %mul3A_377 {offsets = [2], sizes = [1], strides = [1]} : vector<16xi32> to vector<1xi32>
        %squeeze3A_419 = vector.extract %slice3A_418[0] : i32 from vector<1xi32>
        %slice3A_420 = vector.extract_strided_slice %and3A_380 {offsets = [2], sizes = [1], strides = [1]} : vector<16xi32> to vector<1xi32>
        %squeeze3A_421 = vector.extract %slice3A_420[0] : i32 from vector<1xi32>
        %eq3A_422 = vector.broadcast %squeeze3A_421 : i32 to vector<16xi32>
        %eq3A_423 = arith.cmpi eq, %iota3A, %eq3A_422 : vector<16xi32>
        %jit3A_424 = arith.constant 1.000000e+00 : f32
        %jit3A_425 = arith.constant 0.000000e+00 : f32
        %broadcast_in_dim3A_426 = vector.broadcast %jit3A_424 : f32 to vector<16xf32>
        %broadcast_in_dim3A_427 = vector.broadcast %jit3A_425 : f32 to vector<16xf32>
        %select_n3A_428 = arith.select %eq3A_423, %broadcast_in_dim3A_426, %broadcast_in_dim3A_427 : vector<16xi1>, vector<16xf32>
        %get3A_429 = arith.index_cast %squeeze3A_419 : i32 to index
        %get3A_430 = tpu.vector_load %arg9[%get3A_429] {strides = array<i32>} : memref<10240xf32, #tpu.memory_space<vmem>>, vector<16xf32>,
        %get3A_431 = vector.shape_cast %get3A_430 : vector<16xf32> to vector<16xf32>
        %add3A_432 = arith.addf %get3A_431, %select_n3A_428 : vector<16xf32>
        %swap3A_433 = arith.index_cast %squeeze3A_419 : i32 to index
        %swap3A_434 = tpu.vector_load %arg9[%swap3A_433] {strides = array<i32>} : memref<10240xf32, #tpu.memory_space<vmem>>, vector<16xf32>,
        %swap3A_435 = vector.shape_cast %swap3A_434 : vector<16xf32> to vector<16xf32>
        %swap3A_436 = vector.shape_cast %add3A_432 : vector<16xf32> to vector<16xf32>
        tpu.vector_store %arg9[%swap3A_433], %swap3A_436 {strides = array<i32>} : memref<10240xf32, #tpu.memory_space<vmem>>, vector<16xf32>,
        %slice3A_437 = vector.extract_strided_slice %mul3A_377 {offsets = [3], sizes = [1], strides = [1]} : vector<16xi32> to vector<1xi32>
        %squeeze3A_438 = vector.extract %slice3A_437[0] : i32 from vector<1xi32>
        %slice3A_439 = vector.extract_strided_slice %and3A_380 {offsets = [3], sizes = [1], strides = [1]} : vector<16xi32> to vector<1xi32>
        %squeeze3A_440 = vector.extract %slice3A_439[0] : i32 from vector<1xi32>
        %eq3A_441 = vector.broadcast %squeeze3A_440 : i32 to vector<16xi32>
        %eq3A_442 = arith.cmpi eq, %iota3A, %eq3A_441 : vector<16xi32>
        %jit3A_443 = arith.constant 1.000000e+00 : f32
        %jit3A_444 = arith.constant 0.000000e+00 : f32
        %broadcast_in_dim3A_445 = vector.broadcast %jit3A_443 : f32 to vector<16xf32>
        %broadcast_in_dim3A_446 = vector.broadcast %jit3A_444 : f32 to vector<16xf32>
        %select_n3A_447 = arith.select %eq3A_442, %broadcast_in_dim3A_445, %broadcast_in_dim3A_446 : vector<16xi1>, vector<16xf32>
        %get3A_448 = arith.index_cast %squeeze3A_438 : i32 to index
        %get3A_449 = tpu.vector_load %arg9[%get3A_448] {strides = array<i32>} : memref<10240xf32, #tpu.memory_space<vmem>>, vector<16xf32>,
        %get3A_450 = vector.shape_cast %get3A_449 : vector<16xf32> to vector<16xf32>
        %add3A_451 = arith.addf %get3A_450, %select_n3A_447 : vector<16xf32>
        %swap3A_452 = arith.index_cast %squeeze3A_438 : i32 to index
        %swap3A_453 = tpu.vector_load %arg9[%swap3A_452] {strides = array<i32>} : memref<10240xf32, #tpu.memory_space<vmem>>, vector<16xf32>,
        %swap3A_454 = vector.shape_cast %swap3A_453 : vector<16xf32> to vector<16xf32>
        %swap3A_455 = vector.shape_cast %add3A_451 : vector<16xf32> to vector<16xf32>
        tpu.vector_store %arg9[%swap3A_452], %swap3A_455 {strides = array<i32>} : memref<10240xf32, #tpu.memory_space<vmem>>, vector<16xf32>,
        %slice3A_456 = vector.extract_strided_slice %mul3A_377 {offsets = [4], sizes = [1], strides = [1]} : vector<16xi32> to vector<1xi32>
        %squeeze3A_457 = vector.extract %slice3A_456[0] : i32 from vector<1xi32>
        %slice3A_458 = vector.extract_strided_slice %and3A_380 {offsets = [4], sizes = [1], strides = [1]} : vector<16xi32> to vector<1xi32>
        %squeeze3A_459 = vector.extract %slice3A_458[0] : i32 from vector<1xi32>
        %eq3A_460 = vector.broadcast %squeeze3A_459 : i32 to vector<16xi32>
        %eq3A_461 = arith.cmpi eq, %iota3A, %eq3A_460 : vector<16xi32>
        %jit3A_462 = arith.constant 1.000000e+00 : f32
        %jit3A_463 = arith.constant 0.000000e+00 : f32
        %broadcast_in_dim3A_464 = vector.broadcast %jit3A_462 : f32 to vector<16xf32>
        %broadcast_in_dim3A_465 = vector.broadcast %jit3A_463 : f32 to vector<16xf32>
        %select_n3A_466 = arith.select %eq3A_461, %broadcast_in_dim3A_464, %broadcast_in_dim3A_465 : vector<16xi1>, vector<16xf32>
        %get3A_467 = arith.index_cast %squeeze3A_457 : i32 to index
        %get3A_468 = tpu.vector_load %arg9[%get3A_467] {strides = array<i32>} : memref<10240xf32, #tpu.memory_space<vmem>>, vector<16xf32>,
        %get3A_469 = vector.shape_cast %get3A_468 : vector<16xf32> to vector<16xf32>
        %add3A_470 = arith.addf %get3A_469, %select_n3A_466 : vector<16xf32>
        %swap3A_471 = arith.index_cast %squeeze3A_457 : i32 to index
        %swap3A_472 = tpu.vector_load %arg9[%swap3A_471] {strides = array<i32>} : memref<10240xf32, #tpu.memory_space<vmem>>, vector<16xf32>,
        %swap3A_473 = vector.shape_cast %swap3A_472 : vector<16xf32> to vector<16xf32>
        %swap3A_474 = vector.shape_cast %add3A_470 : vector<16xf32> to vector<16xf32>
        tpu.vector_store %arg9[%swap3A_471], %swap3A_474 {strides = array<i32>} : memref<10240xf32, #tpu.memory_space<vmem>>, vector<16xf32>,
        %slice3A_475 = vector.extract_strided_slice %mul3A_377 {offsets = [5], sizes = [1], strides = [1]} : vector<16xi32> to vector<1xi32>
        %squeeze3A_476 = vector.extract %slice3A_475[0] : i32 from vector<1xi32>
        %slice3A_477 = vector.extract_strided_slice %and3A_380 {offsets = [5], sizes = [1], strides = [1]} : vector<16xi32> to vector<1xi32>
        %squeeze3A_478 = vector.extract %slice3A_477[0] : i32 from vector<1xi32>
        %eq3A_479 = vector.broadcast %squeeze3A_478 : i32 to vector<16xi32>
        %eq3A_480 = arith.cmpi eq, %iota3A, %eq3A_479 : vector<16xi32>
        %jit3A_481 = arith.constant 1.000000e+00 : f32
        %jit3A_482 = arith.constant 0.000000e+00 : f32
        %broadcast_in_dim3A_483 = vector.broadcast %jit3A_481 : f32 to vector<16xf32>
        %broadcast_in_dim3A_484 = vector.broadcast %jit3A_482 : f32 to vector<16xf32>
        %select_n3A_485 = arith.select %eq3A_480, %broadcast_in_dim3A_483, %broadcast_in_dim3A_484 : vector<16xi1>, vector<16xf32>
        %get3A_486 = arith.index_cast %squeeze3A_476 : i32 to index
        %get3A_487 = tpu.vector_load %arg9[%get3A_486] {strides = array<i32>} : memref<10240xf32, #tpu.memory_space<vmem>>, vector<16xf32>,
        %get3A_488 = vector.shape_cast %get3A_487 : vector<16xf32> to vector<16xf32>
        %add3A_489 = arith.addf %get3A_488, %select_n3A_485 : vector<16xf32>
        %swap3A_490 = arith.index_cast %squeeze3A_476 : i32 to index
        %swap3A_491 = tpu.vector_load %arg9[%swap3A_490] {strides = array<i32>} : memref<10240xf32, #tpu.memory_space<vmem>>, vector<16xf32>,
        %swap3A_492 = vector.shape_cast %swap3A_491 : vector<16xf32> to vector<16xf32>
        %swap3A_493 = vector.shape_cast %add3A_489 : vector<16xf32> to vector<16xf32>
        tpu.vector_store %arg9[%swap3A_490], %swap3A_493 {strides = array<i32>} : memref<10240xf32, #tpu.memory_space<vmem>>, vector<16xf32>,
        %slice3A_494 = vector.extract_strided_slice %mul3A_377 {offsets = [6], sizes = [1], strides = [1]} : vector<16xi32> to vector<1xi32>
        %squeeze3A_495 = vector.extract %slice3A_494[0] : i32 from vector<1xi32>
        %slice3A_496 = vector.extract_strided_slice %and3A_380 {offsets = [6], sizes = [1], strides = [1]} : vector<16xi32> to vector<1xi32>
        %squeeze3A_497 = vector.extract %slice3A_496[0] : i32 from vector<1xi32>
        %eq3A_498 = vector.broadcast %squeeze3A_497 : i32 to vector<16xi32>
        %eq3A_499 = arith.cmpi eq, %iota3A, %eq3A_498 : vector<16xi32>
        %jit3A_500 = arith.constant 1.000000e+00 : f32
        %jit3A_501 = arith.constant 0.000000e+00 : f32
        %broadcast_in_dim3A_502 = vector.broadcast %jit3A_500 : f32 to vector<16xf32>
        %broadcast_in_dim3A_503 = vector.broadcast %jit3A_501 : f32 to vector<16xf32>
        %select_n3A_504 = arith.select %eq3A_499, %broadcast_in_dim3A_502, %broadcast_in_dim3A_503 : vector<16xi1>, vector<16xf32>
        %get3A_505 = arith.index_cast %squeeze3A_495 : i32 to index
        %get3A_506 = tpu.vector_load %arg9[%get3A_505] {strides = array<i32>} : memref<10240xf32, #tpu.memory_space<vmem>>, vector<16xf32>,
        %get3A_507 = vector.shape_cast %get3A_506 : vector<16xf32> to vector<16xf32>
        %add3A_508 = arith.addf %get3A_507, %select_n3A_504 : vector<16xf32>
        %swap3A_509 = arith.index_cast %squeeze3A_495 : i32 to index
        %swap3A_510 = tpu.vector_load %arg9[%swap3A_509] {strides = array<i32>} : memref<10240xf32, #tpu.memory_space<vmem>>, vector<16xf32>,
        %swap3A_511 = vector.shape_cast %swap3A_510 : vector<16xf32> to vector<16xf32>
        %swap3A_512 = vector.shape_cast %add3A_508 : vector<16xf32> to vector<16xf32>
        tpu.vector_store %arg9[%swap3A_509], %swap3A_512 {strides = array<i32>} : memref<10240xf32, #tpu.memory_space<vmem>>, vector<16xf32>,
        %slice3A_513 = vector.extract_strided_slice %mul3A_377 {offsets = [7], sizes = [1], strides = [1]} : vector<16xi32> to vector<1xi32>
        %squeeze3A_514 = vector.extract %slice3A_513[0] : i32 from vector<1xi32>
        %slice3A_515 = vector.extract_strided_slice %and3A_380 {offsets = [7], sizes = [1], strides = [1]} : vector<16xi32> to vector<1xi32>
        %squeeze3A_516 = vector.extract %slice3A_515[0] : i32 from vector<1xi32>
        %eq3A_517 = vector.broadcast %squeeze3A_516 : i32 to vector<16xi32>
        %eq3A_518 = arith.cmpi eq, %iota3A, %eq3A_517 : vector<16xi32>
        %jit3A_519 = arith.constant 1.000000e+00 : f32
        %jit3A_520 = arith.constant 0.000000e+00 : f32
        %broadcast_in_dim3A_521 = vector.broadcast %jit3A_519 : f32 to vector<16xf32>
        %broadcast_in_dim3A_522 = vector.broadcast %jit3A_520 : f32 to vector<16xf32>
        %select_n3A_523 = arith.select %eq3A_518, %broadcast_in_dim3A_521, %broadcast_in_dim3A_522 : vector<16xi1>, vector<16xf32>
        %get3A_524 = arith.index_cast %squeeze3A_514 : i32 to index
        %get3A_525 = tpu.vector_load %arg9[%get3A_524] {strides = array<i32>} : memref<10240xf32, #tpu.memory_space<vmem>>, vector<16xf32>,
        %get3A_526 = vector.shape_cast %get3A_525 : vector<16xf32> to vector<16xf32>
        %add3A_527 = arith.addf %get3A_526, %select_n3A_523 : vector<16xf32>
        %swap3A_528 = arith.index_cast %squeeze3A_514 : i32 to index
        %swap3A_529 = tpu.vector_load %arg9[%swap3A_528] {strides = array<i32>} : memref<10240xf32, #tpu.memory_space<vmem>>, vector<16xf32>,
        %swap3A_530 = vector.shape_cast %swap3A_529 : vector<16xf32> to vector<16xf32>
        %swap3A_531 = vector.shape_cast %add3A_527 : vector<16xf32> to vector<16xf32>
        tpu.vector_store %arg9[%swap3A_528], %swap3A_531 {strides = array<i32>} : memref<10240xf32, #tpu.memory_space<vmem>>, vector<16xf32>,
        %slice3A_532 = vector.extract_strided_slice %mul3A_377 {offsets = [8], sizes = [1], strides = [1]} : vector<16xi32> to vector<1xi32>
        %squeeze3A_533 = vector.extract %slice3A_532[0] : i32 from vector<1xi32>
        %slice3A_534 = vector.extract_strided_slice %and3A_380 {offsets = [8], sizes = [1], strides = [1]} : vector<16xi32> to vector<1xi32>
        %squeeze3A_535 = vector.extract %slice3A_534[0] : i32 from vector<1xi32>
        %eq3A_536 = vector.broadcast %squeeze3A_535 : i32 to vector<16xi32>
        %eq3A_537 = arith.cmpi eq, %iota3A, %eq3A_536 : vector<16xi32>
        %jit3A_538 = arith.constant 1.000000e+00 : f32
        %jit3A_539 = arith.constant 0.000000e+00 : f32
        %broadcast_in_dim3A_540 = vector.broadcast %jit3A_538 : f32 to vector<16xf32>
        %broadcast_in_dim3A_541 = vector.broadcast %jit3A_539 : f32 to vector<16xf32>
        %select_n3A_542 = arith.select %eq3A_537, %broadcast_in_dim3A_540, %broadcast_in_dim3A_541 : vector<16xi1>, vector<16xf32>
        %get3A_543 = arith.index_cast %squeeze3A_533 : i32 to index
        %get3A_544 = tpu.vector_load %arg9[%get3A_543] {strides = array<i32>} : memref<10240xf32, #tpu.memory_space<vmem>>, vector<16xf32>,
        %get3A_545 = vector.shape_cast %get3A_544 : vector<16xf32> to vector<16xf32>
        %add3A_546 = arith.addf %get3A_545, %select_n3A_542 : vector<16xf32>
        %swap3A_547 = arith.index_cast %squeeze3A_533 : i32 to index
        %swap3A_548 = tpu.vector_load %arg9[%swap3A_547] {strides = array<i32>} : memref<10240xf32, #tpu.memory_space<vmem>>, vector<16xf32>,
        %swap3A_549 = vector.shape_cast %swap3A_548 : vector<16xf32> to vector<16xf32>
        %swap3A_550 = vector.shape_cast %add3A_546 : vector<16xf32> to vector<16xf32>
        tpu.vector_store %arg9[%swap3A_547], %swap3A_550 {strides = array<i32>} : memref<10240xf32, #tpu.memory_space<vmem>>, vector<16xf32>,
        %slice3A_551 = vector.extract_strided_slice %mul3A_377 {offsets = [9], sizes = [1], strides = [1]} : vector<16xi32> to vector<1xi32>
        %squeeze3A_552 = vector.extract %slice3A_551[0] : i32 from vector<1xi32>
        %slice3A_553 = vector.extract_strided_slice %and3A_380 {offsets = [9], sizes = [1], strides = [1]} : vector<16xi32> to vector<1xi32>
        %squeeze3A_554 = vector.extract %slice3A_553[0] : i32 from vector<1xi32>
        %eq3A_555 = vector.broadcast %squeeze3A_554 : i32 to vector<16xi32>
        %eq3A_556 = arith.cmpi eq, %iota3A, %eq3A_555 : vector<16xi32>
        %jit3A_557 = arith.constant 1.000000e+00 : f32
        %jit3A_558 = arith.constant 0.000000e+00 : f32
        %broadcast_in_dim3A_559 = vector.broadcast %jit3A_557 : f32 to vector<16xf32>
        %broadcast_in_dim3A_560 = vector.broadcast %jit3A_558 : f32 to vector<16xf32>
        %select_n3A_561 = arith.select %eq3A_556, %broadcast_in_dim3A_559, %broadcast_in_dim3A_560 : vector<16xi1>, vector<16xf32>
        %get3A_562 = arith.index_cast %squeeze3A_552 : i32 to index
        %get3A_563 = tpu.vector_load %arg9[%get3A_562] {strides = array<i32>} : memref<10240xf32, #tpu.memory_space<vmem>>, vector<16xf32>,
        %get3A_564 = vector.shape_cast %get3A_563 : vector<16xf32> to vector<16xf32>
        %add3A_565 = arith.addf %get3A_564, %select_n3A_561 : vector<16xf32>
        %swap3A_566 = arith.index_cast %squeeze3A_552 : i32 to index
        %swap3A_567 = tpu.vector_load %arg9[%swap3A_566] {strides = array<i32>} : memref<10240xf32, #tpu.memory_space<vmem>>, vector<16xf32>,
        %swap3A_568 = vector.shape_cast %swap3A_567 : vector<16xf32> to vector<16xf32>
        %swap3A_569 = vector.shape_cast %add3A_565 : vector<16xf32> to vector<16xf32>
        tpu.vector_store %arg9[%swap3A_566], %swap3A_569 {strides = array<i32>} : memref<10240xf32, #tpu.memory_space<vmem>>, vector<16xf32>,
        %slice3A_570 = vector.extract_strided_slice %mul3A_377 {offsets = [10], sizes = [1], strides = [1]} : vector<16xi32> to vector<1xi32>
        %squeeze3A_571 = vector.extract %slice3A_570[0] : i32 from vector<1xi32>
        %slice3A_572 = vector.extract_strided_slice %and3A_380 {offsets = [10], sizes = [1], strides = [1]} : vector<16xi32> to vector<1xi32>
        %squeeze3A_573 = vector.extract %slice3A_572[0] : i32 from vector<1xi32>
        %eq3A_574 = vector.broadcast %squeeze3A_573 : i32 to vector<16xi32>
        %eq3A_575 = arith.cmpi eq, %iota3A, %eq3A_574 : vector<16xi32>
        %jit3A_576 = arith.constant 1.000000e+00 : f32
        %jit3A_577 = arith.constant 0.000000e+00 : f32
        %broadcast_in_dim3A_578 = vector.broadcast %jit3A_576 : f32 to vector<16xf32>
        %broadcast_in_dim3A_579 = vector.broadcast %jit3A_577 : f32 to vector<16xf32>
        %select_n3A_580 = arith.select %eq3A_575, %broadcast_in_dim3A_578, %broadcast_in_dim3A_579 : vector<16xi1>, vector<16xf32>
        %get3A_581 = arith.index_cast %squeeze3A_571 : i32 to index
        %get3A_582 = tpu.vector_load %arg9[%get3A_581] {strides = array<i32>} : memref<10240xf32, #tpu.memory_space<vmem>>, vector<16xf32>,
        %get3A_583 = vector.shape_cast %get3A_582 : vector<16xf32> to vector<16xf32>
        %add3A_584 = arith.addf %get3A_583, %select_n3A_580 : vector<16xf32>
        %swap3A_585 = arith.index_cast %squeeze3A_571 : i32 to index
        %swap3A_586 = tpu.vector_load %arg9[%swap3A_585] {strides = array<i32>} : memref<10240xf32, #tpu.memory_space<vmem>>, vector<16xf32>,
        %swap3A_587 = vector.shape_cast %swap3A_586 : vector<16xf32> to vector<16xf32>
        %swap3A_588 = vector.shape_cast %add3A_584 : vector<16xf32> to vector<16xf32>
        tpu.vector_store %arg9[%swap3A_585], %swap3A_588 {strides = array<i32>} : memref<10240xf32, #tpu.memory_space<vmem>>, vector<16xf32>,
        %slice3A_589 = vector.extract_strided_slice %mul3A_377 {offsets = [11], sizes = [1], strides = [1]} : vector<16xi32> to vector<1xi32>
        %squeeze3A_590 = vector.extract %slice3A_589[0] : i32 from vector<1xi32>
        %slice3A_591 = vector.extract_strided_slice %and3A_380 {offsets = [11], sizes = [1], strides = [1]} : vector<16xi32> to vector<1xi32>
        %squeeze3A_592 = vector.extract %slice3A_591[0] : i32 from vector<1xi32>
        %eq3A_593 = vector.broadcast %squeeze3A_592 : i32 to vector<16xi32>
        %eq3A_594 = arith.cmpi eq, %iota3A, %eq3A_593 : vector<16xi32>
        %jit3A_595 = arith.constant 1.000000e+00 : f32
        %jit3A_596 = arith.constant 0.000000e+00 : f32
        %broadcast_in_dim3A_597 = vector.broadcast %jit3A_595 : f32 to vector<16xf32>
        %broadcast_in_dim3A_598 = vector.broadcast %jit3A_596 : f32 to vector<16xf32>
        %select_n3A_599 = arith.select %eq3A_594, %broadcast_in_dim3A_597, %broadcast_in_dim3A_598 : vector<16xi1>, vector<16xf32>
        %get3A_600 = arith.index_cast %squeeze3A_590 : i32 to index
        %get3A_601 = tpu.vector_load %arg9[%get3A_600] {strides = array<i32>} : memref<10240xf32, #tpu.memory_space<vmem>>, vector<16xf32>,
        %get3A_602 = vector.shape_cast %get3A_601 : vector<16xf32> to vector<16xf32>
        %add3A_603 = arith.addf %get3A_602, %select_n3A_599 : vector<16xf32>
        %swap3A_604 = arith.index_cast %squeeze3A_590 : i32 to index
        %swap3A_605 = tpu.vector_load %arg9[%swap3A_604] {strides = array<i32>} : memref<10240xf32, #tpu.memory_space<vmem>>, vector<16xf32>,
        %swap3A_606 = vector.shape_cast %swap3A_605 : vector<16xf32> to vector<16xf32>
        %swap3A_607 = vector.shape_cast %add3A_603 : vector<16xf32> to vector<16xf32>
        tpu.vector_store %arg9[%swap3A_604], %swap3A_607 {strides = array<i32>} : memref<10240xf32, #tpu.memory_space<vmem>>, vector<16xf32>,
        %slice3A_608 = vector.extract_strided_slice %mul3A_377 {offsets = [12], sizes = [1], strides = [1]} : vector<16xi32> to vector<1xi32>
        %squeeze3A_609 = vector.extract %slice3A_608[0] : i32 from vector<1xi32>
        %slice3A_610 = vector.extract_strided_slice %and3A_380 {offsets = [12], sizes = [1], strides = [1]} : vector<16xi32> to vector<1xi32>
        %squeeze3A_611 = vector.extract %slice3A_610[0] : i32 from vector<1xi32>
        %eq3A_612 = vector.broadcast %squeeze3A_611 : i32 to vector<16xi32>
        %eq3A_613 = arith.cmpi eq, %iota3A, %eq3A_612 : vector<16xi32>
        %jit3A_614 = arith.constant 1.000000e+00 : f32
        %jit3A_615 = arith.constant 0.000000e+00 : f32
        %broadcast_in_dim3A_616 = vector.broadcast %jit3A_614 : f32 to vector<16xf32>
        %broadcast_in_dim3A_617 = vector.broadcast %jit3A_615 : f32 to vector<16xf32>
        %select_n3A_618 = arith.select %eq3A_613, %broadcast_in_dim3A_616, %broadcast_in_dim3A_617 : vector<16xi1>, vector<16xf32>
        %get3A_619 = arith.index_cast %squeeze3A_609 : i32 to index
        %get3A_620 = tpu.vector_load %arg9[%get3A_619] {strides = array<i32>} : memref<10240xf32, #tpu.memory_space<vmem>>, vector<16xf32>,
        %get3A_621 = vector.shape_cast %get3A_620 : vector<16xf32> to vector<16xf32>
        %add3A_622 = arith.addf %get3A_621, %select_n3A_618 : vector<16xf32>
        %swap3A_623 = arith.index_cast %squeeze3A_609 : i32 to index
        %swap3A_624 = tpu.vector_load %arg9[%swap3A_623] {strides = array<i32>} : memref<10240xf32, #tpu.memory_space<vmem>>, vector<16xf32>,
        %swap3A_625 = vector.shape_cast %swap3A_624 : vector<16xf32> to vector<16xf32>
        %swap3A_626 = vector.shape_cast %add3A_622 : vector<16xf32> to vector<16xf32>
        tpu.vector_store %arg9[%swap3A_623], %swap3A_626 {strides = array<i32>} : memref<10240xf32, #tpu.memory_space<vmem>>, vector<16xf32>,
        %slice3A_627 = vector.extract_strided_slice %mul3A_377 {offsets = [13], sizes = [1], strides = [1]} : vector<16xi32> to vector<1xi32>
        %squeeze3A_628 = vector.extract %slice3A_627[0] : i32 from vector<1xi32>
        %slice3A_629 = vector.extract_strided_slice %and3A_380 {offsets = [13], sizes = [1], strides = [1]} : vector<16xi32> to vector<1xi32>
        %squeeze3A_630 = vector.extract %slice3A_629[0] : i32 from vector<1xi32>
        %eq3A_631 = vector.broadcast %squeeze3A_630 : i32 to vector<16xi32>
        %eq3A_632 = arith.cmpi eq, %iota3A, %eq3A_631 : vector<16xi32>
        %jit3A_633 = arith.constant 1.000000e+00 : f32
        %jit3A_634 = arith.constant 0.000000e+00 : f32
        %broadcast_in_dim3A_635 = vector.broadcast %jit3A_633 : f32 to vector<16xf32>
        %broadcast_in_dim3A_636 = vector.broadcast %jit3A_634 : f32 to vector<16xf32>
        %select_n3A_637 = arith.select %eq3A_632, %broadcast_in_dim3A_635, %broadcast_in_dim3A_636 : vector<16xi1>, vector<16xf32>
        %get3A_638 = arith.index_cast %squeeze3A_628 : i32 to index
        %get3A_639 = tpu.vector_load %arg9[%get3A_638] {strides = array<i32>} : memref<10240xf32, #tpu.memory_space<vmem>>, vector<16xf32>,
        %get3A_640 = vector.shape_cast %get3A_639 : vector<16xf32> to vector<16xf32>
        %add3A_641 = arith.addf %get3A_640, %select_n3A_637 : vector<16xf32>
        %swap3A_642 = arith.index_cast %squeeze3A_628 : i32 to index
        %swap3A_643 = tpu.vector_load %arg9[%swap3A_642] {strides = array<i32>} : memref<10240xf32, #tpu.memory_space<vmem>>, vector<16xf32>,
        %swap3A_644 = vector.shape_cast %swap3A_643 : vector<16xf32> to vector<16xf32>
        %swap3A_645 = vector.shape_cast %add3A_641 : vector<16xf32> to vector<16xf32>
        tpu.vector_store %arg9[%swap3A_642], %swap3A_645 {strides = array<i32>} : memref<10240xf32, #tpu.memory_space<vmem>>, vector<16xf32>,
        %slice3A_646 = vector.extract_strided_slice %mul3A_377 {offsets = [14], sizes = [1], strides = [1]} : vector<16xi32> to vector<1xi32>
        %squeeze3A_647 = vector.extract %slice3A_646[0] : i32 from vector<1xi32>
        %slice3A_648 = vector.extract_strided_slice %and3A_380 {offsets = [14], sizes = [1], strides = [1]} : vector<16xi32> to vector<1xi32>
        %squeeze3A_649 = vector.extract %slice3A_648[0] : i32 from vector<1xi32>
        %eq3A_650 = vector.broadcast %squeeze3A_649 : i32 to vector<16xi32>
        %eq3A_651 = arith.cmpi eq, %iota3A, %eq3A_650 : vector<16xi32>
        %jit3A_652 = arith.constant 1.000000e+00 : f32
        %jit3A_653 = arith.constant 0.000000e+00 : f32
        %broadcast_in_dim3A_654 = vector.broadcast %jit3A_652 : f32 to vector<16xf32>
        %broadcast_in_dim3A_655 = vector.broadcast %jit3A_653 : f32 to vector<16xf32>
        %select_n3A_656 = arith.select %eq3A_651, %broadcast_in_dim3A_654, %broadcast_in_dim3A_655 : vector<16xi1>, vector<16xf32>
        %get3A_657 = arith.index_cast %squeeze3A_647 : i32 to index
        %get3A_658 = tpu.vector_load %arg9[%get3A_657] {strides = array<i32>} : memref<10240xf32, #tpu.memory_space<vmem>>, vector<16xf32>,
        %get3A_659 = vector.shape_cast %get3A_658 : vector<16xf32> to vector<16xf32>
        %add3A_660 = arith.addf %get3A_659, %select_n3A_656 : vector<16xf32>
        %swap3A_661 = arith.index_cast %squeeze3A_647 : i32 to index
        %swap3A_662 = tpu.vector_load %arg9[%swap3A_661] {strides = array<i32>} : memref<10240xf32, #tpu.memory_space<vmem>>, vector<16xf32>,
        %swap3A_663 = vector.shape_cast %swap3A_662 : vector<16xf32> to vector<16xf32>
        %swap3A_664 = vector.shape_cast %add3A_660 : vector<16xf32> to vector<16xf32>
        tpu.vector_store %arg9[%swap3A_661], %swap3A_664 {strides = array<i32>} : memref<10240xf32, #tpu.memory_space<vmem>>, vector<16xf32>,
        %slice3A_665 = vector.extract_strided_slice %mul3A_377 {offsets = [15], sizes = [1], strides = [1]} : vector<16xi32> to vector<1xi32>
        %squeeze3A_666 = vector.extract %slice3A_665[0] : i32 from vector<1xi32>
        %slice3A_667 = vector.extract_strided_slice %and3A_380 {offsets = [15], sizes = [1], strides = [1]} : vector<16xi32> to vector<1xi32>
        %squeeze3A_668 = vector.extract %slice3A_667[0] : i32 from vector<1xi32>
        %eq3A_669 = vector.broadcast %squeeze3A_668 : i32 to vector<16xi32>
        %eq3A_670 = arith.cmpi eq, %iota3A, %eq3A_669 : vector<16xi32>
        %jit3A_671 = arith.constant 1.000000e+00 : f32
        %jit3A_672 = arith.constant 0.000000e+00 : f32
        %broadcast_in_dim3A_673 = vector.broadcast %jit3A_671 : f32 to vector<16xf32>
        %broadcast_in_dim3A_674 = vector.broadcast %jit3A_672 : f32 to vector<16xf32>
        %select_n3A_675 = arith.select %eq3A_670, %broadcast_in_dim3A_673, %broadcast_in_dim3A_674 : vector<16xi1>, vector<16xf32>
        %get3A_676 = arith.index_cast %squeeze3A_666 : i32 to index
        %get3A_677 = tpu.vector_load %arg9[%get3A_676] {strides = array<i32>} : memref<10240xf32, #tpu.memory_space<vmem>>, vector<16xf32>,
        %get3A_678 = vector.shape_cast %get3A_677 : vector<16xf32> to vector<16xf32>
        %add3A_679 = arith.addf %get3A_678, %select_n3A_675 : vector<16xf32>
        %swap3A_680 = arith.index_cast %squeeze3A_666 : i32 to index
        %swap3A_681 = tpu.vector_load %arg9[%swap3A_680] {strides = array<i32>} : memref<10240xf32, #tpu.memory_space<vmem>>, vector<16xf32>,
        %swap3A_682 = vector.shape_cast %swap3A_681 : vector<16xf32> to vector<16xf32>
        %swap3A_683 = vector.shape_cast %add3A_679 : vector<16xf32> to vector<16xf32>
        tpu.vector_store %arg9[%swap3A_680], %swap3A_683 {strides = array<i32>} : memref<10240xf32, #tpu.memory_space<vmem>>, vector<16xf32>,
      }
      %scan3A_57 = arith.constant 8 : i32
    }
    %scan3A_19 = arith.constant 40 : i32
    %mul3A_20 = arith.constant 10240 : i32
    %mul3A_21 = arith.muli %add3A, %mul3A_20 : i32
    %add3A_22 = arith.constant 0 : i32
    %add3A_23 = arith.addi %mul3A_21, %add3A_22 : i32
    %mul3A_24 = arith.constant 16 : i32
    %mul3A_25 = arith.muli %add3A_23, %mul3A_24 : i32
    "tpu.region"() ({
      %run_scoped3A = tpu.sem_alloc : memref<!tpu.dma_semaphore, #tpu.memory_space<semaphore_mem>>
      %dma_start3A = arith.constant 0 : i32
      %dma_start3A_46 = tpu.memref_slice %arg8[%dma_start3A] : memref<82048xf32, #tpu.memory_space<vmem>> -> memref<81920xf32, #tpu.memory_space<vmem>>
      %dma_start3A_47 = tpu.memref_slice %arg4[%mul3A_25] : memref<5242880xf32, #tpu.memory_space<hbm>> -> memref<81920xf32, #tpu.memory_space<hbm>>
      %dma_start3A_48 = tpu.memref_slice %arg4[%mul3A_25] : memref<5242880xf32, #tpu.memory_space<hbm>> -> memref<81920xf32, #tpu.memory_space<hbm>>
      %dma_start3A_49 = arith.constant 0 : i32
      %dma_start3A_50 = tpu.memref_slice %arg8[%dma_start3A_49] : memref<82048xf32, #tpu.memory_space<vmem>> -> memref<81920xf32, #tpu.memory_space<vmem>>
      tpu.enqueue_dma source(%dma_start3A_50 : memref<81920xf32, #tpu.memory_space<vmem>>) target(%dma_start3A_48 : memref<81920xf32, #tpu.memory_space<hbm>>) target_semaphore(%run_scoped3A : memref<!tpu.dma_semaphore, #tpu.memory_space<semaphore_mem>>)
      %dma_wait3A = arith.constant 0 : i32
      %dma_wait3A_51 = tpu.memref_slice %arg8[%dma_wait3A] : memref<82048xf32, #tpu.memory_space<vmem>> -> memref<81920xf32, #tpu.memory_space<vmem>>
      %dma_wait3A_52 = tpu.memref_slice %arg4[%mul3A_25] : memref<5242880xf32, #tpu.memory_space<hbm>> -> memref<81920xf32, #tpu.memory_space<hbm>>
      %dma_wait3A_53 = tpu.memref_slice %arg4[%mul3A_25] : memref<5242880xf32, #tpu.memory_space<hbm>> -> memref<81920xf32, #tpu.memory_space<hbm>>
      %dma_wait3A_54 = arith.constant 0 : i32
      %dma_wait3A_55 = tpu.memref_slice %arg8[%dma_wait3A_54] : memref<82048xf32, #tpu.memory_space<vmem>> -> memref<81920xf32, #tpu.memory_space<vmem>>
      tpu.wait_dma2 semaphore(%run_scoped3A : memref<!tpu.dma_semaphore, #tpu.memory_space<semaphore_mem>>) src(%dma_wait3A_55 : memref<81920xf32, #tpu.memory_space<vmem>>) dst(%dma_wait3A_53 : memref<81920xf32, #tpu.memory_space<hbm>>)
      tpu.yield
    }) : () -> ()
    %scan3A_26 = arith.constant 0 : i32
    %scan3A_27 = arith.constant 0 : i32
    %scan3A_28 = arith.constant 5128 : i32
    %scan3A_29 = arith.addi %scan3A_27, %scan3A_28 : i32
    %scan3A_30 = arith.constant 1 : i32
    scf.for %scan3A_46 = %scan3A_27 to %scan3A_29 step %scan3A_30  : i32 {
      %broadcast_in_dim3A = arith.constant 0.000000e+00 : f32
      %broadcast_in_dim3A_47 = vector.broadcast %broadcast_in_dim3A : f32 to vector<16xf32>
      %mul3A_48 = arith.constant 16 : i32
      %mul3A_49 = arith.muli %scan3A_46, %mul3A_48 : i32
      %swap3A = arith.index_cast %mul3A_49 : i32 to index
      %swap3A_50 = tpu.vector_load %arg8[%swap3A] {strides = array<i32>} : memref<82048xf32, #tpu.memory_space<vmem>>, vector<16xf32>,
      %swap3A_51 = vector.shape_cast %swap3A_50 : vector<16xf32> to vector<16xf32>
      %swap3A_52 = vector.shape_cast %broadcast_in_dim3A_47 : vector<16xf32> to vector<16xf32>
      tpu.vector_store %arg8[%swap3A], %swap3A_52 {strides = array<i32>} : memref<82048xf32, #tpu.memory_space<vmem>>, vector<16xf32>,
    }
    %scan3A_31 = arith.constant 5128 : i32
    %scan3A_32 = arith.constant 0 : i32
    %scan3A_33 = arith.constant 0 : i32
    %scan3A_34 = arith.constant 40 : i32
    %scan3A_35 = arith.addi %scan3A_33, %scan3A_34 : i32
    %scan3A_36 = arith.constant 1 : i32
    scf.for %scan3A_46 = %scan3A_33 to %scan3A_35 step %scan3A_36  : i32 {
      %mul3A_47 = arith.constant 128 : i32
      %mul3A_48 = arith.muli %scan3A_46, %mul3A_47 : i32
      %add3A_49 = arith.addi %mul3A_2, %mul3A_48 : i32
      "tpu.region"() ({
        %run_scoped3A = tpu.sem_alloc : memref<!tpu.dma_semaphore, #tpu.memory_space<semaphore_mem>>
        %dma_start3A = tpu.memref_slice %arg3[%add3A_49] : memref<163840xi32, #tpu.memory_space<hbm>> -> memref<128xi32, #tpu.memory_space<hbm>>
        %dma_start3A_58 = tpu.memref_slice %arg3[%add3A_49] : memref<163840xi32, #tpu.memory_space<hbm>> -> memref<128xi32, #tpu.memory_space<hbm>>
        tpu.enqueue_dma source(%dma_start3A_58 : memref<128xi32, #tpu.memory_space<hbm>>) target(%arg6 : memref<128xi32, #tpu.memory_space<vmem>>) target_semaphore(%run_scoped3A : memref<!tpu.dma_semaphore, #tpu.memory_space<semaphore_mem>>)
        %dma_wait3A = tpu.memref_slice %arg3[%add3A_49] : memref<163840xi32, #tpu.memory_space<hbm>> -> memref<128xi32, #tpu.memory_space<hbm>>
        %dma_wait3A_59 = tpu.memref_slice %arg3[%add3A_49] : memref<163840xi32, #tpu.memory_space<hbm>> -> memref<128xi32, #tpu.memory_space<hbm>>
        tpu.wait_dma2 semaphore(%run_scoped3A : memref<!tpu.dma_semaphore, #tpu.memory_space<semaphore_mem>>) src(%dma_wait3A_59 : memref<128xi32, #tpu.memory_space<hbm>>) dst(%arg6 : memref<128xi32, #tpu.memory_space<vmem>>)
        tpu.yield
      }) : () -> ()
      %mul3A_50 = arith.constant 16 : i32
      %mul3A_51 = arith.muli %add3A_49, %mul3A_50 : i32
      "tpu.region"() ({
        %run_scoped3A = tpu.sem_alloc : memref<!tpu.dma_semaphore, #tpu.memory_space<semaphore_mem>>
        %dma_start3A = tpu.memref_slice %arg2[%mul3A_51] : memref<2621440xf32, #tpu.memory_space<hbm>> -> memref<2048xf32, #tpu.memory_space<hbm>>
        %dma_start3A_58 = tpu.memref_slice %arg2[%mul3A_51] : memref<2621440xf32, #tpu.memory_space<hbm>> -> memref<2048xf32, #tpu.memory_space<hbm>>
        tpu.enqueue_dma source(%dma_start3A_58 : memref<2048xf32, #tpu.memory_space<hbm>>) target(%arg7 : memref<2048xf32, #tpu.memory_space<vmem>>) target_semaphore(%run_scoped3A : memref<!tpu.dma_semaphore, #tpu.memory_space<semaphore_mem>>)
        %dma_wait3A = tpu.memref_slice %arg2[%mul3A_51] : memref<2621440xf32, #tpu.memory_space<hbm>> -> memref<2048xf32, #tpu.memory_space<hbm>>
        %dma_wait3A_59 = tpu.memref_slice %arg2[%mul3A_51] : memref<2621440xf32, #tpu.memory_space<hbm>> -> memref<2048xf32, #tpu.memory_space<hbm>>
        tpu.wait_dma2 semaphore(%run_scoped3A : memref<!tpu.dma_semaphore, #tpu.memory_space<semaphore_mem>>) src(%dma_wait3A_59 : memref<2048xf32, #tpu.memory_space<hbm>>) dst(%arg7 : memref<2048xf32, #tpu.memory_space<vmem>>)
        tpu.yield
      }) : () -> ()
      %scan3A_52 = arith.constant 0 : i32
      %scan3A_53 = arith.constant 0 : i32
      %scan3A_54 = arith.constant 8 : i32
      %scan3A_55 = arith.addi %scan3A_53, %scan3A_54 : i32
      %scan3A_56 = arith.constant 1 : i32
      scf.for %scan3A_58 = %scan3A_53 to %scan3A_55 step %scan3A_56  : i32 {
        %mul3A_59 = arith.constant 16 : i32
        %mul3A_60 = arith.muli %scan3A_58, %mul3A_59 : i32
        %get3A = arith.index_cast %mul3A_60 : i32 to index
        %get3A_61 = tpu.vector_load %arg6[%get3A] {strides = array<i32>} : memref<128xi32, #tpu.memory_space<vmem>>, vector<16xi32>,
        %get3A_62 = vector.shape_cast %get3A_61 : vector<16xi32> to vector<16xi32>
        %sub3A = arith.constant 5120 : i32
        %sub3A_63 = vector.broadcast %sub3A : i32 to vector<16xi32>
        %sub3A_64 = arith.subi %get3A_62, %sub3A_63 : vector<16xi32>
        %ge3A = arith.constant 0 : i32
        %ge3A_65 = vector.broadcast %ge3A : i32 to vector<16xi32>
        %ge3A_66 = arith.cmpi sge, %sub3A_64, %ge3A_65 : vector<16xi32>
        %lt3A = arith.constant 5120 : i32
        %lt3A_67 = vector.broadcast %lt3A : i32 to vector<16xi32>
        %lt3A_68 = arith.cmpi slt, %sub3A_64, %lt3A_67 : vector<16xi32>
        %and3A = arith.andi %ge3A_66, %lt3A_68 : vector<16xi1>
        %jit3A = arith.constant 5120 : i32
        %broadcast_in_dim3A = vector.broadcast %jit3A : i32 to vector<16xi32>
        %select_n3A = arith.select %and3A, %sub3A_64, %broadcast_in_dim3A : vector<16xi1>, vector<16xi32>
        %mul3A_69 = arith.constant 16 : i32
        %mul3A_70 = vector.broadcast %mul3A_69 : i32 to vector<16xi32>
        %mul3A_71 = arith.muli %select_n3A, %mul3A_70 : vector<16xi32>
        %slice3A = vector.extract_strided_slice %mul3A_71 {offsets = [0], sizes = [1], strides = [1]} : vector<16xi32> to vector<1xi32>
        %squeeze3A = vector.extract %slice3A[0] : i32 from vector<1xi32>
        %mul3A_72 = arith.constant 16 : i32
        %mul3A_73 = arith.muli %scan3A_58, %mul3A_72 : i32
        %add3A_74 = arith.constant 0 : i32
        %add3A_75 = arith.addi %mul3A_73, %add3A_74 : i32
        %mul3A_76 = arith.constant 16 : i32
        %mul3A_77 = arith.muli %add3A_75, %mul3A_76 : i32
        %get3A_78 = arith.index_cast %squeeze3A : i32 to index
        %get3A_79 = tpu.vector_load %arg8[%get3A_78] {strides = array<i32>} : memref<82048xf32, #tpu.memory_space<vmem>>, vector<16xf32>,
        %get3A_80 = vector.shape_cast %get3A_79 : vector<16xf32> to vector<16xf32>
        %get3A_81 = arith.index_cast %mul3A_77 : i32 to index
        %get3A_82 = tpu.vector_load %arg7[%get3A_81] {strides = array<i32>} : memref<2048xf32, #tpu.memory_space<vmem>>, vector<16xf32>,
        %get3A_83 = vector.shape_cast %get3A_82 : vector<16xf32> to vector<16xf32>
        %add3A_84 = arith.addf %get3A_80, %get3A_83 : vector<16xf32>
        %swap3A = arith.index_cast %squeeze3A : i32 to index
        %swap3A_85 = tpu.vector_load %arg8[%swap3A] {strides = array<i32>} : memref<82048xf32, #tpu.memory_space<vmem>>, vector<16xf32>,
        %swap3A_86 = vector.shape_cast %swap3A_85 : vector<16xf32> to vector<16xf32>
        %swap3A_87 = vector.shape_cast %add3A_84 : vector<16xf32> to vector<16xf32>
        tpu.vector_store %arg8[%swap3A], %swap3A_87 {strides = array<i32>} : memref<82048xf32, #tpu.memory_space<vmem>>, vector<16xf32>,
        %slice3A_88 = vector.extract_strided_slice %mul3A_71 {offsets = [1], sizes = [1], strides = [1]} : vector<16xi32> to vector<1xi32>
        %squeeze3A_89 = vector.extract %slice3A_88[0] : i32 from vector<1xi32>
        %mul3A_90 = arith.constant 16 : i32
        %mul3A_91 = arith.muli %scan3A_58, %mul3A_90 : i32
        %add3A_92 = arith.constant 1 : i32
        %add3A_93 = arith.addi %mul3A_91, %add3A_92 : i32
        %mul3A_94 = arith.constant 16 : i32
        %mul3A_95 = arith.muli %add3A_93, %mul3A_94 : i32
        %get3A_96 = arith.index_cast %squeeze3A_89 : i32 to index
        %get3A_97 = tpu.vector_load %arg8[%get3A_96] {strides = array<i32>} : memref<82048xf32, #tpu.memory_space<vmem>>, vector<16xf32>,
        %get3A_98 = vector.shape_cast %get3A_97 : vector<16xf32> to vector<16xf32>
        %get3A_99 = arith.index_cast %mul3A_95 : i32 to index
        %get3A_100 = tpu.vector_load %arg7[%get3A_99] {strides = array<i32>} : memref<2048xf32, #tpu.memory_space<vmem>>, vector<16xf32>,
        %get3A_101 = vector.shape_cast %get3A_100 : vector<16xf32> to vector<16xf32>
        %add3A_102 = arith.addf %get3A_98, %get3A_101 : vector<16xf32>
        %swap3A_103 = arith.index_cast %squeeze3A_89 : i32 to index
        %swap3A_104 = tpu.vector_load %arg8[%swap3A_103] {strides = array<i32>} : memref<82048xf32, #tpu.memory_space<vmem>>, vector<16xf32>,
        %swap3A_105 = vector.shape_cast %swap3A_104 : vector<16xf32> to vector<16xf32>
        %swap3A_106 = vector.shape_cast %add3A_102 : vector<16xf32> to vector<16xf32>
        tpu.vector_store %arg8[%swap3A_103], %swap3A_106 {strides = array<i32>} : memref<82048xf32, #tpu.memory_space<vmem>>, vector<16xf32>,
        %slice3A_107 = vector.extract_strided_slice %mul3A_71 {offsets = [2], sizes = [1], strides = [1]} : vector<16xi32> to vector<1xi32>
        %squeeze3A_108 = vector.extract %slice3A_107[0] : i32 from vector<1xi32>
        %mul3A_109 = arith.constant 16 : i32
        %mul3A_110 = arith.muli %scan3A_58, %mul3A_109 : i32
        %add3A_111 = arith.constant 2 : i32
        %add3A_112 = arith.addi %mul3A_110, %add3A_111 : i32
        %mul3A_113 = arith.constant 16 : i32
        %mul3A_114 = arith.muli %add3A_112, %mul3A_113 : i32
        %get3A_115 = arith.index_cast %squeeze3A_108 : i32 to index
        %get3A_116 = tpu.vector_load %arg8[%get3A_115] {strides = array<i32>} : memref<82048xf32, #tpu.memory_space<vmem>>, vector<16xf32>,
        %get3A_117 = vector.shape_cast %get3A_116 : vector<16xf32> to vector<16xf32>
        %get3A_118 = arith.index_cast %mul3A_114 : i32 to index
        %get3A_119 = tpu.vector_load %arg7[%get3A_118] {strides = array<i32>} : memref<2048xf32, #tpu.memory_space<vmem>>, vector<16xf32>,
        %get3A_120 = vector.shape_cast %get3A_119 : vector<16xf32> to vector<16xf32>
        %add3A_121 = arith.addf %get3A_117, %get3A_120 : vector<16xf32>
        %swap3A_122 = arith.index_cast %squeeze3A_108 : i32 to index
        %swap3A_123 = tpu.vector_load %arg8[%swap3A_122] {strides = array<i32>} : memref<82048xf32, #tpu.memory_space<vmem>>, vector<16xf32>,
        %swap3A_124 = vector.shape_cast %swap3A_123 : vector<16xf32> to vector<16xf32>
        %swap3A_125 = vector.shape_cast %add3A_121 : vector<16xf32> to vector<16xf32>
        tpu.vector_store %arg8[%swap3A_122], %swap3A_125 {strides = array<i32>} : memref<82048xf32, #tpu.memory_space<vmem>>, vector<16xf32>,
        %slice3A_126 = vector.extract_strided_slice %mul3A_71 {offsets = [3], sizes = [1], strides = [1]} : vector<16xi32> to vector<1xi32>
        %squeeze3A_127 = vector.extract %slice3A_126[0] : i32 from vector<1xi32>
        %mul3A_128 = arith.constant 16 : i32
        %mul3A_129 = arith.muli %scan3A_58, %mul3A_128 : i32
        %add3A_130 = arith.constant 3 : i32
        %add3A_131 = arith.addi %mul3A_129, %add3A_130 : i32
        %mul3A_132 = arith.constant 16 : i32
        %mul3A_133 = arith.muli %add3A_131, %mul3A_132 : i32
        %get3A_134 = arith.index_cast %squeeze3A_127 : i32 to index
        %get3A_135 = tpu.vector_load %arg8[%get3A_134] {strides = array<i32>} : memref<82048xf32, #tpu.memory_space<vmem>>, vector<16xf32>,
        %get3A_136 = vector.shape_cast %get3A_135 : vector<16xf32> to vector<16xf32>
        %get3A_137 = arith.index_cast %mul3A_133 : i32 to index
        %get3A_138 = tpu.vector_load %arg7[%get3A_137] {strides = array<i32>} : memref<2048xf32, #tpu.memory_space<vmem>>, vector<16xf32>,
        %get3A_139 = vector.shape_cast %get3A_138 : vector<16xf32> to vector<16xf32>
        %add3A_140 = arith.addf %get3A_136, %get3A_139 : vector<16xf32>
        %swap3A_141 = arith.index_cast %squeeze3A_127 : i32 to index
        %swap3A_142 = tpu.vector_load %arg8[%swap3A_141] {strides = array<i32>} : memref<82048xf32, #tpu.memory_space<vmem>>, vector<16xf32>,
        %swap3A_143 = vector.shape_cast %swap3A_142 : vector<16xf32> to vector<16xf32>
        %swap3A_144 = vector.shape_cast %add3A_140 : vector<16xf32> to vector<16xf32>
        tpu.vector_store %arg8[%swap3A_141], %swap3A_144 {strides = array<i32>} : memref<82048xf32, #tpu.memory_space<vmem>>, vector<16xf32>,
        %slice3A_145 = vector.extract_strided_slice %mul3A_71 {offsets = [4], sizes = [1], strides = [1]} : vector<16xi32> to vector<1xi32>
        %squeeze3A_146 = vector.extract %slice3A_145[0] : i32 from vector<1xi32>
        %mul3A_147 = arith.constant 16 : i32
        %mul3A_148 = arith.muli %scan3A_58, %mul3A_147 : i32
        %add3A_149 = arith.constant 4 : i32
        %add3A_150 = arith.addi %mul3A_148, %add3A_149 : i32
        %mul3A_151 = arith.constant 16 : i32
        %mul3A_152 = arith.muli %add3A_150, %mul3A_151 : i32
        %get3A_153 = arith.index_cast %squeeze3A_146 : i32 to index
        %get3A_154 = tpu.vector_load %arg8[%get3A_153] {strides = array<i32>} : memref<82048xf32, #tpu.memory_space<vmem>>, vector<16xf32>,
        %get3A_155 = vector.shape_cast %get3A_154 : vector<16xf32> to vector<16xf32>
        %get3A_156 = arith.index_cast %mul3A_152 : i32 to index
        %get3A_157 = tpu.vector_load %arg7[%get3A_156] {strides = array<i32>} : memref<2048xf32, #tpu.memory_space<vmem>>, vector<16xf32>,
        %get3A_158 = vector.shape_cast %get3A_157 : vector<16xf32> to vector<16xf32>
        %add3A_159 = arith.addf %get3A_155, %get3A_158 : vector<16xf32>
        %swap3A_160 = arith.index_cast %squeeze3A_146 : i32 to index
        %swap3A_161 = tpu.vector_load %arg8[%swap3A_160] {strides = array<i32>} : memref<82048xf32, #tpu.memory_space<vmem>>, vector<16xf32>,
        %swap3A_162 = vector.shape_cast %swap3A_161 : vector<16xf32> to vector<16xf32>
        %swap3A_163 = vector.shape_cast %add3A_159 : vector<16xf32> to vector<16xf32>
        tpu.vector_store %arg8[%swap3A_160], %swap3A_163 {strides = array<i32>} : memref<82048xf32, #tpu.memory_space<vmem>>, vector<16xf32>,
        %slice3A_164 = vector.extract_strided_slice %mul3A_71 {offsets = [5], sizes = [1], strides = [1]} : vector<16xi32> to vector<1xi32>
        %squeeze3A_165 = vector.extract %slice3A_164[0] : i32 from vector<1xi32>
        %mul3A_166 = arith.constant 16 : i32
        %mul3A_167 = arith.muli %scan3A_58, %mul3A_166 : i32
        %add3A_168 = arith.constant 5 : i32
        %add3A_169 = arith.addi %mul3A_167, %add3A_168 : i32
        %mul3A_170 = arith.constant 16 : i32
        %mul3A_171 = arith.muli %add3A_169, %mul3A_170 : i32
        %get3A_172 = arith.index_cast %squeeze3A_165 : i32 to index
        %get3A_173 = tpu.vector_load %arg8[%get3A_172] {strides = array<i32>} : memref<82048xf32, #tpu.memory_space<vmem>>, vector<16xf32>,
        %get3A_174 = vector.shape_cast %get3A_173 : vector<16xf32> to vector<16xf32>
        %get3A_175 = arith.index_cast %mul3A_171 : i32 to index
        %get3A_176 = tpu.vector_load %arg7[%get3A_175] {strides = array<i32>} : memref<2048xf32, #tpu.memory_space<vmem>>, vector<16xf32>,
        %get3A_177 = vector.shape_cast %get3A_176 : vector<16xf32> to vector<16xf32>
        %add3A_178 = arith.addf %get3A_174, %get3A_177 : vector<16xf32>
        %swap3A_179 = arith.index_cast %squeeze3A_165 : i32 to index
        %swap3A_180 = tpu.vector_load %arg8[%swap3A_179] {strides = array<i32>} : memref<82048xf32, #tpu.memory_space<vmem>>, vector<16xf32>,
        %swap3A_181 = vector.shape_cast %swap3A_180 : vector<16xf32> to vector<16xf32>
        %swap3A_182 = vector.shape_cast %add3A_178 : vector<16xf32> to vector<16xf32>
        tpu.vector_store %arg8[%swap3A_179], %swap3A_182 {strides = array<i32>} : memref<82048xf32, #tpu.memory_space<vmem>>, vector<16xf32>,
        %slice3A_183 = vector.extract_strided_slice %mul3A_71 {offsets = [6], sizes = [1], strides = [1]} : vector<16xi32> to vector<1xi32>
        %squeeze3A_184 = vector.extract %slice3A_183[0] : i32 from vector<1xi32>
        %mul3A_185 = arith.constant 16 : i32
        %mul3A_186 = arith.muli %scan3A_58, %mul3A_185 : i32
        %add3A_187 = arith.constant 6 : i32
        %add3A_188 = arith.addi %mul3A_186, %add3A_187 : i32
        %mul3A_189 = arith.constant 16 : i32
        %mul3A_190 = arith.muli %add3A_188, %mul3A_189 : i32
        %get3A_191 = arith.index_cast %squeeze3A_184 : i32 to index
        %get3A_192 = tpu.vector_load %arg8[%get3A_191] {strides = array<i32>} : memref<82048xf32, #tpu.memory_space<vmem>>, vector<16xf32>,
        %get3A_193 = vector.shape_cast %get3A_192 : vector<16xf32> to vector<16xf32>
        %get3A_194 = arith.index_cast %mul3A_190 : i32 to index
        %get3A_195 = tpu.vector_load %arg7[%get3A_194] {strides = array<i32>} : memref<2048xf32, #tpu.memory_space<vmem>>, vector<16xf32>,
        %get3A_196 = vector.shape_cast %get3A_195 : vector<16xf32> to vector<16xf32>
        %add3A_197 = arith.addf %get3A_193, %get3A_196 : vector<16xf32>
        %swap3A_198 = arith.index_cast %squeeze3A_184 : i32 to index
        %swap3A_199 = tpu.vector_load %arg8[%swap3A_198] {strides = array<i32>} : memref<82048xf32, #tpu.memory_space<vmem>>, vector<16xf32>,
        %swap3A_200 = vector.shape_cast %swap3A_199 : vector<16xf32> to vector<16xf32>
        %swap3A_201 = vector.shape_cast %add3A_197 : vector<16xf32> to vector<16xf32>
        tpu.vector_store %arg8[%swap3A_198], %swap3A_201 {strides = array<i32>} : memref<82048xf32, #tpu.memory_space<vmem>>, vector<16xf32>,
        %slice3A_202 = vector.extract_strided_slice %mul3A_71 {offsets = [7], sizes = [1], strides = [1]} : vector<16xi32> to vector<1xi32>
        %squeeze3A_203 = vector.extract %slice3A_202[0] : i32 from vector<1xi32>
        %mul3A_204 = arith.constant 16 : i32
        %mul3A_205 = arith.muli %scan3A_58, %mul3A_204 : i32
        %add3A_206 = arith.constant 7 : i32
        %add3A_207 = arith.addi %mul3A_205, %add3A_206 : i32
        %mul3A_208 = arith.constant 16 : i32
        %mul3A_209 = arith.muli %add3A_207, %mul3A_208 : i32
        %get3A_210 = arith.index_cast %squeeze3A_203 : i32 to index
        %get3A_211 = tpu.vector_load %arg8[%get3A_210] {strides = array<i32>} : memref<82048xf32, #tpu.memory_space<vmem>>, vector<16xf32>,
        %get3A_212 = vector.shape_cast %get3A_211 : vector<16xf32> to vector<16xf32>
        %get3A_213 = arith.index_cast %mul3A_209 : i32 to index
        %get3A_214 = tpu.vector_load %arg7[%get3A_213] {strides = array<i32>} : memref<2048xf32, #tpu.memory_space<vmem>>, vector<16xf32>,
        %get3A_215 = vector.shape_cast %get3A_214 : vector<16xf32> to vector<16xf32>
        %add3A_216 = arith.addf %get3A_212, %get3A_215 : vector<16xf32>
        %swap3A_217 = arith.index_cast %squeeze3A_203 : i32 to index
        %swap3A_218 = tpu.vector_load %arg8[%swap3A_217] {strides = array<i32>} : memref<82048xf32, #tpu.memory_space<vmem>>, vector<16xf32>,
        %swap3A_219 = vector.shape_cast %swap3A_218 : vector<16xf32> to vector<16xf32>
        %swap3A_220 = vector.shape_cast %add3A_216 : vector<16xf32> to vector<16xf32>
        tpu.vector_store %arg8[%swap3A_217], %swap3A_220 {strides = array<i32>} : memref<82048xf32, #tpu.memory_space<vmem>>, vector<16xf32>,
        %slice3A_221 = vector.extract_strided_slice %mul3A_71 {offsets = [8], sizes = [1], strides = [1]} : vector<16xi32> to vector<1xi32>
        %squeeze3A_222 = vector.extract %slice3A_221[0] : i32 from vector<1xi32>
        %mul3A_223 = arith.constant 16 : i32
        %mul3A_224 = arith.muli %scan3A_58, %mul3A_223 : i32
        %add3A_225 = arith.constant 8 : i32
        %add3A_226 = arith.addi %mul3A_224, %add3A_225 : i32
        %mul3A_227 = arith.constant 16 : i32
        %mul3A_228 = arith.muli %add3A_226, %mul3A_227 : i32
        %get3A_229 = arith.index_cast %squeeze3A_222 : i32 to index
        %get3A_230 = tpu.vector_load %arg8[%get3A_229] {strides = array<i32>} : memref<82048xf32, #tpu.memory_space<vmem>>, vector<16xf32>,
        %get3A_231 = vector.shape_cast %get3A_230 : vector<16xf32> to vector<16xf32>
        %get3A_232 = arith.index_cast %mul3A_228 : i32 to index
        %get3A_233 = tpu.vector_load %arg7[%get3A_232] {strides = array<i32>} : memref<2048xf32, #tpu.memory_space<vmem>>, vector<16xf32>,
        %get3A_234 = vector.shape_cast %get3A_233 : vector<16xf32> to vector<16xf32>
        %add3A_235 = arith.addf %get3A_231, %get3A_234 : vector<16xf32>
        %swap3A_236 = arith.index_cast %squeeze3A_222 : i32 to index
        %swap3A_237 = tpu.vector_load %arg8[%swap3A_236] {strides = array<i32>} : memref<82048xf32, #tpu.memory_space<vmem>>, vector<16xf32>,
        %swap3A_238 = vector.shape_cast %swap3A_237 : vector<16xf32> to vector<16xf32>
        %swap3A_239 = vector.shape_cast %add3A_235 : vector<16xf32> to vector<16xf32>
        tpu.vector_store %arg8[%swap3A_236], %swap3A_239 {strides = array<i32>} : memref<82048xf32, #tpu.memory_space<vmem>>, vector<16xf32>,
        %slice3A_240 = vector.extract_strided_slice %mul3A_71 {offsets = [9], sizes = [1], strides = [1]} : vector<16xi32> to vector<1xi32>
        %squeeze3A_241 = vector.extract %slice3A_240[0] : i32 from vector<1xi32>
        %mul3A_242 = arith.constant 16 : i32
        %mul3A_243 = arith.muli %scan3A_58, %mul3A_242 : i32
        %add3A_244 = arith.constant 9 : i32
        %add3A_245 = arith.addi %mul3A_243, %add3A_244 : i32
        %mul3A_246 = arith.constant 16 : i32
        %mul3A_247 = arith.muli %add3A_245, %mul3A_246 : i32
        %get3A_248 = arith.index_cast %squeeze3A_241 : i32 to index
        %get3A_249 = tpu.vector_load %arg8[%get3A_248] {strides = array<i32>} : memref<82048xf32, #tpu.memory_space<vmem>>, vector<16xf32>,
        %get3A_250 = vector.shape_cast %get3A_249 : vector<16xf32> to vector<16xf32>
        %get3A_251 = arith.index_cast %mul3A_247 : i32 to index
        %get3A_252 = tpu.vector_load %arg7[%get3A_251] {strides = array<i32>} : memref<2048xf32, #tpu.memory_space<vmem>>, vector<16xf32>,
        %get3A_253 = vector.shape_cast %get3A_252 : vector<16xf32> to vector<16xf32>
        %add3A_254 = arith.addf %get3A_250, %get3A_253 : vector<16xf32>
        %swap3A_255 = arith.index_cast %squeeze3A_241 : i32 to index
        %swap3A_256 = tpu.vector_load %arg8[%swap3A_255] {strides = array<i32>} : memref<82048xf32, #tpu.memory_space<vmem>>, vector<16xf32>,
        %swap3A_257 = vector.shape_cast %swap3A_256 : vector<16xf32> to vector<16xf32>
        %swap3A_258 = vector.shape_cast %add3A_254 : vector<16xf32> to vector<16xf32>
        tpu.vector_store %arg8[%swap3A_255], %swap3A_258 {strides = array<i32>} : memref<82048xf32, #tpu.memory_space<vmem>>, vector<16xf32>,
        %slice3A_259 = vector.extract_strided_slice %mul3A_71 {offsets = [10], sizes = [1], strides = [1]} : vector<16xi32> to vector<1xi32>
        %squeeze3A_260 = vector.extract %slice3A_259[0] : i32 from vector<1xi32>
        %mul3A_261 = arith.constant 16 : i32
        %mul3A_262 = arith.muli %scan3A_58, %mul3A_261 : i32
        %add3A_263 = arith.constant 10 : i32
        %add3A_264 = arith.addi %mul3A_262, %add3A_263 : i32
        %mul3A_265 = arith.constant 16 : i32
        %mul3A_266 = arith.muli %add3A_264, %mul3A_265 : i32
        %get3A_267 = arith.index_cast %squeeze3A_260 : i32 to index
        %get3A_268 = tpu.vector_load %arg8[%get3A_267] {strides = array<i32>} : memref<82048xf32, #tpu.memory_space<vmem>>, vector<16xf32>,
        %get3A_269 = vector.shape_cast %get3A_268 : vector<16xf32> to vector<16xf32>
        %get3A_270 = arith.index_cast %mul3A_266 : i32 to index
        %get3A_271 = tpu.vector_load %arg7[%get3A_270] {strides = array<i32>} : memref<2048xf32, #tpu.memory_space<vmem>>, vector<16xf32>,
        %get3A_272 = vector.shape_cast %get3A_271 : vector<16xf32> to vector<16xf32>
        %add3A_273 = arith.addf %get3A_269, %get3A_272 : vector<16xf32>
        %swap3A_274 = arith.index_cast %squeeze3A_260 : i32 to index
        %swap3A_275 = tpu.vector_load %arg8[%swap3A_274] {strides = array<i32>} : memref<82048xf32, #tpu.memory_space<vmem>>, vector<16xf32>,
        %swap3A_276 = vector.shape_cast %swap3A_275 : vector<16xf32> to vector<16xf32>
        %swap3A_277 = vector.shape_cast %add3A_273 : vector<16xf32> to vector<16xf32>
        tpu.vector_store %arg8[%swap3A_274], %swap3A_277 {strides = array<i32>} : memref<82048xf32, #tpu.memory_space<vmem>>, vector<16xf32>,
        %slice3A_278 = vector.extract_strided_slice %mul3A_71 {offsets = [11], sizes = [1], strides = [1]} : vector<16xi32> to vector<1xi32>
        %squeeze3A_279 = vector.extract %slice3A_278[0] : i32 from vector<1xi32>
        %mul3A_280 = arith.constant 16 : i32
        %mul3A_281 = arith.muli %scan3A_58, %mul3A_280 : i32
        %add3A_282 = arith.constant 11 : i32
        %add3A_283 = arith.addi %mul3A_281, %add3A_282 : i32
        %mul3A_284 = arith.constant 16 : i32
        %mul3A_285 = arith.muli %add3A_283, %mul3A_284 : i32
        %get3A_286 = arith.index_cast %squeeze3A_279 : i32 to index
        %get3A_287 = tpu.vector_load %arg8[%get3A_286] {strides = array<i32>} : memref<82048xf32, #tpu.memory_space<vmem>>, vector<16xf32>,
        %get3A_288 = vector.shape_cast %get3A_287 : vector<16xf32> to vector<16xf32>
        %get3A_289 = arith.index_cast %mul3A_285 : i32 to index
        %get3A_290 = tpu.vector_load %arg7[%get3A_289] {strides = array<i32>} : memref<2048xf32, #tpu.memory_space<vmem>>, vector<16xf32>,
        %get3A_291 = vector.shape_cast %get3A_290 : vector<16xf32> to vector<16xf32>
        %add3A_292 = arith.addf %get3A_288, %get3A_291 : vector<16xf32>
        %swap3A_293 = arith.index_cast %squeeze3A_279 : i32 to index
        %swap3A_294 = tpu.vector_load %arg8[%swap3A_293] {strides = array<i32>} : memref<82048xf32, #tpu.memory_space<vmem>>, vector<16xf32>,
        %swap3A_295 = vector.shape_cast %swap3A_294 : vector<16xf32> to vector<16xf32>
        %swap3A_296 = vector.shape_cast %add3A_292 : vector<16xf32> to vector<16xf32>
        tpu.vector_store %arg8[%swap3A_293], %swap3A_296 {strides = array<i32>} : memref<82048xf32, #tpu.memory_space<vmem>>, vector<16xf32>,
        %slice3A_297 = vector.extract_strided_slice %mul3A_71 {offsets = [12], sizes = [1], strides = [1]} : vector<16xi32> to vector<1xi32>
        %squeeze3A_298 = vector.extract %slice3A_297[0] : i32 from vector<1xi32>
        %mul3A_299 = arith.constant 16 : i32
        %mul3A_300 = arith.muli %scan3A_58, %mul3A_299 : i32
        %add3A_301 = arith.constant 12 : i32
        %add3A_302 = arith.addi %mul3A_300, %add3A_301 : i32
        %mul3A_303 = arith.constant 16 : i32
        %mul3A_304 = arith.muli %add3A_302, %mul3A_303 : i32
        %get3A_305 = arith.index_cast %squeeze3A_298 : i32 to index
        %get3A_306 = tpu.vector_load %arg8[%get3A_305] {strides = array<i32>} : memref<82048xf32, #tpu.memory_space<vmem>>, vector<16xf32>,
        %get3A_307 = vector.shape_cast %get3A_306 : vector<16xf32> to vector<16xf32>
        %get3A_308 = arith.index_cast %mul3A_304 : i32 to index
        %get3A_309 = tpu.vector_load %arg7[%get3A_308] {strides = array<i32>} : memref<2048xf32, #tpu.memory_space<vmem>>, vector<16xf32>,
        %get3A_310 = vector.shape_cast %get3A_309 : vector<16xf32> to vector<16xf32>
        %add3A_311 = arith.addf %get3A_307, %get3A_310 : vector<16xf32>
        %swap3A_312 = arith.index_cast %squeeze3A_298 : i32 to index
        %swap3A_313 = tpu.vector_load %arg8[%swap3A_312] {strides = array<i32>} : memref<82048xf32, #tpu.memory_space<vmem>>, vector<16xf32>,
        %swap3A_314 = vector.shape_cast %swap3A_313 : vector<16xf32> to vector<16xf32>
        %swap3A_315 = vector.shape_cast %add3A_311 : vector<16xf32> to vector<16xf32>
        tpu.vector_store %arg8[%swap3A_312], %swap3A_315 {strides = array<i32>} : memref<82048xf32, #tpu.memory_space<vmem>>, vector<16xf32>,
        %slice3A_316 = vector.extract_strided_slice %mul3A_71 {offsets = [13], sizes = [1], strides = [1]} : vector<16xi32> to vector<1xi32>
        %squeeze3A_317 = vector.extract %slice3A_316[0] : i32 from vector<1xi32>
        %mul3A_318 = arith.constant 16 : i32
        %mul3A_319 = arith.muli %scan3A_58, %mul3A_318 : i32
        %add3A_320 = arith.constant 13 : i32
        %add3A_321 = arith.addi %mul3A_319, %add3A_320 : i32
        %mul3A_322 = arith.constant 16 : i32
        %mul3A_323 = arith.muli %add3A_321, %mul3A_322 : i32
        %get3A_324 = arith.index_cast %squeeze3A_317 : i32 to index
        %get3A_325 = tpu.vector_load %arg8[%get3A_324] {strides = array<i32>} : memref<82048xf32, #tpu.memory_space<vmem>>, vector<16xf32>,
        %get3A_326 = vector.shape_cast %get3A_325 : vector<16xf32> to vector<16xf32>
        %get3A_327 = arith.index_cast %mul3A_323 : i32 to index
        %get3A_328 = tpu.vector_load %arg7[%get3A_327] {strides = array<i32>} : memref<2048xf32, #tpu.memory_space<vmem>>, vector<16xf32>,
        %get3A_329 = vector.shape_cast %get3A_328 : vector<16xf32> to vector<16xf32>
        %add3A_330 = arith.addf %get3A_326, %get3A_329 : vector<16xf32>
        %swap3A_331 = arith.index_cast %squeeze3A_317 : i32 to index
        %swap3A_332 = tpu.vector_load %arg8[%swap3A_331] {strides = array<i32>} : memref<82048xf32, #tpu.memory_space<vmem>>, vector<16xf32>,
        %swap3A_333 = vector.shape_cast %swap3A_332 : vector<16xf32> to vector<16xf32>
        %swap3A_334 = vector.shape_cast %add3A_330 : vector<16xf32> to vector<16xf32>
        tpu.vector_store %arg8[%swap3A_331], %swap3A_334 {strides = array<i32>} : memref<82048xf32, #tpu.memory_space<vmem>>, vector<16xf32>,
        %slice3A_335 = vector.extract_strided_slice %mul3A_71 {offsets = [14], sizes = [1], strides = [1]} : vector<16xi32> to vector<1xi32>
        %squeeze3A_336 = vector.extract %slice3A_335[0] : i32 from vector<1xi32>
        %mul3A_337 = arith.constant 16 : i32
        %mul3A_338 = arith.muli %scan3A_58, %mul3A_337 : i32
        %add3A_339 = arith.constant 14 : i32
        %add3A_340 = arith.addi %mul3A_338, %add3A_339 : i32
        %mul3A_341 = arith.constant 16 : i32
        %mul3A_342 = arith.muli %add3A_340, %mul3A_341 : i32
        %get3A_343 = arith.index_cast %squeeze3A_336 : i32 to index
        %get3A_344 = tpu.vector_load %arg8[%get3A_343] {strides = array<i32>} : memref<82048xf32, #tpu.memory_space<vmem>>, vector<16xf32>,
        %get3A_345 = vector.shape_cast %get3A_344 : vector<16xf32> to vector<16xf32>
        %get3A_346 = arith.index_cast %mul3A_342 : i32 to index
        %get3A_347 = tpu.vector_load %arg7[%get3A_346] {strides = array<i32>} : memref<2048xf32, #tpu.memory_space<vmem>>, vector<16xf32>,
        %get3A_348 = vector.shape_cast %get3A_347 : vector<16xf32> to vector<16xf32>
        %add3A_349 = arith.addf %get3A_345, %get3A_348 : vector<16xf32>
        %swap3A_350 = arith.index_cast %squeeze3A_336 : i32 to index
        %swap3A_351 = tpu.vector_load %arg8[%swap3A_350] {strides = array<i32>} : memref<82048xf32, #tpu.memory_space<vmem>>, vector<16xf32>,
        %swap3A_352 = vector.shape_cast %swap3A_351 : vector<16xf32> to vector<16xf32>
        %swap3A_353 = vector.shape_cast %add3A_349 : vector<16xf32> to vector<16xf32>
        tpu.vector_store %arg8[%swap3A_350], %swap3A_353 {strides = array<i32>} : memref<82048xf32, #tpu.memory_space<vmem>>, vector<16xf32>,
        %slice3A_354 = vector.extract_strided_slice %mul3A_71 {offsets = [15], sizes = [1], strides = [1]} : vector<16xi32> to vector<1xi32>
        %squeeze3A_355 = vector.extract %slice3A_354[0] : i32 from vector<1xi32>
        %mul3A_356 = arith.constant 16 : i32
        %mul3A_357 = arith.muli %scan3A_58, %mul3A_356 : i32
        %add3A_358 = arith.constant 15 : i32
        %add3A_359 = arith.addi %mul3A_357, %add3A_358 : i32
        %mul3A_360 = arith.constant 16 : i32
        %mul3A_361 = arith.muli %add3A_359, %mul3A_360 : i32
        %get3A_362 = arith.index_cast %squeeze3A_355 : i32 to index
        %get3A_363 = tpu.vector_load %arg8[%get3A_362] {strides = array<i32>} : memref<82048xf32, #tpu.memory_space<vmem>>, vector<16xf32>,
        %get3A_364 = vector.shape_cast %get3A_363 : vector<16xf32> to vector<16xf32>
        %get3A_365 = arith.index_cast %mul3A_361 : i32 to index
        %get3A_366 = tpu.vector_load %arg7[%get3A_365] {strides = array<i32>} : memref<2048xf32, #tpu.memory_space<vmem>>, vector<16xf32>,
        %get3A_367 = vector.shape_cast %get3A_366 : vector<16xf32> to vector<16xf32>
        %add3A_368 = arith.addf %get3A_364, %get3A_367 : vector<16xf32>
        %swap3A_369 = arith.index_cast %squeeze3A_355 : i32 to index
        %swap3A_370 = tpu.vector_load %arg8[%swap3A_369] {strides = array<i32>} : memref<82048xf32, #tpu.memory_space<vmem>>, vector<16xf32>,
        %swap3A_371 = vector.shape_cast %swap3A_370 : vector<16xf32> to vector<16xf32>
        %swap3A_372 = vector.shape_cast %add3A_368 : vector<16xf32> to vector<16xf32>
        tpu.vector_store %arg8[%swap3A_369], %swap3A_372 {strides = array<i32>} : memref<82048xf32, #tpu.memory_space<vmem>>, vector<16xf32>,
      }
      %scan3A_57 = arith.constant 8 : i32
    }
    %scan3A_37 = arith.constant 40 : i32
    %mul3A_38 = arith.constant 10240 : i32
    %mul3A_39 = arith.muli %add3A, %mul3A_38 : i32
    %add3A_40 = arith.constant 5120 : i32
    %add3A_41 = arith.addi %mul3A_39, %add3A_40 : i32
    %mul3A_42 = arith.constant 16 : i32
    %mul3A_43 = arith.muli %add3A_41, %mul3A_42 : i32
    "tpu.region"() ({
      %run_scoped3A = tpu.sem_alloc : memref<!tpu.dma_semaphore, #tpu.memory_space<semaphore_mem>>
      %dma_start3A = arith.constant 0 : i32
      %dma_start3A_46 = tpu.memref_slice %arg8[%dma_start3A] : memref<82048xf32, #tpu.memory_space<vmem>> -> memref<81920xf32, #tpu.memory_space<vmem>>
      %dma_start3A_47 = tpu.memref_slice %arg4[%mul3A_43] : memref<5242880xf32, #tpu.memory_space<hbm>> -> memref<81920xf32, #tpu.memory_space<hbm>>
      %dma_start3A_48 = tpu.memref_slice %arg4[%mul3A_43] : memref<5242880xf32, #tpu.memory_space<hbm>> -> memref<81920xf32, #tpu.memory_space<hbm>>
      %dma_start3A_49 = arith.constant 0 : i32
      %dma_start3A_50 = tpu.memref_slice %arg8[%dma_start3A_49] : memref<82048xf32, #tpu.memory_space<vmem>> -> memref<81920xf32, #tpu.memory_space<vmem>>
      tpu.enqueue_dma source(%dma_start3A_50 : memref<81920xf32, #tpu.memory_space<vmem>>) target(%dma_start3A_48 : memref<81920xf32, #tpu.memory_space<hbm>>) target_semaphore(%run_scoped3A : memref<!tpu.dma_semaphore, #tpu.memory_space<semaphore_mem>>)
      %dma_wait3A = arith.constant 0 : i32
      %dma_wait3A_51 = tpu.memref_slice %arg8[%dma_wait3A] : memref<82048xf32, #tpu.memory_space<vmem>> -> memref<81920xf32, #tpu.memory_space<vmem>>
      %dma_wait3A_52 = tpu.memref_slice %arg4[%mul3A_43] : memref<5242880xf32, #tpu.memory_space<hbm>> -> memref<81920xf32, #tpu.memory_space<hbm>>
      %dma_wait3A_53 = tpu.memref_slice %arg4[%mul3A_43] : memref<5242880xf32, #tpu.memory_space<hbm>> -> memref<81920xf32, #tpu.memory_space<hbm>>
      %dma_wait3A_54 = arith.constant 0 : i32
      %dma_wait3A_55 = tpu.memref_slice %arg8[%dma_wait3A_54] : memref<82048xf32, #tpu.memory_space<vmem>> -> memref<81920xf32, #tpu.memory_space<vmem>>
      tpu.wait_dma2 semaphore(%run_scoped3A : memref<!tpu.dma_semaphore, #tpu.memory_space<semaphore_mem>>) src(%dma_wait3A_55 : memref<81920xf32, #tpu.memory_space<vmem>>) dst(%dma_wait3A_53 : memref<81920xf32, #tpu.memory_space<hbm>>)
      tpu.yield
    }) : () -> ()
    %mul3A_44 = arith.constant 10240 : i32
    %mul3A_45 = arith.muli %add3A, %mul3A_44 : i32
    "tpu.region"() ({
      %run_scoped3A = tpu.sem_alloc : memref<!tpu.dma_semaphore, #tpu.memory_space<semaphore_mem>>
      %dma_start3A = tpu.memref_slice %arg5[%mul3A_45] : memref<327680xf32, #tpu.memory_space<hbm>> -> memref<10240xf32, #tpu.memory_space<hbm>>
      %dma_start3A_46 = tpu.memref_slice %arg5[%mul3A_45] : memref<327680xf32, #tpu.memory_space<hbm>> -> memref<10240xf32, #tpu.memory_space<hbm>>
      tpu.enqueue_dma source(%arg9 : memref<10240xf32, #tpu.memory_space<vmem>>) target(%dma_start3A_46 : memref<10240xf32, #tpu.memory_space<hbm>>) target_semaphore(%run_scoped3A : memref<!tpu.dma_semaphore, #tpu.memory_space<semaphore_mem>>)
      %dma_wait3A = tpu.memref_slice %arg5[%mul3A_45] : memref<327680xf32, #tpu.memory_space<hbm>> -> memref<10240xf32, #tpu.memory_space<hbm>>
      %dma_wait3A_47 = tpu.memref_slice %arg5[%mul3A_45] : memref<327680xf32, #tpu.memory_space<hbm>> -> memref<10240xf32, #tpu.memory_space<hbm>>
      tpu.wait_dma2 semaphore(%run_scoped3A : memref<!tpu.dma_semaphore, #tpu.memory_space<semaphore_mem>>) src(%arg9 : memref<10240xf32, #tpu.memory_space<vmem>>) dst(%dma_wait3A_47 : memref<10240xf32, #tpu.memory_space<hbm>>)
      tpu.yield
    }) : () -> ()
    return
  }
}

#map = affine_map<(d0, d1) -> (0)>
module attributes {stable_mosaic.version = 14 : i64} {
  func.func @_scatter_k(%arg0: i32, %arg1: i32, %arg2: memref<2621440xf32, #tpu.memory_space<hbm>>, %arg3: memref<163840xi32, #tpu.memory_space<hbm>>, %arg4: memref<5242880xf32, #tpu.memory_space<hbm>>, %arg5: memref<327680xf32, #tpu.memory_space<hbm>>, %arg6: memref<128xi32, #tpu.memory_space<vmem>>, %arg7: memref<2048xf32, #tpu.memory_space<vmem>>, %arg8: memref<82048xf32, #tpu.memory_space<vmem>>, %arg9: memref<10240xf32, #tpu.memory_space<vmem>>) attributes {dimension_semantics = [#tpu.dimension_semantics<core_parallel>, #tpu.dimension_semantics<subcore_parallel>], iteration_bounds = array<i64: 2, 16>, scalar_prefetch = 0 : i64, scratch_operands = 4 : i64, tpu.core_type = #tpu.core_type<sc_vector_subcore>, window_params = [{transform_indices = #map}, {transform_indices = #map}, {transform_indices = #map}, {transform_indices = #map}]} {
    %mul3A = arith.constant 2 : i32
    %mul3A_0 = arith.muli %arg1, %mul3A : i32
    %add3A = arith.addi %mul3A_0, %arg0 : i32
    %mul3A_1 = arith.constant 5120 : i32
    %mul3A_2 = arith.muli %add3A, %mul3A_1 : i32
    %iota3A = tpu.iota {dimensions = array<i32: 0>} : vector<16xi32>
    %scan3A = arith.constant 0 : i32
    %scan3A_3 = arith.constant 0 : i32
    %scan3A_4 = arith.constant 5128 : i32
    %scan3A_5 = arith.addi %scan3A_3, %scan3A_4 : i32
    %scan3A_6 = arith.constant 1 : i32
    scf.for %scan3A_46 = %scan3A_3 to %scan3A_5 step %scan3A_6  : i32 {
      %broadcast_in_dim3A = arith.constant 0.000000e+00 : f32
      %broadcast_in_dim3A_47 = vector.broadcast %broadcast_in_dim3A : f32 to vector<16xf32>
      %mul3A_48 = arith.constant 16 : i32
      %mul3A_49 = arith.muli %scan3A_46, %mul3A_48 : i32
      %swap3A = arith.index_cast %mul3A_49 : i32 to index
      %swap3A_50 = tpu.vector_load %arg8[%swap3A] {strides = array<i32>} : memref<82048xf32, #tpu.memory_space<vmem>>, vector<16xf32>,
      %swap3A_51 = vector.shape_cast %swap3A_50 : vector<16xf32> to vector<16xf32>
      %swap3A_52 = vector.shape_cast %broadcast_in_dim3A_47 : vector<16xf32> to vector<16xf32>
      tpu.vector_store %arg8[%swap3A], %swap3A_52 {strides = array<i32>} : memref<82048xf32, #tpu.memory_space<vmem>>, vector<16xf32>,
    }
    %scan3A_7 = arith.constant 5128 : i32
    %scan3A_8 = arith.constant 0 : i32
    %scan3A_9 = arith.constant 0 : i32
    %scan3A_10 = arith.constant 640 : i32
    %scan3A_11 = arith.addi %scan3A_9, %scan3A_10 : i32
    %scan3A_12 = arith.constant 1 : i32
    scf.for %scan3A_46 = %scan3A_9 to %scan3A_11 step %scan3A_12  : i32 {
      %broadcast_in_dim3A = arith.constant 0.000000e+00 : f32
      %broadcast_in_dim3A_47 = vector.broadcast %broadcast_in_dim3A : f32 to vector<16xf32>
      %mul3A_48 = arith.constant 16 : i32
      %mul3A_49 = arith.muli %scan3A_46, %mul3A_48 : i32
      %swap3A = arith.index_cast %mul3A_49 : i32 to index
      %swap3A_50 = tpu.vector_load %arg9[%swap3A] {strides = array<i32>} : memref<10240xf32, #tpu.memory_space<vmem>>, vector<16xf32>,
      %swap3A_51 = vector.shape_cast %swap3A_50 : vector<16xf32> to vector<16xf32>
      %swap3A_52 = vector.shape_cast %broadcast_in_dim3A_47 : vector<16xf32> to vector<16xf32>
      tpu.vector_store %arg9[%swap3A], %swap3A_52 {strides = array<i32>} : memref<10240xf32, #tpu.memory_space<vmem>>, vector<16xf32>,
    }
    %scan3A_13 = arith.constant 640 : i32
    %scan3A_14 = arith.constant 0 : i32
    %scan3A_15 = arith.constant 0 : i32
    %scan3A_16 = arith.constant 40 : i32
    %scan3A_17 = arith.addi %scan3A_15, %scan3A_16 : i32
    %scan3A_18 = arith.constant 1 : i32
    scf.for %scan3A_46 = %scan3A_15 to %scan3A_17 step %scan3A_18  : i32 {
      %mul3A_47 = arith.constant 128 : i32
      %mul3A_48 = arith.muli %scan3A_46, %mul3A_47 : i32
      %add3A_49 = arith.addi %mul3A_2, %mul3A_48 : i32
      "tpu.region"() ({
        %run_scoped3A = tpu.sem_alloc : memref<!tpu.dma_semaphore, #tpu.memory_space<semaphore_mem>>
        %dma_start3A = tpu.memref_slice %arg3[%add3A_49] : memref<163840xi32, #tpu.memory_space<hbm>> -> memref<128xi32, #tpu.memory_space<hbm>>
        %dma_start3A_58 = tpu.memref_slice %arg3[%add3A_49] : memref<163840xi32, #tpu.memory_space<hbm>> -> memref<128xi32, #tpu.memory_space<hbm>>
        tpu.enqueue_dma source(%dma_start3A_58 : memref<128xi32, #tpu.memory_space<hbm>>) target(%arg6 : memref<128xi32, #tpu.memory_space<vmem>>) target_semaphore(%run_scoped3A : memref<!tpu.dma_semaphore, #tpu.memory_space<semaphore_mem>>)
        %dma_wait3A = tpu.memref_slice %arg3[%add3A_49] : memref<163840xi32, #tpu.memory_space<hbm>> -> memref<128xi32, #tpu.memory_space<hbm>>
        %dma_wait3A_59 = tpu.memref_slice %arg3[%add3A_49] : memref<163840xi32, #tpu.memory_space<hbm>> -> memref<128xi32, #tpu.memory_space<hbm>>
        tpu.wait_dma2 semaphore(%run_scoped3A : memref<!tpu.dma_semaphore, #tpu.memory_space<semaphore_mem>>) src(%dma_wait3A_59 : memref<128xi32, #tpu.memory_space<hbm>>) dst(%arg6 : memref<128xi32, #tpu.memory_space<vmem>>)
        tpu.yield
      }) : () -> ()
      %mul3A_50 = arith.constant 16 : i32
      %mul3A_51 = arith.muli %add3A_49, %mul3A_50 : i32
      "tpu.region"() ({
        %run_scoped3A = tpu.sem_alloc : memref<!tpu.dma_semaphore, #tpu.memory_space<semaphore_mem>>
        %dma_start3A = tpu.memref_slice %arg2[%mul3A_51] : memref<2621440xf32, #tpu.memory_space<hbm>> -> memref<2048xf32, #tpu.memory_space<hbm>>
        %dma_start3A_58 = tpu.memref_slice %arg2[%mul3A_51] : memref<2621440xf32, #tpu.memory_space<hbm>> -> memref<2048xf32, #tpu.memory_space<hbm>>
        tpu.enqueue_dma source(%dma_start3A_58 : memref<2048xf32, #tpu.memory_space<hbm>>) target(%arg7 : memref<2048xf32, #tpu.memory_space<vmem>>) target_semaphore(%run_scoped3A : memref<!tpu.dma_semaphore, #tpu.memory_space<semaphore_mem>>)
        %dma_wait3A = tpu.memref_slice %arg2[%mul3A_51] : memref<2621440xf32, #tpu.memory_space<hbm>> -> memref<2048xf32, #tpu.memory_space<hbm>>
        %dma_wait3A_59 = tpu.memref_slice %arg2[%mul3A_51] : memref<2621440xf32, #tpu.memory_space<hbm>> -> memref<2048xf32, #tpu.memory_space<hbm>>
        tpu.wait_dma2 semaphore(%run_scoped3A : memref<!tpu.dma_semaphore, #tpu.memory_space<semaphore_mem>>) src(%dma_wait3A_59 : memref<2048xf32, #tpu.memory_space<hbm>>) dst(%arg7 : memref<2048xf32, #tpu.memory_space<vmem>>)
        tpu.yield
      }) : () -> ()
      %scan3A_52 = arith.constant 0 : i32
      %scan3A_53 = arith.constant 0 : i32
      %scan3A_54 = arith.constant 8 : i32
      %scan3A_55 = arith.addi %scan3A_53, %scan3A_54 : i32
      %scan3A_56 = arith.constant 1 : i32
      scf.for %scan3A_58 = %scan3A_53 to %scan3A_55 step %scan3A_56  : i32 {
        %mul3A_59 = arith.constant 16 : i32
        %mul3A_60 = arith.muli %scan3A_58, %mul3A_59 : i32
        %get3A = arith.index_cast %mul3A_60 : i32 to index
        %get3A_61 = tpu.vector_load %arg6[%get3A] {strides = array<i32>} : memref<128xi32, #tpu.memory_space<vmem>>, vector<16xi32>,
        %get3A_62 = vector.shape_cast %get3A_61 : vector<16xi32> to vector<16xi32>
        %sub3A = arith.constant 0 : i32
        %sub3A_63 = vector.broadcast %sub3A : i32 to vector<16xi32>
        %sub3A_64 = arith.subi %get3A_62, %sub3A_63 : vector<16xi32>
        %ge3A = arith.constant 0 : i32
        %ge3A_65 = vector.broadcast %ge3A : i32 to vector<16xi32>
        %ge3A_66 = arith.cmpi sge, %sub3A_64, %ge3A_65 : vector<16xi32>
        %lt3A = arith.constant 5120 : i32
        %lt3A_67 = vector.broadcast %lt3A : i32 to vector<16xi32>
        %lt3A_68 = arith.cmpi slt, %sub3A_64, %lt3A_67 : vector<16xi32>
        %and3A = arith.andi %ge3A_66, %lt3A_68 : vector<16xi1>
        %jit3A = arith.constant 5120 : i32
        %broadcast_in_dim3A = vector.broadcast %jit3A : i32 to vector<16xi32>
        %select_n3A = arith.select %and3A, %sub3A_64, %broadcast_in_dim3A : vector<16xi1>, vector<16xi32>
        %mul3A_69 = arith.constant 16 : i32
        %mul3A_70 = vector.broadcast %mul3A_69 : i32 to vector<16xi32>
        %mul3A_71 = arith.muli %select_n3A, %mul3A_70 : vector<16xi32>
        %slice3A = vector.extract_strided_slice %mul3A_71 {offsets = [0], sizes = [1], strides = [1]} : vector<16xi32> to vector<1xi32>
        %squeeze3A = vector.extract %slice3A[0] : i32 from vector<1xi32>
        %mul3A_72 = arith.constant 16 : i32
        %mul3A_73 = arith.muli %scan3A_58, %mul3A_72 : i32
        %add3A_74 = arith.constant 0 : i32
        %add3A_75 = arith.addi %mul3A_73, %add3A_74 : i32
        %mul3A_76 = arith.constant 16 : i32
        %mul3A_77 = arith.muli %add3A_75, %mul3A_76 : i32
        %get3A_78 = arith.index_cast %squeeze3A : i32 to index
        %get3A_79 = tpu.vector_load %arg8[%get3A_78] {strides = array<i32>} : memref<82048xf32, #tpu.memory_space<vmem>>, vector<16xf32>,
        %get3A_80 = vector.shape_cast %get3A_79 : vector<16xf32> to vector<16xf32>
        %get3A_81 = arith.index_cast %mul3A_77 : i32 to index
        %get3A_82 = tpu.vector_load %arg7[%get3A_81] {strides = array<i32>} : memref<2048xf32, #tpu.memory_space<vmem>>, vector<16xf32>,
        %get3A_83 = vector.shape_cast %get3A_82 : vector<16xf32> to vector<16xf32>
        %add3A_84 = arith.addf %get3A_80, %get3A_83 : vector<16xf32>
        %swap3A = arith.index_cast %squeeze3A : i32 to index
        %swap3A_85 = tpu.vector_load %arg8[%swap3A] {strides = array<i32>} : memref<82048xf32, #tpu.memory_space<vmem>>, vector<16xf32>,
        %swap3A_86 = vector.shape_cast %swap3A_85 : vector<16xf32> to vector<16xf32>
        %swap3A_87 = vector.shape_cast %add3A_84 : vector<16xf32> to vector<16xf32>
        tpu.vector_store %arg8[%swap3A], %swap3A_87 {strides = array<i32>} : memref<82048xf32, #tpu.memory_space<vmem>>, vector<16xf32>,
        %slice3A_88 = vector.extract_strided_slice %mul3A_71 {offsets = [1], sizes = [1], strides = [1]} : vector<16xi32> to vector<1xi32>
        %squeeze3A_89 = vector.extract %slice3A_88[0] : i32 from vector<1xi32>
        %mul3A_90 = arith.constant 16 : i32
        %mul3A_91 = arith.muli %scan3A_58, %mul3A_90 : i32
        %add3A_92 = arith.constant 1 : i32
        %add3A_93 = arith.addi %mul3A_91, %add3A_92 : i32
        %mul3A_94 = arith.constant 16 : i32
        %mul3A_95 = arith.muli %add3A_93, %mul3A_94 : i32
        %get3A_96 = arith.index_cast %squeeze3A_89 : i32 to index
        %get3A_97 = tpu.vector_load %arg8[%get3A_96] {strides = array<i32>} : memref<82048xf32, #tpu.memory_space<vmem>>, vector<16xf32>,
        %get3A_98 = vector.shape_cast %get3A_97 : vector<16xf32> to vector<16xf32>
        %get3A_99 = arith.index_cast %mul3A_95 : i32 to index
        %get3A_100 = tpu.vector_load %arg7[%get3A_99] {strides = array<i32>} : memref<2048xf32, #tpu.memory_space<vmem>>, vector<16xf32>,
        %get3A_101 = vector.shape_cast %get3A_100 : vector<16xf32> to vector<16xf32>
        %add3A_102 = arith.addf %get3A_98, %get3A_101 : vector<16xf32>
        %swap3A_103 = arith.index_cast %squeeze3A_89 : i32 to index
        %swap3A_104 = tpu.vector_load %arg8[%swap3A_103] {strides = array<i32>} : memref<82048xf32, #tpu.memory_space<vmem>>, vector<16xf32>,
        %swap3A_105 = vector.shape_cast %swap3A_104 : vector<16xf32> to vector<16xf32>
        %swap3A_106 = vector.shape_cast %add3A_102 : vector<16xf32> to vector<16xf32>
        tpu.vector_store %arg8[%swap3A_103], %swap3A_106 {strides = array<i32>} : memref<82048xf32, #tpu.memory_space<vmem>>, vector<16xf32>,
        %slice3A_107 = vector.extract_strided_slice %mul3A_71 {offsets = [2], sizes = [1], strides = [1]} : vector<16xi32> to vector<1xi32>
        %squeeze3A_108 = vector.extract %slice3A_107[0] : i32 from vector<1xi32>
        %mul3A_109 = arith.constant 16 : i32
        %mul3A_110 = arith.muli %scan3A_58, %mul3A_109 : i32
        %add3A_111 = arith.constant 2 : i32
        %add3A_112 = arith.addi %mul3A_110, %add3A_111 : i32
        %mul3A_113 = arith.constant 16 : i32
        %mul3A_114 = arith.muli %add3A_112, %mul3A_113 : i32
        %get3A_115 = arith.index_cast %squeeze3A_108 : i32 to index
        %get3A_116 = tpu.vector_load %arg8[%get3A_115] {strides = array<i32>} : memref<82048xf32, #tpu.memory_space<vmem>>, vector<16xf32>,
        %get3A_117 = vector.shape_cast %get3A_116 : vector<16xf32> to vector<16xf32>
        %get3A_118 = arith.index_cast %mul3A_114 : i32 to index
        %get3A_119 = tpu.vector_load %arg7[%get3A_118] {strides = array<i32>} : memref<2048xf32, #tpu.memory_space<vmem>>, vector<16xf32>,
        %get3A_120 = vector.shape_cast %get3A_119 : vector<16xf32> to vector<16xf32>
        %add3A_121 = arith.addf %get3A_117, %get3A_120 : vector<16xf32>
        %swap3A_122 = arith.index_cast %squeeze3A_108 : i32 to index
        %swap3A_123 = tpu.vector_load %arg8[%swap3A_122] {strides = array<i32>} : memref<82048xf32, #tpu.memory_space<vmem>>, vector<16xf32>,
        %swap3A_124 = vector.shape_cast %swap3A_123 : vector<16xf32> to vector<16xf32>
        %swap3A_125 = vector.shape_cast %add3A_121 : vector<16xf32> to vector<16xf32>
        tpu.vector_store %arg8[%swap3A_122], %swap3A_125 {strides = array<i32>} : memref<82048xf32, #tpu.memory_space<vmem>>, vector<16xf32>,
        %slice3A_126 = vector.extract_strided_slice %mul3A_71 {offsets = [3], sizes = [1], strides = [1]} : vector<16xi32> to vector<1xi32>
        %squeeze3A_127 = vector.extract %slice3A_126[0] : i32 from vector<1xi32>
        %mul3A_128 = arith.constant 16 : i32
        %mul3A_129 = arith.muli %scan3A_58, %mul3A_128 : i32
        %add3A_130 = arith.constant 3 : i32
        %add3A_131 = arith.addi %mul3A_129, %add3A_130 : i32
        %mul3A_132 = arith.constant 16 : i32
        %mul3A_133 = arith.muli %add3A_131, %mul3A_132 : i32
        %get3A_134 = arith.index_cast %squeeze3A_127 : i32 to index
        %get3A_135 = tpu.vector_load %arg8[%get3A_134] {strides = array<i32>} : memref<82048xf32, #tpu.memory_space<vmem>>, vector<16xf32>,
        %get3A_136 = vector.shape_cast %get3A_135 : vector<16xf32> to vector<16xf32>
        %get3A_137 = arith.index_cast %mul3A_133 : i32 to index
        %get3A_138 = tpu.vector_load %arg7[%get3A_137] {strides = array<i32>} : memref<2048xf32, #tpu.memory_space<vmem>>, vector<16xf32>,
        %get3A_139 = vector.shape_cast %get3A_138 : vector<16xf32> to vector<16xf32>
        %add3A_140 = arith.addf %get3A_136, %get3A_139 : vector<16xf32>
        %swap3A_141 = arith.index_cast %squeeze3A_127 : i32 to index
        %swap3A_142 = tpu.vector_load %arg8[%swap3A_141] {strides = array<i32>} : memref<82048xf32, #tpu.memory_space<vmem>>, vector<16xf32>,
        %swap3A_143 = vector.shape_cast %swap3A_142 : vector<16xf32> to vector<16xf32>
        %swap3A_144 = vector.shape_cast %add3A_140 : vector<16xf32> to vector<16xf32>
        tpu.vector_store %arg8[%swap3A_141], %swap3A_144 {strides = array<i32>} : memref<82048xf32, #tpu.memory_space<vmem>>, vector<16xf32>,
        %slice3A_145 = vector.extract_strided_slice %mul3A_71 {offsets = [4], sizes = [1], strides = [1]} : vector<16xi32> to vector<1xi32>
        %squeeze3A_146 = vector.extract %slice3A_145[0] : i32 from vector<1xi32>
        %mul3A_147 = arith.constant 16 : i32
        %mul3A_148 = arith.muli %scan3A_58, %mul3A_147 : i32
        %add3A_149 = arith.constant 4 : i32
        %add3A_150 = arith.addi %mul3A_148, %add3A_149 : i32
        %mul3A_151 = arith.constant 16 : i32
        %mul3A_152 = arith.muli %add3A_150, %mul3A_151 : i32
        %get3A_153 = arith.index_cast %squeeze3A_146 : i32 to index
        %get3A_154 = tpu.vector_load %arg8[%get3A_153] {strides = array<i32>} : memref<82048xf32, #tpu.memory_space<vmem>>, vector<16xf32>,
        %get3A_155 = vector.shape_cast %get3A_154 : vector<16xf32> to vector<16xf32>
        %get3A_156 = arith.index_cast %mul3A_152 : i32 to index
        %get3A_157 = tpu.vector_load %arg7[%get3A_156] {strides = array<i32>} : memref<2048xf32, #tpu.memory_space<vmem>>, vector<16xf32>,
        %get3A_158 = vector.shape_cast %get3A_157 : vector<16xf32> to vector<16xf32>
        %add3A_159 = arith.addf %get3A_155, %get3A_158 : vector<16xf32>
        %swap3A_160 = arith.index_cast %squeeze3A_146 : i32 to index
        %swap3A_161 = tpu.vector_load %arg8[%swap3A_160] {strides = array<i32>} : memref<82048xf32, #tpu.memory_space<vmem>>, vector<16xf32>,
        %swap3A_162 = vector.shape_cast %swap3A_161 : vector<16xf32> to vector<16xf32>
        %swap3A_163 = vector.shape_cast %add3A_159 : vector<16xf32> to vector<16xf32>
        tpu.vector_store %arg8[%swap3A_160], %swap3A_163 {strides = array<i32>} : memref<82048xf32, #tpu.memory_space<vmem>>, vector<16xf32>,
        %slice3A_164 = vector.extract_strided_slice %mul3A_71 {offsets = [5], sizes = [1], strides = [1]} : vector<16xi32> to vector<1xi32>
        %squeeze3A_165 = vector.extract %slice3A_164[0] : i32 from vector<1xi32>
        %mul3A_166 = arith.constant 16 : i32
        %mul3A_167 = arith.muli %scan3A_58, %mul3A_166 : i32
        %add3A_168 = arith.constant 5 : i32
        %add3A_169 = arith.addi %mul3A_167, %add3A_168 : i32
        %mul3A_170 = arith.constant 16 : i32
        %mul3A_171 = arith.muli %add3A_169, %mul3A_170 : i32
        %get3A_172 = arith.index_cast %squeeze3A_165 : i32 to index
        %get3A_173 = tpu.vector_load %arg8[%get3A_172] {strides = array<i32>} : memref<82048xf32, #tpu.memory_space<vmem>>, vector<16xf32>,
        %get3A_174 = vector.shape_cast %get3A_173 : vector<16xf32> to vector<16xf32>
        %get3A_175 = arith.index_cast %mul3A_171 : i32 to index
        %get3A_176 = tpu.vector_load %arg7[%get3A_175] {strides = array<i32>} : memref<2048xf32, #tpu.memory_space<vmem>>, vector<16xf32>,
        %get3A_177 = vector.shape_cast %get3A_176 : vector<16xf32> to vector<16xf32>
        %add3A_178 = arith.addf %get3A_174, %get3A_177 : vector<16xf32>
        %swap3A_179 = arith.index_cast %squeeze3A_165 : i32 to index
        %swap3A_180 = tpu.vector_load %arg8[%swap3A_179] {strides = array<i32>} : memref<82048xf32, #tpu.memory_space<vmem>>, vector<16xf32>,
        %swap3A_181 = vector.shape_cast %swap3A_180 : vector<16xf32> to vector<16xf32>
        %swap3A_182 = vector.shape_cast %add3A_178 : vector<16xf32> to vector<16xf32>
        tpu.vector_store %arg8[%swap3A_179], %swap3A_182 {strides = array<i32>} : memref<82048xf32, #tpu.memory_space<vmem>>, vector<16xf32>,
        %slice3A_183 = vector.extract_strided_slice %mul3A_71 {offsets = [6], sizes = [1], strides = [1]} : vector<16xi32> to vector<1xi32>
        %squeeze3A_184 = vector.extract %slice3A_183[0] : i32 from vector<1xi32>
        %mul3A_185 = arith.constant 16 : i32
        %mul3A_186 = arith.muli %scan3A_58, %mul3A_185 : i32
        %add3A_187 = arith.constant 6 : i32
        %add3A_188 = arith.addi %mul3A_186, %add3A_187 : i32
        %mul3A_189 = arith.constant 16 : i32
        %mul3A_190 = arith.muli %add3A_188, %mul3A_189 : i32
        %get3A_191 = arith.index_cast %squeeze3A_184 : i32 to index
        %get3A_192 = tpu.vector_load %arg8[%get3A_191] {strides = array<i32>} : memref<82048xf32, #tpu.memory_space<vmem>>, vector<16xf32>,
        %get3A_193 = vector.shape_cast %get3A_192 : vector<16xf32> to vector<16xf32>
        %get3A_194 = arith.index_cast %mul3A_190 : i32 to index
        %get3A_195 = tpu.vector_load %arg7[%get3A_194] {strides = array<i32>} : memref<2048xf32, #tpu.memory_space<vmem>>, vector<16xf32>,
        %get3A_196 = vector.shape_cast %get3A_195 : vector<16xf32> to vector<16xf32>
        %add3A_197 = arith.addf %get3A_193, %get3A_196 : vector<16xf32>
        %swap3A_198 = arith.index_cast %squeeze3A_184 : i32 to index
        %swap3A_199 = tpu.vector_load %arg8[%swap3A_198] {strides = array<i32>} : memref<82048xf32, #tpu.memory_space<vmem>>, vector<16xf32>,
        %swap3A_200 = vector.shape_cast %swap3A_199 : vector<16xf32> to vector<16xf32>
        %swap3A_201 = vector.shape_cast %add3A_197 : vector<16xf32> to vector<16xf32>
        tpu.vector_store %arg8[%swap3A_198], %swap3A_201 {strides = array<i32>} : memref<82048xf32, #tpu.memory_space<vmem>>, vector<16xf32>,
        %slice3A_202 = vector.extract_strided_slice %mul3A_71 {offsets = [7], sizes = [1], strides = [1]} : vector<16xi32> to vector<1xi32>
        %squeeze3A_203 = vector.extract %slice3A_202[0] : i32 from vector<1xi32>
        %mul3A_204 = arith.constant 16 : i32
        %mul3A_205 = arith.muli %scan3A_58, %mul3A_204 : i32
        %add3A_206 = arith.constant 7 : i32
        %add3A_207 = arith.addi %mul3A_205, %add3A_206 : i32
        %mul3A_208 = arith.constant 16 : i32
        %mul3A_209 = arith.muli %add3A_207, %mul3A_208 : i32
        %get3A_210 = arith.index_cast %squeeze3A_203 : i32 to index
        %get3A_211 = tpu.vector_load %arg8[%get3A_210] {strides = array<i32>} : memref<82048xf32, #tpu.memory_space<vmem>>, vector<16xf32>,
        %get3A_212 = vector.shape_cast %get3A_211 : vector<16xf32> to vector<16xf32>
        %get3A_213 = arith.index_cast %mul3A_209 : i32 to index
        %get3A_214 = tpu.vector_load %arg7[%get3A_213] {strides = array<i32>} : memref<2048xf32, #tpu.memory_space<vmem>>, vector<16xf32>,
        %get3A_215 = vector.shape_cast %get3A_214 : vector<16xf32> to vector<16xf32>
        %add3A_216 = arith.addf %get3A_212, %get3A_215 : vector<16xf32>
        %swap3A_217 = arith.index_cast %squeeze3A_203 : i32 to index
        %swap3A_218 = tpu.vector_load %arg8[%swap3A_217] {strides = array<i32>} : memref<82048xf32, #tpu.memory_space<vmem>>, vector<16xf32>,
        %swap3A_219 = vector.shape_cast %swap3A_218 : vector<16xf32> to vector<16xf32>
        %swap3A_220 = vector.shape_cast %add3A_216 : vector<16xf32> to vector<16xf32>
        tpu.vector_store %arg8[%swap3A_217], %swap3A_220 {strides = array<i32>} : memref<82048xf32, #tpu.memory_space<vmem>>, vector<16xf32>,
        %slice3A_221 = vector.extract_strided_slice %mul3A_71 {offsets = [8], sizes = [1], strides = [1]} : vector<16xi32> to vector<1xi32>
        %squeeze3A_222 = vector.extract %slice3A_221[0] : i32 from vector<1xi32>
        %mul3A_223 = arith.constant 16 : i32
        %mul3A_224 = arith.muli %scan3A_58, %mul3A_223 : i32
        %add3A_225 = arith.constant 8 : i32
        %add3A_226 = arith.addi %mul3A_224, %add3A_225 : i32
        %mul3A_227 = arith.constant 16 : i32
        %mul3A_228 = arith.muli %add3A_226, %mul3A_227 : i32
        %get3A_229 = arith.index_cast %squeeze3A_222 : i32 to index
        %get3A_230 = tpu.vector_load %arg8[%get3A_229] {strides = array<i32>} : memref<82048xf32, #tpu.memory_space<vmem>>, vector<16xf32>,
        %get3A_231 = vector.shape_cast %get3A_230 : vector<16xf32> to vector<16xf32>
        %get3A_232 = arith.index_cast %mul3A_228 : i32 to index
        %get3A_233 = tpu.vector_load %arg7[%get3A_232] {strides = array<i32>} : memref<2048xf32, #tpu.memory_space<vmem>>, vector<16xf32>,
        %get3A_234 = vector.shape_cast %get3A_233 : vector<16xf32> to vector<16xf32>
        %add3A_235 = arith.addf %get3A_231, %get3A_234 : vector<16xf32>
        %swap3A_236 = arith.index_cast %squeeze3A_222 : i32 to index
        %swap3A_237 = tpu.vector_load %arg8[%swap3A_236] {strides = array<i32>} : memref<82048xf32, #tpu.memory_space<vmem>>, vector<16xf32>,
        %swap3A_238 = vector.shape_cast %swap3A_237 : vector<16xf32> to vector<16xf32>
        %swap3A_239 = vector.shape_cast %add3A_235 : vector<16xf32> to vector<16xf32>
        tpu.vector_store %arg8[%swap3A_236], %swap3A_239 {strides = array<i32>} : memref<82048xf32, #tpu.memory_space<vmem>>, vector<16xf32>,
        %slice3A_240 = vector.extract_strided_slice %mul3A_71 {offsets = [9], sizes = [1], strides = [1]} : vector<16xi32> to vector<1xi32>
        %squeeze3A_241 = vector.extract %slice3A_240[0] : i32 from vector<1xi32>
        %mul3A_242 = arith.constant 16 : i32
        %mul3A_243 = arith.muli %scan3A_58, %mul3A_242 : i32
        %add3A_244 = arith.constant 9 : i32
        %add3A_245 = arith.addi %mul3A_243, %add3A_244 : i32
        %mul3A_246 = arith.constant 16 : i32
        %mul3A_247 = arith.muli %add3A_245, %mul3A_246 : i32
        %get3A_248 = arith.index_cast %squeeze3A_241 : i32 to index
        %get3A_249 = tpu.vector_load %arg8[%get3A_248] {strides = array<i32>} : memref<82048xf32, #tpu.memory_space<vmem>>, vector<16xf32>,
        %get3A_250 = vector.shape_cast %get3A_249 : vector<16xf32> to vector<16xf32>
        %get3A_251 = arith.index_cast %mul3A_247 : i32 to index
        %get3A_252 = tpu.vector_load %arg7[%get3A_251] {strides = array<i32>} : memref<2048xf32, #tpu.memory_space<vmem>>, vector<16xf32>,
        %get3A_253 = vector.shape_cast %get3A_252 : vector<16xf32> to vector<16xf32>
        %add3A_254 = arith.addf %get3A_250, %get3A_253 : vector<16xf32>
        %swap3A_255 = arith.index_cast %squeeze3A_241 : i32 to index
        %swap3A_256 = tpu.vector_load %arg8[%swap3A_255] {strides = array<i32>} : memref<82048xf32, #tpu.memory_space<vmem>>, vector<16xf32>,
        %swap3A_257 = vector.shape_cast %swap3A_256 : vector<16xf32> to vector<16xf32>
        %swap3A_258 = vector.shape_cast %add3A_254 : vector<16xf32> to vector<16xf32>
        tpu.vector_store %arg8[%swap3A_255], %swap3A_258 {strides = array<i32>} : memref<82048xf32, #tpu.memory_space<vmem>>, vector<16xf32>,
        %slice3A_259 = vector.extract_strided_slice %mul3A_71 {offsets = [10], sizes = [1], strides = [1]} : vector<16xi32> to vector<1xi32>
        %squeeze3A_260 = vector.extract %slice3A_259[0] : i32 from vector<1xi32>
        %mul3A_261 = arith.constant 16 : i32
        %mul3A_262 = arith.muli %scan3A_58, %mul3A_261 : i32
        %add3A_263 = arith.constant 10 : i32
        %add3A_264 = arith.addi %mul3A_262, %add3A_263 : i32
        %mul3A_265 = arith.constant 16 : i32
        %mul3A_266 = arith.muli %add3A_264, %mul3A_265 : i32
        %get3A_267 = arith.index_cast %squeeze3A_260 : i32 to index
        %get3A_268 = tpu.vector_load %arg8[%get3A_267] {strides = array<i32>} : memref<82048xf32, #tpu.memory_space<vmem>>, vector<16xf32>,
        %get3A_269 = vector.shape_cast %get3A_268 : vector<16xf32> to vector<16xf32>
        %get3A_270 = arith.index_cast %mul3A_266 : i32 to index
        %get3A_271 = tpu.vector_load %arg7[%get3A_270] {strides = array<i32>} : memref<2048xf32, #tpu.memory_space<vmem>>, vector<16xf32>,
        %get3A_272 = vector.shape_cast %get3A_271 : vector<16xf32> to vector<16xf32>
        %add3A_273 = arith.addf %get3A_269, %get3A_272 : vector<16xf32>
        %swap3A_274 = arith.index_cast %squeeze3A_260 : i32 to index
        %swap3A_275 = tpu.vector_load %arg8[%swap3A_274] {strides = array<i32>} : memref<82048xf32, #tpu.memory_space<vmem>>, vector<16xf32>,
        %swap3A_276 = vector.shape_cast %swap3A_275 : vector<16xf32> to vector<16xf32>
        %swap3A_277 = vector.shape_cast %add3A_273 : vector<16xf32> to vector<16xf32>
        tpu.vector_store %arg8[%swap3A_274], %swap3A_277 {strides = array<i32>} : memref<82048xf32, #tpu.memory_space<vmem>>, vector<16xf32>,
        %slice3A_278 = vector.extract_strided_slice %mul3A_71 {offsets = [11], sizes = [1], strides = [1]} : vector<16xi32> to vector<1xi32>
        %squeeze3A_279 = vector.extract %slice3A_278[0] : i32 from vector<1xi32>
        %mul3A_280 = arith.constant 16 : i32
        %mul3A_281 = arith.muli %scan3A_58, %mul3A_280 : i32
        %add3A_282 = arith.constant 11 : i32
        %add3A_283 = arith.addi %mul3A_281, %add3A_282 : i32
        %mul3A_284 = arith.constant 16 : i32
        %mul3A_285 = arith.muli %add3A_283, %mul3A_284 : i32
        %get3A_286 = arith.index_cast %squeeze3A_279 : i32 to index
        %get3A_287 = tpu.vector_load %arg8[%get3A_286] {strides = array<i32>} : memref<82048xf32, #tpu.memory_space<vmem>>, vector<16xf32>,
        %get3A_288 = vector.shape_cast %get3A_287 : vector<16xf32> to vector<16xf32>
        %get3A_289 = arith.index_cast %mul3A_285 : i32 to index
        %get3A_290 = tpu.vector_load %arg7[%get3A_289] {strides = array<i32>} : memref<2048xf32, #tpu.memory_space<vmem>>, vector<16xf32>,
        %get3A_291 = vector.shape_cast %get3A_290 : vector<16xf32> to vector<16xf32>
        %add3A_292 = arith.addf %get3A_288, %get3A_291 : vector<16xf32>
        %swap3A_293 = arith.index_cast %squeeze3A_279 : i32 to index
        %swap3A_294 = tpu.vector_load %arg8[%swap3A_293] {strides = array<i32>} : memref<82048xf32, #tpu.memory_space<vmem>>, vector<16xf32>,
        %swap3A_295 = vector.shape_cast %swap3A_294 : vector<16xf32> to vector<16xf32>
        %swap3A_296 = vector.shape_cast %add3A_292 : vector<16xf32> to vector<16xf32>
        tpu.vector_store %arg8[%swap3A_293], %swap3A_296 {strides = array<i32>} : memref<82048xf32, #tpu.memory_space<vmem>>, vector<16xf32>,
        %slice3A_297 = vector.extract_strided_slice %mul3A_71 {offsets = [12], sizes = [1], strides = [1]} : vector<16xi32> to vector<1xi32>
        %squeeze3A_298 = vector.extract %slice3A_297[0] : i32 from vector<1xi32>
        %mul3A_299 = arith.constant 16 : i32
        %mul3A_300 = arith.muli %scan3A_58, %mul3A_299 : i32
        %add3A_301 = arith.constant 12 : i32
        %add3A_302 = arith.addi %mul3A_300, %add3A_301 : i32
        %mul3A_303 = arith.constant 16 : i32
        %mul3A_304 = arith.muli %add3A_302, %mul3A_303 : i32
        %get3A_305 = arith.index_cast %squeeze3A_298 : i32 to index
        %get3A_306 = tpu.vector_load %arg8[%get3A_305] {strides = array<i32>} : memref<82048xf32, #tpu.memory_space<vmem>>, vector<16xf32>,
        %get3A_307 = vector.shape_cast %get3A_306 : vector<16xf32> to vector<16xf32>
        %get3A_308 = arith.index_cast %mul3A_304 : i32 to index
        %get3A_309 = tpu.vector_load %arg7[%get3A_308] {strides = array<i32>} : memref<2048xf32, #tpu.memory_space<vmem>>, vector<16xf32>,
        %get3A_310 = vector.shape_cast %get3A_309 : vector<16xf32> to vector<16xf32>
        %add3A_311 = arith.addf %get3A_307, %get3A_310 : vector<16xf32>
        %swap3A_312 = arith.index_cast %squeeze3A_298 : i32 to index
        %swap3A_313 = tpu.vector_load %arg8[%swap3A_312] {strides = array<i32>} : memref<82048xf32, #tpu.memory_space<vmem>>, vector<16xf32>,
        %swap3A_314 = vector.shape_cast %swap3A_313 : vector<16xf32> to vector<16xf32>
        %swap3A_315 = vector.shape_cast %add3A_311 : vector<16xf32> to vector<16xf32>
        tpu.vector_store %arg8[%swap3A_312], %swap3A_315 {strides = array<i32>} : memref<82048xf32, #tpu.memory_space<vmem>>, vector<16xf32>,
        %slice3A_316 = vector.extract_strided_slice %mul3A_71 {offsets = [13], sizes = [1], strides = [1]} : vector<16xi32> to vector<1xi32>
        %squeeze3A_317 = vector.extract %slice3A_316[0] : i32 from vector<1xi32>
        %mul3A_318 = arith.constant 16 : i32
        %mul3A_319 = arith.muli %scan3A_58, %mul3A_318 : i32
        %add3A_320 = arith.constant 13 : i32
        %add3A_321 = arith.addi %mul3A_319, %add3A_320 : i32
        %mul3A_322 = arith.constant 16 : i32
        %mul3A_323 = arith.muli %add3A_321, %mul3A_322 : i32
        %get3A_324 = arith.index_cast %squeeze3A_317 : i32 to index
        %get3A_325 = tpu.vector_load %arg8[%get3A_324] {strides = array<i32>} : memref<82048xf32, #tpu.memory_space<vmem>>, vector<16xf32>,
        %get3A_326 = vector.shape_cast %get3A_325 : vector<16xf32> to vector<16xf32>
        %get3A_327 = arith.index_cast %mul3A_323 : i32 to index
        %get3A_328 = tpu.vector_load %arg7[%get3A_327] {strides = array<i32>} : memref<2048xf32, #tpu.memory_space<vmem>>, vector<16xf32>,
        %get3A_329 = vector.shape_cast %get3A_328 : vector<16xf32> to vector<16xf32>
        %add3A_330 = arith.addf %get3A_326, %get3A_329 : vector<16xf32>
        %swap3A_331 = arith.index_cast %squeeze3A_317 : i32 to index
        %swap3A_332 = tpu.vector_load %arg8[%swap3A_331] {strides = array<i32>} : memref<82048xf32, #tpu.memory_space<vmem>>, vector<16xf32>,
        %swap3A_333 = vector.shape_cast %swap3A_332 : vector<16xf32> to vector<16xf32>
        %swap3A_334 = vector.shape_cast %add3A_330 : vector<16xf32> to vector<16xf32>
        tpu.vector_store %arg8[%swap3A_331], %swap3A_334 {strides = array<i32>} : memref<82048xf32, #tpu.memory_space<vmem>>, vector<16xf32>,
        %slice3A_335 = vector.extract_strided_slice %mul3A_71 {offsets = [14], sizes = [1], strides = [1]} : vector<16xi32> to vector<1xi32>
        %squeeze3A_336 = vector.extract %slice3A_335[0] : i32 from vector<1xi32>
        %mul3A_337 = arith.constant 16 : i32
        %mul3A_338 = arith.muli %scan3A_58, %mul3A_337 : i32
        %add3A_339 = arith.constant 14 : i32
        %add3A_340 = arith.addi %mul3A_338, %add3A_339 : i32
        %mul3A_341 = arith.constant 16 : i32
        %mul3A_342 = arith.muli %add3A_340, %mul3A_341 : i32
        %get3A_343 = arith.index_cast %squeeze3A_336 : i32 to index
        %get3A_344 = tpu.vector_load %arg8[%get3A_343] {strides = array<i32>} : memref<82048xf32, #tpu.memory_space<vmem>>, vector<16xf32>,
        %get3A_345 = vector.shape_cast %get3A_344 : vector<16xf32> to vector<16xf32>
        %get3A_346 = arith.index_cast %mul3A_342 : i32 to index
        %get3A_347 = tpu.vector_load %arg7[%get3A_346] {strides = array<i32>} : memref<2048xf32, #tpu.memory_space<vmem>>, vector<16xf32>,
        %get3A_348 = vector.shape_cast %get3A_347 : vector<16xf32> to vector<16xf32>
        %add3A_349 = arith.addf %get3A_345, %get3A_348 : vector<16xf32>
        %swap3A_350 = arith.index_cast %squeeze3A_336 : i32 to index
        %swap3A_351 = tpu.vector_load %arg8[%swap3A_350] {strides = array<i32>} : memref<82048xf32, #tpu.memory_space<vmem>>, vector<16xf32>,
        %swap3A_352 = vector.shape_cast %swap3A_351 : vector<16xf32> to vector<16xf32>
        %swap3A_353 = vector.shape_cast %add3A_349 : vector<16xf32> to vector<16xf32>
        tpu.vector_store %arg8[%swap3A_350], %swap3A_353 {strides = array<i32>} : memref<82048xf32, #tpu.memory_space<vmem>>, vector<16xf32>,
        %slice3A_354 = vector.extract_strided_slice %mul3A_71 {offsets = [15], sizes = [1], strides = [1]} : vector<16xi32> to vector<1xi32>
        %squeeze3A_355 = vector.extract %slice3A_354[0] : i32 from vector<1xi32>
        %mul3A_356 = arith.constant 16 : i32
        %mul3A_357 = arith.muli %scan3A_58, %mul3A_356 : i32
        %add3A_358 = arith.constant 15 : i32
        %add3A_359 = arith.addi %mul3A_357, %add3A_358 : i32
        %mul3A_360 = arith.constant 16 : i32
        %mul3A_361 = arith.muli %add3A_359, %mul3A_360 : i32
        %get3A_362 = arith.index_cast %squeeze3A_355 : i32 to index
        %get3A_363 = tpu.vector_load %arg8[%get3A_362] {strides = array<i32>} : memref<82048xf32, #tpu.memory_space<vmem>>, vector<16xf32>,
        %get3A_364 = vector.shape_cast %get3A_363 : vector<16xf32> to vector<16xf32>
        %get3A_365 = arith.index_cast %mul3A_361 : i32 to index
        %get3A_366 = tpu.vector_load %arg7[%get3A_365] {strides = array<i32>} : memref<2048xf32, #tpu.memory_space<vmem>>, vector<16xf32>,
        %get3A_367 = vector.shape_cast %get3A_366 : vector<16xf32> to vector<16xf32>
        %add3A_368 = arith.addf %get3A_364, %get3A_367 : vector<16xf32>
        %swap3A_369 = arith.index_cast %squeeze3A_355 : i32 to index
        %swap3A_370 = tpu.vector_load %arg8[%swap3A_369] {strides = array<i32>} : memref<82048xf32, #tpu.memory_space<vmem>>, vector<16xf32>,
        %swap3A_371 = vector.shape_cast %swap3A_370 : vector<16xf32> to vector<16xf32>
        %swap3A_372 = vector.shape_cast %add3A_368 : vector<16xf32> to vector<16xf32>
        tpu.vector_store %arg8[%swap3A_369], %swap3A_372 {strides = array<i32>} : memref<82048xf32, #tpu.memory_space<vmem>>, vector<16xf32>,
        %shift_right_arithmetic3A = arith.constant 4 : i32
        %shift_right_arithmetic3A_373 = vector.broadcast %shift_right_arithmetic3A : i32 to vector<16xi32>
        %shift_right_arithmetic3A_374 = arith.shrsi %get3A_62, %shift_right_arithmetic3A_373 : vector<16xi32>
        %mul3A_375 = arith.constant 16 : i32
        %mul3A_376 = vector.broadcast %mul3A_375 : i32 to vector<16xi32>
        %mul3A_377 = arith.muli %shift_right_arithmetic3A_374, %mul3A_376 : vector<16xi32>
        %and3A_378 = arith.constant 15 : i32
        %and3A_379 = vector.broadcast %and3A_378 : i32 to vector<16xi32>
        %and3A_380 = arith.andi %get3A_62, %and3A_379 : vector<16xi32>
        %slice3A_381 = vector.extract_strided_slice %mul3A_377 {offsets = [0], sizes = [1], strides = [1]} : vector<16xi32> to vector<1xi32>
        %squeeze3A_382 = vector.extract %slice3A_381[0] : i32 from vector<1xi32>
        %slice3A_383 = vector.extract_strided_slice %and3A_380 {offsets = [0], sizes = [1], strides = [1]} : vector<16xi32> to vector<1xi32>
        %squeeze3A_384 = vector.extract %slice3A_383[0] : i32 from vector<1xi32>
        %eq3A = vector.broadcast %squeeze3A_384 : i32 to vector<16xi32>
        %eq3A_385 = arith.cmpi eq, %iota3A, %eq3A : vector<16xi32>
        %jit3A_386 = arith.constant 1.000000e+00 : f32
        %jit3A_387 = arith.constant 0.000000e+00 : f32
        %broadcast_in_dim3A_388 = vector.broadcast %jit3A_386 : f32 to vector<16xf32>
        %broadcast_in_dim3A_389 = vector.broadcast %jit3A_387 : f32 to vector<16xf32>
        %select_n3A_390 = arith.select %eq3A_385, %broadcast_in_dim3A_388, %broadcast_in_dim3A_389 : vector<16xi1>, vector<16xf32>
        %get3A_391 = arith.index_cast %squeeze3A_382 : i32 to index
        %get3A_392 = tpu.vector_load %arg9[%get3A_391] {strides = array<i32>} : memref<10240xf32, #tpu.memory_space<vmem>>, vector<16xf32>,
        %get3A_393 = vector.shape_cast %get3A_392 : vector<16xf32> to vector<16xf32>
        %add3A_394 = arith.addf %get3A_393, %select_n3A_390 : vector<16xf32>
        %swap3A_395 = arith.index_cast %squeeze3A_382 : i32 to index
        %swap3A_396 = tpu.vector_load %arg9[%swap3A_395] {strides = array<i32>} : memref<10240xf32, #tpu.memory_space<vmem>>, vector<16xf32>,
        %swap3A_397 = vector.shape_cast %swap3A_396 : vector<16xf32> to vector<16xf32>
        %swap3A_398 = vector.shape_cast %add3A_394 : vector<16xf32> to vector<16xf32>
        tpu.vector_store %arg9[%swap3A_395], %swap3A_398 {strides = array<i32>} : memref<10240xf32, #tpu.memory_space<vmem>>, vector<16xf32>,
        %slice3A_399 = vector.extract_strided_slice %mul3A_377 {offsets = [1], sizes = [1], strides = [1]} : vector<16xi32> to vector<1xi32>
        %squeeze3A_400 = vector.extract %slice3A_399[0] : i32 from vector<1xi32>
        %slice3A_401 = vector.extract_strided_slice %and3A_380 {offsets = [1], sizes = [1], strides = [1]} : vector<16xi32> to vector<1xi32>
        %squeeze3A_402 = vector.extract %slice3A_401[0] : i32 from vector<1xi32>
        %eq3A_403 = vector.broadcast %squeeze3A_402 : i32 to vector<16xi32>
        %eq3A_404 = arith.cmpi eq, %iota3A, %eq3A_403 : vector<16xi32>
        %jit3A_405 = arith.constant 1.000000e+00 : f32
        %jit3A_406 = arith.constant 0.000000e+00 : f32
        %broadcast_in_dim3A_407 = vector.broadcast %jit3A_405 : f32 to vector<16xf32>
        %broadcast_in_dim3A_408 = vector.broadcast %jit3A_406 : f32 to vector<16xf32>
        %select_n3A_409 = arith.select %eq3A_404, %broadcast_in_dim3A_407, %broadcast_in_dim3A_408 : vector<16xi1>, vector<16xf32>
        %get3A_410 = arith.index_cast %squeeze3A_400 : i32 to index
        %get3A_411 = tpu.vector_load %arg9[%get3A_410] {strides = array<i32>} : memref<10240xf32, #tpu.memory_space<vmem>>, vector<16xf32>,
        %get3A_412 = vector.shape_cast %get3A_411 : vector<16xf32> to vector<16xf32>
        %add3A_413 = arith.addf %get3A_412, %select_n3A_409 : vector<16xf32>
        %swap3A_414 = arith.index_cast %squeeze3A_400 : i32 to index
        %swap3A_415 = tpu.vector_load %arg9[%swap3A_414] {strides = array<i32>} : memref<10240xf32, #tpu.memory_space<vmem>>, vector<16xf32>,
        %swap3A_416 = vector.shape_cast %swap3A_415 : vector<16xf32> to vector<16xf32>
        %swap3A_417 = vector.shape_cast %add3A_413 : vector<16xf32> to vector<16xf32>
        tpu.vector_store %arg9[%swap3A_414], %swap3A_417 {strides = array<i32>} : memref<10240xf32, #tpu.memory_space<vmem>>, vector<16xf32>,
        %slice3A_418 = vector.extract_strided_slice %mul3A_377 {offsets = [2], sizes = [1], strides = [1]} : vector<16xi32> to vector<1xi32>
        %squeeze3A_419 = vector.extract %slice3A_418[0] : i32 from vector<1xi32>
        %slice3A_420 = vector.extract_strided_slice %and3A_380 {offsets = [2], sizes = [1], strides = [1]} : vector<16xi32> to vector<1xi32>
        %squeeze3A_421 = vector.extract %slice3A_420[0] : i32 from vector<1xi32>
        %eq3A_422 = vector.broadcast %squeeze3A_421 : i32 to vector<16xi32>
        %eq3A_423 = arith.cmpi eq, %iota3A, %eq3A_422 : vector<16xi32>
        %jit3A_424 = arith.constant 1.000000e+00 : f32
        %jit3A_425 = arith.constant 0.000000e+00 : f32
        %broadcast_in_dim3A_426 = vector.broadcast %jit3A_424 : f32 to vector<16xf32>
        %broadcast_in_dim3A_427 = vector.broadcast %jit3A_425 : f32 to vector<16xf32>
        %select_n3A_428 = arith.select %eq3A_423, %broadcast_in_dim3A_426, %broadcast_in_dim3A_427 : vector<16xi1>, vector<16xf32>
        %get3A_429 = arith.index_cast %squeeze3A_419 : i32 to index
        %get3A_430 = tpu.vector_load %arg9[%get3A_429] {strides = array<i32>} : memref<10240xf32, #tpu.memory_space<vmem>>, vector<16xf32>,
        %get3A_431 = vector.shape_cast %get3A_430 : vector<16xf32> to vector<16xf32>
        %add3A_432 = arith.addf %get3A_431, %select_n3A_428 : vector<16xf32>
        %swap3A_433 = arith.index_cast %squeeze3A_419 : i32 to index
        %swap3A_434 = tpu.vector_load %arg9[%swap3A_433] {strides = array<i32>} : memref<10240xf32, #tpu.memory_space<vmem>>, vector<16xf32>,
        %swap3A_435 = vector.shape_cast %swap3A_434 : vector<16xf32> to vector<16xf32>
        %swap3A_436 = vector.shape_cast %add3A_432 : vector<16xf32> to vector<16xf32>
        tpu.vector_store %arg9[%swap3A_433], %swap3A_436 {strides = array<i32>} : memref<10240xf32, #tpu.memory_space<vmem>>, vector<16xf32>,
        %slice3A_437 = vector.extract_strided_slice %mul3A_377 {offsets = [3], sizes = [1], strides = [1]} : vector<16xi32> to vector<1xi32>
        %squeeze3A_438 = vector.extract %slice3A_437[0] : i32 from vector<1xi32>
        %slice3A_439 = vector.extract_strided_slice %and3A_380 {offsets = [3], sizes = [1], strides = [1]} : vector<16xi32> to vector<1xi32>
        %squeeze3A_440 = vector.extract %slice3A_439[0] : i32 from vector<1xi32>
        %eq3A_441 = vector.broadcast %squeeze3A_440 : i32 to vector<16xi32>
        %eq3A_442 = arith.cmpi eq, %iota3A, %eq3A_441 : vector<16xi32>
        %jit3A_443 = arith.constant 1.000000e+00 : f32
        %jit3A_444 = arith.constant 0.000000e+00 : f32
        %broadcast_in_dim3A_445 = vector.broadcast %jit3A_443 : f32 to vector<16xf32>
        %broadcast_in_dim3A_446 = vector.broadcast %jit3A_444 : f32 to vector<16xf32>
        %select_n3A_447 = arith.select %eq3A_442, %broadcast_in_dim3A_445, %broadcast_in_dim3A_446 : vector<16xi1>, vector<16xf32>
        %get3A_448 = arith.index_cast %squeeze3A_438 : i32 to index
        %get3A_449 = tpu.vector_load %arg9[%get3A_448] {strides = array<i32>} : memref<10240xf32, #tpu.memory_space<vmem>>, vector<16xf32>,
        %get3A_450 = vector.shape_cast %get3A_449 : vector<16xf32> to vector<16xf32>
        %add3A_451 = arith.addf %get3A_450, %select_n3A_447 : vector<16xf32>
        %swap3A_452 = arith.index_cast %squeeze3A_438 : i32 to index
        %swap3A_453 = tpu.vector_load %arg9[%swap3A_452] {strides = array<i32>} : memref<10240xf32, #tpu.memory_space<vmem>>, vector<16xf32>,
        %swap3A_454 = vector.shape_cast %swap3A_453 : vector<16xf32> to vector<16xf32>
        %swap3A_455 = vector.shape_cast %add3A_451 : vector<16xf32> to vector<16xf32>
        tpu.vector_store %arg9[%swap3A_452], %swap3A_455 {strides = array<i32>} : memref<10240xf32, #tpu.memory_space<vmem>>, vector<16xf32>,
        %slice3A_456 = vector.extract_strided_slice %mul3A_377 {offsets = [4], sizes = [1], strides = [1]} : vector<16xi32> to vector<1xi32>
        %squeeze3A_457 = vector.extract %slice3A_456[0] : i32 from vector<1xi32>
        %slice3A_458 = vector.extract_strided_slice %and3A_380 {offsets = [4], sizes = [1], strides = [1]} : vector<16xi32> to vector<1xi32>
        %squeeze3A_459 = vector.extract %slice3A_458[0] : i32 from vector<1xi32>
        %eq3A_460 = vector.broadcast %squeeze3A_459 : i32 to vector<16xi32>
        %eq3A_461 = arith.cmpi eq, %iota3A, %eq3A_460 : vector<16xi32>
        %jit3A_462 = arith.constant 1.000000e+00 : f32
        %jit3A_463 = arith.constant 0.000000e+00 : f32
        %broadcast_in_dim3A_464 = vector.broadcast %jit3A_462 : f32 to vector<16xf32>
        %broadcast_in_dim3A_465 = vector.broadcast %jit3A_463 : f32 to vector<16xf32>
        %select_n3A_466 = arith.select %eq3A_461, %broadcast_in_dim3A_464, %broadcast_in_dim3A_465 : vector<16xi1>, vector<16xf32>
        %get3A_467 = arith.index_cast %squeeze3A_457 : i32 to index
        %get3A_468 = tpu.vector_load %arg9[%get3A_467] {strides = array<i32>} : memref<10240xf32, #tpu.memory_space<vmem>>, vector<16xf32>,
        %get3A_469 = vector.shape_cast %get3A_468 : vector<16xf32> to vector<16xf32>
        %add3A_470 = arith.addf %get3A_469, %select_n3A_466 : vector<16xf32>
        %swap3A_471 = arith.index_cast %squeeze3A_457 : i32 to index
        %swap3A_472 = tpu.vector_load %arg9[%swap3A_471] {strides = array<i32>} : memref<10240xf32, #tpu.memory_space<vmem>>, vector<16xf32>,
        %swap3A_473 = vector.shape_cast %swap3A_472 : vector<16xf32> to vector<16xf32>
        %swap3A_474 = vector.shape_cast %add3A_470 : vector<16xf32> to vector<16xf32>
        tpu.vector_store %arg9[%swap3A_471], %swap3A_474 {strides = array<i32>} : memref<10240xf32, #tpu.memory_space<vmem>>, vector<16xf32>,
        %slice3A_475 = vector.extract_strided_slice %mul3A_377 {offsets = [5], sizes = [1], strides = [1]} : vector<16xi32> to vector<1xi32>
        %squeeze3A_476 = vector.extract %slice3A_475[0] : i32 from vector<1xi32>
        %slice3A_477 = vector.extract_strided_slice %and3A_380 {offsets = [5], sizes = [1], strides = [1]} : vector<16xi32> to vector<1xi32>
        %squeeze3A_478 = vector.extract %slice3A_477[0] : i32 from vector<1xi32>
        %eq3A_479 = vector.broadcast %squeeze3A_478 : i32 to vector<16xi32>
        %eq3A_480 = arith.cmpi eq, %iota3A, %eq3A_479 : vector<16xi32>
        %jit3A_481 = arith.constant 1.000000e+00 : f32
        %jit3A_482 = arith.constant 0.000000e+00 : f32
        %broadcast_in_dim3A_483 = vector.broadcast %jit3A_481 : f32 to vector<16xf32>
        %broadcast_in_dim3A_484 = vector.broadcast %jit3A_482 : f32 to vector<16xf32>
        %select_n3A_485 = arith.select %eq3A_480, %broadcast_in_dim3A_483, %broadcast_in_dim3A_484 : vector<16xi1>, vector<16xf32>
        %get3A_486 = arith.index_cast %squeeze3A_476 : i32 to index
        %get3A_487 = tpu.vector_load %arg9[%get3A_486] {strides = array<i32>} : memref<10240xf32, #tpu.memory_space<vmem>>, vector<16xf32>,
        %get3A_488 = vector.shape_cast %get3A_487 : vector<16xf32> to vector<16xf32>
        %add3A_489 = arith.addf %get3A_488, %select_n3A_485 : vector<16xf32>
        %swap3A_490 = arith.index_cast %squeeze3A_476 : i32 to index
        %swap3A_491 = tpu.vector_load %arg9[%swap3A_490] {strides = array<i32>} : memref<10240xf32, #tpu.memory_space<vmem>>, vector<16xf32>,
        %swap3A_492 = vector.shape_cast %swap3A_491 : vector<16xf32> to vector<16xf32>
        %swap3A_493 = vector.shape_cast %add3A_489 : vector<16xf32> to vector<16xf32>
        tpu.vector_store %arg9[%swap3A_490], %swap3A_493 {strides = array<i32>} : memref<10240xf32, #tpu.memory_space<vmem>>, vector<16xf32>,
        %slice3A_494 = vector.extract_strided_slice %mul3A_377 {offsets = [6], sizes = [1], strides = [1]} : vector<16xi32> to vector<1xi32>
        %squeeze3A_495 = vector.extract %slice3A_494[0] : i32 from vector<1xi32>
        %slice3A_496 = vector.extract_strided_slice %and3A_380 {offsets = [6], sizes = [1], strides = [1]} : vector<16xi32> to vector<1xi32>
        %squeeze3A_497 = vector.extract %slice3A_496[0] : i32 from vector<1xi32>
        %eq3A_498 = vector.broadcast %squeeze3A_497 : i32 to vector<16xi32>
        %eq3A_499 = arith.cmpi eq, %iota3A, %eq3A_498 : vector<16xi32>
        %jit3A_500 = arith.constant 1.000000e+00 : f32
        %jit3A_501 = arith.constant 0.000000e+00 : f32
        %broadcast_in_dim3A_502 = vector.broadcast %jit3A_500 : f32 to vector<16xf32>
        %broadcast_in_dim3A_503 = vector.broadcast %jit3A_501 : f32 to vector<16xf32>
        %select_n3A_504 = arith.select %eq3A_499, %broadcast_in_dim3A_502, %broadcast_in_dim3A_503 : vector<16xi1>, vector<16xf32>
        %get3A_505 = arith.index_cast %squeeze3A_495 : i32 to index
        %get3A_506 = tpu.vector_load %arg9[%get3A_505] {strides = array<i32>} : memref<10240xf32, #tpu.memory_space<vmem>>, vector<16xf32>,
        %get3A_507 = vector.shape_cast %get3A_506 : vector<16xf32> to vector<16xf32>
        %add3A_508 = arith.addf %get3A_507, %select_n3A_504 : vector<16xf32>
        %swap3A_509 = arith.index_cast %squeeze3A_495 : i32 to index
        %swap3A_510 = tpu.vector_load %arg9[%swap3A_509] {strides = array<i32>} : memref<10240xf32, #tpu.memory_space<vmem>>, vector<16xf32>,
        %swap3A_511 = vector.shape_cast %swap3A_510 : vector<16xf32> to vector<16xf32>
        %swap3A_512 = vector.shape_cast %add3A_508 : vector<16xf32> to vector<16xf32>
        tpu.vector_store %arg9[%swap3A_509], %swap3A_512 {strides = array<i32>} : memref<10240xf32, #tpu.memory_space<vmem>>, vector<16xf32>,
        %slice3A_513 = vector.extract_strided_slice %mul3A_377 {offsets = [7], sizes = [1], strides = [1]} : vector<16xi32> to vector<1xi32>
        %squeeze3A_514 = vector.extract %slice3A_513[0] : i32 from vector<1xi32>
        %slice3A_515 = vector.extract_strided_slice %and3A_380 {offsets = [7], sizes = [1], strides = [1]} : vector<16xi32> to vector<1xi32>
        %squeeze3A_516 = vector.extract %slice3A_515[0] : i32 from vector<1xi32>
        %eq3A_517 = vector.broadcast %squeeze3A_516 : i32 to vector<16xi32>
        %eq3A_518 = arith.cmpi eq, %iota3A, %eq3A_517 : vector<16xi32>
        %jit3A_519 = arith.constant 1.000000e+00 : f32
        %jit3A_520 = arith.constant 0.000000e+00 : f32
        %broadcast_in_dim3A_521 = vector.broadcast %jit3A_519 : f32 to vector<16xf32>
        %broadcast_in_dim3A_522 = vector.broadcast %jit3A_520 : f32 to vector<16xf32>
        %select_n3A_523 = arith.select %eq3A_518, %broadcast_in_dim3A_521, %broadcast_in_dim3A_522 : vector<16xi1>, vector<16xf32>
        %get3A_524 = arith.index_cast %squeeze3A_514 : i32 to index
        %get3A_525 = tpu.vector_load %arg9[%get3A_524] {strides = array<i32>} : memref<10240xf32, #tpu.memory_space<vmem>>, vector<16xf32>,
        %get3A_526 = vector.shape_cast %get3A_525 : vector<16xf32> to vector<16xf32>
        %add3A_527 = arith.addf %get3A_526, %select_n3A_523 : vector<16xf32>
        %swap3A_528 = arith.index_cast %squeeze3A_514 : i32 to index
        %swap3A_529 = tpu.vector_load %arg9[%swap3A_528] {strides = array<i32>} : memref<10240xf32, #tpu.memory_space<vmem>>, vector<16xf32>,
        %swap3A_530 = vector.shape_cast %swap3A_529 : vector<16xf32> to vector<16xf32>
        %swap3A_531 = vector.shape_cast %add3A_527 : vector<16xf32> to vector<16xf32>
        tpu.vector_store %arg9[%swap3A_528], %swap3A_531 {strides = array<i32>} : memref<10240xf32, #tpu.memory_space<vmem>>, vector<16xf32>,
        %slice3A_532 = vector.extract_strided_slice %mul3A_377 {offsets = [8], sizes = [1], strides = [1]} : vector<16xi32> to vector<1xi32>
        %squeeze3A_533 = vector.extract %slice3A_532[0] : i32 from vector<1xi32>
        %slice3A_534 = vector.extract_strided_slice %and3A_380 {offsets = [8], sizes = [1], strides = [1]} : vector<16xi32> to vector<1xi32>
        %squeeze3A_535 = vector.extract %slice3A_534[0] : i32 from vector<1xi32>
        %eq3A_536 = vector.broadcast %squeeze3A_535 : i32 to vector<16xi32>
        %eq3A_537 = arith.cmpi eq, %iota3A, %eq3A_536 : vector<16xi32>
        %jit3A_538 = arith.constant 1.000000e+00 : f32
        %jit3A_539 = arith.constant 0.000000e+00 : f32
        %broadcast_in_dim3A_540 = vector.broadcast %jit3A_538 : f32 to vector<16xf32>
        %broadcast_in_dim3A_541 = vector.broadcast %jit3A_539 : f32 to vector<16xf32>
        %select_n3A_542 = arith.select %eq3A_537, %broadcast_in_dim3A_540, %broadcast_in_dim3A_541 : vector<16xi1>, vector<16xf32>
        %get3A_543 = arith.index_cast %squeeze3A_533 : i32 to index
        %get3A_544 = tpu.vector_load %arg9[%get3A_543] {strides = array<i32>} : memref<10240xf32, #tpu.memory_space<vmem>>, vector<16xf32>,
        %get3A_545 = vector.shape_cast %get3A_544 : vector<16xf32> to vector<16xf32>
        %add3A_546 = arith.addf %get3A_545, %select_n3A_542 : vector<16xf32>
        %swap3A_547 = arith.index_cast %squeeze3A_533 : i32 to index
        %swap3A_548 = tpu.vector_load %arg9[%swap3A_547] {strides = array<i32>} : memref<10240xf32, #tpu.memory_space<vmem>>, vector<16xf32>,
        %swap3A_549 = vector.shape_cast %swap3A_548 : vector<16xf32> to vector<16xf32>
        %swap3A_550 = vector.shape_cast %add3A_546 : vector<16xf32> to vector<16xf32>
        tpu.vector_store %arg9[%swap3A_547], %swap3A_550 {strides = array<i32>} : memref<10240xf32, #tpu.memory_space<vmem>>, vector<16xf32>,
        %slice3A_551 = vector.extract_strided_slice %mul3A_377 {offsets = [9], sizes = [1], strides = [1]} : vector<16xi32> to vector<1xi32>
        %squeeze3A_552 = vector.extract %slice3A_551[0] : i32 from vector<1xi32>
        %slice3A_553 = vector.extract_strided_slice %and3A_380 {offsets = [9], sizes = [1], strides = [1]} : vector<16xi32> to vector<1xi32>
        %squeeze3A_554 = vector.extract %slice3A_553[0] : i32 from vector<1xi32>
        %eq3A_555 = vector.broadcast %squeeze3A_554 : i32 to vector<16xi32>
        %eq3A_556 = arith.cmpi eq, %iota3A, %eq3A_555 : vector<16xi32>
        %jit3A_557 = arith.constant 1.000000e+00 : f32
        %jit3A_558 = arith.constant 0.000000e+00 : f32
        %broadcast_in_dim3A_559 = vector.broadcast %jit3A_557 : f32 to vector<16xf32>
        %broadcast_in_dim3A_560 = vector.broadcast %jit3A_558 : f32 to vector<16xf32>
        %select_n3A_561 = arith.select %eq3A_556, %broadcast_in_dim3A_559, %broadcast_in_dim3A_560 : vector<16xi1>, vector<16xf32>
        %get3A_562 = arith.index_cast %squeeze3A_552 : i32 to index
        %get3A_563 = tpu.vector_load %arg9[%get3A_562] {strides = array<i32>} : memref<10240xf32, #tpu.memory_space<vmem>>, vector<16xf32>,
        %get3A_564 = vector.shape_cast %get3A_563 : vector<16xf32> to vector<16xf32>
        %add3A_565 = arith.addf %get3A_564, %select_n3A_561 : vector<16xf32>
        %swap3A_566 = arith.index_cast %squeeze3A_552 : i32 to index
        %swap3A_567 = tpu.vector_load %arg9[%swap3A_566] {strides = array<i32>} : memref<10240xf32, #tpu.memory_space<vmem>>, vector<16xf32>,
        %swap3A_568 = vector.shape_cast %swap3A_567 : vector<16xf32> to vector<16xf32>
        %swap3A_569 = vector.shape_cast %add3A_565 : vector<16xf32> to vector<16xf32>
        tpu.vector_store %arg9[%swap3A_566], %swap3A_569 {strides = array<i32>} : memref<10240xf32, #tpu.memory_space<vmem>>, vector<16xf32>,
        %slice3A_570 = vector.extract_strided_slice %mul3A_377 {offsets = [10], sizes = [1], strides = [1]} : vector<16xi32> to vector<1xi32>
        %squeeze3A_571 = vector.extract %slice3A_570[0] : i32 from vector<1xi32>
        %slice3A_572 = vector.extract_strided_slice %and3A_380 {offsets = [10], sizes = [1], strides = [1]} : vector<16xi32> to vector<1xi32>
        %squeeze3A_573 = vector.extract %slice3A_572[0] : i32 from vector<1xi32>
        %eq3A_574 = vector.broadcast %squeeze3A_573 : i32 to vector<16xi32>
        %eq3A_575 = arith.cmpi eq, %iota3A, %eq3A_574 : vector<16xi32>
        %jit3A_576 = arith.constant 1.000000e+00 : f32
        %jit3A_577 = arith.constant 0.000000e+00 : f32
        %broadcast_in_dim3A_578 = vector.broadcast %jit3A_576 : f32 to vector<16xf32>
        %broadcast_in_dim3A_579 = vector.broadcast %jit3A_577 : f32 to vector<16xf32>
        %select_n3A_580 = arith.select %eq3A_575, %broadcast_in_dim3A_578, %broadcast_in_dim3A_579 : vector<16xi1>, vector<16xf32>
        %get3A_581 = arith.index_cast %squeeze3A_571 : i32 to index
        %get3A_582 = tpu.vector_load %arg9[%get3A_581] {strides = array<i32>} : memref<10240xf32, #tpu.memory_space<vmem>>, vector<16xf32>,
        %get3A_583 = vector.shape_cast %get3A_582 : vector<16xf32> to vector<16xf32>
        %add3A_584 = arith.addf %get3A_583, %select_n3A_580 : vector<16xf32>
        %swap3A_585 = arith.index_cast %squeeze3A_571 : i32 to index
        %swap3A_586 = tpu.vector_load %arg9[%swap3A_585] {strides = array<i32>} : memref<10240xf32, #tpu.memory_space<vmem>>, vector<16xf32>,
        %swap3A_587 = vector.shape_cast %swap3A_586 : vector<16xf32> to vector<16xf32>
        %swap3A_588 = vector.shape_cast %add3A_584 : vector<16xf32> to vector<16xf32>
        tpu.vector_store %arg9[%swap3A_585], %swap3A_588 {strides = array<i32>} : memref<10240xf32, #tpu.memory_space<vmem>>, vector<16xf32>,
        %slice3A_589 = vector.extract_strided_slice %mul3A_377 {offsets = [11], sizes = [1], strides = [1]} : vector<16xi32> to vector<1xi32>
        %squeeze3A_590 = vector.extract %slice3A_589[0] : i32 from vector<1xi32>
        %slice3A_591 = vector.extract_strided_slice %and3A_380 {offsets = [11], sizes = [1], strides = [1]} : vector<16xi32> to vector<1xi32>
        %squeeze3A_592 = vector.extract %slice3A_591[0] : i32 from vector<1xi32>
        %eq3A_593 = vector.broadcast %squeeze3A_592 : i32 to vector<16xi32>
        %eq3A_594 = arith.cmpi eq, %iota3A, %eq3A_593 : vector<16xi32>
        %jit3A_595 = arith.constant 1.000000e+00 : f32
        %jit3A_596 = arith.constant 0.000000e+00 : f32
        %broadcast_in_dim3A_597 = vector.broadcast %jit3A_595 : f32 to vector<16xf32>
        %broadcast_in_dim3A_598 = vector.broadcast %jit3A_596 : f32 to vector<16xf32>
        %select_n3A_599 = arith.select %eq3A_594, %broadcast_in_dim3A_597, %broadcast_in_dim3A_598 : vector<16xi1>, vector<16xf32>
        %get3A_600 = arith.index_cast %squeeze3A_590 : i32 to index
        %get3A_601 = tpu.vector_load %arg9[%get3A_600] {strides = array<i32>} : memref<10240xf32, #tpu.memory_space<vmem>>, vector<16xf32>,
        %get3A_602 = vector.shape_cast %get3A_601 : vector<16xf32> to vector<16xf32>
        %add3A_603 = arith.addf %get3A_602, %select_n3A_599 : vector<16xf32>
        %swap3A_604 = arith.index_cast %squeeze3A_590 : i32 to index
        %swap3A_605 = tpu.vector_load %arg9[%swap3A_604] {strides = array<i32>} : memref<10240xf32, #tpu.memory_space<vmem>>, vector<16xf32>,
        %swap3A_606 = vector.shape_cast %swap3A_605 : vector<16xf32> to vector<16xf32>
        %swap3A_607 = vector.shape_cast %add3A_603 : vector<16xf32> to vector<16xf32>
        tpu.vector_store %arg9[%swap3A_604], %swap3A_607 {strides = array<i32>} : memref<10240xf32, #tpu.memory_space<vmem>>, vector<16xf32>,
        %slice3A_608 = vector.extract_strided_slice %mul3A_377 {offsets = [12], sizes = [1], strides = [1]} : vector<16xi32> to vector<1xi32>
        %squeeze3A_609 = vector.extract %slice3A_608[0] : i32 from vector<1xi32>
        %slice3A_610 = vector.extract_strided_slice %and3A_380 {offsets = [12], sizes = [1], strides = [1]} : vector<16xi32> to vector<1xi32>
        %squeeze3A_611 = vector.extract %slice3A_610[0] : i32 from vector<1xi32>
        %eq3A_612 = vector.broadcast %squeeze3A_611 : i32 to vector<16xi32>
        %eq3A_613 = arith.cmpi eq, %iota3A, %eq3A_612 : vector<16xi32>
        %jit3A_614 = arith.constant 1.000000e+00 : f32
        %jit3A_615 = arith.constant 0.000000e+00 : f32
        %broadcast_in_dim3A_616 = vector.broadcast %jit3A_614 : f32 to vector<16xf32>
        %broadcast_in_dim3A_617 = vector.broadcast %jit3A_615 : f32 to vector<16xf32>
        %select_n3A_618 = arith.select %eq3A_613, %broadcast_in_dim3A_616, %broadcast_in_dim3A_617 : vector<16xi1>, vector<16xf32>
        %get3A_619 = arith.index_cast %squeeze3A_609 : i32 to index
        %get3A_620 = tpu.vector_load %arg9[%get3A_619] {strides = array<i32>} : memref<10240xf32, #tpu.memory_space<vmem>>, vector<16xf32>,
        %get3A_621 = vector.shape_cast %get3A_620 : vector<16xf32> to vector<16xf32>
        %add3A_622 = arith.addf %get3A_621, %select_n3A_618 : vector<16xf32>
        %swap3A_623 = arith.index_cast %squeeze3A_609 : i32 to index
        %swap3A_624 = tpu.vector_load %arg9[%swap3A_623] {strides = array<i32>} : memref<10240xf32, #tpu.memory_space<vmem>>, vector<16xf32>,
        %swap3A_625 = vector.shape_cast %swap3A_624 : vector<16xf32> to vector<16xf32>
        %swap3A_626 = vector.shape_cast %add3A_622 : vector<16xf32> to vector<16xf32>
        tpu.vector_store %arg9[%swap3A_623], %swap3A_626 {strides = array<i32>} : memref<10240xf32, #tpu.memory_space<vmem>>, vector<16xf32>,
        %slice3A_627 = vector.extract_strided_slice %mul3A_377 {offsets = [13], sizes = [1], strides = [1]} : vector<16xi32> to vector<1xi32>
        %squeeze3A_628 = vector.extract %slice3A_627[0] : i32 from vector<1xi32>
        %slice3A_629 = vector.extract_strided_slice %and3A_380 {offsets = [13], sizes = [1], strides = [1]} : vector<16xi32> to vector<1xi32>
        %squeeze3A_630 = vector.extract %slice3A_629[0] : i32 from vector<1xi32>
        %eq3A_631 = vector.broadcast %squeeze3A_630 : i32 to vector<16xi32>
        %eq3A_632 = arith.cmpi eq, %iota3A, %eq3A_631 : vector<16xi32>
        %jit3A_633 = arith.constant 1.000000e+00 : f32
        %jit3A_634 = arith.constant 0.000000e+00 : f32
        %broadcast_in_dim3A_635 = vector.broadcast %jit3A_633 : f32 to vector<16xf32>
        %broadcast_in_dim3A_636 = vector.broadcast %jit3A_634 : f32 to vector<16xf32>
        %select_n3A_637 = arith.select %eq3A_632, %broadcast_in_dim3A_635, %broadcast_in_dim3A_636 : vector<16xi1>, vector<16xf32>
        %get3A_638 = arith.index_cast %squeeze3A_628 : i32 to index
        %get3A_639 = tpu.vector_load %arg9[%get3A_638] {strides = array<i32>} : memref<10240xf32, #tpu.memory_space<vmem>>, vector<16xf32>,
        %get3A_640 = vector.shape_cast %get3A_639 : vector<16xf32> to vector<16xf32>
        %add3A_641 = arith.addf %get3A_640, %select_n3A_637 : vector<16xf32>
        %swap3A_642 = arith.index_cast %squeeze3A_628 : i32 to index
        %swap3A_643 = tpu.vector_load %arg9[%swap3A_642] {strides = array<i32>} : memref<10240xf32, #tpu.memory_space<vmem>>, vector<16xf32>,
        %swap3A_644 = vector.shape_cast %swap3A_643 : vector<16xf32> to vector<16xf32>
        %swap3A_645 = vector.shape_cast %add3A_641 : vector<16xf32> to vector<16xf32>
        tpu.vector_store %arg9[%swap3A_642], %swap3A_645 {strides = array<i32>} : memref<10240xf32, #tpu.memory_space<vmem>>, vector<16xf32>,
        %slice3A_646 = vector.extract_strided_slice %mul3A_377 {offsets = [14], sizes = [1], strides = [1]} : vector<16xi32> to vector<1xi32>
        %squeeze3A_647 = vector.extract %slice3A_646[0] : i32 from vector<1xi32>
        %slice3A_648 = vector.extract_strided_slice %and3A_380 {offsets = [14], sizes = [1], strides = [1]} : vector<16xi32> to vector<1xi32>
        %squeeze3A_649 = vector.extract %slice3A_648[0] : i32 from vector<1xi32>
        %eq3A_650 = vector.broadcast %squeeze3A_649 : i32 to vector<16xi32>
        %eq3A_651 = arith.cmpi eq, %iota3A, %eq3A_650 : vector<16xi32>
        %jit3A_652 = arith.constant 1.000000e+00 : f32
        %jit3A_653 = arith.constant 0.000000e+00 : f32
        %broadcast_in_dim3A_654 = vector.broadcast %jit3A_652 : f32 to vector<16xf32>
        %broadcast_in_dim3A_655 = vector.broadcast %jit3A_653 : f32 to vector<16xf32>
        %select_n3A_656 = arith.select %eq3A_651, %broadcast_in_dim3A_654, %broadcast_in_dim3A_655 : vector<16xi1>, vector<16xf32>
        %get3A_657 = arith.index_cast %squeeze3A_647 : i32 to index
        %get3A_658 = tpu.vector_load %arg9[%get3A_657] {strides = array<i32>} : memref<10240xf32, #tpu.memory_space<vmem>>, vector<16xf32>,
        %get3A_659 = vector.shape_cast %get3A_658 : vector<16xf32> to vector<16xf32>
        %add3A_660 = arith.addf %get3A_659, %select_n3A_656 : vector<16xf32>
        %swap3A_661 = arith.index_cast %squeeze3A_647 : i32 to index
        %swap3A_662 = tpu.vector_load %arg9[%swap3A_661] {strides = array<i32>} : memref<10240xf32, #tpu.memory_space<vmem>>, vector<16xf32>,
        %swap3A_663 = vector.shape_cast %swap3A_662 : vector<16xf32> to vector<16xf32>
        %swap3A_664 = vector.shape_cast %add3A_660 : vector<16xf32> to vector<16xf32>
        tpu.vector_store %arg9[%swap3A_661], %swap3A_664 {strides = array<i32>} : memref<10240xf32, #tpu.memory_space<vmem>>, vector<16xf32>,
        %slice3A_665 = vector.extract_strided_slice %mul3A_377 {offsets = [15], sizes = [1], strides = [1]} : vector<16xi32> to vector<1xi32>
        %squeeze3A_666 = vector.extract %slice3A_665[0] : i32 from vector<1xi32>
        %slice3A_667 = vector.extract_strided_slice %and3A_380 {offsets = [15], sizes = [1], strides = [1]} : vector<16xi32> to vector<1xi32>
        %squeeze3A_668 = vector.extract %slice3A_667[0] : i32 from vector<1xi32>
        %eq3A_669 = vector.broadcast %squeeze3A_668 : i32 to vector<16xi32>
        %eq3A_670 = arith.cmpi eq, %iota3A, %eq3A_669 : vector<16xi32>
        %jit3A_671 = arith.constant 1.000000e+00 : f32
        %jit3A_672 = arith.constant 0.000000e+00 : f32
        %broadcast_in_dim3A_673 = vector.broadcast %jit3A_671 : f32 to vector<16xf32>
        %broadcast_in_dim3A_674 = vector.broadcast %jit3A_672 : f32 to vector<16xf32>
        %select_n3A_675 = arith.select %eq3A_670, %broadcast_in_dim3A_673, %broadcast_in_dim3A_674 : vector<16xi1>, vector<16xf32>
        %get3A_676 = arith.index_cast %squeeze3A_666 : i32 to index
        %get3A_677 = tpu.vector_load %arg9[%get3A_676] {strides = array<i32>} : memref<10240xf32, #tpu.memory_space<vmem>>, vector<16xf32>,
        %get3A_678 = vector.shape_cast %get3A_677 : vector<16xf32> to vector<16xf32>
        %add3A_679 = arith.addf %get3A_678, %select_n3A_675 : vector<16xf32>
        %swap3A_680 = arith.index_cast %squeeze3A_666 : i32 to index
        %swap3A_681 = tpu.vector_load %arg9[%swap3A_680] {strides = array<i32>} : memref<10240xf32, #tpu.memory_space<vmem>>, vector<16xf32>,
        %swap3A_682 = vector.shape_cast %swap3A_681 : vector<16xf32> to vector<16xf32>
        %swap3A_683 = vector.shape_cast %add3A_679 : vector<16xf32> to vector<16xf32>
        tpu.vector_store %arg9[%swap3A_680], %swap3A_683 {strides = array<i32>} : memref<10240xf32, #tpu.memory_space<vmem>>, vector<16xf32>,
      }
      %scan3A_57 = arith.constant 8 : i32
    }
    %scan3A_19 = arith.constant 40 : i32
    %mul3A_20 = arith.constant 10240 : i32
    %mul3A_21 = arith.muli %add3A, %mul3A_20 : i32
    %add3A_22 = arith.constant 0 : i32
    %add3A_23 = arith.addi %mul3A_21, %add3A_22 : i32
    %mul3A_24 = arith.constant 16 : i32
    %mul3A_25 = arith.muli %add3A_23, %mul3A_24 : i32
    "tpu.region"() ({
      %run_scoped3A = tpu.sem_alloc : memref<!tpu.dma_semaphore, #tpu.memory_space<semaphore_mem>>
      %dma_start3A = arith.constant 0 : i32
      %dma_start3A_46 = tpu.memref_slice %arg8[%dma_start3A] : memref<82048xf32, #tpu.memory_space<vmem>> -> memref<81920xf32, #tpu.memory_space<vmem>>
      %dma_start3A_47 = tpu.memref_slice %arg4[%mul3A_25] : memref<5242880xf32, #tpu.memory_space<hbm>> -> memref<81920xf32, #tpu.memory_space<hbm>>
      %dma_start3A_48 = tpu.memref_slice %arg4[%mul3A_25] : memref<5242880xf32, #tpu.memory_space<hbm>> -> memref<81920xf32, #tpu.memory_space<hbm>>
      %dma_start3A_49 = arith.constant 0 : i32
      %dma_start3A_50 = tpu.memref_slice %arg8[%dma_start3A_49] : memref<82048xf32, #tpu.memory_space<vmem>> -> memref<81920xf32, #tpu.memory_space<vmem>>
      tpu.enqueue_dma source(%dma_start3A_50 : memref<81920xf32, #tpu.memory_space<vmem>>) target(%dma_start3A_48 : memref<81920xf32, #tpu.memory_space<hbm>>) target_semaphore(%run_scoped3A : memref<!tpu.dma_semaphore, #tpu.memory_space<semaphore_mem>>)
      %dma_wait3A = arith.constant 0 : i32
      %dma_wait3A_51 = tpu.memref_slice %arg8[%dma_wait3A] : memref<82048xf32, #tpu.memory_space<vmem>> -> memref<81920xf32, #tpu.memory_space<vmem>>
      %dma_wait3A_52 = tpu.memref_slice %arg4[%mul3A_25] : memref<5242880xf32, #tpu.memory_space<hbm>> -> memref<81920xf32, #tpu.memory_space<hbm>>
      %dma_wait3A_53 = tpu.memref_slice %arg4[%mul3A_25] : memref<5242880xf32, #tpu.memory_space<hbm>> -> memref<81920xf32, #tpu.memory_space<hbm>>
      %dma_wait3A_54 = arith.constant 0 : i32
      %dma_wait3A_55 = tpu.memref_slice %arg8[%dma_wait3A_54] : memref<82048xf32, #tpu.memory_space<vmem>> -> memref<81920xf32, #tpu.memory_space<vmem>>
      tpu.wait_dma2 semaphore(%run_scoped3A : memref<!tpu.dma_semaphore, #tpu.memory_space<semaphore_mem>>) src(%dma_wait3A_55 : memref<81920xf32, #tpu.memory_space<vmem>>) dst(%dma_wait3A_53 : memref<81920xf32, #tpu.memory_space<hbm>>)
      tpu.yield
    }) : () -> ()
    %scan3A_26 = arith.constant 0 : i32
    %scan3A_27 = arith.constant 0 : i32
    %scan3A_28 = arith.constant 5128 : i32
    %scan3A_29 = arith.addi %scan3A_27, %scan3A_28 : i32
    %scan3A_30 = arith.constant 1 : i32
    scf.for %scan3A_46 = %scan3A_27 to %scan3A_29 step %scan3A_30  : i32 {
      %broadcast_in_dim3A = arith.constant 0.000000e+00 : f32
      %broadcast_in_dim3A_47 = vector.broadcast %broadcast_in_dim3A : f32 to vector<16xf32>
      %mul3A_48 = arith.constant 16 : i32
      %mul3A_49 = arith.muli %scan3A_46, %mul3A_48 : i32
      %swap3A = arith.index_cast %mul3A_49 : i32 to index
      %swap3A_50 = tpu.vector_load %arg8[%swap3A] {strides = array<i32>} : memref<82048xf32, #tpu.memory_space<vmem>>, vector<16xf32>,
      %swap3A_51 = vector.shape_cast %swap3A_50 : vector<16xf32> to vector<16xf32>
      %swap3A_52 = vector.shape_cast %broadcast_in_dim3A_47 : vector<16xf32> to vector<16xf32>
      tpu.vector_store %arg8[%swap3A], %swap3A_52 {strides = array<i32>} : memref<82048xf32, #tpu.memory_space<vmem>>, vector<16xf32>,
    }
    %scan3A_31 = arith.constant 5128 : i32
    %scan3A_32 = arith.constant 0 : i32
    %scan3A_33 = arith.constant 0 : i32
    %scan3A_34 = arith.constant 40 : i32
    %scan3A_35 = arith.addi %scan3A_33, %scan3A_34 : i32
    %scan3A_36 = arith.constant 1 : i32
    scf.for %scan3A_46 = %scan3A_33 to %scan3A_35 step %scan3A_36  : i32 {
      %mul3A_47 = arith.constant 128 : i32
      %mul3A_48 = arith.muli %scan3A_46, %mul3A_47 : i32
      %add3A_49 = arith.addi %mul3A_2, %mul3A_48 : i32
      "tpu.region"() ({
        %run_scoped3A = tpu.sem_alloc : memref<!tpu.dma_semaphore, #tpu.memory_space<semaphore_mem>>
        %dma_start3A = tpu.memref_slice %arg3[%add3A_49] : memref<163840xi32, #tpu.memory_space<hbm>> -> memref<128xi32, #tpu.memory_space<hbm>>
        %dma_start3A_58 = tpu.memref_slice %arg3[%add3A_49] : memref<163840xi32, #tpu.memory_space<hbm>> -> memref<128xi32, #tpu.memory_space<hbm>>
        tpu.enqueue_dma source(%dma_start3A_58 : memref<128xi32, #tpu.memory_space<hbm>>) target(%arg6 : memref<128xi32, #tpu.memory_space<vmem>>) target_semaphore(%run_scoped3A : memref<!tpu.dma_semaphore, #tpu.memory_space<semaphore_mem>>)
        %dma_wait3A = tpu.memref_slice %arg3[%add3A_49] : memref<163840xi32, #tpu.memory_space<hbm>> -> memref<128xi32, #tpu.memory_space<hbm>>
        %dma_wait3A_59 = tpu.memref_slice %arg3[%add3A_49] : memref<163840xi32, #tpu.memory_space<hbm>> -> memref<128xi32, #tpu.memory_space<hbm>>
        tpu.wait_dma2 semaphore(%run_scoped3A : memref<!tpu.dma_semaphore, #tpu.memory_space<semaphore_mem>>) src(%dma_wait3A_59 : memref<128xi32, #tpu.memory_space<hbm>>) dst(%arg6 : memref<128xi32, #tpu.memory_space<vmem>>)
        tpu.yield
      }) : () -> ()
      %mul3A_50 = arith.constant 16 : i32
      %mul3A_51 = arith.muli %add3A_49, %mul3A_50 : i32
      "tpu.region"() ({
        %run_scoped3A = tpu.sem_alloc : memref<!tpu.dma_semaphore, #tpu.memory_space<semaphore_mem>>
        %dma_start3A = tpu.memref_slice %arg2[%mul3A_51] : memref<2621440xf32, #tpu.memory_space<hbm>> -> memref<2048xf32, #tpu.memory_space<hbm>>
        %dma_start3A_58 = tpu.memref_slice %arg2[%mul3A_51] : memref<2621440xf32, #tpu.memory_space<hbm>> -> memref<2048xf32, #tpu.memory_space<hbm>>
        tpu.enqueue_dma source(%dma_start3A_58 : memref<2048xf32, #tpu.memory_space<hbm>>) target(%arg7 : memref<2048xf32, #tpu.memory_space<vmem>>) target_semaphore(%run_scoped3A : memref<!tpu.dma_semaphore, #tpu.memory_space<semaphore_mem>>)
        %dma_wait3A = tpu.memref_slice %arg2[%mul3A_51] : memref<2621440xf32, #tpu.memory_space<hbm>> -> memref<2048xf32, #tpu.memory_space<hbm>>
        %dma_wait3A_59 = tpu.memref_slice %arg2[%mul3A_51] : memref<2621440xf32, #tpu.memory_space<hbm>> -> memref<2048xf32, #tpu.memory_space<hbm>>
        tpu.wait_dma2 semaphore(%run_scoped3A : memref<!tpu.dma_semaphore, #tpu.memory_space<semaphore_mem>>) src(%dma_wait3A_59 : memref<2048xf32, #tpu.memory_space<hbm>>) dst(%arg7 : memref<2048xf32, #tpu.memory_space<vmem>>)
        tpu.yield
      }) : () -> ()
      %scan3A_52 = arith.constant 0 : i32
      %scan3A_53 = arith.constant 0 : i32
      %scan3A_54 = arith.constant 8 : i32
      %scan3A_55 = arith.addi %scan3A_53, %scan3A_54 : i32
      %scan3A_56 = arith.constant 1 : i32
      scf.for %scan3A_58 = %scan3A_53 to %scan3A_55 step %scan3A_56  : i32 {
        %mul3A_59 = arith.constant 16 : i32
        %mul3A_60 = arith.muli %scan3A_58, %mul3A_59 : i32
        %get3A = arith.index_cast %mul3A_60 : i32 to index
        %get3A_61 = tpu.vector_load %arg6[%get3A] {strides = array<i32>} : memref<128xi32, #tpu.memory_space<vmem>>, vector<16xi32>,
        %get3A_62 = vector.shape_cast %get3A_61 : vector<16xi32> to vector<16xi32>
        %sub3A = arith.constant 5120 : i32
        %sub3A_63 = vector.broadcast %sub3A : i32 to vector<16xi32>
        %sub3A_64 = arith.subi %get3A_62, %sub3A_63 : vector<16xi32>
        %ge3A = arith.constant 0 : i32
        %ge3A_65 = vector.broadcast %ge3A : i32 to vector<16xi32>
        %ge3A_66 = arith.cmpi sge, %sub3A_64, %ge3A_65 : vector<16xi32>
        %lt3A = arith.constant 5120 : i32
        %lt3A_67 = vector.broadcast %lt3A : i32 to vector<16xi32>
        %lt3A_68 = arith.cmpi slt, %sub3A_64, %lt3A_67 : vector<16xi32>
        %and3A = arith.andi %ge3A_66, %lt3A_68 : vector<16xi1>
        %jit3A = arith.constant 5120 : i32
        %broadcast_in_dim3A = vector.broadcast %jit3A : i32 to vector<16xi32>
        %select_n3A = arith.select %and3A, %sub3A_64, %broadcast_in_dim3A : vector<16xi1>, vector<16xi32>
        %mul3A_69 = arith.constant 16 : i32
        %mul3A_70 = vector.broadcast %mul3A_69 : i32 to vector<16xi32>
        %mul3A_71 = arith.muli %select_n3A, %mul3A_70 : vector<16xi32>
        %slice3A = vector.extract_strided_slice %mul3A_71 {offsets = [0], sizes = [1], strides = [1]} : vector<16xi32> to vector<1xi32>
        %squeeze3A = vector.extract %slice3A[0] : i32 from vector<1xi32>
        %mul3A_72 = arith.constant 16 : i32
        %mul3A_73 = arith.muli %scan3A_58, %mul3A_72 : i32
        %add3A_74 = arith.constant 0 : i32
        %add3A_75 = arith.addi %mul3A_73, %add3A_74 : i32
        %mul3A_76 = arith.constant 16 : i32
        %mul3A_77 = arith.muli %add3A_75, %mul3A_76 : i32
        %get3A_78 = arith.index_cast %squeeze3A : i32 to index
        %get3A_79 = tpu.vector_load %arg8[%get3A_78] {strides = array<i32>} : memref<82048xf32, #tpu.memory_space<vmem>>, vector<16xf32>,
        %get3A_80 = vector.shape_cast %get3A_79 : vector<16xf32> to vector<16xf32>
        %get3A_81 = arith.index_cast %mul3A_77 : i32 to index
        %get3A_82 = tpu.vector_load %arg7[%get3A_81] {strides = array<i32>} : memref<2048xf32, #tpu.memory_space<vmem>>, vector<16xf32>,
        %get3A_83 = vector.shape_cast %get3A_82 : vector<16xf32> to vector<16xf32>
        %add3A_84 = arith.addf %get3A_80, %get3A_83 : vector<16xf32>
        %swap3A = arith.index_cast %squeeze3A : i32 to index
        %swap3A_85 = tpu.vector_load %arg8[%swap3A] {strides = array<i32>} : memref<82048xf32, #tpu.memory_space<vmem>>, vector<16xf32>,
        %swap3A_86 = vector.shape_cast %swap3A_85 : vector<16xf32> to vector<16xf32>
        %swap3A_87 = vector.shape_cast %add3A_84 : vector<16xf32> to vector<16xf32>
        tpu.vector_store %arg8[%swap3A], %swap3A_87 {strides = array<i32>} : memref<82048xf32, #tpu.memory_space<vmem>>, vector<16xf32>,
        %slice3A_88 = vector.extract_strided_slice %mul3A_71 {offsets = [1], sizes = [1], strides = [1]} : vector<16xi32> to vector<1xi32>
        %squeeze3A_89 = vector.extract %slice3A_88[0] : i32 from vector<1xi32>
        %mul3A_90 = arith.constant 16 : i32
        %mul3A_91 = arith.muli %scan3A_58, %mul3A_90 : i32
        %add3A_92 = arith.constant 1 : i32
        %add3A_93 = arith.addi %mul3A_91, %add3A_92 : i32
        %mul3A_94 = arith.constant 16 : i32
        %mul3A_95 = arith.muli %add3A_93, %mul3A_94 : i32
        %get3A_96 = arith.index_cast %squeeze3A_89 : i32 to index
        %get3A_97 = tpu.vector_load %arg8[%get3A_96] {strides = array<i32>} : memref<82048xf32, #tpu.memory_space<vmem>>, vector<16xf32>,
        %get3A_98 = vector.shape_cast %get3A_97 : vector<16xf32> to vector<16xf32>
        %get3A_99 = arith.index_cast %mul3A_95 : i32 to index
        %get3A_100 = tpu.vector_load %arg7[%get3A_99] {strides = array<i32>} : memref<2048xf32, #tpu.memory_space<vmem>>, vector<16xf32>,
        %get3A_101 = vector.shape_cast %get3A_100 : vector<16xf32> to vector<16xf32>
        %add3A_102 = arith.addf %get3A_98, %get3A_101 : vector<16xf32>
        %swap3A_103 = arith.index_cast %squeeze3A_89 : i32 to index
        %swap3A_104 = tpu.vector_load %arg8[%swap3A_103] {strides = array<i32>} : memref<82048xf32, #tpu.memory_space<vmem>>, vector<16xf32>,
        %swap3A_105 = vector.shape_cast %swap3A_104 : vector<16xf32> to vector<16xf32>
        %swap3A_106 = vector.shape_cast %add3A_102 : vector<16xf32> to vector<16xf32>
        tpu.vector_store %arg8[%swap3A_103], %swap3A_106 {strides = array<i32>} : memref<82048xf32, #tpu.memory_space<vmem>>, vector<16xf32>,
        %slice3A_107 = vector.extract_strided_slice %mul3A_71 {offsets = [2], sizes = [1], strides = [1]} : vector<16xi32> to vector<1xi32>
        %squeeze3A_108 = vector.extract %slice3A_107[0] : i32 from vector<1xi32>
        %mul3A_109 = arith.constant 16 : i32
        %mul3A_110 = arith.muli %scan3A_58, %mul3A_109 : i32
        %add3A_111 = arith.constant 2 : i32
        %add3A_112 = arith.addi %mul3A_110, %add3A_111 : i32
        %mul3A_113 = arith.constant 16 : i32
        %mul3A_114 = arith.muli %add3A_112, %mul3A_113 : i32
        %get3A_115 = arith.index_cast %squeeze3A_108 : i32 to index
        %get3A_116 = tpu.vector_load %arg8[%get3A_115] {strides = array<i32>} : memref<82048xf32, #tpu.memory_space<vmem>>, vector<16xf32>,
        %get3A_117 = vector.shape_cast %get3A_116 : vector<16xf32> to vector<16xf32>
        %get3A_118 = arith.index_cast %mul3A_114 : i32 to index
        %get3A_119 = tpu.vector_load %arg7[%get3A_118] {strides = array<i32>} : memref<2048xf32, #tpu.memory_space<vmem>>, vector<16xf32>,
        %get3A_120 = vector.shape_cast %get3A_119 : vector<16xf32> to vector<16xf32>
        %add3A_121 = arith.addf %get3A_117, %get3A_120 : vector<16xf32>
        %swap3A_122 = arith.index_cast %squeeze3A_108 : i32 to index
        %swap3A_123 = tpu.vector_load %arg8[%swap3A_122] {strides = array<i32>} : memref<82048xf32, #tpu.memory_space<vmem>>, vector<16xf32>,
        %swap3A_124 = vector.shape_cast %swap3A_123 : vector<16xf32> to vector<16xf32>
        %swap3A_125 = vector.shape_cast %add3A_121 : vector<16xf32> to vector<16xf32>
        tpu.vector_store %arg8[%swap3A_122], %swap3A_125 {strides = array<i32>} : memref<82048xf32, #tpu.memory_space<vmem>>, vector<16xf32>,
        %slice3A_126 = vector.extract_strided_slice %mul3A_71 {offsets = [3], sizes = [1], strides = [1]} : vector<16xi32> to vector<1xi32>
        %squeeze3A_127 = vector.extract %slice3A_126[0] : i32 from vector<1xi32>
        %mul3A_128 = arith.constant 16 : i32
        %mul3A_129 = arith.muli %scan3A_58, %mul3A_128 : i32
        %add3A_130 = arith.constant 3 : i32
        %add3A_131 = arith.addi %mul3A_129, %add3A_130 : i32
        %mul3A_132 = arith.constant 16 : i32
        %mul3A_133 = arith.muli %add3A_131, %mul3A_132 : i32
        %get3A_134 = arith.index_cast %squeeze3A_127 : i32 to index
        %get3A_135 = tpu.vector_load %arg8[%get3A_134] {strides = array<i32>} : memref<82048xf32, #tpu.memory_space<vmem>>, vector<16xf32>,
        %get3A_136 = vector.shape_cast %get3A_135 : vector<16xf32> to vector<16xf32>
        %get3A_137 = arith.index_cast %mul3A_133 : i32 to index
        %get3A_138 = tpu.vector_load %arg7[%get3A_137] {strides = array<i32>} : memref<2048xf32, #tpu.memory_space<vmem>>, vector<16xf32>,
        %get3A_139 = vector.shape_cast %get3A_138 : vector<16xf32> to vector<16xf32>
        %add3A_140 = arith.addf %get3A_136, %get3A_139 : vector<16xf32>
        %swap3A_141 = arith.index_cast %squeeze3A_127 : i32 to index
        %swap3A_142 = tpu.vector_load %arg8[%swap3A_141] {strides = array<i32>} : memref<82048xf32, #tpu.memory_space<vmem>>, vector<16xf32>,
        %swap3A_143 = vector.shape_cast %swap3A_142 : vector<16xf32> to vector<16xf32>
        %swap3A_144 = vector.shape_cast %add3A_140 : vector<16xf32> to vector<16xf32>
        tpu.vector_store %arg8[%swap3A_141], %swap3A_144 {strides = array<i32>} : memref<82048xf32, #tpu.memory_space<vmem>>, vector<16xf32>,
        %slice3A_145 = vector.extract_strided_slice %mul3A_71 {offsets = [4], sizes = [1], strides = [1]} : vector<16xi32> to vector<1xi32>
        %squeeze3A_146 = vector.extract %slice3A_145[0] : i32 from vector<1xi32>
        %mul3A_147 = arith.constant 16 : i32
        %mul3A_148 = arith.muli %scan3A_58, %mul3A_147 : i32
        %add3A_149 = arith.constant 4 : i32
        %add3A_150 = arith.addi %mul3A_148, %add3A_149 : i32
        %mul3A_151 = arith.constant 16 : i32
        %mul3A_152 = arith.muli %add3A_150, %mul3A_151 : i32
        %get3A_153 = arith.index_cast %squeeze3A_146 : i32 to index
        %get3A_154 = tpu.vector_load %arg8[%get3A_153] {strides = array<i32>} : memref<82048xf32, #tpu.memory_space<vmem>>, vector<16xf32>,
        %get3A_155 = vector.shape_cast %get3A_154 : vector<16xf32> to vector<16xf32>
        %get3A_156 = arith.index_cast %mul3A_152 : i32 to index
        %get3A_157 = tpu.vector_load %arg7[%get3A_156] {strides = array<i32>} : memref<2048xf32, #tpu.memory_space<vmem>>, vector<16xf32>,
        %get3A_158 = vector.shape_cast %get3A_157 : vector<16xf32> to vector<16xf32>
        %add3A_159 = arith.addf %get3A_155, %get3A_158 : vector<16xf32>
        %swap3A_160 = arith.index_cast %squeeze3A_146 : i32 to index
        %swap3A_161 = tpu.vector_load %arg8[%swap3A_160] {strides = array<i32>} : memref<82048xf32, #tpu.memory_space<vmem>>, vector<16xf32>,
        %swap3A_162 = vector.shape_cast %swap3A_161 : vector<16xf32> to vector<16xf32>
        %swap3A_163 = vector.shape_cast %add3A_159 : vector<16xf32> to vector<16xf32>
        tpu.vector_store %arg8[%swap3A_160], %swap3A_163 {strides = array<i32>} : memref<82048xf32, #tpu.memory_space<vmem>>, vector<16xf32>,
        %slice3A_164 = vector.extract_strided_slice %mul3A_71 {offsets = [5], sizes = [1], strides = [1]} : vector<16xi32> to vector<1xi32>
        %squeeze3A_165 = vector.extract %slice3A_164[0] : i32 from vector<1xi32>
        %mul3A_166 = arith.constant 16 : i32
        %mul3A_167 = arith.muli %scan3A_58, %mul3A_166 : i32
        %add3A_168 = arith.constant 5 : i32
        %add3A_169 = arith.addi %mul3A_167, %add3A_168 : i32
        %mul3A_170 = arith.constant 16 : i32
        %mul3A_171 = arith.muli %add3A_169, %mul3A_170 : i32
        %get3A_172 = arith.index_cast %squeeze3A_165 : i32 to index
        %get3A_173 = tpu.vector_load %arg8[%get3A_172] {strides = array<i32>} : memref<82048xf32, #tpu.memory_space<vmem>>, vector<16xf32>,
        %get3A_174 = vector.shape_cast %get3A_173 : vector<16xf32> to vector<16xf32>
        %get3A_175 = arith.index_cast %mul3A_171 : i32 to index
        %get3A_176 = tpu.vector_load %arg7[%get3A_175] {strides = array<i32>} : memref<2048xf32, #tpu.memory_space<vmem>>, vector<16xf32>,
        %get3A_177 = vector.shape_cast %get3A_176 : vector<16xf32> to vector<16xf32>
        %add3A_178 = arith.addf %get3A_174, %get3A_177 : vector<16xf32>
        %swap3A_179 = arith.index_cast %squeeze3A_165 : i32 to index
        %swap3A_180 = tpu.vector_load %arg8[%swap3A_179] {strides = array<i32>} : memref<82048xf32, #tpu.memory_space<vmem>>, vector<16xf32>,
        %swap3A_181 = vector.shape_cast %swap3A_180 : vector<16xf32> to vector<16xf32>
        %swap3A_182 = vector.shape_cast %add3A_178 : vector<16xf32> to vector<16xf32>
        tpu.vector_store %arg8[%swap3A_179], %swap3A_182 {strides = array<i32>} : memref<82048xf32, #tpu.memory_space<vmem>>, vector<16xf32>,
        %slice3A_183 = vector.extract_strided_slice %mul3A_71 {offsets = [6], sizes = [1], strides = [1]} : vector<16xi32> to vector<1xi32>
        %squeeze3A_184 = vector.extract %slice3A_183[0] : i32 from vector<1xi32>
        %mul3A_185 = arith.constant 16 : i32
        %mul3A_186 = arith.muli %scan3A_58, %mul3A_185 : i32
        %add3A_187 = arith.constant 6 : i32
        %add3A_188 = arith.addi %mul3A_186, %add3A_187 : i32
        %mul3A_189 = arith.constant 16 : i32
        %mul3A_190 = arith.muli %add3A_188, %mul3A_189 : i32
        %get3A_191 = arith.index_cast %squeeze3A_184 : i32 to index
        %get3A_192 = tpu.vector_load %arg8[%get3A_191] {strides = array<i32>} : memref<82048xf32, #tpu.memory_space<vmem>>, vector<16xf32>,
        %get3A_193 = vector.shape_cast %get3A_192 : vector<16xf32> to vector<16xf32>
        %get3A_194 = arith.index_cast %mul3A_190 : i32 to index
        %get3A_195 = tpu.vector_load %arg7[%get3A_194] {strides = array<i32>} : memref<2048xf32, #tpu.memory_space<vmem>>, vector<16xf32>,
        %get3A_196 = vector.shape_cast %get3A_195 : vector<16xf32> to vector<16xf32>
        %add3A_197 = arith.addf %get3A_193, %get3A_196 : vector<16xf32>
        %swap3A_198 = arith.index_cast %squeeze3A_184 : i32 to index
        %swap3A_199 = tpu.vector_load %arg8[%swap3A_198] {strides = array<i32>} : memref<82048xf32, #tpu.memory_space<vmem>>, vector<16xf32>,
        %swap3A_200 = vector.shape_cast %swap3A_199 : vector<16xf32> to vector<16xf32>
        %swap3A_201 = vector.shape_cast %add3A_197 : vector<16xf32> to vector<16xf32>
        tpu.vector_store %arg8[%swap3A_198], %swap3A_201 {strides = array<i32>} : memref<82048xf32, #tpu.memory_space<vmem>>, vector<16xf32>,
        %slice3A_202 = vector.extract_strided_slice %mul3A_71 {offsets = [7], sizes = [1], strides = [1]} : vector<16xi32> to vector<1xi32>
        %squeeze3A_203 = vector.extract %slice3A_202[0] : i32 from vector<1xi32>
        %mul3A_204 = arith.constant 16 : i32
        %mul3A_205 = arith.muli %scan3A_58, %mul3A_204 : i32
        %add3A_206 = arith.constant 7 : i32
        %add3A_207 = arith.addi %mul3A_205, %add3A_206 : i32
        %mul3A_208 = arith.constant 16 : i32
        %mul3A_209 = arith.muli %add3A_207, %mul3A_208 : i32
        %get3A_210 = arith.index_cast %squeeze3A_203 : i32 to index
        %get3A_211 = tpu.vector_load %arg8[%get3A_210] {strides = array<i32>} : memref<82048xf32, #tpu.memory_space<vmem>>, vector<16xf32>,
        %get3A_212 = vector.shape_cast %get3A_211 : vector<16xf32> to vector<16xf32>
        %get3A_213 = arith.index_cast %mul3A_209 : i32 to index
        %get3A_214 = tpu.vector_load %arg7[%get3A_213] {strides = array<i32>} : memref<2048xf32, #tpu.memory_space<vmem>>, vector<16xf32>,
        %get3A_215 = vector.shape_cast %get3A_214 : vector<16xf32> to vector<16xf32>
        %add3A_216 = arith.addf %get3A_212, %get3A_215 : vector<16xf32>
        %swap3A_217 = arith.index_cast %squeeze3A_203 : i32 to index
        %swap3A_218 = tpu.vector_load %arg8[%swap3A_217] {strides = array<i32>} : memref<82048xf32, #tpu.memory_space<vmem>>, vector<16xf32>,
        %swap3A_219 = vector.shape_cast %swap3A_218 : vector<16xf32> to vector<16xf32>
        %swap3A_220 = vector.shape_cast %add3A_216 : vector<16xf32> to vector<16xf32>
        tpu.vector_store %arg8[%swap3A_217], %swap3A_220 {strides = array<i32>} : memref<82048xf32, #tpu.memory_space<vmem>>, vector<16xf32>,
        %slice3A_221 = vector.extract_strided_slice %mul3A_71 {offsets = [8], sizes = [1], strides = [1]} : vector<16xi32> to vector<1xi32>
        %squeeze3A_222 = vector.extract %slice3A_221[0] : i32 from vector<1xi32>
        %mul3A_223 = arith.constant 16 : i32
        %mul3A_224 = arith.muli %scan3A_58, %mul3A_223 : i32
        %add3A_225 = arith.constant 8 : i32
        %add3A_226 = arith.addi %mul3A_224, %add3A_225 : i32
        %mul3A_227 = arith.constant 16 : i32
        %mul3A_228 = arith.muli %add3A_226, %mul3A_227 : i32
        %get3A_229 = arith.index_cast %squeeze3A_222 : i32 to index
        %get3A_230 = tpu.vector_load %arg8[%get3A_229] {strides = array<i32>} : memref<82048xf32, #tpu.memory_space<vmem>>, vector<16xf32>,
        %get3A_231 = vector.shape_cast %get3A_230 : vector<16xf32> to vector<16xf32>
        %get3A_232 = arith.index_cast %mul3A_228 : i32 to index
        %get3A_233 = tpu.vector_load %arg7[%get3A_232] {strides = array<i32>} : memref<2048xf32, #tpu.memory_space<vmem>>, vector<16xf32>,
        %get3A_234 = vector.shape_cast %get3A_233 : vector<16xf32> to vector<16xf32>
        %add3A_235 = arith.addf %get3A_231, %get3A_234 : vector<16xf32>
        %swap3A_236 = arith.index_cast %squeeze3A_222 : i32 to index
        %swap3A_237 = tpu.vector_load %arg8[%swap3A_236] {strides = array<i32>} : memref<82048xf32, #tpu.memory_space<vmem>>, vector<16xf32>,
        %swap3A_238 = vector.shape_cast %swap3A_237 : vector<16xf32> to vector<16xf32>
        %swap3A_239 = vector.shape_cast %add3A_235 : vector<16xf32> to vector<16xf32>
        tpu.vector_store %arg8[%swap3A_236], %swap3A_239 {strides = array<i32>} : memref<82048xf32, #tpu.memory_space<vmem>>, vector<16xf32>,
        %slice3A_240 = vector.extract_strided_slice %mul3A_71 {offsets = [9], sizes = [1], strides = [1]} : vector<16xi32> to vector<1xi32>
        %squeeze3A_241 = vector.extract %slice3A_240[0] : i32 from vector<1xi32>
        %mul3A_242 = arith.constant 16 : i32
        %mul3A_243 = arith.muli %scan3A_58, %mul3A_242 : i32
        %add3A_244 = arith.constant 9 : i32
        %add3A_245 = arith.addi %mul3A_243, %add3A_244 : i32
        %mul3A_246 = arith.constant 16 : i32
        %mul3A_247 = arith.muli %add3A_245, %mul3A_246 : i32
        %get3A_248 = arith.index_cast %squeeze3A_241 : i32 to index
        %get3A_249 = tpu.vector_load %arg8[%get3A_248] {strides = array<i32>} : memref<82048xf32, #tpu.memory_space<vmem>>, vector<16xf32>,
        %get3A_250 = vector.shape_cast %get3A_249 : vector<16xf32> to vector<16xf32>
        %get3A_251 = arith.index_cast %mul3A_247 : i32 to index
        %get3A_252 = tpu.vector_load %arg7[%get3A_251] {strides = array<i32>} : memref<2048xf32, #tpu.memory_space<vmem>>, vector<16xf32>,
        %get3A_253 = vector.shape_cast %get3A_252 : vector<16xf32> to vector<16xf32>
        %add3A_254 = arith.addf %get3A_250, %get3A_253 : vector<16xf32>
        %swap3A_255 = arith.index_cast %squeeze3A_241 : i32 to index
        %swap3A_256 = tpu.vector_load %arg8[%swap3A_255] {strides = array<i32>} : memref<82048xf32, #tpu.memory_space<vmem>>, vector<16xf32>,
        %swap3A_257 = vector.shape_cast %swap3A_256 : vector<16xf32> to vector<16xf32>
        %swap3A_258 = vector.shape_cast %add3A_254 : vector<16xf32> to vector<16xf32>
        tpu.vector_store %arg8[%swap3A_255], %swap3A_258 {strides = array<i32>} : memref<82048xf32, #tpu.memory_space<vmem>>, vector<16xf32>,
        %slice3A_259 = vector.extract_strided_slice %mul3A_71 {offsets = [10], sizes = [1], strides = [1]} : vector<16xi32> to vector<1xi32>
        %squeeze3A_260 = vector.extract %slice3A_259[0] : i32 from vector<1xi32>
        %mul3A_261 = arith.constant 16 : i32
        %mul3A_262 = arith.muli %scan3A_58, %mul3A_261 : i32
        %add3A_263 = arith.constant 10 : i32
        %add3A_264 = arith.addi %mul3A_262, %add3A_263 : i32
        %mul3A_265 = arith.constant 16 : i32
        %mul3A_266 = arith.muli %add3A_264, %mul3A_265 : i32
        %get3A_267 = arith.index_cast %squeeze3A_260 : i32 to index
        %get3A_268 = tpu.vector_load %arg8[%get3A_267] {strides = array<i32>} : memref<82048xf32, #tpu.memory_space<vmem>>, vector<16xf32>,
        %get3A_269 = vector.shape_cast %get3A_268 : vector<16xf32> to vector<16xf32>
        %get3A_270 = arith.index_cast %mul3A_266 : i32 to index
        %get3A_271 = tpu.vector_load %arg7[%get3A_270] {strides = array<i32>} : memref<2048xf32, #tpu.memory_space<vmem>>, vector<16xf32>,
        %get3A_272 = vector.shape_cast %get3A_271 : vector<16xf32> to vector<16xf32>
        %add3A_273 = arith.addf %get3A_269, %get3A_272 : vector<16xf32>
        %swap3A_274 = arith.index_cast %squeeze3A_260 : i32 to index
        %swap3A_275 = tpu.vector_load %arg8[%swap3A_274] {strides = array<i32>} : memref<82048xf32, #tpu.memory_space<vmem>>, vector<16xf32>,
        %swap3A_276 = vector.shape_cast %swap3A_275 : vector<16xf32> to vector<16xf32>
        %swap3A_277 = vector.shape_cast %add3A_273 : vector<16xf32> to vector<16xf32>
        tpu.vector_store %arg8[%swap3A_274], %swap3A_277 {strides = array<i32>} : memref<82048xf32, #tpu.memory_space<vmem>>, vector<16xf32>,
        %slice3A_278 = vector.extract_strided_slice %mul3A_71 {offsets = [11], sizes = [1], strides = [1]} : vector<16xi32> to vector<1xi32>
        %squeeze3A_279 = vector.extract %slice3A_278[0] : i32 from vector<1xi32>
        %mul3A_280 = arith.constant 16 : i32
        %mul3A_281 = arith.muli %scan3A_58, %mul3A_280 : i32
        %add3A_282 = arith.constant 11 : i32
        %add3A_283 = arith.addi %mul3A_281, %add3A_282 : i32
        %mul3A_284 = arith.constant 16 : i32
        %mul3A_285 = arith.muli %add3A_283, %mul3A_284 : i32
        %get3A_286 = arith.index_cast %squeeze3A_279 : i32 to index
        %get3A_287 = tpu.vector_load %arg8[%get3A_286] {strides = array<i32>} : memref<82048xf32, #tpu.memory_space<vmem>>, vector<16xf32>,
        %get3A_288 = vector.shape_cast %get3A_287 : vector<16xf32> to vector<16xf32>
        %get3A_289 = arith.index_cast %mul3A_285 : i32 to index
        %get3A_290 = tpu.vector_load %arg7[%get3A_289] {strides = array<i32>} : memref<2048xf32, #tpu.memory_space<vmem>>, vector<16xf32>,
        %get3A_291 = vector.shape_cast %get3A_290 : vector<16xf32> to vector<16xf32>
        %add3A_292 = arith.addf %get3A_288, %get3A_291 : vector<16xf32>
        %swap3A_293 = arith.index_cast %squeeze3A_279 : i32 to index
        %swap3A_294 = tpu.vector_load %arg8[%swap3A_293] {strides = array<i32>} : memref<82048xf32, #tpu.memory_space<vmem>>, vector<16xf32>,
        %swap3A_295 = vector.shape_cast %swap3A_294 : vector<16xf32> to vector<16xf32>
        %swap3A_296 = vector.shape_cast %add3A_292 : vector<16xf32> to vector<16xf32>
        tpu.vector_store %arg8[%swap3A_293], %swap3A_296 {strides = array<i32>} : memref<82048xf32, #tpu.memory_space<vmem>>, vector<16xf32>,
        %slice3A_297 = vector.extract_strided_slice %mul3A_71 {offsets = [12], sizes = [1], strides = [1]} : vector<16xi32> to vector<1xi32>
        %squeeze3A_298 = vector.extract %slice3A_297[0] : i32 from vector<1xi32>
        %mul3A_299 = arith.constant 16 : i32
        %mul3A_300 = arith.muli %scan3A_58, %mul3A_299 : i32
        %add3A_301 = arith.constant 12 : i32
        %add3A_302 = arith.addi %mul3A_300, %add3A_301 : i32
        %mul3A_303 = arith.constant 16 : i32
        %mul3A_304 = arith.muli %add3A_302, %mul3A_303 : i32
        %get3A_305 = arith.index_cast %squeeze3A_298 : i32 to index
        %get3A_306 = tpu.vector_load %arg8[%get3A_305] {strides = array<i32>} : memref<82048xf32, #tpu.memory_space<vmem>>, vector<16xf32>,
        %get3A_307 = vector.shape_cast %get3A_306 : vector<16xf32> to vector<16xf32>
        %get3A_308 = arith.index_cast %mul3A_304 : i32 to index
        %get3A_309 = tpu.vector_load %arg7[%get3A_308] {strides = array<i32>} : memref<2048xf32, #tpu.memory_space<vmem>>, vector<16xf32>,
        %get3A_310 = vector.shape_cast %get3A_309 : vector<16xf32> to vector<16xf32>
        %add3A_311 = arith.addf %get3A_307, %get3A_310 : vector<16xf32>
        %swap3A_312 = arith.index_cast %squeeze3A_298 : i32 to index
        %swap3A_313 = tpu.vector_load %arg8[%swap3A_312] {strides = array<i32>} : memref<82048xf32, #tpu.memory_space<vmem>>, vector<16xf32>,
        %swap3A_314 = vector.shape_cast %swap3A_313 : vector<16xf32> to vector<16xf32>
        %swap3A_315 = vector.shape_cast %add3A_311 : vector<16xf32> to vector<16xf32>
        tpu.vector_store %arg8[%swap3A_312], %swap3A_315 {strides = array<i32>} : memref<82048xf32, #tpu.memory_space<vmem>>, vector<16xf32>,
        %slice3A_316 = vector.extract_strided_slice %mul3A_71 {offsets = [13], sizes = [1], strides = [1]} : vector<16xi32> to vector<1xi32>
        %squeeze3A_317 = vector.extract %slice3A_316[0] : i32 from vector<1xi32>
        %mul3A_318 = arith.constant 16 : i32
        %mul3A_319 = arith.muli %scan3A_58, %mul3A_318 : i32
        %add3A_320 = arith.constant 13 : i32
        %add3A_321 = arith.addi %mul3A_319, %add3A_320 : i32
        %mul3A_322 = arith.constant 16 : i32
        %mul3A_323 = arith.muli %add3A_321, %mul3A_322 : i32
        %get3A_324 = arith.index_cast %squeeze3A_317 : i32 to index
        %get3A_325 = tpu.vector_load %arg8[%get3A_324] {strides = array<i32>} : memref<82048xf32, #tpu.memory_space<vmem>>, vector<16xf32>,
        %get3A_326 = vector.shape_cast %get3A_325 : vector<16xf32> to vector<16xf32>
        %get3A_327 = arith.index_cast %mul3A_323 : i32 to index
        %get3A_328 = tpu.vector_load %arg7[%get3A_327] {strides = array<i32>} : memref<2048xf32, #tpu.memory_space<vmem>>, vector<16xf32>,
        %get3A_329 = vector.shape_cast %get3A_328 : vector<16xf32> to vector<16xf32>
        %add3A_330 = arith.addf %get3A_326, %get3A_329 : vector<16xf32>
        %swap3A_331 = arith.index_cast %squeeze3A_317 : i32 to index
        %swap3A_332 = tpu.vector_load %arg8[%swap3A_331] {strides = array<i32>} : memref<82048xf32, #tpu.memory_space<vmem>>, vector<16xf32>,
        %swap3A_333 = vector.shape_cast %swap3A_332 : vector<16xf32> to vector<16xf32>
        %swap3A_334 = vector.shape_cast %add3A_330 : vector<16xf32> to vector<16xf32>
        tpu.vector_store %arg8[%swap3A_331], %swap3A_334 {strides = array<i32>} : memref<82048xf32, #tpu.memory_space<vmem>>, vector<16xf32>,
        %slice3A_335 = vector.extract_strided_slice %mul3A_71 {offsets = [14], sizes = [1], strides = [1]} : vector<16xi32> to vector<1xi32>
        %squeeze3A_336 = vector.extract %slice3A_335[0] : i32 from vector<1xi32>
        %mul3A_337 = arith.constant 16 : i32
        %mul3A_338 = arith.muli %scan3A_58, %mul3A_337 : i32
        %add3A_339 = arith.constant 14 : i32
        %add3A_340 = arith.addi %mul3A_338, %add3A_339 : i32
        %mul3A_341 = arith.constant 16 : i32
        %mul3A_342 = arith.muli %add3A_340, %mul3A_341 : i32
        %get3A_343 = arith.index_cast %squeeze3A_336 : i32 to index
        %get3A_344 = tpu.vector_load %arg8[%get3A_343] {strides = array<i32>} : memref<82048xf32, #tpu.memory_space<vmem>>, vector<16xf32>,
        %get3A_345 = vector.shape_cast %get3A_344 : vector<16xf32> to vector<16xf32>
        %get3A_346 = arith.index_cast %mul3A_342 : i32 to index
        %get3A_347 = tpu.vector_load %arg7[%get3A_346] {strides = array<i32>} : memref<2048xf32, #tpu.memory_space<vmem>>, vector<16xf32>,
        %get3A_348 = vector.shape_cast %get3A_347 : vector<16xf32> to vector<16xf32>
        %add3A_349 = arith.addf %get3A_345, %get3A_348 : vector<16xf32>
        %swap3A_350 = arith.index_cast %squeeze3A_336 : i32 to index
        %swap3A_351 = tpu.vector_load %arg8[%swap3A_350] {strides = array<i32>} : memref<82048xf32, #tpu.memory_space<vmem>>, vector<16xf32>,
        %swap3A_352 = vector.shape_cast %swap3A_351 : vector<16xf32> to vector<16xf32>
        %swap3A_353 = vector.shape_cast %add3A_349 : vector<16xf32> to vector<16xf32>
        tpu.vector_store %arg8[%swap3A_350], %swap3A_353 {strides = array<i32>} : memref<82048xf32, #tpu.memory_space<vmem>>, vector<16xf32>,
        %slice3A_354 = vector.extract_strided_slice %mul3A_71 {offsets = [15], sizes = [1], strides = [1]} : vector<16xi32> to vector<1xi32>
        %squeeze3A_355 = vector.extract %slice3A_354[0] : i32 from vector<1xi32>
        %mul3A_356 = arith.constant 16 : i32
        %mul3A_357 = arith.muli %scan3A_58, %mul3A_356 : i32
        %add3A_358 = arith.constant 15 : i32
        %add3A_359 = arith.addi %mul3A_357, %add3A_358 : i32
        %mul3A_360 = arith.constant 16 : i32
        %mul3A_361 = arith.muli %add3A_359, %mul3A_360 : i32
        %get3A_362 = arith.index_cast %squeeze3A_355 : i32 to index
        %get3A_363 = tpu.vector_load %arg8[%get3A_362] {strides = array<i32>} : memref<82048xf32, #tpu.memory_space<vmem>>, vector<16xf32>,
        %get3A_364 = vector.shape_cast %get3A_363 : vector<16xf32> to vector<16xf32>
        %get3A_365 = arith.index_cast %mul3A_361 : i32 to index
        %get3A_366 = tpu.vector_load %arg7[%get3A_365] {strides = array<i32>} : memref<2048xf32, #tpu.memory_space<vmem>>, vector<16xf32>,
        %get3A_367 = vector.shape_cast %get3A_366 : vector<16xf32> to vector<16xf32>
        %add3A_368 = arith.addf %get3A_364, %get3A_367 : vector<16xf32>
        %swap3A_369 = arith.index_cast %squeeze3A_355 : i32 to index
        %swap3A_370 = tpu.vector_load %arg8[%swap3A_369] {strides = array<i32>} : memref<82048xf32, #tpu.memory_space<vmem>>, vector<16xf32>,
        %swap3A_371 = vector.shape_cast %swap3A_370 : vector<16xf32> to vector<16xf32>
        %swap3A_372 = vector.shape_cast %add3A_368 : vector<16xf32> to vector<16xf32>
        tpu.vector_store %arg8[%swap3A_369], %swap3A_372 {strides = array<i32>} : memref<82048xf32, #tpu.memory_space<vmem>>, vector<16xf32>,
      }
      %scan3A_57 = arith.constant 8 : i32
    }
    %scan3A_37 = arith.constant 40 : i32
    %mul3A_38 = arith.constant 10240 : i32
    %mul3A_39 = arith.muli %add3A, %mul3A_38 : i32
    %add3A_40 = arith.constant 5120 : i32
    %add3A_41 = arith.addi %mul3A_39, %add3A_40 : i32
    %mul3A_42 = arith.constant 16 : i32
    %mul3A_43 = arith.muli %add3A_41, %mul3A_42 : i32
    "tpu.region"() ({
      %run_scoped3A = tpu.sem_alloc : memref<!tpu.dma_semaphore, #tpu.memory_space<semaphore_mem>>
      %dma_start3A = arith.constant 0 : i32
      %dma_start3A_46 = tpu.memref_slice %arg8[%dma_start3A] : memref<82048xf32, #tpu.memory_space<vmem>> -> memref<81920xf32, #tpu.memory_space<vmem>>
      %dma_start3A_47 = tpu.memref_slice %arg4[%mul3A_43] : memref<5242880xf32, #tpu.memory_space<hbm>> -> memref<81920xf32, #tpu.memory_space<hbm>>
      %dma_start3A_48 = tpu.memref_slice %arg4[%mul3A_43] : memref<5242880xf32, #tpu.memory_space<hbm>> -> memref<81920xf32, #tpu.memory_space<hbm>>
      %dma_start3A_49 = arith.constant 0 : i32
      %dma_start3A_50 = tpu.memref_slice %arg8[%dma_start3A_49] : memref<82048xf32, #tpu.memory_space<vmem>> -> memref<81920xf32, #tpu.memory_space<vmem>>
      tpu.enqueue_dma source(%dma_start3A_50 : memref<81920xf32, #tpu.memory_space<vmem>>) target(%dma_start3A_48 : memref<81920xf32, #tpu.memory_space<hbm>>) target_semaphore(%run_scoped3A : memref<!tpu.dma_semaphore, #tpu.memory_space<semaphore_mem>>)
      %dma_wait3A = arith.constant 0 : i32
      %dma_wait3A_51 = tpu.memref_slice %arg8[%dma_wait3A] : memref<82048xf32, #tpu.memory_space<vmem>> -> memref<81920xf32, #tpu.memory_space<vmem>>
      %dma_wait3A_52 = tpu.memref_slice %arg4[%mul3A_43] : memref<5242880xf32, #tpu.memory_space<hbm>> -> memref<81920xf32, #tpu.memory_space<hbm>>
      %dma_wait3A_53 = tpu.memref_slice %arg4[%mul3A_43] : memref<5242880xf32, #tpu.memory_space<hbm>> -> memref<81920xf32, #tpu.memory_space<hbm>>
      %dma_wait3A_54 = arith.constant 0 : i32
      %dma_wait3A_55 = tpu.memref_slice %arg8[%dma_wait3A_54] : memref<82048xf32, #tpu.memory_space<vmem>> -> memref<81920xf32, #tpu.memory_space<vmem>>
      tpu.wait_dma2 semaphore(%run_scoped3A : memref<!tpu.dma_semaphore, #tpu.memory_space<semaphore_mem>>) src(%dma_wait3A_55 : memref<81920xf32, #tpu.memory_space<vmem>>) dst(%dma_wait3A_53 : memref<81920xf32, #tpu.memory_space<hbm>>)
      tpu.yield
    }) : () -> ()
    %mul3A_44 = arith.constant 10240 : i32
    %mul3A_45 = arith.muli %add3A, %mul3A_44 : i32
    "tpu.region"() ({
      %run_scoped3A = tpu.sem_alloc : memref<!tpu.dma_semaphore, #tpu.memory_space<semaphore_mem>>
      %dma_start3A = tpu.memref_slice %arg5[%mul3A_45] : memref<327680xf32, #tpu.memory_space<hbm>> -> memref<10240xf32, #tpu.memory_space<hbm>>
      %dma_start3A_46 = tpu.memref_slice %arg5[%mul3A_45] : memref<327680xf32, #tpu.memory_space<hbm>> -> memref<10240xf32, #tpu.memory_space<hbm>>
      tpu.enqueue_dma source(%arg9 : memref<10240xf32, #tpu.memory_space<vmem>>) target(%dma_start3A_46 : memref<10240xf32, #tpu.memory_space<hbm>>) target_semaphore(%run_scoped3A : memref<!tpu.dma_semaphore, #tpu.memory_space<semaphore_mem>>)
      %dma_wait3A = tpu.memref_slice %arg5[%mul3A_45] : memref<327680xf32, #tpu.memory_space<hbm>> -> memref<10240xf32, #tpu.memory_space<hbm>>
      %dma_wait3A_47 = tpu.memref_slice %arg5[%mul3A_45] : memref<327680xf32, #tpu.memory_space<hbm>> -> memref<10240xf32, #tpu.memory_space<hbm>>
      tpu.wait_dma2 semaphore(%run_scoped3A : memref<!tpu.dma_semaphore, #tpu.memory_space<semaphore_mem>>) src(%arg9 : memref<10240xf32, #tpu.memory_space<vmem>>) dst(%dma_wait3A_47 : memref<10240xf32, #tpu.memory_space<hbm>>)
      tpu.yield
    }) : () -> ()
    return
  }
}

module attributes {stable_mosaic.version = 14 : i64} {
  func.func @body(%arg0: i32, %arg1: memref<4096x128xf32, #tpu.memory_space<vmem>>, %arg2: memref<4096x16xf32, #tpu.memory_space<vmem>>, %arg3: memref<128x256xf32, #tpu.memory_space<vmem>>, %arg4: memref<128x16xf32, #tpu.memory_space<vmem>>, %arg5: memref<4096x16xf32, #tpu.memory_space<vmem>>) attributes {dimension_semantics = [#tpu.dimension_semantics<arbitrary>], iteration_bounds = array<i64: 40>, scalar_prefetch = 0 : i64, scratch_operands = 0 : i64, tpu.core_type = #tpu.core_type<tc>, window_params = [{transform_indices = @transform_0, window_bounds = array<i64: 4096, 128>}, {transform_indices = @transform_1, window_bounds = array<i64: 4096, 16>}, {pipeline_mode = #tpu.pipeline_mode<synchronous>, transform_indices = @transform_2, window_bounds = array<i64: 128, 256>}, {pipeline_mode = #tpu.pipeline_mode<synchronous>, transform_indices = @transform_3, window_bounds = array<i64: 128, 16>}, {transform_indices = @transform_4, window_bounds = array<i64: 4096, 16>}]} {
    %get3A = arith.constant 0 : index
    %get3A_0 = arith.constant 0 : index
    %get3A_1 = vector.load %arg1[%get3A, %get3A_0] : memref<4096x128xf32, #tpu.memory_space<vmem>>, vector<4096x128xf32>
    %get3A_2 = arith.constant 0 : index
    %get3A_3 = arith.constant 0 : index
    %get3A_4 = vector.load %arg3[%get3A_2, %get3A_3] : memref<128x256xf32, #tpu.memory_space<vmem>>, vector<128x256xf32>
    %dot_general3A = arith.constant dense<0.000000e+00> : vector<4096x256xf32>
    %dot_general3A_5 = tpu.matmul %get3A_1, %get3A_4, %dot_general3A {dimension_numbers = #tpu.dot_dimension_numbers<[1], [0], [0], [1], [0, 0, 1, 1], [], []>, transpose_lhs_hint = false} : vector<4096x128xf32>, vector<128x256xf32>, vector<4096x256xf32> -> vector<4096x256xf32>
    %get3A_6 = arith.constant 0 : index
    %get3A_7 = arith.constant 0 : index
    %get3A_8 = vector.load %arg2[%get3A_6, %get3A_7] : memref<4096x16xf32, #tpu.memory_space<vmem>>, vector<4096x16xf32>
    %tile3A = tpu.concatenate %get3A_8, %get3A_8, %get3A_8, %get3A_8, %get3A_8, %get3A_8, %get3A_8, %get3A_8, %get3A_8, %get3A_8, %get3A_8, %get3A_8, %get3A_8, %get3A_8, %get3A_8, %get3A_8 in 1 : vector<4096x16xf32>, vector<4096x16xf32>, vector<4096x16xf32>, vector<4096x16xf32>, vector<4096x16xf32>, vector<4096x16xf32>, vector<4096x16xf32>, vector<4096x16xf32>, vector<4096x16xf32>, vector<4096x16xf32>, vector<4096x16xf32>, vector<4096x16xf32>, vector<4096x16xf32>, vector<4096x16xf32>, vector<4096x16xf32>, vector<4096x16xf32> -> vector<4096x256xf32>
    %mul3A = arith.mulf %dot_general3A_5, %tile3A : vector<4096x256xf32>
    %iota3A = tpu.iota {dimensions = array<i32: 0>} : vector<256x16xi32>
    %iota3A_9 = tpu.iota {dimensions = array<i32: 1>} : vector<256x16xi32>
    %jit3A = arith.constant 16 : i32
    %div3A = vector.broadcast %jit3A : i32 to vector<256x16xi32>
    %div3A_10 = arith.divsi %iota3A, %div3A : vector<256x16xi32>
    %sign3A = arith.constant 0 : i32
    %sign3A_11 = vector.broadcast %sign3A : i32 to vector<256x16xi32>
    %sign3A_12 = arith.cmpi sgt, %iota3A, %sign3A_11 : vector<256x16xi32>
    %sign3A_13 = arith.extui %sign3A_12 : vector<256x16xi1> to vector<256x16xi32>
    %sign3A_14 = arith.constant 0 : i32
    %sign3A_15 = vector.broadcast %sign3A_14 : i32 to vector<256x16xi32>
    %sign3A_16 = arith.cmpi slt, %iota3A, %sign3A_15 : vector<256x16xi32>
    %sign3A_17 = arith.extui %sign3A_16 : vector<256x16xi1> to vector<256x16xi32>
    %sign3A_18 = arith.subi %sign3A_13, %sign3A_17 : vector<256x16xi32>
    %sign3A_19 = arith.constant 0 : i32
    %sign3A_20 = arith.cmpi sgt, %jit3A, %sign3A_19 : i32
    %sign3A_21 = arith.extui %sign3A_20 : i1 to i32
    %sign3A_22 = arith.constant 0 : i32
    %sign3A_23 = arith.cmpi slt, %jit3A, %sign3A_22 : i32
    %sign3A_24 = arith.extui %sign3A_23 : i1 to i32
    %sign3A_25 = arith.subi %sign3A_21, %sign3A_24 : i32
    %ne3A = vector.broadcast %sign3A_25 : i32 to vector<256x16xi32>
    %ne3A_26 = arith.cmpi ne, %sign3A_18, %ne3A : vector<256x16xi32>
    %rem3A = vector.broadcast %jit3A : i32 to vector<256x16xi32>
    %rem3A_27 = arith.remsi %iota3A, %rem3A : vector<256x16xi32>
    %ne3A_28 = arith.constant 0 : i32
    %ne3A_29 = vector.broadcast %ne3A_28 : i32 to vector<256x16xi32>
    %ne3A_30 = arith.cmpi ne, %rem3A_27, %ne3A_29 : vector<256x16xi32>
    %and3A = arith.andi %ne3A_26, %ne3A_30 : vector<256x16xi1>
    %sub3A = arith.constant 1 : i32
    %sub3A_31 = vector.broadcast %sub3A : i32 to vector<256x16xi32>
    %sub3A_32 = arith.subi %div3A_10, %sub3A_31 : vector<256x16xi32>
    %select_n3A = arith.select %and3A, %sub3A_32, %div3A_10 : vector<256x16xi1>, vector<256x16xi32>
    %eq3A = arith.cmpi eq, %select_n3A, %iota3A_9 : vector<256x16xi32>
    %convert_element_type3A = arith.extui %eq3A : vector<256x16xi1> to vector<256x16xi32>
    %convert_element_type3A_33 = arith.sitofp %convert_element_type3A : vector<256x16xi32> to vector<256x16xf32>
    %dot_general3A_34 = arith.constant dense<0.000000e+00> : vector<4096x16xf32>
    %dot_general3A_35 = tpu.matmul %mul3A, %convert_element_type3A_33, %dot_general3A_34 {dimension_numbers = #tpu.dot_dimension_numbers<[1], [0], [0], [1], [0, 0, 1, 1], [], []>, transpose_lhs_hint = false} : vector<4096x256xf32>, vector<256x16xf32>, vector<4096x16xf32> -> vector<4096x16xf32>
    %get3A_36 = arith.constant 0 : index
    %get3A_37 = arith.constant 0 : index
    %get3A_38 = vector.load %arg4[%get3A_36, %get3A_37] : memref<128x16xf32, #tpu.memory_space<vmem>>, vector<128x16xf32>
    %dot_general3A_39 = arith.constant dense<0.000000e+00> : vector<4096x16xf32>
    %dot_general3A_40 = tpu.matmul %get3A_1, %get3A_38, %dot_general3A_39 {dimension_numbers = #tpu.dot_dimension_numbers<[1], [0], [0], [1], [0, 0, 1, 1], [], []>, transpose_lhs_hint = false} : vector<4096x128xf32>, vector<128x16xf32>, vector<4096x16xf32> -> vector<4096x16xf32>
    %add3A = arith.addf %dot_general3A_35, %dot_general3A_40 : vector<4096x16xf32>
    %mul3A_41 = arith.constant 4096 : i32
    %mul3A_42 = arith.muli %arg0, %mul3A_41 : i32
    %iota3A_43 = tpu.iota {dimensions = array<i32: 0>} : vector<4096x16xi32>
    %add3A_44 = vector.broadcast %mul3A_42 : i32 to vector<4096x16xi32>
    %add3A_45 = arith.addi %add3A_44, %iota3A_43 : vector<4096x16xi32>
    %lt3A = arith.constant 160000 : i32
    %lt3A_46 = vector.broadcast %lt3A : i32 to vector<4096x16xi32>
    %lt3A_47 = arith.cmpi slt, %add3A_45, %lt3A_46 : vector<4096x16xi32>
    %jit3A_48 = arith.constant 0.000000e+00 : f32
    %broadcast_in_dim3A = vector.broadcast %jit3A_48 : f32 to vector<4096x16xf32>
    %select_n3A_49 = arith.select %lt3A_47, %add3A, %broadcast_in_dim3A : vector<4096x16xi1>, vector<4096x16xf32>
    %swap3A = arith.constant 0 : index
    %swap3A_50 = arith.constant 0 : index
    %swap3A_51 = vector.load %arg5[%swap3A, %swap3A_50] : memref<4096x16xf32, #tpu.memory_space<vmem>>, vector<4096x16xf32>
    tpu.vector_store %arg5[%swap3A, %swap3A_50], %select_n3A_49 {strides = array<i32>} : memref<4096x16xf32, #tpu.memory_space<vmem>>, vector<4096x16xf32>,
    return
  }
  func.func @transform_0(%arg0: i32) -> (i32, i32) {
    %c0_i32 = arith.constant 0 : i32
    %c0_i32_0 = arith.constant 0 : i32
    return %arg0, %c0_i32 : i32, i32
  }
  func.func @transform_1(%arg0: i32) -> (i32, i32) {
    %c0_i32 = arith.constant 0 : i32
    %c0_i32_0 = arith.constant 0 : i32
    return %arg0, %c0_i32 : i32, i32
  }
  func.func @transform_2(%arg0: i32) -> (i32, i32) {
    %c0_i32 = arith.constant 0 : i32
    %c0_i32_0 = arith.constant 0 : i32
    %c0_i32_1 = arith.constant 0 : i32
    return %c0_i32, %c0_i32_0 : i32, i32
  }
  func.func @transform_3(%arg0: i32) -> (i32, i32) {
    %c0_i32 = arith.constant 0 : i32
    %c0_i32_0 = arith.constant 0 : i32
    %c0_i32_1 = arith.constant 0 : i32
    return %c0_i32, %c0_i32_0 : i32, i32
  }
  func.func @transform_4(%arg0: i32) -> (i32, i32) {
    %c0_i32 = arith.constant 0 : i32
    %c0_i32_0 = arith.constant 0 : i32
    return %arg0, %c0_i32 : i32, i32
  }
}

module attributes {stable_mosaic.version = 14 : i64} {
  func.func @_degsum_body(%arg0: memref<32x640x16xf32, #tpu.memory_space<vmem>>, %arg1: memref<640x16xf32, #tpu.memory_space<vmem>>) attributes {dimension_semantics = [], scalar_prefetch = 0 : i64, scratch_operands = 0 : i64, tpu.core_type = #tpu.core_type<tc>} {
    %get3A = arith.constant 0 : index
    %get3A_0 = arith.constant 0 : index
    %get3A_1 = arith.constant 0 : index
    %get3A_2 = vector.load %arg0[%get3A, %get3A_0, %get3A_1] : memref<32x640x16xf32, #tpu.memory_space<vmem>>, vector<1x640x16xf32>
    %get3A_3 = vector.shape_cast %get3A_2 : vector<1x640x16xf32> to vector<640x16xf32>
    %get3A_4 = arith.constant 1 : index
    %get3A_5 = arith.constant 0 : index
    %get3A_6 = arith.constant 0 : index
    %get3A_7 = vector.load %arg0[%get3A_4, %get3A_5, %get3A_6] : memref<32x640x16xf32, #tpu.memory_space<vmem>>, vector<1x640x16xf32>
    %get3A_8 = vector.shape_cast %get3A_7 : vector<1x640x16xf32> to vector<640x16xf32>
    %add3A = arith.addf %get3A_3, %get3A_8 : vector<640x16xf32>
    %get3A_9 = arith.constant 2 : index
    %get3A_10 = arith.constant 0 : index
    %get3A_11 = arith.constant 0 : index
    %get3A_12 = vector.load %arg0[%get3A_9, %get3A_10, %get3A_11] : memref<32x640x16xf32, #tpu.memory_space<vmem>>, vector<1x640x16xf32>
    %get3A_13 = vector.shape_cast %get3A_12 : vector<1x640x16xf32> to vector<640x16xf32>
    %add3A_14 = arith.addf %add3A, %get3A_13 : vector<640x16xf32>
    %get3A_15 = arith.constant 3 : index
    %get3A_16 = arith.constant 0 : index
    %get3A_17 = arith.constant 0 : index
    %get3A_18 = vector.load %arg0[%get3A_15, %get3A_16, %get3A_17] : memref<32x640x16xf32, #tpu.memory_space<vmem>>, vector<1x640x16xf32>
    %get3A_19 = vector.shape_cast %get3A_18 : vector<1x640x16xf32> to vector<640x16xf32>
    %add3A_20 = arith.addf %add3A_14, %get3A_19 : vector<640x16xf32>
    %get3A_21 = arith.constant 4 : index
    %get3A_22 = arith.constant 0 : index
    %get3A_23 = arith.constant 0 : index
    %get3A_24 = vector.load %arg0[%get3A_21, %get3A_22, %get3A_23] : memref<32x640x16xf32, #tpu.memory_space<vmem>>, vector<1x640x16xf32>
    %get3A_25 = vector.shape_cast %get3A_24 : vector<1x640x16xf32> to vector<640x16xf32>
    %add3A_26 = arith.addf %add3A_20, %get3A_25 : vector<640x16xf32>
    %get3A_27 = arith.constant 5 : index
    %get3A_28 = arith.constant 0 : index
    %get3A_29 = arith.constant 0 : index
    %get3A_30 = vector.load %arg0[%get3A_27, %get3A_28, %get3A_29] : memref<32x640x16xf32, #tpu.memory_space<vmem>>, vector<1x640x16xf32>
    %get3A_31 = vector.shape_cast %get3A_30 : vector<1x640x16xf32> to vector<640x16xf32>
    %add3A_32 = arith.addf %add3A_26, %get3A_31 : vector<640x16xf32>
    %get3A_33 = arith.constant 6 : index
    %get3A_34 = arith.constant 0 : index
    %get3A_35 = arith.constant 0 : index
    %get3A_36 = vector.load %arg0[%get3A_33, %get3A_34, %get3A_35] : memref<32x640x16xf32, #tpu.memory_space<vmem>>, vector<1x640x16xf32>
    %get3A_37 = vector.shape_cast %get3A_36 : vector<1x640x16xf32> to vector<640x16xf32>
    %add3A_38 = arith.addf %add3A_32, %get3A_37 : vector<640x16xf32>
    %get3A_39 = arith.constant 7 : index
    %get3A_40 = arith.constant 0 : index
    %get3A_41 = arith.constant 0 : index
    %get3A_42 = vector.load %arg0[%get3A_39, %get3A_40, %get3A_41] : memref<32x640x16xf32, #tpu.memory_space<vmem>>, vector<1x640x16xf32>
    %get3A_43 = vector.shape_cast %get3A_42 : vector<1x640x16xf32> to vector<640x16xf32>
    %add3A_44 = arith.addf %add3A_38, %get3A_43 : vector<640x16xf32>
    %get3A_45 = arith.constant 8 : index
    %get3A_46 = arith.constant 0 : index
    %get3A_47 = arith.constant 0 : index
    %get3A_48 = vector.load %arg0[%get3A_45, %get3A_46, %get3A_47] : memref<32x640x16xf32, #tpu.memory_space<vmem>>, vector<1x640x16xf32>
    %get3A_49 = vector.shape_cast %get3A_48 : vector<1x640x16xf32> to vector<640x16xf32>
    %add3A_50 = arith.addf %add3A_44, %get3A_49 : vector<640x16xf32>
    %get3A_51 = arith.constant 9 : index
    %get3A_52 = arith.constant 0 : index
    %get3A_53 = arith.constant 0 : index
    %get3A_54 = vector.load %arg0[%get3A_51, %get3A_52, %get3A_53] : memref<32x640x16xf32, #tpu.memory_space<vmem>>, vector<1x640x16xf32>
    %get3A_55 = vector.shape_cast %get3A_54 : vector<1x640x16xf32> to vector<640x16xf32>
    %add3A_56 = arith.addf %add3A_50, %get3A_55 : vector<640x16xf32>
    %get3A_57 = arith.constant 10 : index
    %get3A_58 = arith.constant 0 : index
    %get3A_59 = arith.constant 0 : index
    %get3A_60 = vector.load %arg0[%get3A_57, %get3A_58, %get3A_59] : memref<32x640x16xf32, #tpu.memory_space<vmem>>, vector<1x640x16xf32>
    %get3A_61 = vector.shape_cast %get3A_60 : vector<1x640x16xf32> to vector<640x16xf32>
    %add3A_62 = arith.addf %add3A_56, %get3A_61 : vector<640x16xf32>
    %get3A_63 = arith.constant 11 : index
    %get3A_64 = arith.constant 0 : index
    %get3A_65 = arith.constant 0 : index
    %get3A_66 = vector.load %arg0[%get3A_63, %get3A_64, %get3A_65] : memref<32x640x16xf32, #tpu.memory_space<vmem>>, vector<1x640x16xf32>
    %get3A_67 = vector.shape_cast %get3A_66 : vector<1x640x16xf32> to vector<640x16xf32>
    %add3A_68 = arith.addf %add3A_62, %get3A_67 : vector<640x16xf32>
    %get3A_69 = arith.constant 12 : index
    %get3A_70 = arith.constant 0 : index
    %get3A_71 = arith.constant 0 : index
    %get3A_72 = vector.load %arg0[%get3A_69, %get3A_70, %get3A_71] : memref<32x640x16xf32, #tpu.memory_space<vmem>>, vector<1x640x16xf32>
    %get3A_73 = vector.shape_cast %get3A_72 : vector<1x640x16xf32> to vector<640x16xf32>
    %add3A_74 = arith.addf %add3A_68, %get3A_73 : vector<640x16xf32>
    %get3A_75 = arith.constant 13 : index
    %get3A_76 = arith.constant 0 : index
    %get3A_77 = arith.constant 0 : index
    %get3A_78 = vector.load %arg0[%get3A_75, %get3A_76, %get3A_77] : memref<32x640x16xf32, #tpu.memory_space<vmem>>, vector<1x640x16xf32>
    %get3A_79 = vector.shape_cast %get3A_78 : vector<1x640x16xf32> to vector<640x16xf32>
    %add3A_80 = arith.addf %add3A_74, %get3A_79 : vector<640x16xf32>
    %get3A_81 = arith.constant 14 : index
    %get3A_82 = arith.constant 0 : index
    %get3A_83 = arith.constant 0 : index
    %get3A_84 = vector.load %arg0[%get3A_81, %get3A_82, %get3A_83] : memref<32x640x16xf32, #tpu.memory_space<vmem>>, vector<1x640x16xf32>
    %get3A_85 = vector.shape_cast %get3A_84 : vector<1x640x16xf32> to vector<640x16xf32>
    %add3A_86 = arith.addf %add3A_80, %get3A_85 : vector<640x16xf32>
    %get3A_87 = arith.constant 15 : index
    %get3A_88 = arith.constant 0 : index
    %get3A_89 = arith.constant 0 : index
    %get3A_90 = vector.load %arg0[%get3A_87, %get3A_88, %get3A_89] : memref<32x640x16xf32, #tpu.memory_space<vmem>>, vector<1x640x16xf32>
    %get3A_91 = vector.shape_cast %get3A_90 : vector<1x640x16xf32> to vector<640x16xf32>
    %add3A_92 = arith.addf %add3A_86, %get3A_91 : vector<640x16xf32>
    %get3A_93 = arith.constant 16 : index
    %get3A_94 = arith.constant 0 : index
    %get3A_95 = arith.constant 0 : index
    %get3A_96 = vector.load %arg0[%get3A_93, %get3A_94, %get3A_95] : memref<32x640x16xf32, #tpu.memory_space<vmem>>, vector<1x640x16xf32>
    %get3A_97 = vector.shape_cast %get3A_96 : vector<1x640x16xf32> to vector<640x16xf32>
    %add3A_98 = arith.addf %add3A_92, %get3A_97 : vector<640x16xf32>
    %get3A_99 = arith.constant 17 : index
    %get3A_100 = arith.constant 0 : index
    %get3A_101 = arith.constant 0 : index
    %get3A_102 = vector.load %arg0[%get3A_99, %get3A_100, %get3A_101] : memref<32x640x16xf32, #tpu.memory_space<vmem>>, vector<1x640x16xf32>
    %get3A_103 = vector.shape_cast %get3A_102 : vector<1x640x16xf32> to vector<640x16xf32>
    %add3A_104 = arith.addf %add3A_98, %get3A_103 : vector<640x16xf32>
    %get3A_105 = arith.constant 18 : index
    %get3A_106 = arith.constant 0 : index
    %get3A_107 = arith.constant 0 : index
    %get3A_108 = vector.load %arg0[%get3A_105, %get3A_106, %get3A_107] : memref<32x640x16xf32, #tpu.memory_space<vmem>>, vector<1x640x16xf32>
    %get3A_109 = vector.shape_cast %get3A_108 : vector<1x640x16xf32> to vector<640x16xf32>
    %add3A_110 = arith.addf %add3A_104, %get3A_109 : vector<640x16xf32>
    %get3A_111 = arith.constant 19 : index
    %get3A_112 = arith.constant 0 : index
    %get3A_113 = arith.constant 0 : index
    %get3A_114 = vector.load %arg0[%get3A_111, %get3A_112, %get3A_113] : memref<32x640x16xf32, #tpu.memory_space<vmem>>, vector<1x640x16xf32>
    %get3A_115 = vector.shape_cast %get3A_114 : vector<1x640x16xf32> to vector<640x16xf32>
    %add3A_116 = arith.addf %add3A_110, %get3A_115 : vector<640x16xf32>
    %get3A_117 = arith.constant 20 : index
    %get3A_118 = arith.constant 0 : index
    %get3A_119 = arith.constant 0 : index
    %get3A_120 = vector.load %arg0[%get3A_117, %get3A_118, %get3A_119] : memref<32x640x16xf32, #tpu.memory_space<vmem>>, vector<1x640x16xf32>
    %get3A_121 = vector.shape_cast %get3A_120 : vector<1x640x16xf32> to vector<640x16xf32>
    %add3A_122 = arith.addf %add3A_116, %get3A_121 : vector<640x16xf32>
    %get3A_123 = arith.constant 21 : index
    %get3A_124 = arith.constant 0 : index
    %get3A_125 = arith.constant 0 : index
    %get3A_126 = vector.load %arg0[%get3A_123, %get3A_124, %get3A_125] : memref<32x640x16xf32, #tpu.memory_space<vmem>>, vector<1x640x16xf32>
    %get3A_127 = vector.shape_cast %get3A_126 : vector<1x640x16xf32> to vector<640x16xf32>
    %add3A_128 = arith.addf %add3A_122, %get3A_127 : vector<640x16xf32>
    %get3A_129 = arith.constant 22 : index
    %get3A_130 = arith.constant 0 : index
    %get3A_131 = arith.constant 0 : index
    %get3A_132 = vector.load %arg0[%get3A_129, %get3A_130, %get3A_131] : memref<32x640x16xf32, #tpu.memory_space<vmem>>, vector<1x640x16xf32>
    %get3A_133 = vector.shape_cast %get3A_132 : vector<1x640x16xf32> to vector<640x16xf32>
    %add3A_134 = arith.addf %add3A_128, %get3A_133 : vector<640x16xf32>
    %get3A_135 = arith.constant 23 : index
    %get3A_136 = arith.constant 0 : index
    %get3A_137 = arith.constant 0 : index
    %get3A_138 = vector.load %arg0[%get3A_135, %get3A_136, %get3A_137] : memref<32x640x16xf32, #tpu.memory_space<vmem>>, vector<1x640x16xf32>
    %get3A_139 = vector.shape_cast %get3A_138 : vector<1x640x16xf32> to vector<640x16xf32>
    %add3A_140 = arith.addf %add3A_134, %get3A_139 : vector<640x16xf32>
    %get3A_141 = arith.constant 24 : index
    %get3A_142 = arith.constant 0 : index
    %get3A_143 = arith.constant 0 : index
    %get3A_144 = vector.load %arg0[%get3A_141, %get3A_142, %get3A_143] : memref<32x640x16xf32, #tpu.memory_space<vmem>>, vector<1x640x16xf32>
    %get3A_145 = vector.shape_cast %get3A_144 : vector<1x640x16xf32> to vector<640x16xf32>
    %add3A_146 = arith.addf %add3A_140, %get3A_145 : vector<640x16xf32>
    %get3A_147 = arith.constant 25 : index
    %get3A_148 = arith.constant 0 : index
    %get3A_149 = arith.constant 0 : index
    %get3A_150 = vector.load %arg0[%get3A_147, %get3A_148, %get3A_149] : memref<32x640x16xf32, #tpu.memory_space<vmem>>, vector<1x640x16xf32>
    %get3A_151 = vector.shape_cast %get3A_150 : vector<1x640x16xf32> to vector<640x16xf32>
    %add3A_152 = arith.addf %add3A_146, %get3A_151 : vector<640x16xf32>
    %get3A_153 = arith.constant 26 : index
    %get3A_154 = arith.constant 0 : index
    %get3A_155 = arith.constant 0 : index
    %get3A_156 = vector.load %arg0[%get3A_153, %get3A_154, %get3A_155] : memref<32x640x16xf32, #tpu.memory_space<vmem>>, vector<1x640x16xf32>
    %get3A_157 = vector.shape_cast %get3A_156 : vector<1x640x16xf32> to vector<640x16xf32>
    %add3A_158 = arith.addf %add3A_152, %get3A_157 : vector<640x16xf32>
    %get3A_159 = arith.constant 27 : index
    %get3A_160 = arith.constant 0 : index
    %get3A_161 = arith.constant 0 : index
    %get3A_162 = vector.load %arg0[%get3A_159, %get3A_160, %get3A_161] : memref<32x640x16xf32, #tpu.memory_space<vmem>>, vector<1x640x16xf32>
    %get3A_163 = vector.shape_cast %get3A_162 : vector<1x640x16xf32> to vector<640x16xf32>
    %add3A_164 = arith.addf %add3A_158, %get3A_163 : vector<640x16xf32>
    %get3A_165 = arith.constant 28 : index
    %get3A_166 = arith.constant 0 : index
    %get3A_167 = arith.constant 0 : index
    %get3A_168 = vector.load %arg0[%get3A_165, %get3A_166, %get3A_167] : memref<32x640x16xf32, #tpu.memory_space<vmem>>, vector<1x640x16xf32>
    %get3A_169 = vector.shape_cast %get3A_168 : vector<1x640x16xf32> to vector<640x16xf32>
    %add3A_170 = arith.addf %add3A_164, %get3A_169 : vector<640x16xf32>
    %get3A_171 = arith.constant 29 : index
    %get3A_172 = arith.constant 0 : index
    %get3A_173 = arith.constant 0 : index
    %get3A_174 = vector.load %arg0[%get3A_171, %get3A_172, %get3A_173] : memref<32x640x16xf32, #tpu.memory_space<vmem>>, vector<1x640x16xf32>
    %get3A_175 = vector.shape_cast %get3A_174 : vector<1x640x16xf32> to vector<640x16xf32>
    %add3A_176 = arith.addf %add3A_170, %get3A_175 : vector<640x16xf32>
    %get3A_177 = arith.constant 30 : index
    %get3A_178 = arith.constant 0 : index
    %get3A_179 = arith.constant 0 : index
    %get3A_180 = vector.load %arg0[%get3A_177, %get3A_178, %get3A_179] : memref<32x640x16xf32, #tpu.memory_space<vmem>>, vector<1x640x16xf32>
    %get3A_181 = vector.shape_cast %get3A_180 : vector<1x640x16xf32> to vector<640x16xf32>
    %add3A_182 = arith.addf %add3A_176, %get3A_181 : vector<640x16xf32>
    %get3A_183 = arith.constant 31 : index
    %get3A_184 = arith.constant 0 : index
    %get3A_185 = arith.constant 0 : index
    %get3A_186 = vector.load %arg0[%get3A_183, %get3A_184, %get3A_185] : memref<32x640x16xf32, #tpu.memory_space<vmem>>, vector<1x640x16xf32>
    %get3A_187 = vector.shape_cast %get3A_186 : vector<1x640x16xf32> to vector<640x16xf32>
    %add3A_188 = arith.addf %add3A_182, %get3A_187 : vector<640x16xf32>
    %swap3A = arith.constant 0 : index
    %swap3A_189 = arith.constant 0 : index
    %swap3A_190 = vector.load %arg1[%swap3A, %swap3A_189] : memref<640x16xf32, #tpu.memory_space<vmem>>, vector<640x16xf32>
    tpu.vector_store %arg1[%swap3A, %swap3A_189], %add3A_188 {strides = array<i32>} : memref<640x16xf32, #tpu.memory_space<vmem>>, vector<640x16xf32>,
    return
  }
}

module attributes {stable_mosaic.version = 14 : i64} {
  func.func @_norm_body_relu(%arg0: i32, %arg1: memref<32x512x16xf32, #tpu.memory_space<vmem>>, %arg2: memref<512x16xf32, #tpu.memory_space<vmem>>, %arg3: memref<1x16xf32, #tpu.memory_space<vmem>>, %arg4: memref<512x128xf32, #tpu.memory_space<vmem>>) attributes {dimension_semantics = [#tpu.dimension_semantics<arbitrary>], iteration_bounds = array<i64: 20>, scalar_prefetch = 0 : i64, scratch_operands = 0 : i64, tpu.core_type = #tpu.core_type<tc>, window_params = [{transform_indices = @transform_0, window_bounds = array<i64: 32, 512, 16>}, {transform_indices = @transform_1, window_bounds = array<i64: 512, 16>}, {pipeline_mode = #tpu.pipeline_mode<synchronous>, transform_indices = @transform_2, window_bounds = array<i64: 1, 16>}, {transform_indices = @transform_3, window_bounds = array<i64: 512, 128>}]} {
    %get3A = arith.constant 0 : index
    %get3A_0 = arith.constant 0 : index
    %get3A_1 = arith.constant 0 : index
    %get3A_2 = vector.load %arg1[%get3A, %get3A_0, %get3A_1] : memref<32x512x16xf32, #tpu.memory_space<vmem>>, vector<1x512x16xf32>
    %get3A_3 = vector.shape_cast %get3A_2 : vector<1x512x16xf32> to vector<512x16xf32>
    %get3A_4 = arith.constant 1 : index
    %get3A_5 = arith.constant 0 : index
    %get3A_6 = arith.constant 0 : index
    %get3A_7 = vector.load %arg1[%get3A_4, %get3A_5, %get3A_6] : memref<32x512x16xf32, #tpu.memory_space<vmem>>, vector<1x512x16xf32>
    %get3A_8 = vector.shape_cast %get3A_7 : vector<1x512x16xf32> to vector<512x16xf32>
    %add3A = arith.addf %get3A_3, %get3A_8 : vector<512x16xf32>
    %get3A_9 = arith.constant 2 : index
    %get3A_10 = arith.constant 0 : index
    %get3A_11 = arith.constant 0 : index
    %get3A_12 = vector.load %arg1[%get3A_9, %get3A_10, %get3A_11] : memref<32x512x16xf32, #tpu.memory_space<vmem>>, vector<1x512x16xf32>
    %get3A_13 = vector.shape_cast %get3A_12 : vector<1x512x16xf32> to vector<512x16xf32>
    %add3A_14 = arith.addf %add3A, %get3A_13 : vector<512x16xf32>
    %get3A_15 = arith.constant 3 : index
    %get3A_16 = arith.constant 0 : index
    %get3A_17 = arith.constant 0 : index
    %get3A_18 = vector.load %arg1[%get3A_15, %get3A_16, %get3A_17] : memref<32x512x16xf32, #tpu.memory_space<vmem>>, vector<1x512x16xf32>
    %get3A_19 = vector.shape_cast %get3A_18 : vector<1x512x16xf32> to vector<512x16xf32>
    %add3A_20 = arith.addf %add3A_14, %get3A_19 : vector<512x16xf32>
    %get3A_21 = arith.constant 4 : index
    %get3A_22 = arith.constant 0 : index
    %get3A_23 = arith.constant 0 : index
    %get3A_24 = vector.load %arg1[%get3A_21, %get3A_22, %get3A_23] : memref<32x512x16xf32, #tpu.memory_space<vmem>>, vector<1x512x16xf32>
    %get3A_25 = vector.shape_cast %get3A_24 : vector<1x512x16xf32> to vector<512x16xf32>
    %add3A_26 = arith.addf %add3A_20, %get3A_25 : vector<512x16xf32>
    %get3A_27 = arith.constant 5 : index
    %get3A_28 = arith.constant 0 : index
    %get3A_29 = arith.constant 0 : index
    %get3A_30 = vector.load %arg1[%get3A_27, %get3A_28, %get3A_29] : memref<32x512x16xf32, #tpu.memory_space<vmem>>, vector<1x512x16xf32>
    %get3A_31 = vector.shape_cast %get3A_30 : vector<1x512x16xf32> to vector<512x16xf32>
    %add3A_32 = arith.addf %add3A_26, %get3A_31 : vector<512x16xf32>
    %get3A_33 = arith.constant 6 : index
    %get3A_34 = arith.constant 0 : index
    %get3A_35 = arith.constant 0 : index
    %get3A_36 = vector.load %arg1[%get3A_33, %get3A_34, %get3A_35] : memref<32x512x16xf32, #tpu.memory_space<vmem>>, vector<1x512x16xf32>
    %get3A_37 = vector.shape_cast %get3A_36 : vector<1x512x16xf32> to vector<512x16xf32>
    %add3A_38 = arith.addf %add3A_32, %get3A_37 : vector<512x16xf32>
    %get3A_39 = arith.constant 7 : index
    %get3A_40 = arith.constant 0 : index
    %get3A_41 = arith.constant 0 : index
    %get3A_42 = vector.load %arg1[%get3A_39, %get3A_40, %get3A_41] : memref<32x512x16xf32, #tpu.memory_space<vmem>>, vector<1x512x16xf32>
    %get3A_43 = vector.shape_cast %get3A_42 : vector<1x512x16xf32> to vector<512x16xf32>
    %add3A_44 = arith.addf %add3A_38, %get3A_43 : vector<512x16xf32>
    %get3A_45 = arith.constant 8 : index
    %get3A_46 = arith.constant 0 : index
    %get3A_47 = arith.constant 0 : index
    %get3A_48 = vector.load %arg1[%get3A_45, %get3A_46, %get3A_47] : memref<32x512x16xf32, #tpu.memory_space<vmem>>, vector<1x512x16xf32>
    %get3A_49 = vector.shape_cast %get3A_48 : vector<1x512x16xf32> to vector<512x16xf32>
    %add3A_50 = arith.addf %add3A_44, %get3A_49 : vector<512x16xf32>
    %get3A_51 = arith.constant 9 : index
    %get3A_52 = arith.constant 0 : index
    %get3A_53 = arith.constant 0 : index
    %get3A_54 = vector.load %arg1[%get3A_51, %get3A_52, %get3A_53] : memref<32x512x16xf32, #tpu.memory_space<vmem>>, vector<1x512x16xf32>
    %get3A_55 = vector.shape_cast %get3A_54 : vector<1x512x16xf32> to vector<512x16xf32>
    %add3A_56 = arith.addf %add3A_50, %get3A_55 : vector<512x16xf32>
    %get3A_57 = arith.constant 10 : index
    %get3A_58 = arith.constant 0 : index
    %get3A_59 = arith.constant 0 : index
    %get3A_60 = vector.load %arg1[%get3A_57, %get3A_58, %get3A_59] : memref<32x512x16xf32, #tpu.memory_space<vmem>>, vector<1x512x16xf32>
    %get3A_61 = vector.shape_cast %get3A_60 : vector<1x512x16xf32> to vector<512x16xf32>
    %add3A_62 = arith.addf %add3A_56, %get3A_61 : vector<512x16xf32>
    %get3A_63 = arith.constant 11 : index
    %get3A_64 = arith.constant 0 : index
    %get3A_65 = arith.constant 0 : index
    %get3A_66 = vector.load %arg1[%get3A_63, %get3A_64, %get3A_65] : memref<32x512x16xf32, #tpu.memory_space<vmem>>, vector<1x512x16xf32>
    %get3A_67 = vector.shape_cast %get3A_66 : vector<1x512x16xf32> to vector<512x16xf32>
    %add3A_68 = arith.addf %add3A_62, %get3A_67 : vector<512x16xf32>
    %get3A_69 = arith.constant 12 : index
    %get3A_70 = arith.constant 0 : index
    %get3A_71 = arith.constant 0 : index
    %get3A_72 = vector.load %arg1[%get3A_69, %get3A_70, %get3A_71] : memref<32x512x16xf32, #tpu.memory_space<vmem>>, vector<1x512x16xf32>
    %get3A_73 = vector.shape_cast %get3A_72 : vector<1x512x16xf32> to vector<512x16xf32>
    %add3A_74 = arith.addf %add3A_68, %get3A_73 : vector<512x16xf32>
    %get3A_75 = arith.constant 13 : index
    %get3A_76 = arith.constant 0 : index
    %get3A_77 = arith.constant 0 : index
    %get3A_78 = vector.load %arg1[%get3A_75, %get3A_76, %get3A_77] : memref<32x512x16xf32, #tpu.memory_space<vmem>>, vector<1x512x16xf32>
    %get3A_79 = vector.shape_cast %get3A_78 : vector<1x512x16xf32> to vector<512x16xf32>
    %add3A_80 = arith.addf %add3A_74, %get3A_79 : vector<512x16xf32>
    %get3A_81 = arith.constant 14 : index
    %get3A_82 = arith.constant 0 : index
    %get3A_83 = arith.constant 0 : index
    %get3A_84 = vector.load %arg1[%get3A_81, %get3A_82, %get3A_83] : memref<32x512x16xf32, #tpu.memory_space<vmem>>, vector<1x512x16xf32>
    %get3A_85 = vector.shape_cast %get3A_84 : vector<1x512x16xf32> to vector<512x16xf32>
    %add3A_86 = arith.addf %add3A_80, %get3A_85 : vector<512x16xf32>
    %get3A_87 = arith.constant 15 : index
    %get3A_88 = arith.constant 0 : index
    %get3A_89 = arith.constant 0 : index
    %get3A_90 = vector.load %arg1[%get3A_87, %get3A_88, %get3A_89] : memref<32x512x16xf32, #tpu.memory_space<vmem>>, vector<1x512x16xf32>
    %get3A_91 = vector.shape_cast %get3A_90 : vector<1x512x16xf32> to vector<512x16xf32>
    %add3A_92 = arith.addf %add3A_86, %get3A_91 : vector<512x16xf32>
    %get3A_93 = arith.constant 16 : index
    %get3A_94 = arith.constant 0 : index
    %get3A_95 = arith.constant 0 : index
    %get3A_96 = vector.load %arg1[%get3A_93, %get3A_94, %get3A_95] : memref<32x512x16xf32, #tpu.memory_space<vmem>>, vector<1x512x16xf32>
    %get3A_97 = vector.shape_cast %get3A_96 : vector<1x512x16xf32> to vector<512x16xf32>
    %add3A_98 = arith.addf %add3A_92, %get3A_97 : vector<512x16xf32>
    %get3A_99 = arith.constant 17 : index
    %get3A_100 = arith.constant 0 : index
    %get3A_101 = arith.constant 0 : index
    %get3A_102 = vector.load %arg1[%get3A_99, %get3A_100, %get3A_101] : memref<32x512x16xf32, #tpu.memory_space<vmem>>, vector<1x512x16xf32>
    %get3A_103 = vector.shape_cast %get3A_102 : vector<1x512x16xf32> to vector<512x16xf32>
    %add3A_104 = arith.addf %add3A_98, %get3A_103 : vector<512x16xf32>
    %get3A_105 = arith.constant 18 : index
    %get3A_106 = arith.constant 0 : index
    %get3A_107 = arith.constant 0 : index
    %get3A_108 = vector.load %arg1[%get3A_105, %get3A_106, %get3A_107] : memref<32x512x16xf32, #tpu.memory_space<vmem>>, vector<1x512x16xf32>
    %get3A_109 = vector.shape_cast %get3A_108 : vector<1x512x16xf32> to vector<512x16xf32>
    %add3A_110 = arith.addf %add3A_104, %get3A_109 : vector<512x16xf32>
    %get3A_111 = arith.constant 19 : index
    %get3A_112 = arith.constant 0 : index
    %get3A_113 = arith.constant 0 : index
    %get3A_114 = vector.load %arg1[%get3A_111, %get3A_112, %get3A_113] : memref<32x512x16xf32, #tpu.memory_space<vmem>>, vector<1x512x16xf32>
    %get3A_115 = vector.shape_cast %get3A_114 : vector<1x512x16xf32> to vector<512x16xf32>
    %add3A_116 = arith.addf %add3A_110, %get3A_115 : vector<512x16xf32>
    %get3A_117 = arith.constant 20 : index
    %get3A_118 = arith.constant 0 : index
    %get3A_119 = arith.constant 0 : index
    %get3A_120 = vector.load %arg1[%get3A_117, %get3A_118, %get3A_119] : memref<32x512x16xf32, #tpu.memory_space<vmem>>, vector<1x512x16xf32>
    %get3A_121 = vector.shape_cast %get3A_120 : vector<1x512x16xf32> to vector<512x16xf32>
    %add3A_122 = arith.addf %add3A_116, %get3A_121 : vector<512x16xf32>
    %get3A_123 = arith.constant 21 : index
    %get3A_124 = arith.constant 0 : index
    %get3A_125 = arith.constant 0 : index
    %get3A_126 = vector.load %arg1[%get3A_123, %get3A_124, %get3A_125] : memref<32x512x16xf32, #tpu.memory_space<vmem>>, vector<1x512x16xf32>
    %get3A_127 = vector.shape_cast %get3A_126 : vector<1x512x16xf32> to vector<512x16xf32>
    %add3A_128 = arith.addf %add3A_122, %get3A_127 : vector<512x16xf32>
    %get3A_129 = arith.constant 22 : index
    %get3A_130 = arith.constant 0 : index
    %get3A_131 = arith.constant 0 : index
    %get3A_132 = vector.load %arg1[%get3A_129, %get3A_130, %get3A_131] : memref<32x512x16xf32, #tpu.memory_space<vmem>>, vector<1x512x16xf32>
    %get3A_133 = vector.shape_cast %get3A_132 : vector<1x512x16xf32> to vector<512x16xf32>
    %add3A_134 = arith.addf %add3A_128, %get3A_133 : vector<512x16xf32>
    %get3A_135 = arith.constant 23 : index
    %get3A_136 = arith.constant 0 : index
    %get3A_137 = arith.constant 0 : index
    %get3A_138 = vector.load %arg1[%get3A_135, %get3A_136, %get3A_137] : memref<32x512x16xf32, #tpu.memory_space<vmem>>, vector<1x512x16xf32>
    %get3A_139 = vector.shape_cast %get3A_138 : vector<1x512x16xf32> to vector<512x16xf32>
    %add3A_140 = arith.addf %add3A_134, %get3A_139 : vector<512x16xf32>
    %get3A_141 = arith.constant 24 : index
    %get3A_142 = arith.constant 0 : index
    %get3A_143 = arith.constant 0 : index
    %get3A_144 = vector.load %arg1[%get3A_141, %get3A_142, %get3A_143] : memref<32x512x16xf32, #tpu.memory_space<vmem>>, vector<1x512x16xf32>
    %get3A_145 = vector.shape_cast %get3A_144 : vector<1x512x16xf32> to vector<512x16xf32>
    %add3A_146 = arith.addf %add3A_140, %get3A_145 : vector<512x16xf32>
    %get3A_147 = arith.constant 25 : index
    %get3A_148 = arith.constant 0 : index
    %get3A_149 = arith.constant 0 : index
    %get3A_150 = vector.load %arg1[%get3A_147, %get3A_148, %get3A_149] : memref<32x512x16xf32, #tpu.memory_space<vmem>>, vector<1x512x16xf32>
    %get3A_151 = vector.shape_cast %get3A_150 : vector<1x512x16xf32> to vector<512x16xf32>
    %add3A_152 = arith.addf %add3A_146, %get3A_151 : vector<512x16xf32>
    %get3A_153 = arith.constant 26 : index
    %get3A_154 = arith.constant 0 : index
    %get3A_155 = arith.constant 0 : index
    %get3A_156 = vector.load %arg1[%get3A_153, %get3A_154, %get3A_155] : memref<32x512x16xf32, #tpu.memory_space<vmem>>, vector<1x512x16xf32>
    %get3A_157 = vector.shape_cast %get3A_156 : vector<1x512x16xf32> to vector<512x16xf32>
    %add3A_158 = arith.addf %add3A_152, %get3A_157 : vector<512x16xf32>
    %get3A_159 = arith.constant 27 : index
    %get3A_160 = arith.constant 0 : index
    %get3A_161 = arith.constant 0 : index
    %get3A_162 = vector.load %arg1[%get3A_159, %get3A_160, %get3A_161] : memref<32x512x16xf32, #tpu.memory_space<vmem>>, vector<1x512x16xf32>
    %get3A_163 = vector.shape_cast %get3A_162 : vector<1x512x16xf32> to vector<512x16xf32>
    %add3A_164 = arith.addf %add3A_158, %get3A_163 : vector<512x16xf32>
    %get3A_165 = arith.constant 28 : index
    %get3A_166 = arith.constant 0 : index
    %get3A_167 = arith.constant 0 : index
    %get3A_168 = vector.load %arg1[%get3A_165, %get3A_166, %get3A_167] : memref<32x512x16xf32, #tpu.memory_space<vmem>>, vector<1x512x16xf32>
    %get3A_169 = vector.shape_cast %get3A_168 : vector<1x512x16xf32> to vector<512x16xf32>
    %add3A_170 = arith.addf %add3A_164, %get3A_169 : vector<512x16xf32>
    %get3A_171 = arith.constant 29 : index
    %get3A_172 = arith.constant 0 : index
    %get3A_173 = arith.constant 0 : index
    %get3A_174 = vector.load %arg1[%get3A_171, %get3A_172, %get3A_173] : memref<32x512x16xf32, #tpu.memory_space<vmem>>, vector<1x512x16xf32>
    %get3A_175 = vector.shape_cast %get3A_174 : vector<1x512x16xf32> to vector<512x16xf32>
    %add3A_176 = arith.addf %add3A_170, %get3A_175 : vector<512x16xf32>
    %get3A_177 = arith.constant 30 : index
    %get3A_178 = arith.constant 0 : index
    %get3A_179 = arith.constant 0 : index
    %get3A_180 = vector.load %arg1[%get3A_177, %get3A_178, %get3A_179] : memref<32x512x16xf32, #tpu.memory_space<vmem>>, vector<1x512x16xf32>
    %get3A_181 = vector.shape_cast %get3A_180 : vector<1x512x16xf32> to vector<512x16xf32>
    %add3A_182 = arith.addf %add3A_176, %get3A_181 : vector<512x16xf32>
    %get3A_183 = arith.constant 31 : index
    %get3A_184 = arith.constant 0 : index
    %get3A_185 = arith.constant 0 : index
    %get3A_186 = vector.load %arg1[%get3A_183, %get3A_184, %get3A_185] : memref<32x512x16xf32, #tpu.memory_space<vmem>>, vector<1x512x16xf32>
    %get3A_187 = vector.shape_cast %get3A_186 : vector<1x512x16xf32> to vector<512x16xf32>
    %add3A_188 = arith.addf %add3A_182, %get3A_187 : vector<512x16xf32>
    %get3A_189 = arith.constant 0 : index
    %get3A_190 = arith.constant 0 : index
    %get3A_191 = vector.load %arg2[%get3A_189, %get3A_190] : memref<512x16xf32, #tpu.memory_space<vmem>>, vector<512x16xf32>
    %max3A = arith.constant 1.000000e+00 : f32
    %max3A_192 = vector.broadcast %max3A : f32 to vector<512x16xf32>
    %max3A_193 = arith.maximumf %get3A_191, %max3A_192 : vector<512x16xf32>
    %div3A = arith.divf %add3A_188, %max3A_193 : vector<512x16xf32>
    %get3A_194 = arith.constant 0 : index
    %get3A_195 = arith.constant 0 : index
    %get3A_196 = vector.load %arg3[%get3A_194, %get3A_195] : memref<1x16xf32, #tpu.memory_space<vmem>>, vector<1x16xf32>
    %add3A_197 = vector.broadcast %get3A_196 : vector<1x16xf32> to vector<512x16xf32>
    %add3A_198 = arith.addf %div3A, %add3A_197 : vector<512x16xf32>
    %max3A_199 = arith.constant 0.000000e+00 : f32
    %max3A_200 = vector.broadcast %max3A_199 : f32 to vector<512x16xf32>
    %max3A_201 = arith.maximumf %add3A_198, %max3A_200 : vector<512x16xf32>
    %broadcast_in_dim3A = arith.constant 0.000000e+00 : f32
    %broadcast_in_dim3A_202 = vector.broadcast %broadcast_in_dim3A : f32 to vector<512x112xf32>
    %concatenate3A = tpu.concatenate %max3A_201, %broadcast_in_dim3A_202 in 1 : vector<512x16xf32>, vector<512x112xf32> -> vector<512x128xf32>
    %swap3A = arith.constant 0 : index
    %swap3A_203 = arith.constant 0 : index
    %swap3A_204 = vector.load %arg4[%swap3A, %swap3A_203] : memref<512x128xf32, #tpu.memory_space<vmem>>, vector<512x128xf32>
    tpu.vector_store %arg4[%swap3A, %swap3A_203], %concatenate3A {strides = array<i32>} : memref<512x128xf32, #tpu.memory_space<vmem>>, vector<512x128xf32>,
    return
  }
  func.func @transform_0(%arg0: i32) -> (i32, i32, i32) {
    %c0_i32 = arith.constant 0 : i32
    %c0_i32_0 = arith.constant 0 : i32
    %c0_i32_1 = arith.constant 0 : i32
    return %c0_i32, %arg0, %c0_i32_0 : i32, i32, i32
  }
  func.func @transform_1(%arg0: i32) -> (i32, i32) {
    %c0_i32 = arith.constant 0 : i32
    %c0_i32_0 = arith.constant 0 : i32
    return %arg0, %c0_i32 : i32, i32
  }
  func.func @transform_2(%arg0: i32) -> (i32, i32) {
    %c0_i32 = arith.constant 0 : i32
    %c0_i32_0 = arith.constant 0 : i32
    %c0_i32_1 = arith.constant 0 : i32
    return %c0_i32, %c0_i32_0 : i32, i32
  }
  func.func @transform_3(%arg0: i32) -> (i32, i32) {
    %c0_i32 = arith.constant 0 : i32
    %c0_i32_0 = arith.constant 0 : i32
    return %arg0, %c0_i32 : i32, i32
  }
}

module attributes {stable_mosaic.version = 14 : i64} {
  func.func @_norm_body(%arg0: i32, %arg1: memref<32x512x16xf32, #tpu.memory_space<vmem>>, %arg2: memref<512x16xf32, #tpu.memory_space<vmem>>, %arg3: memref<1x16xf32, #tpu.memory_space<vmem>>, %arg4: memref<512x16xf32, #tpu.memory_space<vmem>>) attributes {dimension_semantics = [#tpu.dimension_semantics<arbitrary>], iteration_bounds = array<i64: 20>, scalar_prefetch = 0 : i64, scratch_operands = 0 : i64, tpu.core_type = #tpu.core_type<tc>, window_params = [{transform_indices = @transform_0, window_bounds = array<i64: 32, 512, 16>}, {transform_indices = @transform_1, window_bounds = array<i64: 512, 16>}, {pipeline_mode = #tpu.pipeline_mode<synchronous>, transform_indices = @transform_2, window_bounds = array<i64: 1, 16>}, {transform_indices = @transform_3, window_bounds = array<i64: 512, 16>}]} {
    %get3A = arith.constant 0 : index
    %get3A_0 = arith.constant 0 : index
    %get3A_1 = arith.constant 0 : index
    %get3A_2 = vector.load %arg1[%get3A, %get3A_0, %get3A_1] : memref<32x512x16xf32, #tpu.memory_space<vmem>>, vector<1x512x16xf32>
    %get3A_3 = vector.shape_cast %get3A_2 : vector<1x512x16xf32> to vector<512x16xf32>
    %get3A_4 = arith.constant 1 : index
    %get3A_5 = arith.constant 0 : index
    %get3A_6 = arith.constant 0 : index
    %get3A_7 = vector.load %arg1[%get3A_4, %get3A_5, %get3A_6] : memref<32x512x16xf32, #tpu.memory_space<vmem>>, vector<1x512x16xf32>
    %get3A_8 = vector.shape_cast %get3A_7 : vector<1x512x16xf32> to vector<512x16xf32>
    %add3A = arith.addf %get3A_3, %get3A_8 : vector<512x16xf32>
    %get3A_9 = arith.constant 2 : index
    %get3A_10 = arith.constant 0 : index
    %get3A_11 = arith.constant 0 : index
    %get3A_12 = vector.load %arg1[%get3A_9, %get3A_10, %get3A_11] : memref<32x512x16xf32, #tpu.memory_space<vmem>>, vector<1x512x16xf32>
    %get3A_13 = vector.shape_cast %get3A_12 : vector<1x512x16xf32> to vector<512x16xf32>
    %add3A_14 = arith.addf %add3A, %get3A_13 : vector<512x16xf32>
    %get3A_15 = arith.constant 3 : index
    %get3A_16 = arith.constant 0 : index
    %get3A_17 = arith.constant 0 : index
    %get3A_18 = vector.load %arg1[%get3A_15, %get3A_16, %get3A_17] : memref<32x512x16xf32, #tpu.memory_space<vmem>>, vector<1x512x16xf32>
    %get3A_19 = vector.shape_cast %get3A_18 : vector<1x512x16xf32> to vector<512x16xf32>
    %add3A_20 = arith.addf %add3A_14, %get3A_19 : vector<512x16xf32>
    %get3A_21 = arith.constant 4 : index
    %get3A_22 = arith.constant 0 : index
    %get3A_23 = arith.constant 0 : index
    %get3A_24 = vector.load %arg1[%get3A_21, %get3A_22, %get3A_23] : memref<32x512x16xf32, #tpu.memory_space<vmem>>, vector<1x512x16xf32>
    %get3A_25 = vector.shape_cast %get3A_24 : vector<1x512x16xf32> to vector<512x16xf32>
    %add3A_26 = arith.addf %add3A_20, %get3A_25 : vector<512x16xf32>
    %get3A_27 = arith.constant 5 : index
    %get3A_28 = arith.constant 0 : index
    %get3A_29 = arith.constant 0 : index
    %get3A_30 = vector.load %arg1[%get3A_27, %get3A_28, %get3A_29] : memref<32x512x16xf32, #tpu.memory_space<vmem>>, vector<1x512x16xf32>
    %get3A_31 = vector.shape_cast %get3A_30 : vector<1x512x16xf32> to vector<512x16xf32>
    %add3A_32 = arith.addf %add3A_26, %get3A_31 : vector<512x16xf32>
    %get3A_33 = arith.constant 6 : index
    %get3A_34 = arith.constant 0 : index
    %get3A_35 = arith.constant 0 : index
    %get3A_36 = vector.load %arg1[%get3A_33, %get3A_34, %get3A_35] : memref<32x512x16xf32, #tpu.memory_space<vmem>>, vector<1x512x16xf32>
    %get3A_37 = vector.shape_cast %get3A_36 : vector<1x512x16xf32> to vector<512x16xf32>
    %add3A_38 = arith.addf %add3A_32, %get3A_37 : vector<512x16xf32>
    %get3A_39 = arith.constant 7 : index
    %get3A_40 = arith.constant 0 : index
    %get3A_41 = arith.constant 0 : index
    %get3A_42 = vector.load %arg1[%get3A_39, %get3A_40, %get3A_41] : memref<32x512x16xf32, #tpu.memory_space<vmem>>, vector<1x512x16xf32>
    %get3A_43 = vector.shape_cast %get3A_42 : vector<1x512x16xf32> to vector<512x16xf32>
    %add3A_44 = arith.addf %add3A_38, %get3A_43 : vector<512x16xf32>
    %get3A_45 = arith.constant 8 : index
    %get3A_46 = arith.constant 0 : index
    %get3A_47 = arith.constant 0 : index
    %get3A_48 = vector.load %arg1[%get3A_45, %get3A_46, %get3A_47] : memref<32x512x16xf32, #tpu.memory_space<vmem>>, vector<1x512x16xf32>
    %get3A_49 = vector.shape_cast %get3A_48 : vector<1x512x16xf32> to vector<512x16xf32>
    %add3A_50 = arith.addf %add3A_44, %get3A_49 : vector<512x16xf32>
    %get3A_51 = arith.constant 9 : index
    %get3A_52 = arith.constant 0 : index
    %get3A_53 = arith.constant 0 : index
    %get3A_54 = vector.load %arg1[%get3A_51, %get3A_52, %get3A_53] : memref<32x512x16xf32, #tpu.memory_space<vmem>>, vector<1x512x16xf32>
    %get3A_55 = vector.shape_cast %get3A_54 : vector<1x512x16xf32> to vector<512x16xf32>
    %add3A_56 = arith.addf %add3A_50, %get3A_55 : vector<512x16xf32>
    %get3A_57 = arith.constant 10 : index
    %get3A_58 = arith.constant 0 : index
    %get3A_59 = arith.constant 0 : index
    %get3A_60 = vector.load %arg1[%get3A_57, %get3A_58, %get3A_59] : memref<32x512x16xf32, #tpu.memory_space<vmem>>, vector<1x512x16xf32>
    %get3A_61 = vector.shape_cast %get3A_60 : vector<1x512x16xf32> to vector<512x16xf32>
    %add3A_62 = arith.addf %add3A_56, %get3A_61 : vector<512x16xf32>
    %get3A_63 = arith.constant 11 : index
    %get3A_64 = arith.constant 0 : index
    %get3A_65 = arith.constant 0 : index
    %get3A_66 = vector.load %arg1[%get3A_63, %get3A_64, %get3A_65] : memref<32x512x16xf32, #tpu.memory_space<vmem>>, vector<1x512x16xf32>
    %get3A_67 = vector.shape_cast %get3A_66 : vector<1x512x16xf32> to vector<512x16xf32>
    %add3A_68 = arith.addf %add3A_62, %get3A_67 : vector<512x16xf32>
    %get3A_69 = arith.constant 12 : index
    %get3A_70 = arith.constant 0 : index
    %get3A_71 = arith.constant 0 : index
    %get3A_72 = vector.load %arg1[%get3A_69, %get3A_70, %get3A_71] : memref<32x512x16xf32, #tpu.memory_space<vmem>>, vector<1x512x16xf32>
    %get3A_73 = vector.shape_cast %get3A_72 : vector<1x512x16xf32> to vector<512x16xf32>
    %add3A_74 = arith.addf %add3A_68, %get3A_73 : vector<512x16xf32>
    %get3A_75 = arith.constant 13 : index
    %get3A_76 = arith.constant 0 : index
    %get3A_77 = arith.constant 0 : index
    %get3A_78 = vector.load %arg1[%get3A_75, %get3A_76, %get3A_77] : memref<32x512x16xf32, #tpu.memory_space<vmem>>, vector<1x512x16xf32>
    %get3A_79 = vector.shape_cast %get3A_78 : vector<1x512x16xf32> to vector<512x16xf32>
    %add3A_80 = arith.addf %add3A_74, %get3A_79 : vector<512x16xf32>
    %get3A_81 = arith.constant 14 : index
    %get3A_82 = arith.constant 0 : index
    %get3A_83 = arith.constant 0 : index
    %get3A_84 = vector.load %arg1[%get3A_81, %get3A_82, %get3A_83] : memref<32x512x16xf32, #tpu.memory_space<vmem>>, vector<1x512x16xf32>
    %get3A_85 = vector.shape_cast %get3A_84 : vector<1x512x16xf32> to vector<512x16xf32>
    %add3A_86 = arith.addf %add3A_80, %get3A_85 : vector<512x16xf32>
    %get3A_87 = arith.constant 15 : index
    %get3A_88 = arith.constant 0 : index
    %get3A_89 = arith.constant 0 : index
    %get3A_90 = vector.load %arg1[%get3A_87, %get3A_88, %get3A_89] : memref<32x512x16xf32, #tpu.memory_space<vmem>>, vector<1x512x16xf32>
    %get3A_91 = vector.shape_cast %get3A_90 : vector<1x512x16xf32> to vector<512x16xf32>
    %add3A_92 = arith.addf %add3A_86, %get3A_91 : vector<512x16xf32>
    %get3A_93 = arith.constant 16 : index
    %get3A_94 = arith.constant 0 : index
    %get3A_95 = arith.constant 0 : index
    %get3A_96 = vector.load %arg1[%get3A_93, %get3A_94, %get3A_95] : memref<32x512x16xf32, #tpu.memory_space<vmem>>, vector<1x512x16xf32>
    %get3A_97 = vector.shape_cast %get3A_96 : vector<1x512x16xf32> to vector<512x16xf32>
    %add3A_98 = arith.addf %add3A_92, %get3A_97 : vector<512x16xf32>
    %get3A_99 = arith.constant 17 : index
    %get3A_100 = arith.constant 0 : index
    %get3A_101 = arith.constant 0 : index
    %get3A_102 = vector.load %arg1[%get3A_99, %get3A_100, %get3A_101] : memref<32x512x16xf32, #tpu.memory_space<vmem>>, vector<1x512x16xf32>
    %get3A_103 = vector.shape_cast %get3A_102 : vector<1x512x16xf32> to vector<512x16xf32>
    %add3A_104 = arith.addf %add3A_98, %get3A_103 : vector<512x16xf32>
    %get3A_105 = arith.constant 18 : index
    %get3A_106 = arith.constant 0 : index
    %get3A_107 = arith.constant 0 : index
    %get3A_108 = vector.load %arg1[%get3A_105, %get3A_106, %get3A_107] : memref<32x512x16xf32, #tpu.memory_space<vmem>>, vector<1x512x16xf32>
    %get3A_109 = vector.shape_cast %get3A_108 : vector<1x512x16xf32> to vector<512x16xf32>
    %add3A_110 = arith.addf %add3A_104, %get3A_109 : vector<512x16xf32>
    %get3A_111 = arith.constant 19 : index
    %get3A_112 = arith.constant 0 : index
    %get3A_113 = arith.constant 0 : index
    %get3A_114 = vector.load %arg1[%get3A_111, %get3A_112, %get3A_113] : memref<32x512x16xf32, #tpu.memory_space<vmem>>, vector<1x512x16xf32>
    %get3A_115 = vector.shape_cast %get3A_114 : vector<1x512x16xf32> to vector<512x16xf32>
    %add3A_116 = arith.addf %add3A_110, %get3A_115 : vector<512x16xf32>
    %get3A_117 = arith.constant 20 : index
    %get3A_118 = arith.constant 0 : index
    %get3A_119 = arith.constant 0 : index
    %get3A_120 = vector.load %arg1[%get3A_117, %get3A_118, %get3A_119] : memref<32x512x16xf32, #tpu.memory_space<vmem>>, vector<1x512x16xf32>
    %get3A_121 = vector.shape_cast %get3A_120 : vector<1x512x16xf32> to vector<512x16xf32>
    %add3A_122 = arith.addf %add3A_116, %get3A_121 : vector<512x16xf32>
    %get3A_123 = arith.constant 21 : index
    %get3A_124 = arith.constant 0 : index
    %get3A_125 = arith.constant 0 : index
    %get3A_126 = vector.load %arg1[%get3A_123, %get3A_124, %get3A_125] : memref<32x512x16xf32, #tpu.memory_space<vmem>>, vector<1x512x16xf32>
    %get3A_127 = vector.shape_cast %get3A_126 : vector<1x512x16xf32> to vector<512x16xf32>
    %add3A_128 = arith.addf %add3A_122, %get3A_127 : vector<512x16xf32>
    %get3A_129 = arith.constant 22 : index
    %get3A_130 = arith.constant 0 : index
    %get3A_131 = arith.constant 0 : index
    %get3A_132 = vector.load %arg1[%get3A_129, %get3A_130, %get3A_131] : memref<32x512x16xf32, #tpu.memory_space<vmem>>, vector<1x512x16xf32>
    %get3A_133 = vector.shape_cast %get3A_132 : vector<1x512x16xf32> to vector<512x16xf32>
    %add3A_134 = arith.addf %add3A_128, %get3A_133 : vector<512x16xf32>
    %get3A_135 = arith.constant 23 : index
    %get3A_136 = arith.constant 0 : index
    %get3A_137 = arith.constant 0 : index
    %get3A_138 = vector.load %arg1[%get3A_135, %get3A_136, %get3A_137] : memref<32x512x16xf32, #tpu.memory_space<vmem>>, vector<1x512x16xf32>
    %get3A_139 = vector.shape_cast %get3A_138 : vector<1x512x16xf32> to vector<512x16xf32>
    %add3A_140 = arith.addf %add3A_134, %get3A_139 : vector<512x16xf32>
    %get3A_141 = arith.constant 24 : index
    %get3A_142 = arith.constant 0 : index
    %get3A_143 = arith.constant 0 : index
    %get3A_144 = vector.load %arg1[%get3A_141, %get3A_142, %get3A_143] : memref<32x512x16xf32, #tpu.memory_space<vmem>>, vector<1x512x16xf32>
    %get3A_145 = vector.shape_cast %get3A_144 : vector<1x512x16xf32> to vector<512x16xf32>
    %add3A_146 = arith.addf %add3A_140, %get3A_145 : vector<512x16xf32>
    %get3A_147 = arith.constant 25 : index
    %get3A_148 = arith.constant 0 : index
    %get3A_149 = arith.constant 0 : index
    %get3A_150 = vector.load %arg1[%get3A_147, %get3A_148, %get3A_149] : memref<32x512x16xf32, #tpu.memory_space<vmem>>, vector<1x512x16xf32>
    %get3A_151 = vector.shape_cast %get3A_150 : vector<1x512x16xf32> to vector<512x16xf32>
    %add3A_152 = arith.addf %add3A_146, %get3A_151 : vector<512x16xf32>
    %get3A_153 = arith.constant 26 : index
    %get3A_154 = arith.constant 0 : index
    %get3A_155 = arith.constant 0 : index
    %get3A_156 = vector.load %arg1[%get3A_153, %get3A_154, %get3A_155] : memref<32x512x16xf32, #tpu.memory_space<vmem>>, vector<1x512x16xf32>
    %get3A_157 = vector.shape_cast %get3A_156 : vector<1x512x16xf32> to vector<512x16xf32>
    %add3A_158 = arith.addf %add3A_152, %get3A_157 : vector<512x16xf32>
    %get3A_159 = arith.constant 27 : index
    %get3A_160 = arith.constant 0 : index
    %get3A_161 = arith.constant 0 : index
    %get3A_162 = vector.load %arg1[%get3A_159, %get3A_160, %get3A_161] : memref<32x512x16xf32, #tpu.memory_space<vmem>>, vector<1x512x16xf32>
    %get3A_163 = vector.shape_cast %get3A_162 : vector<1x512x16xf32> to vector<512x16xf32>
    %add3A_164 = arith.addf %add3A_158, %get3A_163 : vector<512x16xf32>
    %get3A_165 = arith.constant 28 : index
    %get3A_166 = arith.constant 0 : index
    %get3A_167 = arith.constant 0 : index
    %get3A_168 = vector.load %arg1[%get3A_165, %get3A_166, %get3A_167] : memref<32x512x16xf32, #tpu.memory_space<vmem>>, vector<1x512x16xf32>
    %get3A_169 = vector.shape_cast %get3A_168 : vector<1x512x16xf32> to vector<512x16xf32>
    %add3A_170 = arith.addf %add3A_164, %get3A_169 : vector<512x16xf32>
    %get3A_171 = arith.constant 29 : index
    %get3A_172 = arith.constant 0 : index
    %get3A_173 = arith.constant 0 : index
    %get3A_174 = vector.load %arg1[%get3A_171, %get3A_172, %get3A_173] : memref<32x512x16xf32, #tpu.memory_space<vmem>>, vector<1x512x16xf32>
    %get3A_175 = vector.shape_cast %get3A_174 : vector<1x512x16xf32> to vector<512x16xf32>
    %add3A_176 = arith.addf %add3A_170, %get3A_175 : vector<512x16xf32>
    %get3A_177 = arith.constant 30 : index
    %get3A_178 = arith.constant 0 : index
    %get3A_179 = arith.constant 0 : index
    %get3A_180 = vector.load %arg1[%get3A_177, %get3A_178, %get3A_179] : memref<32x512x16xf32, #tpu.memory_space<vmem>>, vector<1x512x16xf32>
    %get3A_181 = vector.shape_cast %get3A_180 : vector<1x512x16xf32> to vector<512x16xf32>
    %add3A_182 = arith.addf %add3A_176, %get3A_181 : vector<512x16xf32>
    %get3A_183 = arith.constant 31 : index
    %get3A_184 = arith.constant 0 : index
    %get3A_185 = arith.constant 0 : index
    %get3A_186 = vector.load %arg1[%get3A_183, %get3A_184, %get3A_185] : memref<32x512x16xf32, #tpu.memory_space<vmem>>, vector<1x512x16xf32>
    %get3A_187 = vector.shape_cast %get3A_186 : vector<1x512x16xf32> to vector<512x16xf32>
    %add3A_188 = arith.addf %add3A_182, %get3A_187 : vector<512x16xf32>
    %get3A_189 = arith.constant 0 : index
    %get3A_190 = arith.constant 0 : index
    %get3A_191 = vector.load %arg2[%get3A_189, %get3A_190] : memref<512x16xf32, #tpu.memory_space<vmem>>, vector<512x16xf32>
    %max3A = arith.constant 1.000000e+00 : f32
    %max3A_192 = vector.broadcast %max3A : f32 to vector<512x16xf32>
    %max3A_193 = arith.maximumf %get3A_191, %max3A_192 : vector<512x16xf32>
    %div3A = arith.divf %add3A_188, %max3A_193 : vector<512x16xf32>
    %get3A_194 = arith.constant 0 : index
    %get3A_195 = arith.constant 0 : index
    %get3A_196 = vector.load %arg3[%get3A_194, %get3A_195] : memref<1x16xf32, #tpu.memory_space<vmem>>, vector<1x16xf32>
    %add3A_197 = vector.broadcast %get3A_196 : vector<1x16xf32> to vector<512x16xf32>
    %add3A_198 = arith.addf %div3A, %add3A_197 : vector<512x16xf32>
    %swap3A = arith.constant 0 : index
    %swap3A_199 = arith.constant 0 : index
    %swap3A_200 = vector.load %arg4[%swap3A, %swap3A_199] : memref<512x16xf32, #tpu.memory_space<vmem>>, vector<512x16xf32>
    tpu.vector_store %arg4[%swap3A, %swap3A_199], %add3A_198 {strides = array<i32>} : memref<512x16xf32, #tpu.memory_space<vmem>>, vector<512x16xf32>,
    return
  }
  func.func @transform_0(%arg0: i32) -> (i32, i32, i32) {
    %c0_i32 = arith.constant 0 : i32
    %c0_i32_0 = arith.constant 0 : i32
    %c0_i32_1 = arith.constant 0 : i32
    return %c0_i32, %arg0, %c0_i32_0 : i32, i32, i32
  }
  func.func @transform_1(%arg0: i32) -> (i32, i32) {
    %c0_i32 = arith.constant 0 : i32
    %c0_i32_0 = arith.constant 0 : i32
    return %arg0, %c0_i32 : i32, i32
  }
  func.func @transform_2(%arg0: i32) -> (i32, i32) {
    %c0_i32 = arith.constant 0 : i32
    %c0_i32_0 = arith.constant 0 : i32
    %c0_i32_1 = arith.constant 0 : i32
    return %c0_i32, %c0_i32_0 : i32, i32
  }
  func.func @transform_3(%arg0: i32) -> (i32, i32) {
    %c0_i32 = arith.constant 0 : i32
    %c0_i32_0 = arith.constant 0 : i32
    return %arg0, %c0_i32 : i32, i32
  }
}

</mosaic_0001>

<sc_bundles>
// kernel: kernel.12.cloned.1.call-start
scs
__scs_entry_jumppad:
0x0: {  	(pc) =	sbr.rel $0x88, $3  }
0x1: {  	(tag) =	ssettag $0x0;
	lr =	simm.s32 $0x1  }
0x2: {  	[smem:$0x3F96] =	sst lr;
	_ =	strace $0xD0000000  }
0x3: {  	_ = 	snop  }
0x4: {  	_ = 	snop  }
0x5: {  	_ = 	snop  }
0x6: {  	_ = 	snop  }
0x7: {  	_ = 	snop  }
__scs_overlays_trampoline_lowered:
0x8: {  	[smem:$0x3FA5] =	sst s0  }
0x9: {  	[smem:$0x3FA6] =	sst s1  }
0xa: {  	[smem:$0x3FA7] =	sst s2  }
0xb: {  	[smem:$0x3FA8] =	sst s3  }
0xc: {  	[smem:$0x3FA9] =	sst s4  }
0xd: {  	[smem:$0x3FAA] =	sst s5  }
0xe: {  	[smem:$0x3FAB] =	sst s6  }
0xf: {  	[smem:$0x3FAC] =	sst s7  }
0x10: {  	[smem:$0x3FAD] =	sst s8  }
0x11: {  	[smem:$0x3FAE] =	sst s9;
	s0 =	simm.s32 @!p0 $0x0  }
0x12: {  	s1 =	sld [smem:$0x3F94];
	s0 =	simm.s32 @p0 $0x1  }
0x13: {  	[smem:$0x3FAF] =	sst s0;
	s0 =	simm.s32 @!p1 $0x0  }
0x14: {  	s2 =	sld [smem:$0x3F93];
	s0 =	simm.s32 @p1 $0x1  }
0x15: {  	[smem:$0x3FB0] =	sst s0;
	s0 =	simm.s32 @!p2 $0x0  }
0x16: {  	s3 =	sld [smem:$0x3FDB];
	s0 =	simm.s32 @p2 $0x1  }
0x17: {  	s4 =	simm.s32 $0x1BF5;
	[smem:$0x3FB2] =	sst s0  }
0x18: {  	s0 =	sld [smem:$0x3F95];
	_ =	swait.ge [sflag:s4], $0x0  }
0x19: {  	s7 =	sld [smem:$0x3F96]  }
0x1a: {  	s8 =	sadd.s32 $0xFFFFE003, lr  }
0x1b: {  	s9 =	sadd.s32 $0xFFFFFEF7, lr;
	s5 =	simm.s32 $0xFFFFFFFF;
	p2 =	slt.u32 s8, $0xFFFFF086  }
0x1c: {  	p1 =	slt.u32 s9, $0xF7A;
	s5 =	simm.s32 @!p2 $0x0  }
0x1d: {  	s5 =	simm.s32 @p1 $0x1;
	p0 =	seq.s32 s7, s2  }
0x1e: {  	s7 =	smul.u32 @!p0 $0xF7A, s2;
	p2 =	seq.s32 @!p0 s5, $0x0  }
0x1f: {  	s9 =	smul.u32 $0xF7A, s1;
	s8 =	simm.s32 @!p0 $0x1BF5;
	p2 =	por !p2, p0  }
0x20: {  	[sflag:s8] =	ssyncset.s32 @!p0 $0xFFFFF086;
	s6 =	sadd.s32 @!p0 s3, s7;
	s7 =	simm.s32 @!p0 $0x108  }
0x21: {  	s3 =	sadd.s32 s3, s9;
	s6 =	sadd.s32 @!p0 $0x88, s6;
	s7 =	simm.s32 @p2 $0x1082  }
0x22: {  	[simem:s7], [sflag:s8] =	dma.local @!p0 [hbm:s6], $0xF7A  }
0x23: {  	s9 =	sor.u32 $0xD0000000, s2;
	s6 =	simm.s32 $0x108;
	_ =	swait.ge @!p0 [sflag:s8], $0x0  }
0x24: {  	s3 =	sadd.s32 $0x88, s3;
	s6 =	simm.s32 @!p1 $0x1082;
	[sflag:s4] =	ssyncset.s32 $0xFFFFF086  }
0x25: {  	[simem:s6], [sflag:s4] =	dma.local [hbm:s3], $0xF7A  }
0x26: {  	[smem:$0x3F96] =	sst s1;
	(tag) =	ssettag s2;
	_ =	strace s9  }
0x27: {  	s1 =	sld [smem:$0x3FA6]  }
0x28: {  	s2 =	sld [smem:$0x3FA7]  }
0x29: {  	s4 =	sld [smem:$0x3FA9]  }
0x2a: {  	p0 =	seq.s32 s5, $0x0;
	s5 =	sld [smem:$0x3FAA]  }
0x2b: {  	s6 =	sld [smem:$0x3FAB]  }
0x2c: {  	s7 =	sld [smem:$0x3FAC]  }
0x2d: {  	s3 =	simm.s32 $0x108;
	s8 =	sld [smem:$0x3FAD]  }
0x2e: {  	s3 =	simm.s32 @!p0 $0x1082;
	s9 =	sld [smem:$0x3FAE]  }
0x2f: {  	lr =	sadd.s32 s0, s3;
	s0 =	sld [smem:$0x3FA5]  }
0x30: {  	s3 =	sld [smem:$0x3FA8]  }
0x31: {  	[smem:$0x3FB1] =	sst s10  }
0x32: {  	s10 =	sld [smem:$0x3FAF];
	_ =	sdelay $0x3  }
0x33: {  	p0 =	seq.s32 s10, $0x1;
	s10 =	sld [smem:$0x3FB1];
	_ =	sdelay $0x3  }
0x34: {  	[smem:$0x3FB1] =	sst s10  }
0x35: {  	s10 =	sld [smem:$0x3FB0];
	_ =	sdelay $0x3  }
0x36: {  	p1 =	seq.s32 s10, $0x1;
	s10 =	sld [smem:$0x3FB1];
	_ =	sdelay $0x3  }
0x37: {  	[smem:$0x3FB1] =	sst s10  }
0x38: {  	s10 =	sld [smem:$0x3FB2]  }
0x39: {  	_ = 	snop;
	(pc) =	sbr.ind lr, $3  }
0x3a: {  	_ = 	snop  }
0x3b: {  	_ = 	snop  }
0x3c: {  	p2 =	seq.s32 s10, $0x1;
	s10 =	sld [smem:$0x3FB1]  }
0x3d: {  	_ =	shalt  }
0x3e: {  	_ =	shalt  }
0x3f: {  	_ =	shalt  }
0x40: {  	_ =	shalt  }
0x41: {  	_ =	shalt  }
0x42: {  	_ =	shalt  }
0x43: {  	_ =	shalt  }
0x44: {  	_ =	shalt  }
0x45: {  	_ =	shalt  }
0x46: {  	_ =	shalt  }
0x47: {  	_ =	shalt  }
0x48: {  	_ =	shalt  }
0x49: {  	_ =	shalt  }
0x4a: {  	_ =	shalt  }
0x4b: {  	_ =	shalt  }
0x4c: {  	_ =	shalt  }
0x4d: {  	_ =	shalt  }
0x4e: {  	_ =	shalt  }
0x4f: {  	_ =	shalt  }
0x50: {  	_ =	shalt  }
0x51: {  	_ =	shalt  }
0x52: {  	_ =	shalt  }
0x53: {  	_ =	shalt  }
0x54: {  	_ =	shalt  }
0x55: {  	_ =	shalt  }
0x56: {  	_ =	shalt  }
0x57: {  	_ =	shalt  }
0x58: {  	_ =	shalt  }
0x59: {  	_ =	shalt  }
0x5a: {  	_ =	shalt  }
0x5b: {  	_ =	shalt  }
0x5c: {  	_ =	shalt  }
0x5d: {  	_ =	shalt  }
0x5e: {  	_ =	shalt  }
0x5f: {  	_ =	shalt  }
0x60: {  	_ =	shalt  }
0x61: {  	_ =	shalt  }
0x62: {  	_ =	shalt  }
0x63: {  	_ =	shalt  }
0x64: {  	_ =	shalt  }
0x65: {  	_ =	shalt  }
0x66: {  	_ =	shalt  }
0x67: {  	_ =	shalt  }
0x68: {  	_ =	shalt  }
0x69: {  	_ =	shalt  }
0x6a: {  	_ =	shalt  }
0x6b: {  	_ =	shalt  }
0x6c: {  	_ =	shalt  }
0x6d: {  	_ =	shalt  }
0x6e: {  	_ =	shalt  }
0x6f: {  	_ =	shalt  }
0x70: {  	_ =	shalt  }
0x71: {  	_ =	shalt  }
0x72: {  	_ =	shalt  }
0x73: {  	_ =	shalt  }
0x74: {  	_ =	shalt  }
0x75: {  	_ =	shalt  }
0x76: {  	_ =	shalt  }
0x77: {  	_ =	shalt  }
0x78: {  	_ =	shalt  }
0x79: {  	_ =	shalt  }
0x7a: {  	_ =	shalt  }
0x7b: {  	_ =	shalt  }
0x7c: {  	_ =	shalt  }
0x7d: {  	_ =	shalt  }
0x7e: {  	_ =	shalt  }
0x7f: {  	_ =	shalt  }
0x80: {  	_ =	shalt  }
0x81: {  	_ =	shalt  }
0x82: {  	_ =	shalt  }
0x83: {  	_ =	shalt  }
0x84: {  	_ =	shalt  }
0x85: {  	_ =	shalt  }
0x86: {  	_ =	shalt  }
0x87: {  	_ =	shalt  }
.Lfunc_end0:
.L_simem_size_0:
called_computation_lowered:
.L_overlay_start_0:
0x88: {  	s2 =	sld [smem:$0x3FD9]  }
0x89: {  	s3 =	sld [smem:$0x3FFE];
	_ =	sdelay $0x1  }
0x8a: {  	s1 =	srdreg.scid  }
0x8b: {  	s0 =	sand.u32 $0x1, s1  }
0x8c: {  	s17 =	sshll.u32 s0, $0xA;
	s2 =	sadd.s32 s3, s2  }
0x8d: {  	s2 =	sadd.s32 s2, s17  }
0x8e: {  	[smem:$0x3FBD] =	sst s2  }
0x8f: {  	_ = 	snop  }
0x90: {  	s2 =	sld [smem:$0x3FC7];
	(tm) =	ssettm $0x1  }
0x91: {  	s18 =	sld [smem:$0x3FFB];
	_ =	sdelay $0x3  }
0x92: {  	_ =	strace s18  }
0x93: {  	s3 =	sld [smem:$0x3FFC];
	_ =	sdelay $0x3  }
0x94: {  	_ =	strace s3  }
0x95: {  	s3 =	sld [smem:$0x3FFD];
	_ =	sdelay $0x3  }
0x96: {  	_ =	strace s3  }
0x97: {  	_ =	strace $0x8FFFFFFF  }
0x98: {  	s19 =	sld [smem:$0x3FDB];
	_ =	sdelay $0x1  }
0x99: {  	s4 =	simm.s32 $_scs_section_size  }
0x9a: {  	s5 =	simm.s32 $_size__tile_overlayer_lowered;
	s6 =	simm.s32 $_tile_overlayer_lowered  }
0x9b: {  	s22 =	simm.s32 $0x1BFF;
	s21 =	sshll.u32 s6, $0x1;
	s3 =	sadd.s32 s4, s19  }
0x9c: {  	s7 =	simm.s32 $0x0;
	s20 =	sshll.u32 s5, $0x1;
	s5 =	sadd.s32 s21, s3  }
0x9d: {  	[timem:s7], [sflag:s22] =	dma.local [hbm:s5], s20  }
0x9e: {  	_ =	swait.ge [sflag:s22], s20  }
0x9f: {  	s4 =	ssub.s32 $0x0, s20;
	[sflag:s22] =	ssyncset.done $0x0  }
0xa0: {  	[sflag:s22] =	ssyncadd.s32 s4;
	_ =	sdelay $0x1  }
0xa1: {  	s23 =	simm.s32 $0x1B8B  }
0xa2: {  	_ =	swait.ge [sflag:s23], $0x1  }
0xa3: {  	[sflag:s23] =	ssyncset.done $0x0  }
0xa4: {  	s25 =	simm.s32 $0x1B8E;
	s24 =	sld [smem:$0x3FFE];
	[sflag:s23] =	ssyncadd.s32 $0xFFFFFFFF  }
0xa5: {  	s26 =	simm.s32 $execute0_lowered;
	[smem:$0x3FD2] =	sst s25  }
0xa6: {  	s5 =	sshll.u32 s26, $0x1;
	_ =	strace $0x80000046;
	[dreg:$0x1] =	wrdreg $0xFFFFFFFF  }
0xa7: {  	s28 =	simm.s32 $_size_execute0_lowered;
	s3 =	sadd.s32 s3, s5;
	[dreg:$0x0] =	wrdreg $0x0  }
0xa8: {  	s5 =	sshll.u32 s28, $0x1;
	[dreg:$0x2] =	wrdreg s3  }
0xa9: {  	[dreg:$0x3] =	wrdreg s5  }
0xaa: {  	[dreg:$0x4] =	wrdreg $0xC0  }
0xab: {  	_ =	task [dreg:s7], $0x5FFFF  }
0xac: {  	[dreg:$0x1] =	wrdreg $0xFFFFFFFF  }
0xad: {  	[dreg:$0x0] =	wrdreg $0x60  }
0xae: {  	[dreg:$0x2] =	wrdreg s2  }
0xaf: {  	[dreg:$0x3] =	wrdreg s24  }
0xb0: {  	[dreg:$0x4] =	wrdreg $0x9  }
0xb1: {  	_ =	task.clear_ibuf [dreg:s7], $0x5FFFF;
	_ =	strace $0x90000046  }
0xb2: {  	s29 =	simm.s32 $0x9;
	_ =	strace $0x80000048  }
0xb3: {  	_ =	swait.ge [sflag:s29], $0x1  }
0xb4: {  	[sflag:s29] =	ssyncadd.s32 $0xFFFFFFFF  }
0xb5: {  	_ =	strace $0x90000048  }
0xb6: {  	_ =	sfence  }
0xb7: {  	s30 =	sld [smem:$0x0];
	_ =	sdelay $0x2  }
0xb8: {  	s31 =	sshll.u32 s1, $0xD;
	s1 =	sshrl.u32 s1, $0x2  }
0xb9: {  	s3 =	sand.u32 $0x4000, s31;
	s1 =	sadd.s32 s1, s30  }
0xba: {  	s0 =	sor.u32 s3, s0;
	s1 =	sshll.u32 s1, $0x11  }
0xbb: {  	s0 =	sor.u32 s1, s0  }
0xbc: {  	s0 =	sadd.s32 $0x8F2B, s0  }
0xbd: {  	[sflag:s0] =	ssyncadd.remote.s32 $0x1  }
0xbe: {  	_ =	sfence.sel $0xFFFF  }
0xbf: {  	[dreg:$0x0] =	wrdreg $0xFFFFFFFF;
	(pc) =	sbr.abs _section_cstart, $3  }
0xc0: {  	[dreg:$0x1] =	wrdreg $0xFFFFFFFF  }
0xc1: {  	_ =	task.clear_ibuf [dreg:s7], $0x2FFFF;
	_ =	strace $0x9FFFFFFF  }
0xc2: {  	(tm) =	ssettm $0x7FFFFFFF  }
0xc3: {  	_ =	shalt  }
tec
execute0_lowered:
.L_overlay_start_1:
0x0: {  	(tag) =	ssettag $0x1  }
0x1: {  	s2 =	rddreg [dreg:$0x0]  }
0x2: {  	s4 =	rddreg [dreg:$0x1]  }
0x3: {  	s0 =	rddreg [dreg:$0x2]  }
0x4: {  	s5 =	srdreg.scid;
	s1 =	stileid.u32  }
0x5: {  	s3 =	simm.s32 $0x0;
	s19 =	simm.s32 $0x8200;
	s20 =	simm.s32 $0x1  }
0x6: {  	s21 =	simm.s32 $0x3;
	s22 =	simm.s32 $0x2;
	s23 =	simm.s32 $0x4  }
0x7: {  	s24 =	simm.s32 $0x0;
	s13 =	sand.u32 $0x1, s5;
	s16 =	smul.u32 $0x2800, s1  }
0x8: {  	s25 =	sshll.u32 s1, $0x1;
	[smem:$0x7FF] =	sst s3;
	s18 =	smul.u32 $0x28000, s1  }
0x9: {  	s15 =	sadd.s32 $0x3600, s4;
	s14 =	sadd.s32 $0x8600, s4;
	s17 =	smul.u32 $0x1400, s13  }
0xa: {  	s6 =	ssub.s32 $0x2, s13;
	s5 =	sor.u32 s13, s25;
	s13 =	smul.u32 $0x14000, s13  }
0xb: {  	_ =	strace $0x80000047;
	s7 =	sshrl.u32 s6, $0x1;
	s10 =	smul.u32 $0x1400, s5  }
0xc: {  	s28 =	smul.u32 $0x14000, s5;
	s6 =	ssub.s32 s6, s7;
	s16 =	sadd.s32 s17, s16  }
0xd: {  	s26 =	sshrl.u32 s10, $0x3;
	s8 =	sor.u32 $0x100, s10;
	s5 =	smax.u32 s6, $0x1  }
0xe: {  	s7 =	sadd.s32 s14, s28;
	s12 =	sadd.s32 $0x1300, s10;
	s11 =	sshll.u32 s10, $0x4  }
0xf: {  	s17 =	sor.u32 $0x300, s16;
	s16 =	sadd.s32 $0x400, s16;
	s4 =	sadd.s32 s15, s26  }
0x10: {  	s29 =	sshrl.u32 s8, $0x3;
	s9 =	sshll.u32 s8, $0x4;
	s30 =	sshrl.u32 s12, $0x3  }
0x11: {  	s11 =	sadd.s32 s14, s11;
	s12 =	sshll.u32 s12, $0x4;
	s31 =	sshrl.u32 s17, $0x3  }
0x12: {  	s16 =	sshrl.u32 s16, $0x3;
	s17 =	simm.s32 $0x100;
	s6 =	sadd.s32 s15, s29  }
0x13: {  	s8 =	sadd.s32 $0x40, s4;
	s9 =	sadd.s32 s14, s9;
	s10 =	sadd.s32 s15, s30  }
0x14: {  	s11 =	sadd.s32 $0x12000, s11;
	s12 =	sadd.s32 s14, s12;
	s14 =	sadd.s32 s18, s14  }
0x15: {  	s18 =	simm.s32 $0x200;
	s13 =	sadd.s32 s13, s14;
	s14 =	sadd.s32 s31, s15  }
0x16: {  	s15 =	sadd.s32 s16, s15;
	s16 =	simm.s32 $0x5;
	s13 =	sadd.s32 $0x2000, s13  }
.LBB2_1:
0x17: {  	[tilespmem:s3], [sflag:$0x5] =	stream.linear.gather [hbm4b:s4+s3], $0x100, $0x38;
	[tilespmem:$0x10200] =	vst v63  }
0x18: {  	_ =	swait.ge [sflag:s16], $0x100  }
0x19: {  	[sflag:s16] =	ssyncset.done $0x0  }
0x1a: {  	[sflag:s16] =	ssyncadd.s32 $0xFFFFFF00  }
0x1b: {  	[tilespmem:s18], [sflag:$0x1] =	stream.indirect.gather [hbm4b:s2+s17], $0x80, s3, s17, $0xb8;
	[tilespmem:$0x10200] =	vst v63  }
0x1c: {  	_ = 	snop  }
0x1d: {  	[tilespmem:s17], [sflag:$0x5] =	stream.linear.gather [hbm4b:s6+s3], $0x100, $0x38;
	[tilespmem:$0x10200] =	vst v63  }
0x1e: {  	_ =	swait.ge [sflag:s16], $0x100  }
0x1f: {  	[sflag:s16] =	ssyncset.done $0x0  }
0x20: {  	[sflag:s16] =	ssyncadd.s32 $0xFFFFFF00  }
0x21: {  	[tilespmem:s19], [sflag:$0x2] =	stream.indirect.gather [hbm4b:s2+s17], $0x80, s17, s17, $0xb8;
	[tilespmem:$0x10200] =	vst v63  }
0x22: {  	_ =	swait.ge [sflag:s20], $0x8000  }
0x23: {  	[sflag:s20] =	ssyncset.done $0x0  }
0x24: {  	[sflag:s20] =	ssyncadd.s32 $0xFFFF8000  }
0x25: {  	[hbm4b:s7+s3] =	stream.linear.scatter [tilespmem:s18], [sflag:$0x3], $0x8000, $0x38;
	[tilespmem:$0x10200] =	vst v63  }
0x26: {  	_ = 	snop  }
0x27: {  	[tilespmem:s3], [sflag:$0x5] =	stream.linear.gather [hbm4b:s8+s3], $0x100, $0x38;
	[tilespmem:$0x10200] =	vst v63  }
0x28: {  	_ =	swait.ge [sflag:s16], $0x100  }
0x29: {  	[sflag:s16] =	ssyncset.done $0x0  }
0x2a: {  	[sflag:s16] =	ssyncadd.s32 $0xFFFFFF00  }
0x2b: {  	_ =	swait.ge [sflag:s21], $0x8000  }
0x2c: {  	[sflag:s21] =	ssyncset.done $0x0  }
0x2d: {  	[sflag:s21] =	ssyncadd.s32 $0xFFFF8000  }
0x2e: {  	[tilespmem:s18], [sflag:$0x1] =	stream.indirect.gather [hbm4b:s2+s17], $0x80, s3, s17, $0xb8;
	[tilespmem:$0x10200] =	vst v63  }
0x2f: {  	_ =	swait.ge [sflag:s22], $0x8000  }
0x30: {  	[sflag:s22] =	ssyncset.done $0x0  }
0x31: {  	[sflag:s22] =	ssyncadd.s32 $0xFFFF8000  }
0x32: {  	[hbm4b:s9+s3] =	stream.linear.scatter [tilespmem:s19], [sflag:$0x4], $0x8000, $0x38;
	[tilespmem:$0x10200] =	vst v63  }
0x33: {  	s25 =	sadd.s32 $0x0, s14  }
0x34: {  	[tilespmem:s17], [sflag:$0x5] =	stream.linear.gather [hbm4b:s25+s3], $0x100, $0x38;
	[tilespmem:$0x10200] =	vst v63  }
0x35: {  	_ =	swait.ge [sflag:s16], $0x100  }
0x36: {  	[sflag:s16] =	ssyncset.done $0x0  }
0x37: {  	[sflag:s16] =	ssyncadd.s32 $0xFFFFFF00  }
0x38: {  	_ =	swait.ge [sflag:s23], $0x8000  }
0x39: {  	[sflag:s23] =	ssyncset.done $0x0  }
0x3a: {  	[sflag:s23] =	ssyncadd.s32 $0xFFFF8000  }
0x3b: {  	[tilespmem:s19], [sflag:$0x2] =	stream.indirect.gather [hbm4b:s2+s17], $0x80, s17, s17, $0xb8;
	[tilespmem:$0x10200] =	vst v63  }
0x3c: {  	_ =	swait.ge [sflag:s20], $0x8000  }
0x3d: {  	[sflag:s20] =	ssyncset.done $0x0  }
0x3e: {  	[sflag:s20] =	ssyncadd.s32 $0xFFFF8000  }
0x3f: {  	[hbm4b:s13+s3] =	stream.linear.scatter [tilespmem:s18], [sflag:$0x3], $0x8000, $0x38;
	[tilespmem:$0x10200] =	vst v63  }
0x40: {  	s31 =	sadd.s32 $0x0, s15  }
0x41: {  	[tilespmem:s3], [sflag:$0x5] =	stream.linear.gather [hbm4b:s31+s3], $0x100, $0x38;
	[tilespmem:$0x10200] =	vst v63  }
0x42: {  	_ =	swait.ge [sflag:s16], $0x100  }
0x43: {  	[sflag:s16] =	ssyncset.done $0x0  }
0x44: {  	[sflag:s16] =	ssyncadd.s32 $0xFFFFFF00  }
0x45: {  	_ =	swait.ge [sflag:s21], $0x8000  }
0x46: {  	[sflag:s21] =	ssyncset.done $0x0  }
0x47: {  	[sflag:s21] =	ssyncadd.s32 $0xFFFF8000  }
0x48: {  	[tilespmem:s18], [sflag:$0x1] =	stream.indirect.gather [hbm4b:s2+s17], $0x80, s3, s17, $0xb8;
	[tilespmem:$0x10200] =	vst v63  }
0x49: {  	_ =	swait.ge [sflag:s22], $0x8000  }
0x4a: {  	s28 =	sadd.s32 $0x1000, s13;
	[sflag:s22] =	ssyncset.done $0x0  }
0x4b: {  	s26 =	sadd.s32 $0x2000, s13;
	s25 =	simm.s32 $0x40;
	[sflag:s22] =	ssyncadd.s32 $0xFFFF8000  }
.LBB2_2:
0x4c: {  	[hbm4b:s28+s3] =	stream.linear.scatter [tilespmem:s19], [sflag:$0x4], $0x8000, $0x38;
	[tilespmem:$0x10200] =	vst v63  }
0x4d: {  	s28 =	smov.u32 s25  }
0x4e: {  	p0 =	sne.s32 s25, $0x1C0;
	s25 =	sadd.s32 $0x40, s25;
	s29 =	sadd.s32 s28, s14  }
0x4f: {  	[tilespmem:s17], [sflag:$0x5] =	stream.linear.gather [hbm4b:s29+s3], $0x100, $0x38;
	[tilespmem:$0x10200] =	vst v63  }
0x50: {  	_ =	swait.ge [sflag:s16], $0x100  }
0x51: {  	[sflag:s16] =	ssyncset.done $0x0  }
0x52: {  	[sflag:s16] =	ssyncadd.s32 $0xFFFFFF00  }
0x53: {  	_ =	swait.ge [sflag:s23], $0x8000  }
0x54: {  	[sflag:s23] =	ssyncset.done $0x0  }
0x55: {  	[sflag:s23] =	ssyncadd.s32 $0xFFFF8000  }
0x56: {  	[tilespmem:s19], [sflag:$0x2] =	stream.indirect.gather [hbm4b:s2+s17], $0x80, s17, s17, $0xb8;
	[tilespmem:$0x10200] =	vst v63  }
0x57: {  	_ =	swait.ge [sflag:s20], $0x8000  }
0x58: {  	[sflag:s20] =	ssyncset.done $0x0  }
0x59: {  	[sflag:s20] =	ssyncadd.s32 $0xFFFF8000  }
0x5a: {  	[hbm4b:s26+s3] =	stream.linear.scatter [tilespmem:s18], [sflag:$0x3], $0x8000, $0x38;
	[tilespmem:$0x10200] =	vst v63  }
0x5b: {  	s28 =	sadd.s32 s28, s15  }
0x5c: {  	[tilespmem:s3], [sflag:$0x5] =	stream.linear.gather [hbm4b:s28+s3], $0x100, $0x38;
	[tilespmem:$0x10200] =	vst v63  }
0x5d: {  	_ =	swait.ge [sflag:s16], $0x100  }
0x5e: {  	[sflag:s16] =	ssyncset.done $0x0  }
0x5f: {  	[sflag:s16] =	ssyncadd.s32 $0xFFFFFF00  }
0x60: {  	_ =	swait.ge [sflag:s21], $0x8000  }
0x61: {  	[sflag:s21] =	ssyncset.done $0x0  }
.Ltmp0:
0x62: {  	[sflag:s21] =	ssyncadd.s32 $0xFFFF8000;
	(pc) =	sbr.rel @p0 .LBB2_2-.Ltmp0, $4  }
0x63: {  	[tilespmem:s18], [sflag:$0x1] =	stream.indirect.gather [hbm4b:s2+s17], $0x80, s3, s17, $0xb8;
	[tilespmem:$0x10200] =	vst v63  }
0x64: {  	_ =	swait.ge [sflag:s22], $0x8000  }
0x65: {  	[sflag:s22] =	ssyncset.done $0x0  }
0x66: {  	s28 =	sadd.s32 $0x1000, s26;
	s26 =	sadd.s32 $0x2000, s26;
	[sflag:s22] =	ssyncadd.s32 $0xFFFF8000  }
0x67: {  	[hbm4b:s28+s3] =	stream.linear.scatter [tilespmem:s19], [sflag:$0x4], $0x8000, $0x38;
	[tilespmem:$0x10200] =	vst v63  }
0x68: {  	_ = 	snop  }
0x69: {  	[tilespmem:s17], [sflag:$0x5] =	stream.linear.gather [hbm4b:s10+s3], $0x100, $0x38;
	[tilespmem:$0x10200] =	vst v63  }
0x6a: {  	_ =	swait.ge [sflag:s16], $0x100  }
0x6b: {  	[sflag:s16] =	ssyncset.done $0x0  }
0x6c: {  	[sflag:s16] =	ssyncadd.s32 $0xFFFFFF00  }
0x6d: {  	_ =	swait.ge [sflag:s23], $0x8000  }
0x6e: {  	[sflag:s23] =	ssyncset.done $0x0  }
0x6f: {  	[sflag:s23] =	ssyncadd.s32 $0xFFFF8000  }
0x70: {  	[tilespmem:s19], [sflag:$0x2] =	stream.indirect.gather [hbm4b:s2+s17], $0x80, s17, s17, $0xb8;
	[tilespmem:$0x10200] =	vst v63  }
0x71: {  	_ =	swait.ge [sflag:s20], $0x8000  }
0x72: {  	[sflag:s20] =	ssyncset.done $0x0  }
0x73: {  	[sflag:s20] =	ssyncadd.s32 $0xFFFF8000  }
0x74: {  	[hbm4b:s11+s3] =	stream.linear.scatter [tilespmem:s18], [sflag:$0x3], $0x8000, $0x38;
	[tilespmem:$0x10200] =	vst v63  }
0x75: {  	_ =	swait.ge [sflag:s22], $0x8000  }
0x76: {  	[sflag:s22] =	ssyncset.done $0x0  }
0x77: {  	s24 =	sadd.s32 $0x1, s24;
	[sflag:s22] =	ssyncadd.s32 $0xFFFF8000  }
0x78: {  	[hbm4b:s12+s3] =	stream.linear.scatter [tilespmem:s19], [sflag:$0x4], $0x8000, $0x38;
	[tilespmem:$0x10200] =	vst v63  }
0x79: {  	p0 =	sne.s32 s24, s5;
	_ =	swait.ge [sflag:s21], $0x8000  }
.Ltmp1:
0x7a: {  	[sflag:s21] =	ssyncset.done $0x0;
	(pc) =	sbr.rel @p0 .LBB2_1-.Ltmp1, $4  }
0x7b: {  	[sflag:s21] =	ssyncadd.s32 $0xFFFF8000  }
0x7c: {  	_ =	swait.ge [sflag:s23], $0x8000  }
0x7d: {  	[sflag:s23] =	ssyncset.done $0x0  }
0x7e: {  	[sflag:s23] =	ssyncadd.s32 $0xFFFF8000  }
0x7f: {  	_ =	sfence.sel $0x180000  }
0x80: {  	[bflag:$0x0] =	sbarrier.arrive $0xFFFF  }
0x81: {  	p0 =	sne.s32 s1, $0x0;
	_ =	strace $0x90000047  }
0x82: {  	s0 =	sadd.s32 @!p0 $0x100000, s0;
	[bflag:$0x2] =	sbarrier.arrive $0xFFFF  }
0x83: {  	[sflag:s0] =	ssyncadd.tile.s32 @!p0 $0x1;
	_ =	shalt  }
.Lfunc_end2:
_tile_overlayer_lowered:
.L_overlay_start_2:
0x84: {  	(tag) =	ssettag $0x2  }
0x85: {  	s0 =	rddreg [dreg:$0x0];
	s2 =	stileid.u32  }
0x86: {  	s1 =	rddreg [dreg:$0x1];
	p0 =	sne.s32 s2, $0x0  }
0x87: {  	s3 =	rddreg [dreg:$0x2];
	[bflag:$0x3] =	sbarrier.arrive $0xFFFF;
	s2 =	simm.s32 @!p0 $0x1C05  }
0x88: {  	[timem:s3], [sflag:s2] =	dma.local @!p0 [hbm:s0], s1  }
0x89: {  	s0 =	simm.s32 @!p0 $0x5  }
0x8a: {  	_ =	swait.ge @!p0 [sflag:s0], s1  }
0x8b: {  	s1 =	ssub.s32 @!p0 $0x0, s1;
	[sflag:s0] =	ssyncset.done @!p0 $0x0  }
0x8c: {  	[sflag:s0] =	ssyncadd.s32 @!p0 s1  }
0x8d: {  	[bflag:$0x3] =	sbarrier.arrive $0xFFFF  }
0x8e: {  	_ =	shalt  }

// kernel: kernel.15.cloned.1.call-start
scs
__scs_entry_jumppad:
0x0: {  	(pc) =	sbr.rel $0x88, $3  }
0x1: {  	(tag) =	ssettag $0x0;
	lr =	simm.s32 $0x1  }
0x2: {  	[smem:$0x3F96] =	sst lr;
	_ =	strace $0xD0000000  }
0x3: {  	_ = 	snop  }
0x4: {  	_ = 	snop  }
0x5: {  	_ = 	snop  }
0x6: {  	_ = 	snop  }
0x7: {  	_ = 	snop  }
__scs_overlays_trampoline_lowered:
0x8: {  	[smem:$0x3FA5] =	sst s0  }
0x9: {  	[smem:$0x3FA6] =	sst s1  }
0xa: {  	[smem:$0x3FA7] =	sst s2  }
0xb: {  	[smem:$0x3FA8] =	sst s3  }
0xc: {  	[smem:$0x3FA9] =	sst s4  }
0xd: {  	[smem:$0x3FAA] =	sst s5  }
0xe: {  	[smem:$0x3FAB] =	sst s6  }
0xf: {  	[smem:$0x3FAC] =	sst s7  }
0x10: {  	[smem:$0x3FAD] =	sst s8  }
0x11: {  	[smem:$0x3FAE] =	sst s9;
	s0 =	simm.s32 @!p0 $0x0  }
0x12: {  	s1 =	sld [smem:$0x3F94];
	s0 =	simm.s32 @p0 $0x1  }
0x13: {  	[smem:$0x3FAF] =	sst s0;
	s0 =	simm.s32 @!p1 $0x0  }
0x14: {  	s2 =	sld [smem:$0x3F93];
	s0 =	simm.s32 @p1 $0x1  }
0x15: {  	[smem:$0x3FB0] =	sst s0;
	s0 =	simm.s32 @!p2 $0x0  }
0x16: {  	s3 =	sld [smem:$0x3FDB];
	s0 =	simm.s32 @p2 $0x1  }
0x17: {  	s4 =	simm.s32 $0x1BF5;
	[smem:$0x3FB2] =	sst s0  }
0x18: {  	s0 =	sld [smem:$0x3F95];
	_ =	swait.ge [sflag:s4], $0x0  }
0x19: {  	s7 =	sld [smem:$0x3F96]  }
0x1a: {  	s8 =	sadd.s32 $0xFFFFE003, lr  }
0x1b: {  	s9 =	sadd.s32 $0xFFFFFEF7, lr;
	s5 =	simm.s32 $0xFFFFFFFF;
	p2 =	slt.u32 s8, $0xFFFFF086  }
0x1c: {  	p1 =	slt.u32 s9, $0xF7A;
	s5 =	simm.s32 @!p2 $0x0  }
0x1d: {  	s5 =	simm.s32 @p1 $0x1;
	p0 =	seq.s32 s7, s2  }
0x1e: {  	s7 =	smul.u32 @!p0 $0xF7A, s2;
	p2 =	seq.s32 @!p0 s5, $0x0  }
0x1f: {  	s9 =	smul.u32 $0xF7A, s1;
	s8 =	simm.s32 @!p0 $0x1BF5;
	p2 =	por !p2, p0  }
0x20: {  	[sflag:s8] =	ssyncset.s32 @!p0 $0xFFFFF086;
	s6 =	sadd.s32 @!p0 s3, s7;
	s7 =	simm.s32 @!p0 $0x108  }
0x21: {  	s3 =	sadd.s32 s3, s9;
	s6 =	sadd.s32 @!p0 $0x88, s6;
	s7 =	simm.s32 @p2 $0x1082  }
0x22: {  	[simem:s7], [sflag:s8] =	dma.local @!p0 [hbm:s6], $0xF7A  }
0x23: {  	s9 =	sor.u32 $0xD0000000, s2;
	s6 =	simm.s32 $0x108;
	_ =	swait.ge @!p0 [sflag:s8], $0x0  }
0x24: {  	s3 =	sadd.s32 $0x88, s3;
	s6 =	simm.s32 @!p1 $0x1082;
	[sflag:s4] =	ssyncset.s32 $0xFFFFF086  }
0x25: {  	[simem:s6], [sflag:s4] =	dma.local [hbm:s3], $0xF7A  }
0x26: {  	[smem:$0x3F96] =	sst s1;
	(tag) =	ssettag s2;
	_ =	strace s9  }
0x27: {  	s1 =	sld [smem:$0x3FA6]  }
0x28: {  	s2 =	sld [smem:$0x3FA7]  }
0x29: {  	s4 =	sld [smem:$0x3FA9]  }
0x2a: {  	p0 =	seq.s32 s5, $0x0;
	s5 =	sld [smem:$0x3FAA]  }
0x2b: {  	s6 =	sld [smem:$0x3FAB]  }
0x2c: {  	s7 =	sld [smem:$0x3FAC]  }
0x2d: {  	s3 =	simm.s32 $0x108;
	s8 =	sld [smem:$0x3FAD]  }
0x2e: {  	s3 =	simm.s32 @!p0 $0x1082;
	s9 =	sld [smem:$0x3FAE]  }
0x2f: {  	lr =	sadd.s32 s0, s3;
	s0 =	sld [smem:$0x3FA5]  }
0x30: {  	s3 =	sld [smem:$0x3FA8]  }
0x31: {  	[smem:$0x3FB1] =	sst s10  }
0x32: {  	s10 =	sld [smem:$0x3FAF];
	_ =	sdelay $0x3  }
0x33: {  	p0 =	seq.s32 s10, $0x1;
	s10 =	sld [smem:$0x3FB1];
	_ =	sdelay $0x3  }
0x34: {  	[smem:$0x3FB1] =	sst s10  }
0x35: {  	s10 =	sld [smem:$0x3FB0];
	_ =	sdelay $0x3  }
0x36: {  	p1 =	seq.s32 s10, $0x1;
	s10 =	sld [smem:$0x3FB1];
	_ =	sdelay $0x3  }
0x37: {  	[smem:$0x3FB1] =	sst s10  }
0x38: {  	s10 =	sld [smem:$0x3FB2]  }
0x39: {  	_ = 	snop;
	(pc) =	sbr.ind lr, $3  }
0x3a: {  	_ = 	snop  }
0x3b: {  	_ = 	snop  }
0x3c: {  	p2 =	seq.s32 s10, $0x1;
	s10 =	sld [smem:$0x3FB1]  }
0x3d: {  	_ =	shalt  }
0x3e: {  	_ =	shalt  }
0x3f: {  	_ =	shalt  }
0x40: {  	_ =	shalt  }
0x41: {  	_ =	shalt  }
0x42: {  	_ =	shalt  }
0x43: {  	_ =	shalt  }
0x44: {  	_ =	shalt  }
0x45: {  	_ =	shalt  }
0x46: {  	_ =	shalt  }
0x47: {  	_ =	shalt  }
0x48: {  	_ =	shalt  }
0x49: {  	_ =	shalt  }
0x4a: {  	_ =	shalt  }
0x4b: {  	_ =	shalt  }
0x4c: {  	_ =	shalt  }
0x4d: {  	_ =	shalt  }
0x4e: {  	_ =	shalt  }
0x4f: {  	_ =	shalt  }
0x50: {  	_ =	shalt  }
0x51: {  	_ =	shalt  }
0x52: {  	_ =	shalt  }
0x53: {  	_ =	shalt  }
0x54: {  	_ =	shalt  }
0x55: {  	_ =	shalt  }
0x56: {  	_ =	shalt  }
0x57: {  	_ =	shalt  }
0x58: {  	_ =	shalt  }
0x59: {  	_ =	shalt  }
0x5a: {  	_ =	shalt  }
0x5b: {  	_ =	shalt  }
0x5c: {  	_ =	shalt  }
0x5d: {  	_ =	shalt  }
0x5e: {  	_ =	shalt  }
0x5f: {  	_ =	shalt  }
0x60: {  	_ =	shalt  }
0x61: {  	_ =	shalt  }
0x62: {  	_ =	shalt  }
0x63: {  	_ =	shalt  }
0x64: {  	_ =	shalt  }
0x65: {  	_ =	shalt  }
0x66: {  	_ =	shalt  }
0x67: {  	_ =	shalt  }
0x68: {  	_ =	shalt  }
0x69: {  	_ =	shalt  }
0x6a: {  	_ =	shalt  }
0x6b: {  	_ =	shalt  }
0x6c: {  	_ =	shalt  }
0x6d: {  	_ =	shalt  }
0x6e: {  	_ =	shalt  }
0x6f: {  	_ =	shalt  }
0x70: {  	_ =	shalt  }
0x71: {  	_ =	shalt  }
0x72: {  	_ =	shalt  }
0x73: {  	_ =	shalt  }
0x74: {  	_ =	shalt  }
0x75: {  	_ =	shalt  }
0x76: {  	_ =	shalt  }
0x77: {  	_ =	shalt  }
0x78: {  	_ =	shalt  }
0x79: {  	_ =	shalt  }
0x7a: {  	_ =	shalt  }
0x7b: {  	_ =	shalt  }
0x7c: {  	_ =	shalt  }
0x7d: {  	_ =	shalt  }
0x7e: {  	_ =	shalt  }
0x7f: {  	_ =	shalt  }
0x80: {  	_ =	shalt  }
0x81: {  	_ =	shalt  }
0x82: {  	_ =	shalt  }
0x83: {  	_ =	shalt  }
0x84: {  	_ =	shalt  }
0x85: {  	_ =	shalt  }
0x86: {  	_ =	shalt  }
0x87: {  	_ =	shalt  }
.Lfunc_end0:
.L_simem_size_0:
called_computation.1_lowered:
.L_overlay_start_0:
0x88: {  	s2 =	sld [smem:$0x3FD9]  }
0x89: {  	s3 =	sld [smem:$0x3FFE];
	_ =	sdelay $0x1  }
0x8a: {  	s1 =	srdreg.scid  }
0x8b: {  	s0 =	sand.u32 $0x1, s1  }
0x8c: {  	s16 =	sshll.u32 s0, $0xA;
	s2 =	sadd.s32 s3, s2  }
0x8d: {  	s2 =	sadd.s32 s2, s16  }
0x8e: {  	[smem:$0x3FBD] =	sst s2  }
0x8f: {  	_ = 	snop  }
0x90: {  	(tm) =	ssettm $0x1  }
0x91: {  	s17 =	sld [smem:$0x3FFB];
	_ =	sdelay $0x3  }
0x92: {  	_ =	strace s17  }
0x93: {  	s2 =	sld [smem:$0x3FFC];
	_ =	sdelay $0x3  }
0x94: {  	_ =	strace s2  }
0x95: {  	s2 =	sld [smem:$0x3FFD];
	_ =	sdelay $0x3  }
0x96: {  	_ =	strace s2  }
0x97: {  	_ =	strace $0x8FFFFFFF  }
0x98: {  	s18 =	sld [smem:$0x3FDB];
	_ =	sdelay $0x1  }
0x99: {  	s19 =	simm.s32 $_scs_section_size  }
0x9a: {  	s4 =	simm.s32 $_size__tile_overlayer_lowered;
	s5 =	simm.s32 $_tile_overlayer_lowered  }
0x9b: {  	s22 =	simm.s32 $0x1BFF;
	s21 =	sshll.u32 s5, $0x1;
	s2 =	sadd.s32 s19, s18  }
0x9c: {  	s6 =	simm.s32 $0x0;
	s20 =	sshll.u32 s4, $0x1;
	s4 =	sadd.s32 s21, s2  }
0x9d: {  	[timem:s6], [sflag:s22] =	dma.local [hbm:s4], s20  }
0x9e: {  	_ =	swait.ge [sflag:s22], s20  }
0x9f: {  	s3 =	ssub.s32 $0x0, s20;
	[sflag:s22] =	ssyncset.done $0x0  }
0xa0: {  	[sflag:s22] =	ssyncadd.s32 s3;
	_ =	sdelay $0x1  }
0xa1: {  	s23 =	simm.s32 $0x1B8B  }
0xa2: {  	_ =	swait.ge [sflag:s23], $0x1  }
0xa3: {  	[sflag:s23] =	ssyncset.done $0x0  }
0xa4: {  	s25 =	simm.s32 $0x1B8E;
	s24 =	sld [smem:$0x3FFE];
	[sflag:s23] =	ssyncadd.s32 $0xFFFFFFFF  }
0xa5: {  	s26 =	simm.s32 $execute0_lowered;
	[smem:$0x3FD2] =	sst s25  }
0xa6: {  	s4 =	sshll.u32 s26, $0x1;
	_ =	strace $0x80000049;
	[dreg:$0x1] =	wrdreg $0xFFFFFFFF  }
0xa7: {  	s28 =	simm.s32 $_size_execute0_lowered;
	s2 =	sadd.s32 s2, s4;
	[dreg:$0x0] =	wrdreg $0x0  }
0xa8: {  	s4 =	sshll.u32 s28, $0x1;
	[dreg:$0x2] =	wrdreg s2  }
0xa9: {  	[dreg:$0x3] =	wrdreg s4  }
0xaa: {  	[dreg:$0x4] =	wrdreg $0xC0  }
0xab: {  	_ =	task [dreg:s6], $0x5FFFF  }
0xac: {  	[dreg:$0x1] =	wrdreg $0xFFFFFFFF  }
0xad: {  	[dreg:$0x0] =	wrdreg $0x60  }
0xae: {  	[dreg:$0x2] =	wrdreg s24  }
0xaf: {  	[dreg:$0x3] =	wrdreg $0x9  }
0xb0: {  	_ =	task.clear_ibuf [dreg:s6], $0x4FFFF;
	_ =	strace $0x90000049  }
0xb1: {  	s29 =	simm.s32 $0x9;
	_ =	strace $0x8000004B  }
0xb2: {  	_ =	swait.ge [sflag:s29], $0x1  }
0xb3: {  	[sflag:s29] =	ssyncadd.s32 $0xFFFFFFFF  }
0xb4: {  	_ =	strace $0x9000004B  }
0xb5: {  	_ =	sfence  }
0xb6: {  	s30 =	sld [smem:$0x0];
	_ =	sdelay $0x2  }
0xb7: {  	s31 =	sshll.u32 s1, $0xD;
	s1 =	sshrl.u32 s1, $0x2  }
0xb8: {  	s3 =	sand.u32 $0x4000, s31;
	s1 =	sadd.s32 s1, s30  }
0xb9: {  	s0 =	sor.u32 s3, s0;
	s1 =	sshll.u32 s1, $0x11  }
0xba: {  	s0 =	sor.u32 s1, s0  }
0xbb: {  	s0 =	sadd.s32 $0x8F2B, s0  }
0xbc: {  	[sflag:s0] =	ssyncadd.remote.s32 $0x1  }
0xbd: {  	_ =	sfence.sel $0xFFFF  }
0xbe: {  	[dreg:$0x0] =	wrdreg $0xFFFFFFFF;
	(pc) =	sbr.abs _section_cstart, $3  }
0xbf: {  	[dreg:$0x1] =	wrdreg $0xFFFFFFFF  }
0xc0: {  	_ =	task.clear_ibuf [dreg:s6], $0x2FFFF;
	_ =	strace $0x9FFFFFFF  }
0xc1: {  	(tm) =	ssettm $0x7FFFFFFF  }
tec
execute0_lowered:
.L_overlay_start_1:
0x0: {  	(tag) =	ssettag $0x1  }
0x1: {  	s5 =	rddreg [dreg:$0x0]  }
0x2: {  	s0 =	rddreg [dreg:$0x1]  }
0x3: {  	s3 =	srdreg.scid;
	s1 =	stileid.u32;
	s2 =	simm.s32 $0x0  }
0x4: {  	s13 =	simm.s32 $0x14900;
	s6 =	sand.u32 $0x1, s3;
	s29 =	sshll.u32 s1, $0x1  }
0x5: {  	s14 =	simm.s32 $0x0;
	[smem:$0x7FF] =	sst s2;
	s7 =	sor.u32 s6, s29  }
0x6: {  	s3 =	sadd.s32 $0x3600, s5;
	s4 =	sadd.s32 $0x288600, s5;
	s8 =	smul.u32 $0x500, s7  }
0x7: {  	s10 =	sadd.s32 $0x53600, s5;
	s30 =	ssub.s32 $0x2, s6;
	s9 =	smul.u32 $0x28000, s7  }
0x8: {  	_ =	strace $0x8000004A;
	s6 =	sshrl.u32 s30, $0x1;
	s11 =	smul.u32 $0x5000, s7  }
0x9: {  	s12 =	ssub.s32 s30, s6;
	s8 =	sadd.s32 s8, s5;
	s9 =	sshrl.u32 s9, $0x3  }
0xa: {  	s5 =	smul.u32 $0x1400, s7;
	s6 =	sadd.s32 s10, s11;
	s11 =	simm.s32 $0x80  }
0xb: {  	s31 =	sadd.s32 s10, s9;
	s8 =	sadd.s32 $0xF3600, s8;
	s9 =	smax.u32 s12, $0x1  }
0xc: {  	v0 =	vimm.f32 $0.0e+00;
	v1 =	vlaneseq.u32;
	s10 =	simm.s32 $0x1;
	s12 =	simm.s32 $0x880;
	s7 =	sadd.s32 $0x2800, s31  }
.LBB2_1:
0xd: {  	s15 =	simm.s32 $0x40;
	s16 =	simm.s32 $0x0  }
.LBB2_2:
0xe: {  	p0 =	sne.s32 s15, $0x501C0;
	[tilespmem:s16+$0x880] =	vst v0;
	s16 =	smov.u32 s15;
	s15 =	sadd.s32 $0x40, s15  }
.Ltmp0:
0xf: {  	(pc) =	sbr.rel @p0 .LBB2_2-.Ltmp0, $2  }
0x10: {  	_ =	sdelay $0x2  }
0x11: {  	s16 =	sshra.s32 s16, $0x2  }
0x12: {  	[tilespmem:s16+$0x880] =	vst v0;
	s15 =	simm.s32 $0x0;
	s16 =	simm.s32 $0x40;
	s17 =	simm.s32 $0x0  }
.LBB2_4:
0x13: {  	p0 =	sne.s32 s16, $0x9FC0;
	[tilespmem:s17+$0x14900] =	vst v0;
	s17 =	smov.u32 s16;
	s16 =	sadd.s32 $0x40, s16  }
.Ltmp1:
0x14: {  	(pc) =	sbr.rel @p0 .LBB2_4-.Ltmp1, $2  }
0x15: {  	_ =	sdelay $0x2  }
0x16: {  	s17 =	sshra.s32 s17, $0x2  }
0x17: {  	[tilespmem:s17+$0x14900] =	vst v0  }
.LBB2_6:
0x18: {  	s16 =	sshll.u32 s15, $0x7  }
0x19: {  	s16 =	sadd.s32 s5, s16  }
0x1a: {  	s17 =	sshrl.u32 s16, $0x3  }
0x1b: {  	s18 =	simm.s32 $0x0;
	s17 =	sadd.s32 s4, s17  }
0x1c: {  	[tilespmem:s18], [sflag:$0x1] =	stream.linear.gather [hbm4b:s17+s18], $0x80, $0x38;
	[tilespmem:$0x17100] =	vst v63  }
0x1d: {  	_ =	swait.ge [sflag:s10], $0x80  }
0x1e: {  	s16 =	sshll.u32 s16, $0x1;
	[sflag:s10] =	ssyncset.done $0x0  }
0x1f: {  	s16 =	sadd.s32 s3, s16;
	[sflag:s10] =	ssyncadd.s32 $0xFFFFFF80  }
0x20: {  	[tilespmem:s11], [sflag:$0x1] =	stream.linear.gather [hbm4b:s16+s18], $0x800, $0x38;
	[tilespmem:$0x17100] =	vst v63  }
0x21: {  	_ =	swait.ge [sflag:s10], $0x800  }
0x22: {  	[sflag:s10] =	ssyncset.done $0x0  }
0x23: {  	s26 =	simm.s32 $0x0;
	[sflag:s10] =	ssyncadd.s32 $0xFFFFF800  }
0x24: {  	v2 =	vld [tilespmem:s26+$0x0];
	_ =	sdelay $0x4  }
0x25: {  	v3 =	vmin.u32 v2, $0x1400  }
0x26: {  	v3 =	vshll.u32 v3, $0x4  }
0x27: {  	v3 =	vadd.s32 $0x880, v3  }
0x28: {  	(v2sf) =	vpush v3, $0x0;
	_ =	sdelay $0x7  }
0x29: {  	(v2sf) =	vpush v3, $0x1;
	_ =	sdelay $0x5  }
0x2a: {  	s16 =	simm.s32 $0x100  }
0x2b: {  	v4 =	vld [tilespmem:s16+$0xFFFFFF80];
	s28 =	spop (v2sf)  }
0x2c: {  	v5 =	vld [tilespmem:s28+$0x0]  }
0x2d: {  	(v2sf) =	vpush v3, $0x2;
	_ =	sdelay $0x3  }
0x2e: {  	v4 =	vadd.f32 v4, v5;
	_ =	sdelay $0x1  }
0x2f: {  	s29 =	spop (v2sf);
	[tilespmem:s28+$0x0] =	vst v4  }
0x30: {  	v4 =	vld [tilespmem:s29+$0x0]  }
0x31: {  	v5 =	vld [tilespmem:s16+$0xFFFFFF90]  }
0x32: {  	(v2sf) =	vpush v3, $0x3;
	_ =	sdelay $0x3  }
0x33: {  	v4 =	vadd.f32 v5, v4;
	_ =	sdelay $0x1  }
0x34: {  	s30 =	spop (v2sf);
	[tilespmem:s29+$0x0] =	vst v4  }
0x35: {  	v4 =	vld [tilespmem:s30+$0x0]  }
0x36: {  	v5 =	vld [tilespmem:s16+$0xFFFFFFA0]  }
0x37: {  	(v2sf) =	vpush v3, $0x4;
	_ =	sdelay $0x3  }
0x38: {  	v4 =	vadd.f32 v5, v4;
	_ =	sdelay $0x1  }
0x39: {  	s31 =	spop (v2sf);
	[tilespmem:s30+$0x0] =	vst v4  }
0x3a: {  	v4 =	vld [tilespmem:s31+$0x0]  }
0x3b: {  	v5 =	vld [tilespmem:s16+$0xFFFFFFB0]  }
0x3c: {  	(v2sf) =	vpush v3, $0x5;
	_ =	sdelay $0x3  }
0x3d: {  	v4 =	vadd.f32 v5, v4;
	_ =	sdelay $0x1  }
0x3e: {  	s18 =	spop (v2sf);
	[tilespmem:s31+$0x0] =	vst v4  }
0x3f: {  	v4 =	vld [tilespmem:s18+$0x0]  }
0x40: {  	v5 =	vld [tilespmem:s16+$0xFFFFFFC0]  }
0x41: {  	(v2sf) =	vpush v3, $0x6;
	_ =	sdelay $0x3  }
0x42: {  	v4 =	vadd.f32 v5, v4;
	_ =	sdelay $0x1  }
0x43: {  	s19 =	spop (v2sf);
	[tilespmem:s18+$0x0] =	vst v4  }
0x44: {  	v4 =	vld [tilespmem:s19+$0x0]  }
0x45: {  	v5 =	vld [tilespmem:s16+$0xFFFFFFD0]  }
0x46: {  	(v2sf) =	vpush v3, $0x7;
	_ =	sdelay $0x3  }
0x47: {  	v4 =	vadd.f32 v5, v4;
	_ =	sdelay $0x1  }
0x48: {  	s20 =	spop (v2sf);
	[tilespmem:s19+$0x0] =	vst v4  }
0x49: {  	v4 =	vld [tilespmem:s20+$0x0]  }
0x4a: {  	v5 =	vld [tilespmem:s16+$0xFFFFFFE0]  }
0x4b: {  	(v2sf) =	vpush v3, $0x8;
	_ =	sdelay $0x3  }
0x4c: {  	v4 =	vadd.f32 v5, v4;
	_ =	sdelay $0x1  }
0x4d: {  	s21 =	spop (v2sf);
	[tilespmem:s20+$0x0] =	vst v4  }
0x4e: {  	v4 =	vld [tilespmem:s21+$0x0]  }
0x4f: {  	v5 =	vld [tilespmem:s16+$0xFFFFFFF0]  }
0x50: {  	(v2sf) =	vpush v3, $0x9;
	_ =	sdelay $0x3  }
0x51: {  	v4 =	vadd.f32 v5, v4;
	_ =	sdelay $0x1  }
0x52: {  	s22 =	spop (v2sf);
	[tilespmem:s21+$0x0] =	vst v4  }
0x53: {  	v4 =	vld [tilespmem:s22+$0x0]  }
0x54: {  	v5 =	vld [tilespmem:s16+$0x0]  }
0x55: {  	(v2sf) =	vpush v3, $0xA;
	_ =	sdelay $0x3  }
0x56: {  	v4 =	vadd.f32 v5, v4;
	_ =	sdelay $0x1  }
0x57: {  	s23 =	spop (v2sf);
	[tilespmem:s22+$0x0] =	vst v4  }
0x58: {  	v4 =	vld [tilespmem:s23+$0x0]  }
0x59: {  	v5 =	vld [tilespmem:s16+$0x10]  }
0x5a: {  	(v2sf) =	vpush v3, $0xB;
	_ =	sdelay $0x3  }
0x5b: {  	v4 =	vadd.f32 v5, v4;
	_ =	sdelay $0x1  }
0x5c: {  	s24 =	spop (v2sf);
	[tilespmem:s23+$0x0] =	vst v4  }
0x5d: {  	v4 =	vld [tilespmem:s24+$0x0]  }
0x5e: {  	v5 =	vld [tilespmem:s16+$0x20]  }
0x5f: {  	(v2sf) =	vpush v3, $0xC;
	_ =	sdelay $0x3  }
0x60: {  	v4 =	vadd.f32 v5, v4;
	_ =	sdelay $0x1  }
0x61: {  	s25 =	spop (v2sf);
	[tilespmem:s24+$0x0] =	vst v4  }
0x62: {  	v4 =	vld [tilespmem:s25+$0x0]  }
0x63: {  	v5 =	vld [tilespmem:s16+$0x30]  }
0x64: {  	(v2sf) =	vpush v3, $0xD;
	_ =	sdelay $0x3  }
0x65: {  	v4 =	vadd.f32 v5, v4;
	_ =	sdelay $0x1  }
0x66: {  	s26 =	spop (v2sf);
	[tilespmem:s25+$0x0] =	vst v4  }
0x67: {  	v4 =	vld [tilespmem:s26+$0x0]  }
0x68: {  	v5 =	vld [tilespmem:s16+$0x40]  }
0x69: {  	(v2sf) =	vpush v3, $0xE;
	_ =	sdelay $0x3  }
0x6a: {  	v4 =	vadd.f32 v5, v4;
	_ =	sdelay $0x1  }
0x6b: {  	s28 =	spop (v2sf);
	v5 =	vand.u32 $0xFFFFFFF0, v2;
	[tilespmem:s26+$0x0] =	vst v4  }
0x6c: {  	v4 =	vadd.s32 $0x14900, v5;
	v5 =	vld [tilespmem:s28+$0x0]  }
0x6d: {  	v6 =	vld [tilespmem:s16+$0x50]  }
0x6e: {  	(v2sf) =	vpush v4, $0x0  }
0x6f: {  	(v2sf) =	vpush v3, $0xF;
	_ =	sdelay $0x2  }
0x70: {  	v3 =	vadd.f32 v6, v5;
	_ =	sdelay $0x1  }
0x71: {  	s29 =	spop (v2sf);
	[tilespmem:s28+$0x0] =	vst v3  }
0x72: {  	v3 =	vld [tilespmem:s29+$0x0]  }
0x73: {  	v5 =	vld [tilespmem:s16+$0x60];
	_ =	sdelay $0x4  }
0x74: {  	v3 =	vadd.f32 v5, v3;
	_ =	sdelay $0x1  }
0x75: {  	s30 =	spop (v2sf);
	[tilespmem:s29+$0x0] =	vst v3  }
0x76: {  	s31 =	spop (v2sf);
	v5 =	vld [tilespmem:s16+$0x70]  }
0x77: {  	(v2sf) =	vpush v4, $0x1;
	v3 =	vld [tilespmem:s31+$0x0];
	_ =	sdelay $0x4  }
0x78: {  	v3 =	vadd.f32 v5, v3;
	_ =	sdelay $0x1  }
0x79: {  	[tilespmem:s31+$0x0] =	vst v3  }
0x7a: {  	v2 =	vand.u32 $0xF, v2;
	(v2sf) =	vpush v4, $0x2;
	v3 =	vld [tilespmem:s30+$0x0]  }
0x7b: {  	v5 =	vbroadcast v2, $0x0;
	_ =	sdelay $0x1  }
0x7c: {  	vm0 =	veq.s32 v5, v1  }
0x7d: {  	v5 =	vsel vm0, $0x3F800000, v0  }
0x7e: {  	v3 =	vadd.f32 v3, v5;
	_ =	sdelay $0x1  }
0x7f: {  	s19 =	spop (v2sf);
	[tilespmem:s30+$0x0] =	vst v3  }
0x80: {  	(v2sf) =	vpush v4, $0x3;
	v3 =	vld [tilespmem:s19+$0x0]  }
0x81: {  	v5 =	vbroadcast v2, $0x1;
	_ =	sdelay $0x1  }
0x82: {  	vm14 =	veq.s32 v5, v1  }
0x83: {  	v5 =	vsel vm14, $0x3F800000, v0  }
0x84: {  	v3 =	vadd.f32 v3, v5;
	_ =	sdelay $0x1  }
0x85: {  	s20 =	spop (v2sf);
	[tilespmem:s19+$0x0] =	vst v3  }
0x86: {  	(v2sf) =	vpush v4, $0x4;
	v3 =	vld [tilespmem:s20+$0x0]  }
0x87: {  	v5 =	vbroadcast v2, $0x2;
	_ =	sdelay $0x1  }
0x88: {  	vm15 =	veq.s32 v5, v1  }
0x89: {  	v5 =	vsel vm15, $0x3F800000, v0  }
0x8a: {  	v3 =	vadd.f32 v3, v5;
	_ =	sdelay $0x1  }
0x8b: {  	s21 =	spop (v2sf);
	[tilespmem:s20+$0x0] =	vst v3  }
0x8c: {  	(v2sf) =	vpush v4, $0x5;
	v3 =	vld [tilespmem:s21+$0x0]  }
0x8d: {  	v5 =	vbroadcast v2, $0x3;
	_ =	sdelay $0x1  }
0x8e: {  	vm4 =	veq.s32 v5, v1  }
0x8f: {  	v5 =	vsel vm4, $0x3F800000, v0  }
0x90: {  	v3 =	vadd.f32 v3, v5;
	_ =	sdelay $0x1  }
0x91: {  	s22 =	spop (v2sf);
	[tilespmem:s21+$0x0] =	vst v3  }
0x92: {  	(v2sf) =	vpush v4, $0x6;
	v3 =	vld [tilespmem:s22+$0x0]  }
0x93: {  	v5 =	vbroadcast v2, $0x4;
	_ =	sdelay $0x1  }
0x94: {  	vm5 =	veq.s32 v5, v1  }
0x95: {  	v5 =	vsel vm5, $0x3F800000, v0  }
0x96: {  	v3 =	vadd.f32 v3, v5;
	_ =	sdelay $0x1  }
0x97: {  	s23 =	spop (v2sf);
	[tilespmem:s22+$0x0] =	vst v3  }
0x98: {  	(v2sf) =	vpush v4, $0x7;
	v3 =	vld [tilespmem:s23+$0x0]  }
0x99: {  	v5 =	vbroadcast v2, $0x5;
	_ =	sdelay $0x1  }
0x9a: {  	vm6 =	veq.s32 v5, v1  }
0x9b: {  	v5 =	vsel vm6, $0x3F800000, v0  }
0x9c: {  	v3 =	vadd.f32 v3, v5;
	_ =	sdelay $0x1  }
0x9d: {  	s24 =	spop (v2sf);
	[tilespmem:s23+$0x0] =	vst v3  }
0x9e: {  	(v2sf) =	vpush v4, $0x8;
	v3 =	vld [tilespmem:s24+$0x0]  }
0x9f: {  	v5 =	vbroadcast v2, $0x6;
	_ =	sdelay $0x1  }
0xa0: {  	vm7 =	veq.s32 v5, v1  }
0xa1: {  	v5 =	vsel vm7, $0x3F800000, v0  }
0xa2: {  	v3 =	vadd.f32 v3, v5;
	_ =	sdelay $0x1  }
0xa3: {  	s25 =	spop (v2sf);
	[tilespmem:s24+$0x0] =	vst v3  }
0xa4: {  	(v2sf) =	vpush v4, $0x9;
	v3 =	vld [tilespmem:s25+$0x0]  }
0xa5: {  	v5 =	vbroadcast v2, $0x7;
	_ =	sdelay $0x1  }
0xa6: {  	vm8 =	veq.s32 v5, v1  }
0xa7: {  	v5 =	vsel vm8, $0x3F800000, v0  }
0xa8: {  	v3 =	vadd.f32 v3, v5;
	_ =	sdelay $0x1  }
0xa9: {  	s26 =	spop (v2sf);
	[tilespmem:s25+$0x0] =	vst v3  }
0xaa: {  	(v2sf) =	vpush v4, $0xA;
	v3 =	vld [tilespmem:s26+$0x0]  }
0xab: {  	v5 =	vbroadcast v2, $0x8;
	_ =	sdelay $0x1  }
0xac: {  	vm9 =	veq.s32 v5, v1  }
0xad: {  	v5 =	vsel vm9, $0x3F800000, v0  }
0xae: {  	v3 =	vadd.f32 v3, v5;
	_ =	sdelay $0x1  }
0xaf: {  	s28 =	spop (v2sf);
	[tilespmem:s26+$0x0] =	vst v3  }
0xb0: {  	(v2sf) =	vpush v4, $0xB;
	v3 =	vld [tilespmem:s28+$0x0]  }
0xb1: {  	v5 =	vbroadcast v2, $0x9;
	_ =	sdelay $0x1  }
0xb2: {  	vm10 =	veq.s32 v5, v1  }
0xb3: {  	v5 =	vsel vm10, $0x3F800000, v0  }
0xb4: {  	v3 =	vadd.f32 v3, v5;
	_ =	sdelay $0x1  }
0xb5: {  	s29 =	spop (v2sf);
	[tilespmem:s28+$0x0] =	vst v3  }
0xb6: {  	(v2sf) =	vpush v4, $0xC;
	v3 =	vld [tilespmem:s29+$0x0]  }
0xb7: {  	v5 =	vbroadcast v2, $0xA;
	_ =	sdelay $0x1  }
0xb8: {  	vm11 =	veq.s32 v5, v1  }
0xb9: {  	v5 =	vsel vm11, $0x3F800000, v0  }
0xba: {  	v3 =	vadd.f32 v3, v5;
	_ =	sdelay $0x1  }
0xbb: {  	s30 =	spop (v2sf);
	[tilespmem:s29+$0x0] =	vst v3  }
0xbc: {  	(v2sf) =	vpush v4, $0xD;
	v3 =	vld [tilespmem:s30+$0x0]  }
0xbd: {  	v5 =	vbroadcast v2, $0xB;
	_ =	sdelay $0x1  }
0xbe: {  	vm12 =	veq.s32 v5, v1  }
0xbf: {  	v5 =	vsel vm12, $0x3F800000, v0  }
0xc0: {  	v3 =	vadd.f32 v3, v5;
	_ =	sdelay $0x1  }
0xc1: {  	(v2sf) =	vpush v4, $0xE;
	s31 =	spop (v2sf);
	[tilespmem:s30+$0x0] =	vst v3  }
0xc2: {  	(v2sf) =	vpush v4, $0xF;
	v3 =	vld [tilespmem:s31+$0x0]  }
0xc3: {  	v4 =	vbroadcast v2, $0xC;
	_ =	sdelay $0x1  }
0xc4: {  	vm13 =	veq.s32 v4, v1  }
0xc5: {  	v4 =	vsel vm13, $0x3F800000, v0  }
0xc6: {  	v3 =	vadd.f32 v3, v4;
	_ =	sdelay $0x1  }
0xc7: {  	s20 =	spop (v2sf);
	[tilespmem:s31+$0x0] =	vst v3  }
0xc8: {  	v3 =	vld [tilespmem:s20+$0x0]  }
0xc9: {  	v4 =	vbroadcast v2, $0xD;
	_ =	sdelay $0x1  }
0xca: {  	vm14 =	veq.s32 v4, v1  }
0xcb: {  	v4 =	vbroadcast v2, $0xE;
	v2 =	vbroadcast v2, $0xF;
	v5 =	vsel vm14, $0x3F800000, v0  }
0xcc: {  	v5 =	vadd.f32 v3, v5  }
0xcd: {  	s19 =	spop (v2sf);
	vm15 =	veq.s32 v4, v1;
	vm1 =	veq.s32 v2, v1  }
0xce: {  	s17 =	simm.s32 $0x40;
	s18 =	spop (v2sf);
	v2 =	vsel vm15, $0x3F800000, v0;
	v3 =	vsel vm1, $0x3F800000, v0;
	[tilespmem:s20+$0x0] =	vst v5  }
.LBB2_7:
0xcf: {  	p0 =	sne.s32 s17, $0x1C0  }
0xd0: {  	v4 =	vld [tilespmem:s19+$0x0];
	s16 =	sadd.s32 $0x100, s16;
	s20 =	smov.u32 s17;
	s17 =	sadd.s32 $0x40, s17  }
0xd1: {  	_ =	sdelay $0x3  }
0xd2: {  	v2 =	vadd.f32 v4, v2;
	_ =	sdelay $0x1  }
0xd3: {  	[tilespmem:s19+$0x0] =	vst v2  }
0xd4: {  	v2 =	vld [tilespmem:s18+$0x0];
	_ =	sdelay $0x4  }
0xd5: {  	v2 =	vadd.f32 v2, v3;
	_ =	sdelay $0x1  }
0xd6: {  	s19 =	sshra.s32 s20, $0x2;
	[tilespmem:s18+$0x0] =	vst v2  }
0xd7: {  	v2 =	vld [tilespmem:s19+$0x0];
	_ =	sdelay $0x4  }
0xd8: {  	v3 =	vmin.u32 v2, $0x1400;
	v4 =	vand.u32 $0xFFFFFFF0, v2;
	v5 =	vand.u32 $0xF, v2  }
0xd9: {  	v3 =	vshll.u32 v3, $0x4;
	v6 =	vbroadcast v5, $0x0;
	v2 =	vadd.s32 $0x14900, v4  }
0xda: {  	v4 =	vbroadcast v5, $0x1;
	v7 =	vbroadcast v5, $0x2;
	v3 =	vadd.s32 $0x880, v3  }
0xdb: {  	vm15 =	veq.s32 v6, v1;
	v6 =	vbroadcast v5, $0x3;
	(v2sf) =	vpush v3, $0x0  }
0xdc: {  	vm14 =	veq.s32 v4, v1;
	vm13 =	veq.s32 v7, v1;
	v4 =	vbroadcast v5, $0x4  }
0xdd: {  	v7 =	vbroadcast v5, $0x6;
	vm12 =	veq.s32 v6, v1;
	v6 =	vbroadcast v5, $0x5  }
0xde: {  	v8 =	vbroadcast v5, $0x8;
	vm11 =	veq.s32 v4, v1;
	v4 =	vbroadcast v5, $0x7  }
0xdf: {  	vm9 =	veq.s32 v7, v1;
	vm10 =	veq.s32 v6, v1;
	v6 =	vbroadcast v5, $0x9  }
0xe0: {  	vm7 =	veq.s32 v8, v1;
	vm8 =	veq.s32 v4, v1;
	v4 =	vbroadcast v5, $0xA  }
0xe1: {  	v7 =	vbroadcast v5, $0xC;
	vm6 =	veq.s32 v6, v1;
	v6 =	vbroadcast v5, $0xB  }
0xe2: {  	v8 =	vbroadcast v5, $0xE;
	vm5 =	veq.s32 v4, v1;
	v4 =	vbroadcast v5, $0xD  }
0xe3: {  	vm3 =	veq.s32 v7, v1;
	vm4 =	veq.s32 v6, v1;
	(v2sf) =	vpush v3, $0x1  }
0xe4: {  	vm1 =	veq.s32 v8, v1;
	vm2 =	veq.s32 v4, v1;
	v4 =	vbroadcast v5, $0xF;
	_ =	sdelay $0x1  }
0xe5: {  	vm0 =	veq.s32 v4, v1;
	_ =	sdelay $0x3  }
0xe6: {  	v4 =	vld [tilespmem:s16+$0xFFFFFF80];
	s18 =	spop (v2sf)  }
0xe7: {  	v5 =	vld [tilespmem:s18+$0x0]  }
0xe8: {  	(v2sf) =	vpush v3, $0x2;
	_ =	sdelay $0x3  }
0xe9: {  	v4 =	vadd.f32 v4, v5;
	_ =	sdelay $0x1  }
0xea: {  	[tilespmem:s18+$0x0] =	vst v4;
	s18 =	spop (v2sf)  }
0xeb: {  	v4 =	vld [tilespmem:s18+$0x0]  }
0xec: {  	v5 =	vld [tilespmem:s16+$0xFFFFFF90]  }
0xed: {  	(v2sf) =	vpush v3, $0x3;
	_ =	sdelay $0x3  }
0xee: {  	v4 =	vadd.f32 v5, v4;
	_ =	sdelay $0x1  }
0xef: {  	[tilespmem:s18+$0x0] =	vst v4;
	s18 =	spop (v2sf)  }
0xf0: {  	v4 =	vld [tilespmem:s18+$0x0]  }
0xf1: {  	v5 =	vld [tilespmem:s16+$0xFFFFFFA0]  }
0xf2: {  	(v2sf) =	vpush v3, $0x4;
	_ =	sdelay $0x3  }
0xf3: {  	v4 =	vadd.f32 v5, v4;
	_ =	sdelay $0x1  }
0xf4: {  	[tilespmem:s18+$0x0] =	vst v4;
	s18 =	spop (v2sf)  }
0xf5: {  	v4 =	vld [tilespmem:s18+$0x0]  }
0xf6: {  	v5 =	vld [tilespmem:s16+$0xFFFFFFB0]  }
0xf7: {  	(v2sf) =	vpush v3, $0x5;
	_ =	sdelay $0x3  }
0xf8: {  	v4 =	vadd.f32 v5, v4;
	_ =	sdelay $0x1  }
0xf9: {  	[tilespmem:s18+$0x0] =	vst v4;
	s18 =	spop (v2sf)  }
0xfa: {  	v4 =	vld [tilespmem:s18+$0x0]  }
0xfb: {  	v5 =	vld [tilespmem:s16+$0xFFFFFFC0]  }
0xfc: {  	(v2sf) =	vpush v3, $0x6;
	_ =	sdelay $0x3  }
0xfd: {  	v4 =	vadd.f32 v5, v4;
	_ =	sdelay $0x1  }
0xfe: {  	[tilespmem:s18+$0x0] =	vst v4;
	s18 =	spop (v2sf)  }
0xff: {  	v4 =	vld [tilespmem:s18+$0x0]  }
0x100: {  	v5 =	vld [tilespmem:s16+$0xFFFFFFD0]  }
0x101: {  	(v2sf) =	vpush v3, $0x7;
	_ =	sdelay $0x3  }
0x102: {  	v4 =	vadd.f32 v5, v4;
	_ =	sdelay $0x1  }
0x103: {  	[tilespmem:s18+$0x0] =	vst v4;
	s18 =	spop (v2sf)  }
0x104: {  	v4 =	vld [tilespmem:s18+$0x0]  }
0x105: {  	v5 =	vld [tilespmem:s16+$0xFFFFFFE0]  }
0x106: {  	(v2sf) =	vpush v3, $0x8;
	_ =	sdelay $0x3  }
0x107: {  	v4 =	vadd.f32 v5, v4;
	_ =	sdelay $0x1  }
0x108: {  	[tilespmem:s18+$0x0] =	vst v4;
	s18 =	spop (v2sf)  }
0x109: {  	v4 =	vld [tilespmem:s18+$0x0]  }
0x10a: {  	v5 =	vld [tilespmem:s16+$0xFFFFFFF0]  }
0x10b: {  	(v2sf) =	vpush v3, $0x9;
	_ =	sdelay $0x3  }
0x10c: {  	v4 =	vadd.f32 v5, v4;
	_ =	sdelay $0x1  }
0x10d: {  	[tilespmem:s18+$0x0] =	vst v4;
	s18 =	spop (v2sf)  }
0x10e: {  	v4 =	vld [tilespmem:s18+$0x0]  }
0x10f: {  	v5 =	vld [tilespmem:s16+$0x0]  }
0x110: {  	(v2sf) =	vpush v3, $0xA;
	_ =	sdelay $0x3  }
0x111: {  	v4 =	vadd.f32 v5, v4;
	_ =	sdelay $0x1  }
0x112: {  	[tilespmem:s18+$0x0] =	vst v4;
	s18 =	spop (v2sf)  }
0x113: {  	v4 =	vld [tilespmem:s18+$0x0]  }
0x114: {  	v5 =	vld [tilespmem:s16+$0x10]  }
0x115: {  	(v2sf) =	vpush v3, $0xB;
	_ =	sdelay $0x3  }
0x116: {  	v4 =	vadd.f32 v5, v4;
	_ =	sdelay $0x1  }
0x117: {  	[tilespmem:s18+$0x0] =	vst v4;
	s18 =	spop (v2sf)  }
0x118: {  	v4 =	vld [tilespmem:s18+$0x0]  }
0x119: {  	v5 =	vld [tilespmem:s16+$0x20]  }
0x11a: {  	(v2sf) =	vpush v3, $0xC;
	_ =	sdelay $0x3  }
0x11b: {  	v4 =	vadd.f32 v5, v4;
	_ =	sdelay $0x1  }
0x11c: {  	[tilespmem:s18+$0x0] =	vst v4;
	s18 =	spop (v2sf)  }
0x11d: {  	v4 =	vld [tilespmem:s18+$0x0]  }
0x11e: {  	v5 =	vld [tilespmem:s16+$0x30]  }
0x11f: {  	(v2sf) =	vpush v3, $0xD;
	_ =	sdelay $0x3  }
0x120: {  	v4 =	vadd.f32 v5, v4;
	_ =	sdelay $0x1  }
0x121: {  	[tilespmem:s18+$0x0] =	vst v4;
	s18 =	spop (v2sf)  }
0x122: {  	v4 =	vld [tilespmem:s18+$0x0]  }
0x123: {  	v5 =	vld [tilespmem:s16+$0x40]  }
0x124: {  	(v2sf) =	vpush v3, $0xE;
	_ =	sdelay $0x2  }
0x125: {  	(v2sf) =	vpush v2, $0x0  }
0x126: {  	v4 =	vadd.f32 v5, v4;
	_ =	sdelay $0x1  }
0x127: {  	[tilespmem:s18+$0x0] =	vst v4;
	s18 =	spop (v2sf)  }
0x128: {  	v4 =	vld [tilespmem:s18+$0x0]  }
0x129: {  	v5 =	vld [tilespmem:s16+$0x50]  }
0x12a: {  	(v2sf) =	vpush v3, $0xF;
	_ =	sdelay $0x1  }
0x12b: {  	(v2sf) =	vpush v2, $0x1;
	_ =	sdelay $0x1  }
0x12c: {  	v3 =	vadd.f32 v5, v4;
	_ =	sdelay $0x1  }
0x12d: {  	[tilespmem:s18+$0x0] =	vst v3;
	s18 =	spop (v2sf)  }
0x12e: {  	v3 =	vld [tilespmem:s18+$0x0]  }
0x12f: {  	v4 =	vld [tilespmem:s16+$0x60]  }
0x130: {  	s19 =	spop (v2sf)  }
0x131: {  	(v2sf) =	vpush v2, $0x2;
	_ =	sdelay $0x2  }
0x132: {  	v3 =	vadd.f32 v4, v3  }
0x133: {  	v4 =	vsel vm15, $0x3F800000, v0  }
0x134: {  	[tilespmem:s18+$0x0] =	vst v3;
	s18 =	spop (v2sf)  }
0x135: {  	v3 =	vld [tilespmem:s18+$0x0]  }
0x136: {  	v5 =	vld [tilespmem:s16+$0x70];
	s20 =	spop (v2sf)  }
0x137: {  	(v2sf) =	vpush v2, $0x3;
	_ =	sdelay $0x3  }
0x138: {  	v3 =	vadd.f32 v5, v3;
	v5 =	vsel vm14, $0x3F800000, v0;
	_ =	sdelay $0x1  }
0x139: {  	[tilespmem:s18+$0x0] =	vst v3  }
0x13a: {  	v3 =	vld [tilespmem:s19+$0x0];
	s18 =	spop (v2sf)  }
0x13b: {  	(v2sf) =	vpush v2, $0x4;
	_ =	sdelay $0x3  }
0x13c: {  	v3 =	vadd.f32 v3, v4;
	v4 =	vsel vm13, $0x3F800000, v0;
	_ =	sdelay $0x1  }
0x13d: {  	[tilespmem:s19+$0x0] =	vst v3  }
0x13e: {  	v3 =	vld [tilespmem:s20+$0x0];
	s19 =	spop (v2sf)  }
0x13f: {  	(v2sf) =	vpush v2, $0x5;
	_ =	sdelay $0x3  }
0x140: {  	v3 =	vadd.f32 v3, v5;
	v5 =	vsel vm12, $0x3F800000, v0;
	_ =	sdelay $0x1  }
0x141: {  	[tilespmem:s20+$0x0] =	vst v3  }
0x142: {  	v3 =	vld [tilespmem:s18+$0x0];
	s20 =	spop (v2sf)  }
0x143: {  	(v2sf) =	vpush v2, $0x6;
	_ =	sdelay $0x3  }
0x144: {  	v3 =	vadd.f32 v3, v4;
	v4 =	vsel vm11, $0x3F800000, v0;
	_ =	sdelay $0x1  }
0x145: {  	[tilespmem:s18+$0x0] =	vst v3  }
0x146: {  	v3 =	vld [tilespmem:s19+$0x0];
	s18 =	spop (v2sf)  }
0x147: {  	(v2sf) =	vpush v2, $0x7;
	_ =	sdelay $0x3  }
0x148: {  	v3 =	vadd.f32 v3, v5;
	v5 =	vsel vm10, $0x3F800000, v0;
	_ =	sdelay $0x1  }
0x149: {  	[tilespmem:s19+$0x0] =	vst v3  }
0x14a: {  	v3 =	vld [tilespmem:s20+$0x0];
	s19 =	spop (v2sf)  }
0x14b: {  	(v2sf) =	vpush v2, $0x8;
	_ =	sdelay $0x3  }
0x14c: {  	v3 =	vadd.f32 v3, v4;
	v4 =	vsel vm9, $0x3F800000, v0;
	_ =	sdelay $0x1  }
0x14d: {  	[tilespmem:s20+$0x0] =	vst v3  }
0x14e: {  	v3 =	vld [tilespmem:s18+$0x0];
	s20 =	spop (v2sf)  }
0x14f: {  	(v2sf) =	vpush v2, $0x9;
	_ =	sdelay $0x3  }
0x150: {  	v3 =	vadd.f32 v3, v5;
	v5 =	vsel vm8, $0x3F800000, v0;
	_ =	sdelay $0x1  }
0x151: {  	[tilespmem:s18+$0x0] =	vst v3  }
0x152: {  	v3 =	vld [tilespmem:s19+$0x0];
	s18 =	spop (v2sf)  }
0x153: {  	(v2sf) =	vpush v2, $0xA;
	_ =	sdelay $0x3  }
0x154: {  	v3 =	vadd.f32 v3, v4;
	v4 =	vsel vm7, $0x3F800000, v0;
	_ =	sdelay $0x1  }
0x155: {  	[tilespmem:s19+$0x0] =	vst v3  }
0x156: {  	v3 =	vld [tilespmem:s20+$0x0];
	s19 =	spop (v2sf)  }
0x157: {  	(v2sf) =	vpush v2, $0xB;
	_ =	sdelay $0x3  }
0x158: {  	v3 =	vadd.f32 v3, v5;
	v5 =	vsel vm6, $0x3F800000, v0;
	_ =	sdelay $0x1  }
0x159: {  	[tilespmem:s20+$0x0] =	vst v3  }
0x15a: {  	v3 =	vld [tilespmem:s18+$0x0];
	s20 =	spop (v2sf)  }
0x15b: {  	(v2sf) =	vpush v2, $0xC;
	_ =	sdelay $0x3  }
0x15c: {  	v3 =	vadd.f32 v3, v4;
	v4 =	vsel vm5, $0x3F800000, v0;
	_ =	sdelay $0x1  }
0x15d: {  	[tilespmem:s18+$0x0] =	vst v3  }
0x15e: {  	v3 =	vld [tilespmem:s19+$0x0];
	s18 =	spop (v2sf)  }
0x15f: {  	(v2sf) =	vpush v2, $0xD;
	_ =	sdelay $0x3  }
0x160: {  	v3 =	vadd.f32 v3, v5;
	v5 =	vsel vm4, $0x3F800000, v0;
	_ =	sdelay $0x1  }
0x161: {  	[tilespmem:s19+$0x0] =	vst v3  }
0x162: {  	v3 =	vld [tilespmem:s20+$0x0];
	s21 =	spop (v2sf)  }
0x163: {  	(v2sf) =	vpush v2, $0xE;
	_ =	sdelay $0x3  }
0x164: {  	v3 =	vadd.f32 v3, v4;
	v4 =	vsel vm3, $0x3F800000, v0;
	_ =	sdelay $0x1  }
0x165: {  	[tilespmem:s20+$0x0] =	vst v3  }
0x166: {  	v3 =	vld [tilespmem:s18+$0x0];
	s20 =	spop (v2sf)  }
0x167: {  	(v2sf) =	vpush v2, $0xF;
	_ =	sdelay $0x3  }
0x168: {  	v2 =	vadd.f32 v3, v5;
	v3 =	vsel vm2, $0x3F800000, v0;
	_ =	sdelay $0x1  }
0x169: {  	[tilespmem:s18+$0x0] =	vst v2  }
0x16a: {  	v2 =	vld [tilespmem:s21+$0x0];
	s19 =	spop (v2sf);
	_ =	sdelay $0x4  }
0x16b: {  	v4 =	vadd.f32 v2, v4;
	v2 =	vsel vm1, $0x3F800000, v0;
	_ =	sdelay $0x1  }
0x16c: {  	[tilespmem:s21+$0x0] =	vst v4  }
0x16d: {  	v4 =	vld [tilespmem:s20+$0x0];
	s18 =	spop (v2sf);
	_ =	sdelay $0x2  }
.Ltmp2:
0x16e: {  	(pc) =	sbr.rel @p0 .LBB2_7-.Ltmp2, $3  }
0x16f: {  	_ = 	snop  }
0x170: {  	v4 =	vadd.f32 v4, v3;
	v3 =	vsel vm0, $0x3F800000, v0;
	_ =	sdelay $0x1  }
0x171: {  	[tilespmem:s20+$0x0] =	vst v4  }
0x172: {  	v4 =	vld [tilespmem:s19+$0x0];
	_ =	sdelay $0x4  }
0x173: {  	v2 =	vadd.f32 v4, v2;
	_ =	sdelay $0x1  }
0x174: {  	[tilespmem:s19+$0x0] =	vst v2  }
0x175: {  	v2 =	vld [tilespmem:s18+$0x0]  }
0x176: {  	s15 =	sadd.s32 $0x1, s15  }
0x177: {  	p0 =	sne.s32 s15, $0x28  }
.Ltmp3:
0x178: {  	_ = 	snop;
	(pc) =	sbr.rel @p0 .LBB2_6-.Ltmp3, $3  }
0x179: {  	_ = 	snop  }
0x17a: {  	v2 =	vadd.f32 v2, v3;
	_ =	sdelay $0x1  }
0x17b: {  	[tilespmem:s18+$0x0] =	vst v2  }
0x17c: {  	s15 =	simm.s32 $0x0  }
0x17d: {  	[hbm4b:s6+s15] =	stream.linear.scatter [tilespmem:s12], [sflag:$0x1], $0x14000, $0x38;
	[tilespmem:$0x17100] =	vst v63  }
0x17e: {  	_ =	swait.ge [sflag:s10], $0x14000  }
0x17f: {  	[sflag:s10] =	ssyncset.done $0x0  }
0x180: {  	s16 =	simm.s32 $0x40;
	s17 =	simm.s32 $0x0;
	[sflag:s10] =	ssyncadd.s32 $0xFFFEC000  }
.LBB2_10:
0x181: {  	p0 =	sne.s32 s16, $0x501C0;
	[tilespmem:s17+$0x880] =	vst v0;
	s17 =	smov.u32 s16;
	s16 =	sadd.s32 $0x40, s16  }
.Ltmp4:
0x182: {  	(pc) =	sbr.rel @p0 .LBB2_10-.Ltmp4, $2  }
0x183: {  	_ =	sdelay $0x2  }
0x184: {  	s17 =	sshra.s32 s17, $0x2  }
0x185: {  	[tilespmem:s17+$0x880] =	vst v0  }
.LBB2_12:
0x186: {  	s16 =	sshll.u32 s15, $0x7  }
0x187: {  	s16 =	sadd.s32 s5, s16  }
0x188: {  	s17 =	sshrl.u32 s16, $0x3  }
0x189: {  	s18 =	simm.s32 $0x0;
	s17 =	sadd.s32 s4, s17  }
0x18a: {  	[tilespmem:s18], [sflag:$0x1] =	stream.linear.gather [hbm4b:s17+s18], $0x80, $0x38;
	[tilespmem:$0x17100] =	vst v63  }
0x18b: {  	_ =	swait.ge [sflag:s10], $0x80  }
0x18c: {  	s16 =	sshll.u32 s16, $0x1;
	[sflag:s10] =	ssyncset.done $0x0  }
0x18d: {  	s16 =	sadd.s32 s3, s16;
	[sflag:s10] =	ssyncadd.s32 $0xFFFFFF80  }
0x18e: {  	[tilespmem:s11], [sflag:$0x1] =	stream.linear.gather [hbm4b:s16+s18], $0x800, $0x38;
	[tilespmem:$0x17100] =	vst v63  }
0x18f: {  	_ =	swait.ge [sflag:s10], $0x800  }
0x190: {  	[sflag:s10] =	ssyncset.done $0x0  }
0x191: {  	s30 =	simm.s32 $0x0;
	[sflag:s10] =	ssyncadd.s32 $0xFFFFF800  }
0x192: {  	v2 =	vld [tilespmem:s30+$0x0];
	_ =	sdelay $0x4  }
0x193: {  	v3 =	vadd.s32 $0xFFFFEC00, v2;
	v2 =	vshll.u32 v2, $0x4  }
0x194: {  	vm0 =	vlt.u32 v3, $0x1400;
	v2 =	vadd.s32 $0xFFFEC000, v2  }
0x195: {  	v2 =	vnsel vm0, $0x14000, v2  }
0x196: {  	v3 =	vadd.s32 $0x880, v2  }
0x197: {  	(v2sf) =	vpush v3, $0x0;
	_ =	sdelay $0x7  }
0x198: {  	(v2sf) =	vpush v3, $0x1;
	_ =	sdelay $0x5  }
0x199: {  	s16 =	simm.s32 $0x100  }
0x19a: {  	v2 =	vld [tilespmem:s16+$0xFFFFFF80];
	s31 =	spop (v2sf)  }
0x19b: {  	v4 =	vld [tilespmem:s31+$0x0]  }
0x19c: {  	(v2sf) =	vpush v3, $0x2;
	_ =	sdelay $0x3  }
0x19d: {  	v2 =	vadd.f32 v2, v4;
	_ =	sdelay $0x1  }
0x19e: {  	s18 =	spop (v2sf);
	[tilespmem:s31+$0x0] =	vst v2  }
0x19f: {  	v2 =	vld [tilespmem:s18+$0x0]  }
0x1a0: {  	v4 =	vld [tilespmem:s16+$0xFFFFFF90]  }
0x1a1: {  	(v2sf) =	vpush v3, $0x3;
	_ =	sdelay $0x3  }
0x1a2: {  	v2 =	vadd.f32 v4, v2;
	_ =	sdelay $0x1  }
0x1a3: {  	s19 =	spop (v2sf);
	[tilespmem:s18+$0x0] =	vst v2  }
0x1a4: {  	v2 =	vld [tilespmem:s19+$0x0]  }
0x1a5: {  	v4 =	vld [tilespmem:s16+$0xFFFFFFA0]  }
0x1a6: {  	(v2sf) =	vpush v3, $0x4;
	_ =	sdelay $0x3  }
0x1a7: {  	v2 =	vadd.f32 v4, v2;
	_ =	sdelay $0x1  }
0x1a8: {  	s20 =	spop (v2sf);
	[tilespmem:s19+$0x0] =	vst v2  }
0x1a9: {  	v2 =	vld [tilespmem:s20+$0x0]  }
0x1aa: {  	v4 =	vld [tilespmem:s16+$0xFFFFFFB0]  }
0x1ab: {  	(v2sf) =	vpush v3, $0x5;
	_ =	sdelay $0x3  }
0x1ac: {  	v2 =	vadd.f32 v4, v2;
	_ =	sdelay $0x1  }
0x1ad: {  	s21 =	spop (v2sf);
	[tilespmem:s20+$0x0] =	vst v2  }
0x1ae: {  	v2 =	vld [tilespmem:s21+$0x0]  }
0x1af: {  	v4 =	vld [tilespmem:s16+$0xFFFFFFC0]  }
0x1b0: {  	(v2sf) =	vpush v3, $0x6;
	_ =	sdelay $0x3  }
0x1b1: {  	v2 =	vadd.f32 v4, v2;
	_ =	sdelay $0x1  }
0x1b2: {  	s22 =	spop (v2sf);
	[tilespmem:s21+$0x0] =	vst v2  }
0x1b3: {  	v2 =	vld [tilespmem:s22+$0x0]  }
0x1b4: {  	v4 =	vld [tilespmem:s16+$0xFFFFFFD0]  }
0x1b5: {  	(v2sf) =	vpush v3, $0x7;
	_ =	sdelay $0x3  }
0x1b6: {  	v2 =	vadd.f32 v4, v2;
	_ =	sdelay $0x1  }
0x1b7: {  	s23 =	spop (v2sf);
	[tilespmem:s22+$0x0] =	vst v2  }
0x1b8: {  	v2 =	vld [tilespmem:s23+$0x0]  }
0x1b9: {  	v4 =	vld [tilespmem:s16+$0xFFFFFFE0]  }
0x1ba: {  	(v2sf) =	vpush v3, $0x8;
	_ =	sdelay $0x3  }
0x1bb: {  	v2 =	vadd.f32 v4, v2;
	_ =	sdelay $0x1  }
0x1bc: {  	s24 =	spop (v2sf);
	[tilespmem:s23+$0x0] =	vst v2  }
0x1bd: {  	v2 =	vld [tilespmem:s24+$0x0]  }
0x1be: {  	v4 =	vld [tilespmem:s16+$0xFFFFFFF0]  }
0x1bf: {  	(v2sf) =	vpush v3, $0x9;
	_ =	sdelay $0x3  }
0x1c0: {  	v2 =	vadd.f32 v4, v2;
	_ =	sdelay $0x1  }
0x1c1: {  	s25 =	spop (v2sf);
	[tilespmem:s24+$0x0] =	vst v2  }
0x1c2: {  	v2 =	vld [tilespmem:s25+$0x0]  }
0x1c3: {  	v4 =	vld [tilespmem:s16+$0x0]  }
0x1c4: {  	(v2sf) =	vpush v3, $0xA;
	_ =	sdelay $0x3  }
0x1c5: {  	v2 =	vadd.f32 v4, v2;
	_ =	sdelay $0x1  }
0x1c6: {  	s26 =	spop (v2sf);
	[tilespmem:s25+$0x0] =	vst v2  }
0x1c7: {  	v2 =	vld [tilespmem:s26+$0x0]  }
0x1c8: {  	v4 =	vld [tilespmem:s16+$0x10]  }
0x1c9: {  	(v2sf) =	vpush v3, $0xB;
	_ =	sdelay $0x3  }
0x1ca: {  	v2 =	vadd.f32 v4, v2;
	_ =	sdelay $0x1  }
0x1cb: {  	s28 =	spop (v2sf);
	[tilespmem:s26+$0x0] =	vst v2  }
0x1cc: {  	(v2sf) =	vpush v3, $0xC;
	v2 =	vld [tilespmem:s28+$0x0]  }
0x1cd: {  	v4 =	vld [tilespmem:s16+$0x20];
	_ =	sdelay $0x4  }
0x1ce: {  	v2 =	vadd.f32 v4, v2;
	_ =	sdelay $0x1  }
0x1cf: {  	s29 =	spop (v2sf);
	[tilespmem:s28+$0x0] =	vst v2  }
0x1d0: {  	v2 =	vld [tilespmem:s29+$0x0]  }
0x1d1: {  	v4 =	vld [tilespmem:s16+$0x30]  }
0x1d2: {  	(v2sf) =	vpush v3, $0xD;
	_ =	sdelay $0x3  }
0x1d3: {  	s30 =	spop (v2sf);
	(v2sf) =	vpush v3, $0xE;
	v2 =	vadd.f32 v4, v2;
	_ =	sdelay $0x1  }
0x1d4: {  	[tilespmem:s29+$0x0] =	vst v2  }
0x1d5: {  	v2 =	vld [tilespmem:s30+$0x0]  }
0x1d6: {  	v4 =	vld [tilespmem:s16+$0x40];
	_ =	sdelay $0x4  }
0x1d7: {  	v2 =	vadd.f32 v4, v2;
	_ =	sdelay $0x1  }
0x1d8: {  	s31 =	spop (v2sf);
	[tilespmem:s30+$0x0] =	vst v2  }
0x1d9: {  	v2 =	vld [tilespmem:s31+$0x0]  }
0x1da: {  	v4 =	vld [tilespmem:s16+$0x50];
	_ =	sdelay $0x1  }
0x1db: {  	s19 =	spop (v2sf);
	(v2sf) =	vpush v3, $0xF;
	_ =	sdelay $0x2  }
0x1dc: {  	v2 =	vadd.f32 v4, v2;
	_ =	sdelay $0x1  }
0x1dd: {  	[tilespmem:s31+$0x0] =	vst v2  }
0x1de: {  	v2 =	vld [tilespmem:s19+$0x0]  }
0x1df: {  	s17 =	simm.s32 $0x100;
	s18 =	simm.s32 $0x40;
	v3 =	vld [tilespmem:s16+$0x60]  }
.LBB2_13:
0x1e0: {  	p0 =	sne.s32 s18, $0x1C0  }
0x1e1: {  	s16 =	sadd.s32 $0x100, s16;
	s20 =	smov.u32 s18;
	s18 =	sadd.s32 $0x40, s18  }
0x1e2: {  	_ =	sdelay $0x2  }
0x1e3: {  	v2 =	vadd.f32 v3, v2;
	_ =	sdelay $0x1  }
0x1e4: {  	[tilespmem:s19+$0x0] =	vst v2;
	s19 =	spop (v2sf)  }
0x1e5: {  	v2 =	vld [tilespmem:s19+$0x0]  }
0x1e6: {  	v3 =	vld [tilespmem:s17+$0x70];
	s17 =	smov.u32 s16;
	_ =	sdelay $0x4  }
0x1e7: {  	v2 =	vadd.f32 v3, v2;
	_ =	sdelay $0x1  }
0x1e8: {  	s20 =	sshra.s32 s20, $0x2;
	[tilespmem:s19+$0x0] =	vst v2  }
0x1e9: {  	v2 =	vld [tilespmem:s20+$0x0];
	_ =	sdelay $0x4  }
0x1ea: {  	v3 =	vadd.s32 $0xFFFFEC00, v2;
	v2 =	vshll.u32 v2, $0x4  }
0x1eb: {  	vm0 =	vlt.u32 v3, $0x1400;
	v2 =	vadd.s32 $0xFFFEC000, v2  }
0x1ec: {  	v2 =	vnsel vm0, $0x14000, v2  }
0x1ed: {  	v2 =	vadd.s32 $0x880, v2  }
0x1ee: {  	(v2sf) =	vpush v2, $0x0;
	_ =	sdelay $0x7  }
0x1ef: {  	(v2sf) =	vpush v2, $0x1;
	_ =	sdelay $0x6  }
0x1f0: {  	v3 =	vld [tilespmem:s16+$0xFFFFFF80];
	s19 =	spop (v2sf)  }
0x1f1: {  	v4 =	vld [tilespmem:s19+$0x0]  }
0x1f2: {  	(v2sf) =	vpush v2, $0x2;
	_ =	sdelay $0x3  }
0x1f3: {  	v3 =	vadd.f32 v3, v4;
	_ =	sdelay $0x1  }
0x1f4: {  	[tilespmem:s19+$0x0] =	vst v3;
	s19 =	spop (v2sf)  }
0x1f5: {  	v3 =	vld [tilespmem:s19+$0x0]  }
0x1f6: {  	v4 =	vld [tilespmem:s16+$0xFFFFFF90]  }
0x1f7: {  	(v2sf) =	vpush v2, $0x3;
	_ =	sdelay $0x3  }
0x1f8: {  	v3 =	vadd.f32 v4, v3;
	_ =	sdelay $0x1  }
0x1f9: {  	[tilespmem:s19+$0x0] =	vst v3;
	s19 =	spop (v2sf)  }
0x1fa: {  	v3 =	vld [tilespmem:s19+$0x0]  }
0x1fb: {  	v4 =	vld [tilespmem:s16+$0xFFFFFFA0]  }
0x1fc: {  	(v2sf) =	vpush v2, $0x4;
	_ =	sdelay $0x3  }
0x1fd: {  	v3 =	vadd.f32 v4, v3;
	_ =	sdelay $0x1  }
0x1fe: {  	[tilespmem:s19+$0x0] =	vst v3;
	s19 =	spop (v2sf)  }
0x1ff: {  	v3 =	vld [tilespmem:s19+$0x0]  }
0x200: {  	v4 =	vld [tilespmem:s16+$0xFFFFFFB0]  }
0x201: {  	(v2sf) =	vpush v2, $0x5;
	_ =	sdelay $0x3  }
0x202: {  	v3 =	vadd.f32 v4, v3;
	_ =	sdelay $0x1  }
0x203: {  	[tilespmem:s19+$0x0] =	vst v3;
	s19 =	spop (v2sf)  }
0x204: {  	v3 =	vld [tilespmem:s19+$0x0]  }
0x205: {  	v4 =	vld [tilespmem:s16+$0xFFFFFFC0]  }
0x206: {  	(v2sf) =	vpush v2, $0x6;
	_ =	sdelay $0x3  }
0x207: {  	v3 =	vadd.f32 v4, v3;
	_ =	sdelay $0x1  }
0x208: {  	[tilespmem:s19+$0x0] =	vst v3;
	s19 =	spop (v2sf)  }
0x209: {  	v3 =	vld [tilespmem:s19+$0x0]  }
0x20a: {  	v4 =	vld [tilespmem:s16+$0xFFFFFFD0]  }
0x20b: {  	(v2sf) =	vpush v2, $0x7;
	_ =	sdelay $0x3  }
0x20c: {  	v3 =	vadd.f32 v4, v3;
	_ =	sdelay $0x1  }
0x20d: {  	[tilespmem:s19+$0x0] =	vst v3;
	s19 =	spop (v2sf)  }
0x20e: {  	v3 =	vld [tilespmem:s19+$0x0]  }
0x20f: {  	v4 =	vld [tilespmem:s16+$0xFFFFFFE0]  }
0x210: {  	(v2sf) =	vpush v2, $0x8;
	_ =	sdelay $0x3  }
0x211: {  	v3 =	vadd.f32 v4, v3;
	_ =	sdelay $0x1  }
0x212: {  	[tilespmem:s19+$0x0] =	vst v3;
	s19 =	spop (v2sf)  }
0x213: {  	v3 =	vld [tilespmem:s19+$0x0]  }
0x214: {  	v4 =	vld [tilespmem:s16+$0xFFFFFFF0]  }
0x215: {  	(v2sf) =	vpush v2, $0x9;
	_ =	sdelay $0x3  }
0x216: {  	v3 =	vadd.f32 v4, v3;
	_ =	sdelay $0x1  }
0x217: {  	[tilespmem:s19+$0x0] =	vst v3;
	s19 =	spop (v2sf)  }
0x218: {  	v3 =	vld [tilespmem:s19+$0x0]  }
0x219: {  	v4 =	vld [tilespmem:s16+$0x0]  }
0x21a: {  	(v2sf) =	vpush v2, $0xA;
	_ =	sdelay $0x3  }
0x21b: {  	v3 =	vadd.f32 v4, v3;
	_ =	sdelay $0x1  }
0x21c: {  	[tilespmem:s19+$0x0] =	vst v3;
	s19 =	spop (v2sf)  }
0x21d: {  	v3 =	vld [tilespmem:s19+$0x0]  }
0x21e: {  	v4 =	vld [tilespmem:s16+$0x10]  }
0x21f: {  	(v2sf) =	vpush v2, $0xB;
	_ =	sdelay $0x3  }
0x220: {  	v3 =	vadd.f32 v4, v3;
	_ =	sdelay $0x1  }
0x221: {  	[tilespmem:s19+$0x0] =	vst v3;
	s19 =	spop (v2sf)  }
0x222: {  	v3 =	vld [tilespmem:s19+$0x0]  }
0x223: {  	v4 =	vld [tilespmem:s16+$0x20]  }
0x224: {  	(v2sf) =	vpush v2, $0xC;
	_ =	sdelay $0x3  }
0x225: {  	v3 =	vadd.f32 v4, v3;
	_ =	sdelay $0x1  }
0x226: {  	[tilespmem:s19+$0x0] =	vst v3;
	s19 =	spop (v2sf)  }
0x227: {  	v3 =	vld [tilespmem:s19+$0x0]  }
0x228: {  	v4 =	vld [tilespmem:s16+$0x30]  }
0x229: {  	(v2sf) =	vpush v2, $0xD;
	_ =	sdelay $0x3  }
0x22a: {  	v3 =	vadd.f32 v4, v3;
	_ =	sdelay $0x1  }
0x22b: {  	[tilespmem:s19+$0x0] =	vst v3;
	s19 =	spop (v2sf)  }
0x22c: {  	v3 =	vld [tilespmem:s19+$0x0]  }
0x22d: {  	v4 =	vld [tilespmem:s16+$0x40]  }
0x22e: {  	(v2sf) =	vpush v2, $0xE;
	_ =	sdelay $0x3  }
0x22f: {  	v3 =	vadd.f32 v4, v3;
	_ =	sdelay $0x1  }
0x230: {  	[tilespmem:s19+$0x0] =	vst v3;
	s19 =	spop (v2sf)  }
0x231: {  	v3 =	vld [tilespmem:s19+$0x0]  }
0x232: {  	v4 =	vld [tilespmem:s16+$0x50]  }
0x233: {  	(v2sf) =	vpush v2, $0xF;
	_ =	sdelay $0x3  }
.Ltmp5:
0x234: {  	v2 =	vadd.f32 v4, v3;
	(pc) =	sbr.rel @p0 .LBB2_13-.Ltmp5, $4  }
0x235: {  	_ = 	snop  }
0x236: {  	[tilespmem:s19+$0x0] =	vst v2;
	s19 =	spop (v2sf)  }
0x237: {  	v2 =	vld [tilespmem:s19+$0x0]  }
0x238: {  	v3 =	vld [tilespmem:s16+$0x60]  }
0x239: {  	_ =	sdelay $0x3  }
0x23a: {  	v2 =	vadd.f32 v3, v2;
	_ =	sdelay $0x1  }
0x23b: {  	[tilespmem:s19+$0x0] =	vst v2;
	s16 =	spop (v2sf)  }
0x23c: {  	v2 =	vld [tilespmem:s16+$0x0]  }
0x23d: {  	v3 =	vld [tilespmem:s17+$0x70]  }
0x23e: {  	s15 =	sadd.s32 $0x1, s15  }
0x23f: {  	p0 =	sne.s32 s15, $0x28  }
.Ltmp6:
0x240: {  	_ = 	snop;
	(pc) =	sbr.rel @p0 .LBB2_12-.Ltmp6, $3  }
0x241: {  	_ = 	snop  }
0x242: {  	v2 =	vadd.f32 v3, v2;
	_ =	sdelay $0x1  }
0x243: {  	[tilespmem:s16+$0x0] =	vst v2  }
0x244: {  	[hbm4b:s7+s2] =	stream.linear.scatter [tilespmem:s12], [sflag:$0x1], $0x14000, $0x38;
	[tilespmem:$0x17100] =	vst v63  }
0x245: {  	s14 =	sadd.s32 $0x1, s14;
	_ =	swait.ge [sflag:s10], $0x14000  }
0x246: {  	p0 =	sne.s32 s14, s9;
	[sflag:s10] =	ssyncset.done $0x0  }
.Ltmp7:
0x247: {  	[sflag:s10] =	ssyncadd.s32 $0xFFFEC000;
	(pc) =	sbr.rel @p0 .LBB2_1-.Ltmp7, $4  }
0x248: {  	[hbm4b:s8+s2] =	stream.linear.scatter [tilespmem:s13], [sflag:$0x1], $0x2800, $0x38;
	[tilespmem:$0x17100] =	vst v63  }
0x249: {  	_ =	swait.ge [sflag:s10], $0x2800  }
0x24a: {  	[sflag:s10] =	ssyncset.done $0x0  }
0x24b: {  	[sflag:s10] =	ssyncadd.s32 $0xFFFFD800  }
0x24c: {  	_ =	sfence.sel $0x180000  }
0x24d: {  	[bflag:$0x0] =	sbarrier.arrive $0xFFFF  }
0x24e: {  	p0 =	sne.s32 s1, $0x0;
	_ =	strace $0x9000004A  }
0x24f: {  	s0 =	sadd.s32 @!p0 $0x100000, s0;
	[bflag:$0x2] =	sbarrier.arrive $0xFFFF  }
0x250: {  	[sflag:s0] =	ssyncadd.tile.s32 @!p0 $0x1;
	_ =	shalt  }
.Lfunc_end2:
_tile_overlayer_lowered:
.L_overlay_start_2:
0x251: {  	(tag) =	ssettag $0x2  }
0x252: {  	s0 =	rddreg [dreg:$0x0];
	s2 =	stileid.u32  }
0x253: {  	s1 =	rddreg [dreg:$0x1];
	p0 =	sne.s32 s2, $0x0  }
0x254: {  	s3 =	rddreg [dreg:$0x2];
	[bflag:$0x3] =	sbarrier.arrive $0xFFFF;
	s2 =	simm.s32 @!p0 $0x1C01  }
0x255: {  	[timem:s3], [sflag:s2] =	dma.local @!p0 [hbm:s0], s1  }
0x256: {  	s0 =	simm.s32 @!p0 $0x1  }
0x257: {  	_ =	swait.ge @!p0 [sflag:s0], s1  }
0x258: {  	s1 =	ssub.s32 @!p0 $0x0, s1;
	[sflag:s0] =	ssyncset.done @!p0 $0x0  }
0x259: {  	[sflag:s0] =	ssyncadd.s32 @!p0 s1  }
0x25a: {  	[bflag:$0x3] =	sbarrier.arrive $0xFFFF  }
0x25b: {  	_ =	shalt  }

// kernel: kernel.18.cloned.1.call-start
scs
__scs_entry_jumppad:
0x0: {  	(pc) =	sbr.rel $0x88, $3  }
0x1: {  	(tag) =	ssettag $0x0;
	lr =	simm.s32 $0x1  }
0x2: {  	[smem:$0x3F96] =	sst lr;
	_ =	strace $0xD0000000  }
0x3: {  	_ = 	snop  }
0x4: {  	_ = 	snop  }
0x5: {  	_ = 	snop  }
0x6: {  	_ = 	snop  }
0x7: {  	_ = 	snop  }
__scs_overlays_trampoline_lowered:
0x8: {  	[smem:$0x3FA5] =	sst s0  }
0x9: {  	[smem:$0x3FA6] =	sst s1  }
0xa: {  	[smem:$0x3FA7] =	sst s2  }
0xb: {  	[smem:$0x3FA8] =	sst s3  }
0xc: {  	[smem:$0x3FA9] =	sst s4  }
0xd: {  	[smem:$0x3FAA] =	sst s5  }
0xe: {  	[smem:$0x3FAB] =	sst s6  }
0xf: {  	[smem:$0x3FAC] =	sst s7  }
0x10: {  	[smem:$0x3FAD] =	sst s8  }
0x11: {  	[smem:$0x3FAE] =	sst s9;
	s0 =	simm.s32 @!p0 $0x0  }
0x12: {  	s1 =	sld [smem:$0x3F94];
	s0 =	simm.s32 @p0 $0x1  }
0x13: {  	[smem:$0x3FAF] =	sst s0;
	s0 =	simm.s32 @!p1 $0x0  }
0x14: {  	s2 =	sld [smem:$0x3F93];
	s0 =	simm.s32 @p1 $0x1  }
0x15: {  	[smem:$0x3FB0] =	sst s0;
	s0 =	simm.s32 @!p2 $0x0  }
0x16: {  	s3 =	sld [smem:$0x3FDB];
	s0 =	simm.s32 @p2 $0x1  }
0x17: {  	s4 =	simm.s32 $0x1BF5;
	[smem:$0x3FB2] =	sst s0  }
0x18: {  	s0 =	sld [smem:$0x3F95];
	_ =	swait.ge [sflag:s4], $0x0  }
0x19: {  	s7 =	sld [smem:$0x3F96]  }
0x1a: {  	s8 =	sadd.s32 $0xFFFFE003, lr  }
0x1b: {  	s9 =	sadd.s32 $0xFFFFFEF7, lr;
	s5 =	simm.s32 $0xFFFFFFFF;
	p2 =	slt.u32 s8, $0xFFFFF086  }
0x1c: {  	p1 =	slt.u32 s9, $0xF7A;
	s5 =	simm.s32 @!p2 $0x0  }
0x1d: {  	s5 =	simm.s32 @p1 $0x1;
	p0 =	seq.s32 s7, s2  }
0x1e: {  	s7 =	smul.u32 @!p0 $0xF7A, s2;
	p2 =	seq.s32 @!p0 s5, $0x0  }
0x1f: {  	s9 =	smul.u32 $0xF7A, s1;
	s8 =	simm.s32 @!p0 $0x1BF5;
	p2 =	por !p2, p0  }
0x20: {  	[sflag:s8] =	ssyncset.s32 @!p0 $0xFFFFF086;
	s6 =	sadd.s32 @!p0 s3, s7;
	s7 =	simm.s32 @!p0 $0x108  }
0x21: {  	s3 =	sadd.s32 s3, s9;
	s6 =	sadd.s32 @!p0 $0x88, s6;
	s7 =	simm.s32 @p2 $0x1082  }
0x22: {  	[simem:s7], [sflag:s8] =	dma.local @!p0 [hbm:s6], $0xF7A  }
0x23: {  	s9 =	sor.u32 $0xD0000000, s2;
	s6 =	simm.s32 $0x108;
	_ =	swait.ge @!p0 [sflag:s8], $0x0  }
0x24: {  	s3 =	sadd.s32 $0x88, s3;
	s6 =	simm.s32 @!p1 $0x1082;
	[sflag:s4] =	ssyncset.s32 $0xFFFFF086  }
0x25: {  	[simem:s6], [sflag:s4] =	dma.local [hbm:s3], $0xF7A  }
0x26: {  	[smem:$0x3F96] =	sst s1;
	(tag) =	ssettag s2;
	_ =	strace s9  }
0x27: {  	s1 =	sld [smem:$0x3FA6]  }
0x28: {  	s2 =	sld [smem:$0x3FA7]  }
0x29: {  	s4 =	sld [smem:$0x3FA9]  }
0x2a: {  	p0 =	seq.s32 s5, $0x0;
	s5 =	sld [smem:$0x3FAA]  }
0x2b: {  	s6 =	sld [smem:$0x3FAB]  }
0x2c: {  	s7 =	sld [smem:$0x3FAC]  }
0x2d: {  	s3 =	simm.s32 $0x108;
	s8 =	sld [smem:$0x3FAD]  }
0x2e: {  	s3 =	simm.s32 @!p0 $0x1082;
	s9 =	sld [smem:$0x3FAE]  }
0x2f: {  	lr =	sadd.s32 s0, s3;
	s0 =	sld [smem:$0x3FA5]  }
0x30: {  	s3 =	sld [smem:$0x3FA8]  }
0x31: {  	[smem:$0x3FB1] =	sst s10  }
0x32: {  	s10 =	sld [smem:$0x3FAF];
	_ =	sdelay $0x3  }
0x33: {  	p0 =	seq.s32 s10, $0x1;
	s10 =	sld [smem:$0x3FB1];
	_ =	sdelay $0x3  }
0x34: {  	[smem:$0x3FB1] =	sst s10  }
0x35: {  	s10 =	sld [smem:$0x3FB0];
	_ =	sdelay $0x3  }
0x36: {  	p1 =	seq.s32 s10, $0x1;
	s10 =	sld [smem:$0x3FB1];
	_ =	sdelay $0x3  }
0x37: {  	[smem:$0x3FB1] =	sst s10  }
0x38: {  	s10 =	sld [smem:$0x3FB2]  }
0x39: {  	_ = 	snop;
	(pc) =	sbr.ind lr, $3  }
0x3a: {  	_ = 	snop  }
0x3b: {  	_ = 	snop  }
0x3c: {  	p2 =	seq.s32 s10, $0x1;
	s10 =	sld [smem:$0x3FB1]  }
0x3d: {  	_ =	shalt  }
0x3e: {  	_ =	shalt  }
0x3f: {  	_ =	shalt  }
0x40: {  	_ =	shalt  }
0x41: {  	_ =	shalt  }
0x42: {  	_ =	shalt  }
0x43: {  	_ =	shalt  }
0x44: {  	_ =	shalt  }
0x45: {  	_ =	shalt  }
0x46: {  	_ =	shalt  }
0x47: {  	_ =	shalt  }
0x48: {  	_ =	shalt  }
0x49: {  	_ =	shalt  }
0x4a: {  	_ =	shalt  }
0x4b: {  	_ =	shalt  }
0x4c: {  	_ =	shalt  }
0x4d: {  	_ =	shalt  }
0x4e: {  	_ =	shalt  }
0x4f: {  	_ =	shalt  }
0x50: {  	_ =	shalt  }
0x51: {  	_ =	shalt  }
0x52: {  	_ =	shalt  }
0x53: {  	_ =	shalt  }
0x54: {  	_ =	shalt  }
0x55: {  	_ =	shalt  }
0x56: {  	_ =	shalt  }
0x57: {  	_ =	shalt  }
0x58: {  	_ =	shalt  }
0x59: {  	_ =	shalt  }
0x5a: {  	_ =	shalt  }
0x5b: {  	_ =	shalt  }
0x5c: {  	_ =	shalt  }
0x5d: {  	_ =	shalt  }
0x5e: {  	_ =	shalt  }
0x5f: {  	_ =	shalt  }
0x60: {  	_ =	shalt  }
0x61: {  	_ =	shalt  }
0x62: {  	_ =	shalt  }
0x63: {  	_ =	shalt  }
0x64: {  	_ =	shalt  }
0x65: {  	_ =	shalt  }
0x66: {  	_ =	shalt  }
0x67: {  	_ =	shalt  }
0x68: {  	_ =	shalt  }
0x69: {  	_ =	shalt  }
0x6a: {  	_ =	shalt  }
0x6b: {  	_ =	shalt  }
0x6c: {  	_ =	shalt  }
0x6d: {  	_ =	shalt  }
0x6e: {  	_ =	shalt  }
0x6f: {  	_ =	shalt  }
0x70: {  	_ =	shalt  }
0x71: {  	_ =	shalt  }
0x72: {  	_ =	shalt  }
0x73: {  	_ =	shalt  }
0x74: {  	_ =	shalt  }
0x75: {  	_ =	shalt  }
0x76: {  	_ =	shalt  }
0x77: {  	_ =	shalt  }
0x78: {  	_ =	shalt  }
0x79: {  	_ =	shalt  }
0x7a: {  	_ =	shalt  }
0x7b: {  	_ =	shalt  }
0x7c: {  	_ =	shalt  }
0x7d: {  	_ =	shalt  }
0x7e: {  	_ =	shalt  }
0x7f: {  	_ =	shalt  }
0x80: {  	_ =	shalt  }
0x81: {  	_ =	shalt  }
0x82: {  	_ =	shalt  }
0x83: {  	_ =	shalt  }
0x84: {  	_ =	shalt  }
0x85: {  	_ =	shalt  }
0x86: {  	_ =	shalt  }
0x87: {  	_ =	shalt  }
.Lfunc_end0:
.L_simem_size_0:
called_computation.2_lowered:
.L_overlay_start_0:
0x88: {  	s2 =	sld [smem:$0x3FD9]  }
0x89: {  	s3 =	sld [smem:$0x3FFE];
	_ =	sdelay $0x1  }
0x8a: {  	s1 =	srdreg.scid  }
0x8b: {  	s0 =	sand.u32 $0x1, s1  }
0x8c: {  	s16 =	sshll.u32 s0, $0xA;
	s2 =	sadd.s32 s3, s2  }
0x8d: {  	s2 =	sadd.s32 s2, s16  }
0x8e: {  	[smem:$0x3FBD] =	sst s2  }
0x8f: {  	_ = 	snop  }
0x90: {  	(tm) =	ssettm $0x1  }
0x91: {  	s17 =	sld [smem:$0x3FFB];
	_ =	sdelay $0x3  }
0x92: {  	_ =	strace s17  }
0x93: {  	s2 =	sld [smem:$0x3FFC];
	_ =	sdelay $0x3  }
0x94: {  	_ =	strace s2  }
0x95: {  	s2 =	sld [smem:$0x3FFD];
	_ =	sdelay $0x3  }
0x96: {  	_ =	strace s2  }
0x97: {  	_ =	strace $0x8FFFFFFF  }
0x98: {  	s18 =	sld [smem:$0x3FDB];
	_ =	sdelay $0x1  }
0x99: {  	s19 =	simm.s32 $_scs_section_size  }
0x9a: {  	s4 =	simm.s32 $_size__tile_overlayer_lowered;
	s5 =	simm.s32 $_tile_overlayer_lowered  }
0x9b: {  	s22 =	simm.s32 $0x1BFF;
	s21 =	sshll.u32 s5, $0x1;
	s2 =	sadd.s32 s19, s18  }
0x9c: {  	s6 =	simm.s32 $0x0;
	s20 =	sshll.u32 s4, $0x1;
	s4 =	sadd.s32 s21, s2  }
0x9d: {  	[timem:s6], [sflag:s22] =	dma.local [hbm:s4], s20  }
0x9e: {  	_ =	swait.ge [sflag:s22], s20  }
0x9f: {  	s3 =	ssub.s32 $0x0, s20;
	[sflag:s22] =	ssyncset.done $0x0  }
0xa0: {  	[sflag:s22] =	ssyncadd.s32 s3;
	_ =	sdelay $0x1  }
0xa1: {  	s23 =	simm.s32 $0x1B8B  }
0xa2: {  	_ =	swait.ge [sflag:s23], $0x1  }
0xa3: {  	[sflag:s23] =	ssyncset.done $0x0  }
0xa4: {  	s25 =	simm.s32 $0x1B8E;
	s24 =	sld [smem:$0x3FFE];
	[sflag:s23] =	ssyncadd.s32 $0xFFFFFFFF  }
0xa5: {  	s26 =	simm.s32 $execute0_lowered;
	[smem:$0x3FD2] =	sst s25  }
0xa6: {  	s4 =	sshll.u32 s26, $0x1;
	_ =	strace $0x8000004C;
	[dreg:$0x1] =	wrdreg $0xFFFFFFFF  }
0xa7: {  	s28 =	simm.s32 $_size_execute0_lowered;
	s2 =	sadd.s32 s2, s4;
	[dreg:$0x0] =	wrdreg $0x0  }
0xa8: {  	s4 =	sshll.u32 s28, $0x1;
	[dreg:$0x2] =	wrdreg s2  }
0xa9: {  	[dreg:$0x3] =	wrdreg s4  }
0xaa: {  	[dreg:$0x4] =	wrdreg $0xC0  }
0xab: {  	_ =	task [dreg:s6], $0x5FFFF  }
0xac: {  	[dreg:$0x1] =	wrdreg $0xFFFFFFFF  }
0xad: {  	[dreg:$0x0] =	wrdreg $0x60  }
0xae: {  	[dreg:$0x2] =	wrdreg s24  }
0xaf: {  	[dreg:$0x3] =	wrdreg $0x9  }
0xb0: {  	_ =	task.clear_ibuf [dreg:s6], $0x4FFFF;
	_ =	strace $0x9000004C  }
0xb1: {  	s29 =	simm.s32 $0x9;
	_ =	strace $0x8000004E  }
0xb2: {  	_ =	swait.ge [sflag:s29], $0x1  }
0xb3: {  	[sflag:s29] =	ssyncadd.s32 $0xFFFFFFFF  }
0xb4: {  	_ =	strace $0x9000004E  }
0xb5: {  	_ =	sfence  }
0xb6: {  	s30 =	sld [smem:$0x0];
	_ =	sdelay $0x2  }
0xb7: {  	s31 =	sshll.u32 s1, $0xD;
	s1 =	sshrl.u32 s1, $0x2  }
0xb8: {  	s3 =	sand.u32 $0x4000, s31;
	s1 =	sadd.s32 s1, s30  }
0xb9: {  	s0 =	sor.u32 s3, s0;
	s1 =	sshll.u32 s1, $0x11  }
0xba: {  	s0 =	sor.u32 s1, s0  }
0xbb: {  	s0 =	sadd.s32 $0x8F2B, s0  }
0xbc: {  	[sflag:s0] =	ssyncadd.remote.s32 $0x1  }
0xbd: {  	_ =	sfence.sel $0xFFFF  }
0xbe: {  	[dreg:$0x0] =	wrdreg $0xFFFFFFFF;
	(pc) =	sbr.abs _section_cstart, $3  }
0xbf: {  	[dreg:$0x1] =	wrdreg $0xFFFFFFFF  }
0xc0: {  	_ =	task.clear_ibuf [dreg:s6], $0x2FFFF;
	_ =	strace $0x9FFFFFFF  }
0xc1: {  	(tm) =	ssettm $0x7FFFFFFF  }
tec
execute0_lowered:
.L_overlay_start_1:
0x0: {  	(tag) =	ssettag $0x1  }
0x1: {  	s4 =	rddreg [dreg:$0x0]  }
0x2: {  	s0 =	rddreg [dreg:$0x1]  }
0x3: {  	s2 =	simm.s32 $0x0;
	s3 =	srdreg.scid;
	s1 =	stileid.u32  }
0x4: {  	s19 =	simm.s32 $0x8200;
	s20 =	simm.s32 $0x1;
	s21 =	simm.s32 $0x3  }
0x5: {  	s22 =	simm.s32 $0x2;
	s23 =	simm.s32 $0x4;
	s24 =	simm.s32 $0x0  }
0x6: {  	[smem:$0x7FF] =	sst s2;
	s13 =	sand.u32 $0x1, s3;
	s16 =	smul.u32 $0x2800, s1  }
0x7: {  	s25 =	sshll.u32 s1, $0x1;
	s3 =	sadd.s32 $0x3600, s4;
	s18 =	smul.u32 $0x28000, s1  }
0x8: {  	s15 =	sadd.s32 $0xFD600, s4;
	s14 =	sadd.s32 $0x102600, s4;
	s17 =	smul.u32 $0x1400, s13  }
0x9: {  	s5 =	ssub.s32 $0x2, s13;
	s6 =	sor.u32 s13, s25;
	s13 =	smul.u32 $0x14000, s13  }
0xa: {  	_ =	strace $0x8000004D;
	s7 =	sshrl.u32 s5, $0x1;
	s10 =	smul.u32 $0x1400, s6  }
0xb: {  	s28 =	smul.u32 $0x14000, s6;
	s5 =	ssub.s32 s5, s7;
	s16 =	sadd.s32 s17, s16  }
0xc: {  	s26 =	sshrl.u32 s10, $0x3;
	s8 =	sor.u32 $0x100, s10;
	s5 =	smax.u32 s5, $0x1  }
0xd: {  	s7 =	sadd.s32 s14, s28;
	s12 =	sadd.s32 $0x1300, s10;
	s11 =	sshll.u32 s10, $0x4  }
0xe: {  	s17 =	sor.u32 $0x300, s16;
	s16 =	sadd.s32 $0x400, s16;
	s4 =	sadd.s32 s15, s26  }
0xf: {  	s29 =	sshrl.u32 s8, $0x3;
	s9 =	sshll.u32 s8, $0x4;
	s30 =	sshrl.u32 s12, $0x3  }
0x10: {  	s11 =	sadd.s32 s14, s11;
	s12 =	sshll.u32 s12, $0x4;
	s31 =	sshrl.u32 s17, $0x3  }
0x11: {  	s16 =	sshrl.u32 s16, $0x3;
	s17 =	simm.s32 $0x100;
	s6 =	sadd.s32 s15, s29  }
0x12: {  	s8 =	sadd.s32 $0x40, s4;
	s9 =	sadd.s32 s14, s9;
	s10 =	sadd.s32 s15, s30  }
0x13: {  	s11 =	sadd.s32 $0x12000, s11;
	s12 =	sadd.s32 s14, s12;
	s14 =	sadd.s32 s18, s14  }
0x14: {  	s18 =	simm.s32 $0x200;
	s13 =	sadd.s32 s13, s14;
	s14 =	sadd.s32 s31, s15  }
0x15: {  	s15 =	sadd.s32 s16, s15;
	s16 =	simm.s32 $0x5;
	s13 =	sadd.s32 $0x2000, s13  }
.LBB2_1:
0x16: {  	[tilespmem:s2], [sflag:$0x5] =	stream.linear.gather [hbm4b:s4+s2], $0x100, $0x38;
	[tilespmem:$0x10200] =	vst v63  }
0x17: {  	_ =	swait.ge [sflag:s16], $0x100  }
0x18: {  	[sflag:s16] =	ssyncset.done $0x0  }
0x19: {  	[sflag:s16] =	ssyncadd.s32 $0xFFFFFF00  }
0x1a: {  	[tilespmem:s18], [sflag:$0x1] =	stream.indirect.gather [hbm4b:s3+s17], $0x80, s2, s17, $0xb8;
	[tilespmem:$0x10200] =	vst v63  }
0x1b: {  	_ = 	snop  }
0x1c: {  	[tilespmem:s17], [sflag:$0x5] =	stream.linear.gather [hbm4b:s6+s2], $0x100, $0x38;
	[tilespmem:$0x10200] =	vst v63  }
0x1d: {  	_ =	swait.ge [sflag:s16], $0x100  }
0x1e: {  	[sflag:s16] =	ssyncset.done $0x0  }
0x1f: {  	[sflag:s16] =	ssyncadd.s32 $0xFFFFFF00  }
0x20: {  	[tilespmem:s19], [sflag:$0x2] =	stream.indirect.gather [hbm4b:s3+s17], $0x80, s17, s17, $0xb8;
	[tilespmem:$0x10200] =	vst v63  }
0x21: {  	_ =	swait.ge [sflag:s20], $0x8000  }
0x22: {  	[sflag:s20] =	ssyncset.done $0x0  }
0x23: {  	[sflag:s20] =	ssyncadd.s32 $0xFFFF8000  }
0x24: {  	[hbm4b:s7+s2] =	stream.linear.scatter [tilespmem:s18], [sflag:$0x3], $0x8000, $0x38;
	[tilespmem:$0x10200] =	vst v63  }
0x25: {  	_ = 	snop  }
0x26: {  	[tilespmem:s2], [sflag:$0x5] =	stream.linear.gather [hbm4b:s8+s2], $0x100, $0x38;
	[tilespmem:$0x10200] =	vst v63  }
0x27: {  	_ =	swait.ge [sflag:s16], $0x100  }
0x28: {  	[sflag:s16] =	ssyncset.done $0x0  }
0x29: {  	[sflag:s16] =	ssyncadd.s32 $0xFFFFFF00  }
0x2a: {  	_ =	swait.ge [sflag:s21], $0x8000  }
0x2b: {  	[sflag:s21] =	ssyncset.done $0x0  }
0x2c: {  	[sflag:s21] =	ssyncadd.s32 $0xFFFF8000  }
0x2d: {  	[tilespmem:s18], [sflag:$0x1] =	stream.indirect.gather [hbm4b:s3+s17], $0x80, s2, s17, $0xb8;
	[tilespmem:$0x10200] =	vst v63  }
0x2e: {  	_ =	swait.ge [sflag:s22], $0x8000  }
0x2f: {  	[sflag:s22] =	ssyncset.done $0x0  }
0x30: {  	[sflag:s22] =	ssyncadd.s32 $0xFFFF8000  }
0x31: {  	[hbm4b:s9+s2] =	stream.linear.scatter [tilespmem:s19], [sflag:$0x4], $0x8000, $0x38;
	[tilespmem:$0x10200] =	vst v63  }
0x32: {  	s25 =	sadd.s32 $0x0, s14  }
0x33: {  	[tilespmem:s17], [sflag:$0x5] =	stream.linear.gather [hbm4b:s25+s2], $0x100, $0x38;
	[tilespmem:$0x10200] =	vst v63  }
0x34: {  	_ =	swait.ge [sflag:s16], $0x100  }
0x35: {  	[sflag:s16] =	ssyncset.done $0x0  }
0x36: {  	[sflag:s16] =	ssyncadd.s32 $0xFFFFFF00  }
0x37: {  	_ =	swait.ge [sflag:s23], $0x8000  }
0x38: {  	[sflag:s23] =	ssyncset.done $0x0  }
0x39: {  	[sflag:s23] =	ssyncadd.s32 $0xFFFF8000  }
0x3a: {  	[tilespmem:s19], [sflag:$0x2] =	stream.indirect.gather [hbm4b:s3+s17], $0x80, s17, s17, $0xb8;
	[tilespmem:$0x10200] =	vst v63  }
0x3b: {  	_ =	swait.ge [sflag:s20], $0x8000  }
0x3c: {  	[sflag:s20] =	ssyncset.done $0x0  }
0x3d: {  	[sflag:s20] =	ssyncadd.s32 $0xFFFF8000  }
0x3e: {  	[hbm4b:s13+s2] =	stream.linear.scatter [tilespmem:s18], [sflag:$0x3], $0x8000, $0x38;
	[tilespmem:$0x10200] =	vst v63  }
0x3f: {  	s31 =	sadd.s32 $0x0, s15  }
0x40: {  	[tilespmem:s2], [sflag:$0x5] =	stream.linear.gather [hbm4b:s31+s2], $0x100, $0x38;
	[tilespmem:$0x10200] =	vst v63  }
0x41: {  	_ =	swait.ge [sflag:s16], $0x100  }
0x42: {  	[sflag:s16] =	ssyncset.done $0x0  }
0x43: {  	[sflag:s16] =	ssyncadd.s32 $0xFFFFFF00  }
0x44: {  	_ =	swait.ge [sflag:s21], $0x8000  }
0x45: {  	[sflag:s21] =	ssyncset.done $0x0  }
0x46: {  	[sflag:s21] =	ssyncadd.s32 $0xFFFF8000  }
0x47: {  	[tilespmem:s18], [sflag:$0x1] =	stream.indirect.gather [hbm4b:s3+s17], $0x80, s2, s17, $0xb8;
	[tilespmem:$0x10200] =	vst v63  }
0x48: {  	_ =	swait.ge [sflag:s22], $0x8000  }
0x49: {  	s28 =	sadd.s32 $0x1000, s13;
	[sflag:s22] =	ssyncset.done $0x0  }
0x4a: {  	s26 =	sadd.s32 $0x2000, s13;
	s25 =	simm.s32 $0x40;
	[sflag:s22] =	ssyncadd.s32 $0xFFFF8000  }
.LBB2_2:
0x4b: {  	[hbm4b:s28+s2] =	stream.linear.scatter [tilespmem:s19], [sflag:$0x4], $0x8000, $0x38;
	[tilespmem:$0x10200] =	vst v63  }
0x4c: {  	s28 =	smov.u32 s25  }
0x4d: {  	p0 =	sne.s32 s25, $0x1C0;
	s25 =	sadd.s32 $0x40, s25;
	s29 =	sadd.s32 s28, s14  }
0x4e: {  	[tilespmem:s17], [sflag:$0x5] =	stream.linear.gather [hbm4b:s29+s2], $0x100, $0x38;
	[tilespmem:$0x10200] =	vst v63  }
0x4f: {  	_ =	swait.ge [sflag:s16], $0x100  }
0x50: {  	[sflag:s16] =	ssyncset.done $0x0  }
0x51: {  	[sflag:s16] =	ssyncadd.s32 $0xFFFFFF00  }
0x52: {  	_ =	swait.ge [sflag:s23], $0x8000  }
0x53: {  	[sflag:s23] =	ssyncset.done $0x0  }
0x54: {  	[sflag:s23] =	ssyncadd.s32 $0xFFFF8000  }
0x55: {  	[tilespmem:s19], [sflag:$0x2] =	stream.indirect.gather [hbm4b:s3+s17], $0x80, s17, s17, $0xb8;
	[tilespmem:$0x10200] =	vst v63  }
0x56: {  	_ =	swait.ge [sflag:s20], $0x8000  }
0x57: {  	[sflag:s20] =	ssyncset.done $0x0  }
0x58: {  	[sflag:s20] =	ssyncadd.s32 $0xFFFF8000  }
0x59: {  	[hbm4b:s26+s2] =	stream.linear.scatter [tilespmem:s18], [sflag:$0x3], $0x8000, $0x38;
	[tilespmem:$0x10200] =	vst v63  }
0x5a: {  	s28 =	sadd.s32 s28, s15  }
0x5b: {  	[tilespmem:s2], [sflag:$0x5] =	stream.linear.gather [hbm4b:s28+s2], $0x100, $0x38;
	[tilespmem:$0x10200] =	vst v63  }
0x5c: {  	_ =	swait.ge [sflag:s16], $0x100  }
0x5d: {  	[sflag:s16] =	ssyncset.done $0x0  }
0x5e: {  	[sflag:s16] =	ssyncadd.s32 $0xFFFFFF00  }
0x5f: {  	_ =	swait.ge [sflag:s21], $0x8000  }
0x60: {  	[sflag:s21] =	ssyncset.done $0x0  }
.Ltmp0:
0x61: {  	[sflag:s21] =	ssyncadd.s32 $0xFFFF8000;
	(pc) =	sbr.rel @p0 .LBB2_2-.Ltmp0, $4  }
0x62: {  	[tilespmem:s18], [sflag:$0x1] =	stream.indirect.gather [hbm4b:s3+s17], $0x80, s2, s17, $0xb8;
	[tilespmem:$0x10200] =	vst v63  }
0x63: {  	_ =	swait.ge [sflag:s22], $0x8000  }
0x64: {  	[sflag:s22] =	ssyncset.done $0x0  }
0x65: {  	s28 =	sadd.s32 $0x1000, s26;
	s26 =	sadd.s32 $0x2000, s26;
	[sflag:s22] =	ssyncadd.s32 $0xFFFF8000  }
0x66: {  	[hbm4b:s28+s2] =	stream.linear.scatter [tilespmem:s19], [sflag:$0x4], $0x8000, $0x38;
	[tilespmem:$0x10200] =	vst v63  }
0x67: {  	_ = 	snop  }
0x68: {  	[tilespmem:s17], [sflag:$0x5] =	stream.linear.gather [hbm4b:s10+s2], $0x100, $0x38;
	[tilespmem:$0x10200] =	vst v63  }
0x69: {  	_ =	swait.ge [sflag:s16], $0x100  }
0x6a: {  	[sflag:s16] =	ssyncset.done $0x0  }
0x6b: {  	[sflag:s16] =	ssyncadd.s32 $0xFFFFFF00  }
0x6c: {  	_ =	swait.ge [sflag:s23], $0x8000  }
0x6d: {  	[sflag:s23] =	ssyncset.done $0x0  }
0x6e: {  	[sflag:s23] =	ssyncadd.s32 $0xFFFF8000  }
0x6f: {  	[tilespmem:s19], [sflag:$0x2] =	stream.indirect.gather [hbm4b:s3+s17], $0x80, s17, s17, $0xb8;
	[tilespmem:$0x10200] =	vst v63  }
0x70: {  	_ =	swait.ge [sflag:s20], $0x8000  }
0x71: {  	[sflag:s20] =	ssyncset.done $0x0  }
0x72: {  	[sflag:s20] =	ssyncadd.s32 $0xFFFF8000  }
0x73: {  	[hbm4b:s11+s2] =	stream.linear.scatter [tilespmem:s18], [sflag:$0x3], $0x8000, $0x38;
	[tilespmem:$0x10200] =	vst v63  }
0x74: {  	_ =	swait.ge [sflag:s22], $0x8000  }
0x75: {  	[sflag:s22] =	ssyncset.done $0x0  }
0x76: {  	s24 =	sadd.s32 $0x1, s24;
	[sflag:s22] =	ssyncadd.s32 $0xFFFF8000  }
0x77: {  	[hbm4b:s12+s2] =	stream.linear.scatter [tilespmem:s19], [sflag:$0x4], $0x8000, $0x38;
	[tilespmem:$0x10200] =	vst v63  }
0x78: {  	p0 =	sne.s32 s24, s5;
	_ =	swait.ge [sflag:s21], $0x8000  }
.Ltmp1:
0x79: {  	[sflag:s21] =	ssyncset.done $0x0;
	(pc) =	sbr.rel @p0 .LBB2_1-.Ltmp1, $4  }
0x7a: {  	[sflag:s21] =	ssyncadd.s32 $0xFFFF8000  }
0x7b: {  	_ =	swait.ge [sflag:s23], $0x8000  }
0x7c: {  	[sflag:s23] =	ssyncset.done $0x0  }
0x7d: {  	[sflag:s23] =	ssyncadd.s32 $0xFFFF8000  }
0x7e: {  	_ =	sfence.sel $0x180000  }
0x7f: {  	[bflag:$0x0] =	sbarrier.arrive $0xFFFF  }
0x80: {  	p0 =	sne.s32 s1, $0x0;
	_ =	strace $0x9000004D  }
0x81: {  	s0 =	sadd.s32 @!p0 $0x100000, s0;
	[bflag:$0x2] =	sbarrier.arrive $0xFFFF  }
0x82: {  	[sflag:s0] =	ssyncadd.tile.s32 @!p0 $0x1;
	_ =	shalt  }
.Lfunc_end2:
_tile_overlayer_lowered:
.L_overlay_start_2:
0x83: {  	(tag) =	ssettag $0x2  }
0x84: {  	s0 =	rddreg [dreg:$0x0];
	s2 =	stileid.u32  }
0x85: {  	s1 =	rddreg [dreg:$0x1];
	p0 =	sne.s32 s2, $0x0  }
0x86: {  	s3 =	rddreg [dreg:$0x2];
	[bflag:$0x3] =	sbarrier.arrive $0xFFFF;
	s2 =	simm.s32 @!p0 $0x1C05  }
0x87: {  	[timem:s3], [sflag:s2] =	dma.local @!p0 [hbm:s0], s1  }
0x88: {  	s0 =	simm.s32 @!p0 $0x5  }
0x89: {  	_ =	swait.ge @!p0 [sflag:s0], s1  }
0x8a: {  	s1 =	ssub.s32 @!p0 $0x0, s1;
	[sflag:s0] =	ssyncset.done @!p0 $0x0  }
0x8b: {  	[sflag:s0] =	ssyncadd.s32 @!p0 s1  }
0x8c: {  	[bflag:$0x3] =	sbarrier.arrive $0xFFFF  }
0x8d: {  	_ =	shalt  }

// kernel: kernel.21.cloned.1.call-start
scs
__scs_entry_jumppad:
0x0: {  	(pc) =	sbr.rel $0x88, $3  }
0x1: {  	(tag) =	ssettag $0x0;
	lr =	simm.s32 $0x1  }
0x2: {  	[smem:$0x3F96] =	sst lr;
	_ =	strace $0xD0000000  }
0x3: {  	_ = 	snop  }
0x4: {  	_ = 	snop  }
0x5: {  	_ = 	snop  }
0x6: {  	_ = 	snop  }
0x7: {  	_ = 	snop  }
__scs_overlays_trampoline_lowered:
0x8: {  	[smem:$0x3FA5] =	sst s0  }
0x9: {  	[smem:$0x3FA6] =	sst s1  }
0xa: {  	[smem:$0x3FA7] =	sst s2  }
0xb: {  	[smem:$0x3FA8] =	sst s3  }
0xc: {  	[smem:$0x3FA9] =	sst s4  }
0xd: {  	[smem:$0x3FAA] =	sst s5  }
0xe: {  	[smem:$0x3FAB] =	sst s6  }
0xf: {  	[smem:$0x3FAC] =	sst s7  }
0x10: {  	[smem:$0x3FAD] =	sst s8  }
0x11: {  	[smem:$0x3FAE] =	sst s9;
	s0 =	simm.s32 @!p0 $0x0  }
0x12: {  	s1 =	sld [smem:$0x3F94];
	s0 =	simm.s32 @p0 $0x1  }
0x13: {  	[smem:$0x3FAF] =	sst s0;
	s0 =	simm.s32 @!p1 $0x0  }
0x14: {  	s2 =	sld [smem:$0x3F93];
	s0 =	simm.s32 @p1 $0x1  }
0x15: {  	[smem:$0x3FB0] =	sst s0;
	s0 =	simm.s32 @!p2 $0x0  }
0x16: {  	s3 =	sld [smem:$0x3FDB];
	s0 =	simm.s32 @p2 $0x1  }
0x17: {  	s4 =	simm.s32 $0x1BF5;
	[smem:$0x3FB2] =	sst s0  }
0x18: {  	s0 =	sld [smem:$0x3F95];
	_ =	swait.ge [sflag:s4], $0x0  }
0x19: {  	s7 =	sld [smem:$0x3F96]  }
0x1a: {  	s8 =	sadd.s32 $0xFFFFE003, lr  }
0x1b: {  	s9 =	sadd.s32 $0xFFFFFEF7, lr;
	s5 =	simm.s32 $0xFFFFFFFF;
	p2 =	slt.u32 s8, $0xFFFFF086  }
0x1c: {  	p1 =	slt.u32 s9, $0xF7A;
	s5 =	simm.s32 @!p2 $0x0  }
0x1d: {  	s5 =	simm.s32 @p1 $0x1;
	p0 =	seq.s32 s7, s2  }
0x1e: {  	s7 =	smul.u32 @!p0 $0xF7A, s2;
	p2 =	seq.s32 @!p0 s5, $0x0  }
0x1f: {  	s9 =	smul.u32 $0xF7A, s1;
	s8 =	simm.s32 @!p0 $0x1BF5;
	p2 =	por !p2, p0  }
0x20: {  	[sflag:s8] =	ssyncset.s32 @!p0 $0xFFFFF086;
	s6 =	sadd.s32 @!p0 s3, s7;
	s7 =	simm.s32 @!p0 $0x108  }
0x21: {  	s3 =	sadd.s32 s3, s9;
	s6 =	sadd.s32 @!p0 $0x88, s6;
	s7 =	simm.s32 @p2 $0x1082  }
0x22: {  	[simem:s7], [sflag:s8] =	dma.local @!p0 [hbm:s6], $0xF7A  }
0x23: {  	s9 =	sor.u32 $0xD0000000, s2;
	s6 =	simm.s32 $0x108;
	_ =	swait.ge @!p0 [sflag:s8], $0x0  }
0x24: {  	s3 =	sadd.s32 $0x88, s3;
	s6 =	simm.s32 @!p1 $0x1082;
	[sflag:s4] =	ssyncset.s32 $0xFFFFF086  }
0x25: {  	[simem:s6], [sflag:s4] =	dma.local [hbm:s3], $0xF7A  }
0x26: {  	[smem:$0x3F96] =	sst s1;
	(tag) =	ssettag s2;
	_ =	strace s9  }
0x27: {  	s1 =	sld [smem:$0x3FA6]  }
0x28: {  	s2 =	sld [smem:$0x3FA7]  }
0x29: {  	s4 =	sld [smem:$0x3FA9]  }
0x2a: {  	p0 =	seq.s32 s5, $0x0;
	s5 =	sld [smem:$0x3FAA]  }
0x2b: {  	s6 =	sld [smem:$0x3FAB]  }
0x2c: {  	s7 =	sld [smem:$0x3FAC]  }
0x2d: {  	s3 =	simm.s32 $0x108;
	s8 =	sld [smem:$0x3FAD]  }
0x2e: {  	s3 =	simm.s32 @!p0 $0x1082;
	s9 =	sld [smem:$0x3FAE]  }
0x2f: {  	lr =	sadd.s32 s0, s3;
	s0 =	sld [smem:$0x3FA5]  }
0x30: {  	s3 =	sld [smem:$0x3FA8]  }
0x31: {  	[smem:$0x3FB1] =	sst s10  }
0x32: {  	s10 =	sld [smem:$0x3FAF];
	_ =	sdelay $0x3  }
0x33: {  	p0 =	seq.s32 s10, $0x1;
	s10 =	sld [smem:$0x3FB1];
	_ =	sdelay $0x3  }
0x34: {  	[smem:$0x3FB1] =	sst s10  }
0x35: {  	s10 =	sld [smem:$0x3FB0];
	_ =	sdelay $0x3  }
0x36: {  	p1 =	seq.s32 s10, $0x1;
	s10 =	sld [smem:$0x3FB1];
	_ =	sdelay $0x3  }
0x37: {  	[smem:$0x3FB1] =	sst s10  }
0x38: {  	s10 =	sld [smem:$0x3FB2]  }
0x39: {  	_ = 	snop;
	(pc) =	sbr.ind lr, $3  }
0x3a: {  	_ = 	snop  }
0x3b: {  	_ = 	snop  }
0x3c: {  	p2 =	seq.s32 s10, $0x1;
	s10 =	sld [smem:$0x3FB1]  }
0x3d: {  	_ =	shalt  }
0x3e: {  	_ =	shalt  }
0x3f: {  	_ =	shalt  }
0x40: {  	_ =	shalt  }
0x41: {  	_ =	shalt  }
0x42: {  	_ =	shalt  }
0x43: {  	_ =	shalt  }
0x44: {  	_ =	shalt  }
0x45: {  	_ =	shalt  }
0x46: {  	_ =	shalt  }
0x47: {  	_ =	shalt  }
0x48: {  	_ =	shalt  }
0x49: {  	_ =	shalt  }
0x4a: {  	_ =	shalt  }
0x4b: {  	_ =	shalt  }
0x4c: {  	_ =	shalt  }
0x4d: {  	_ =	shalt  }
0x4e: {  	_ =	shalt  }
0x4f: {  	_ =	shalt  }
0x50: {  	_ =	shalt  }
0x51: {  	_ =	shalt  }
0x52: {  	_ =	shalt  }
0x53: {  	_ =	shalt  }
0x54: {  	_ =	shalt  }
0x55: {  	_ =	shalt  }
0x56: {  	_ =	shalt  }
0x57: {  	_ =	shalt  }
0x58: {  	_ =	shalt  }
0x59: {  	_ =	shalt  }
0x5a: {  	_ =	shalt  }
0x5b: {  	_ =	shalt  }
0x5c: {  	_ =	shalt  }
0x5d: {  	_ =	shalt  }
0x5e: {  	_ =	shalt  }
0x5f: {  	_ =	shalt  }
0x60: {  	_ =	shalt  }
0x61: {  	_ =	shalt  }
0x62: {  	_ =	shalt  }
0x63: {  	_ =	shalt  }
0x64: {  	_ =	shalt  }
0x65: {  	_ =	shalt  }
0x66: {  	_ =	shalt  }
0x67: {  	_ =	shalt  }
0x68: {  	_ =	shalt  }
0x69: {  	_ =	shalt  }
0x6a: {  	_ =	shalt  }
0x6b: {  	_ =	shalt  }
0x6c: {  	_ =	shalt  }
0x6d: {  	_ =	shalt  }
0x6e: {  	_ =	shalt  }
0x6f: {  	_ =	shalt  }
0x70: {  	_ =	shalt  }
0x71: {  	_ =	shalt  }
0x72: {  	_ =	shalt  }
0x73: {  	_ =	shalt  }
0x74: {  	_ =	shalt  }
0x75: {  	_ =	shalt  }
0x76: {  	_ =	shalt  }
0x77: {  	_ =	shalt  }
0x78: {  	_ =	shalt  }
0x79: {  	_ =	shalt  }
0x7a: {  	_ =	shalt  }
0x7b: {  	_ =	shalt  }
0x7c: {  	_ =	shalt  }
0x7d: {  	_ =	shalt  }
0x7e: {  	_ =	shalt  }
0x7f: {  	_ =	shalt  }
0x80: {  	_ =	shalt  }
0x81: {  	_ =	shalt  }
0x82: {  	_ =	shalt  }
0x83: {  	_ =	shalt  }
0x84: {  	_ =	shalt  }
0x85: {  	_ =	shalt  }
0x86: {  	_ =	shalt  }
0x87: {  	_ =	shalt  }
.Lfunc_end0:
.L_simem_size_0:
called_computation.3_lowered:
.L_overlay_start_0:
0x88: {  	s2 =	sld [smem:$0x3FD9]  }
0x89: {  	s3 =	sld [smem:$0x3FFE];
	_ =	sdelay $0x1  }
0x8a: {  	s1 =	srdreg.scid  }
0x8b: {  	s0 =	sand.u32 $0x1, s1  }
0x8c: {  	s16 =	sshll.u32 s0, $0xA;
	s2 =	sadd.s32 s3, s2  }
0x8d: {  	s2 =	sadd.s32 s2, s16  }
0x8e: {  	[smem:$0x3FBD] =	sst s2  }
0x8f: {  	_ = 	snop  }
0x90: {  	(tm) =	ssettm $0x1  }
0x91: {  	s17 =	sld [smem:$0x3FFB];
	_ =	sdelay $0x3  }
0x92: {  	_ =	strace s17  }
0x93: {  	s2 =	sld [smem:$0x3FFC];
	_ =	sdelay $0x3  }
0x94: {  	_ =	strace s2  }
0x95: {  	s2 =	sld [smem:$0x3FFD];
	_ =	sdelay $0x3  }
0x96: {  	_ =	strace s2  }
0x97: {  	_ =	strace $0x8FFFFFFF  }
0x98: {  	s18 =	sld [smem:$0x3FDB];
	_ =	sdelay $0x1  }
0x99: {  	s19 =	simm.s32 $_scs_section_size  }
0x9a: {  	s4 =	simm.s32 $_size__tile_overlayer_lowered;
	s5 =	simm.s32 $_tile_overlayer_lowered  }
0x9b: {  	s22 =	simm.s32 $0x1BFF;
	s21 =	sshll.u32 s5, $0x1;
	s2 =	sadd.s32 s19, s18  }
0x9c: {  	s6 =	simm.s32 $0x0;
	s20 =	sshll.u32 s4, $0x1;
	s4 =	sadd.s32 s21, s2  }
0x9d: {  	[timem:s6], [sflag:s22] =	dma.local [hbm:s4], s20  }
0x9e: {  	_ =	swait.ge [sflag:s22], s20  }
0x9f: {  	s3 =	ssub.s32 $0x0, s20;
	[sflag:s22] =	ssyncset.done $0x0  }
0xa0: {  	[sflag:s22] =	ssyncadd.s32 s3;
	_ =	sdelay $0x1  }
0xa1: {  	s23 =	simm.s32 $0x1B8B  }
0xa2: {  	_ =	swait.ge [sflag:s23], $0x1  }
0xa3: {  	[sflag:s23] =	ssyncset.done $0x0  }
0xa4: {  	s25 =	simm.s32 $0x1B8E;
	s24 =	sld [smem:$0x3FFE];
	[sflag:s23] =	ssyncadd.s32 $0xFFFFFFFF  }
0xa5: {  	s26 =	simm.s32 $execute0_lowered;
	[smem:$0x3FD2] =	sst s25  }
0xa6: {  	s4 =	sshll.u32 s26, $0x1;
	_ =	strace $0x8000004F;
	[dreg:$0x1] =	wrdreg $0xFFFFFFFF  }
0xa7: {  	s28 =	simm.s32 $_size_execute0_lowered;
	s2 =	sadd.s32 s2, s4;
	[dreg:$0x0] =	wrdreg $0x0  }
0xa8: {  	s4 =	sshll.u32 s28, $0x1;
	[dreg:$0x2] =	wrdreg s2  }
0xa9: {  	[dreg:$0x3] =	wrdreg s4  }
0xaa: {  	[dreg:$0x4] =	wrdreg $0xC0  }
0xab: {  	_ =	task [dreg:s6], $0x5FFFF  }
0xac: {  	[dreg:$0x1] =	wrdreg $0xFFFFFFFF  }
0xad: {  	[dreg:$0x0] =	wrdreg $0x60  }
0xae: {  	[dreg:$0x2] =	wrdreg s24  }
0xaf: {  	[dreg:$0x3] =	wrdreg $0x9  }
0xb0: {  	_ =	task.clear_ibuf [dreg:s6], $0x4FFFF;
	_ =	strace $0x9000004F  }
0xb1: {  	s29 =	simm.s32 $0x9;
	_ =	strace $0x80000051  }
0xb2: {  	_ =	swait.ge [sflag:s29], $0x1  }
0xb3: {  	[sflag:s29] =	ssyncadd.s32 $0xFFFFFFFF  }
0xb4: {  	_ =	strace $0x90000051  }
0xb5: {  	_ =	sfence  }
0xb6: {  	s30 =	sld [smem:$0x0];
	_ =	sdelay $0x2  }
0xb7: {  	s31 =	sshll.u32 s1, $0xD;
	s1 =	sshrl.u32 s1, $0x2  }
0xb8: {  	s3 =	sand.u32 $0x4000, s31;
	s1 =	sadd.s32 s1, s30  }
0xb9: {  	s0 =	sor.u32 s3, s0;
	s1 =	sshll.u32 s1, $0x11  }
0xba: {  	s0 =	sor.u32 s1, s0  }
0xbb: {  	s0 =	sadd.s32 $0x8F2B, s0  }
0xbc: {  	[sflag:s0] =	ssyncadd.remote.s32 $0x1  }
0xbd: {  	_ =	sfence.sel $0xFFFF  }
0xbe: {  	[dreg:$0x0] =	wrdreg $0xFFFFFFFF;
	(pc) =	sbr.abs _section_cstart, $3  }
0xbf: {  	[dreg:$0x1] =	wrdreg $0xFFFFFFFF  }
0xc0: {  	_ =	task.clear_ibuf [dreg:s6], $0x2FFFF;
	_ =	strace $0x9FFFFFFF  }
0xc1: {  	(tm) =	ssettm $0x7FFFFFFF  }
tec
execute0_lowered:
.L_overlay_start_1:
0x0: {  	(tag) =	ssettag $0x1  }
0x1: {  	s5 =	rddreg [dreg:$0x0]  }
0x2: {  	s0 =	rddreg [dreg:$0x1]  }
0x3: {  	s3 =	srdreg.scid;
	s1 =	stileid.u32;
	s2 =	simm.s32 $0x0  }
0x4: {  	s13 =	simm.s32 $0x14900;
	s6 =	sand.u32 $0x1, s3;
	s29 =	sshll.u32 s1, $0x1  }
0x5: {  	s14 =	simm.s32 $0x0;
	[smem:$0x7FF] =	sst s2;
	s7 =	sor.u32 s6, s29  }
0x6: {  	s3 =	sadd.s32 $0x30600, s5;
	s4 =	sadd.s32 $0x2B600, s5;
	s8 =	smul.u32 $0x500, s7  }
0x7: {  	s10 =	sadd.s32 $0x80600, s5;
	s30 =	ssub.s32 $0x2, s6;
	s9 =	smul.u32 $0x28000, s7  }
0x8: {  	_ =	strace $0x80000050;
	s6 =	sshrl.u32 s30, $0x1;
	s11 =	smul.u32 $0x5000, s7  }
0x9: {  	s12 =	ssub.s32 s30, s6;
	s8 =	sadd.s32 s8, s5;
	s9 =	sshrl.u32 s9, $0x3  }
0xa: {  	s5 =	smul.u32 $0x1400, s7;
	s6 =	sadd.s32 s10, s11;
	s11 =	simm.s32 $0x80  }
0xb: {  	s31 =	sadd.s32 s10, s9;
	s8 =	sadd.s32 $0x3600, s8;
	s9 =	smax.u32 s12, $0x1  }
0xc: {  	v0 =	vimm.f32 $0.0e+00;
	v1 =	vlaneseq.u32;
	s10 =	simm.s32 $0x1;
	s12 =	simm.s32 $0x880;
	s7 =	sadd.s32 $0x2800, s31  }
.LBB2_1:
0xd: {  	s15 =	simm.s32 $0x40;
	s16 =	simm.s32 $0x0  }
.LBB2_2:
0xe: {  	p0 =	sne.s32 s15, $0x501C0;
	[tilespmem:s16+$0x880] =	vst v0;
	s16 =	smov.u32 s15;
	s15 =	sadd.s32 $0x40, s15  }
.Ltmp0:
0xf: {  	(pc) =	sbr.rel @p0 .LBB2_2-.Ltmp0, $2  }
0x10: {  	_ =	sdelay $0x2  }
0x11: {  	s16 =	sshra.s32 s16, $0x2  }
0x12: {  	[tilespmem:s16+$0x880] =	vst v0;
	s15 =	simm.s32 $0x0;
	s16 =	simm.s32 $0x40;
	s17 =	simm.s32 $0x0  }
.LBB2_4:
0x13: {  	p0 =	sne.s32 s16, $0x9FC0;
	[tilespmem:s17+$0x14900] =	vst v0;
	s17 =	smov.u32 s16;
	s16 =	sadd.s32 $0x40, s16  }
.Ltmp1:
0x14: {  	(pc) =	sbr.rel @p0 .LBB2_4-.Ltmp1, $2  }
0x15: {  	_ =	sdelay $0x2  }
0x16: {  	s17 =	sshra.s32 s17, $0x2  }
0x17: {  	[tilespmem:s17+$0x14900] =	vst v0  }
.LBB2_6:
0x18: {  	s16 =	sshll.u32 s15, $0x7  }
0x19: {  	s16 =	sadd.s32 s5, s16  }
0x1a: {  	s17 =	sshrl.u32 s16, $0x3  }
0x1b: {  	s18 =	simm.s32 $0x0;
	s17 =	sadd.s32 s4, s17  }
0x1c: {  	[tilespmem:s18], [sflag:$0x1] =	stream.linear.gather [hbm4b:s17+s18], $0x80, $0x38;
	[tilespmem:$0x17100] =	vst v63  }
0x1d: {  	_ =	swait.ge [sflag:s10], $0x80  }
0x1e: {  	s16 =	sshll.u32 s16, $0x1;
	[sflag:s10] =	ssyncset.done $0x0  }
0x1f: {  	s16 =	sadd.s32 s3, s16;
	[sflag:s10] =	ssyncadd.s32 $0xFFFFFF80  }
0x20: {  	[tilespmem:s11], [sflag:$0x1] =	stream.linear.gather [hbm4b:s16+s18], $0x800, $0x38;
	[tilespmem:$0x17100] =	vst v63  }
0x21: {  	_ =	swait.ge [sflag:s10], $0x800  }
0x22: {  	[sflag:s10] =	ssyncset.done $0x0  }
0x23: {  	s26 =	simm.s32 $0x0;
	[sflag:s10] =	ssyncadd.s32 $0xFFFFF800  }
0x24: {  	v2 =	vld [tilespmem:s26+$0x0];
	_ =	sdelay $0x4  }
0x25: {  	v3 =	vmin.u32 v2, $0x1400  }
0x26: {  	v3 =	vshll.u32 v3, $0x4  }
0x27: {  	v3 =	vadd.s32 $0x880, v3  }
0x28: {  	(v2sf) =	vpush v3, $0x0;
	_ =	sdelay $0x7  }
0x29: {  	(v2sf) =	vpush v3, $0x1;
	_ =	sdelay $0x5  }
0x2a: {  	s16 =	simm.s32 $0x100  }
0x2b: {  	v4 =	vld [tilespmem:s16+$0xFFFFFF80];
	s28 =	spop (v2sf)  }
0x2c: {  	v5 =	vld [tilespmem:s28+$0x0]  }
0x2d: {  	(v2sf) =	vpush v3, $0x2;
	_ =	sdelay $0x3  }
0x2e: {  	v4 =	vadd.f32 v4, v5;
	_ =	sdelay $0x1  }
0x2f: {  	s29 =	spop (v2sf);
	[tilespmem:s28+$0x0] =	vst v4  }
0x30: {  	v4 =	vld [tilespmem:s29+$0x0]  }
0x31: {  	v5 =	vld [tilespmem:s16+$0xFFFFFF90]  }
0x32: {  	(v2sf) =	vpush v3, $0x3;
	_ =	sdelay $0x3  }
0x33: {  	v4 =	vadd.f32 v5, v4;
	_ =	sdelay $0x1  }
0x34: {  	s30 =	spop (v2sf);
	[tilespmem:s29+$0x0] =	vst v4  }
0x35: {  	v4 =	vld [tilespmem:s30+$0x0]  }
0x36: {  	v5 =	vld [tilespmem:s16+$0xFFFFFFA0]  }
0x37: {  	(v2sf) =	vpush v3, $0x4;
	_ =	sdelay $0x3  }
0x38: {  	v4 =	vadd.f32 v5, v4;
	_ =	sdelay $0x1  }
0x39: {  	s31 =	spop (v2sf);
	[tilespmem:s30+$0x0] =	vst v4  }
0x3a: {  	v4 =	vld [tilespmem:s31+$0x0]  }
0x3b: {  	v5 =	vld [tilespmem:s16+$0xFFFFFFB0]  }
0x3c: {  	(v2sf) =	vpush v3, $0x5;
	_ =	sdelay $0x3  }
0x3d: {  	v4 =	vadd.f32 v5, v4;
	_ =	sdelay $0x1  }
0x3e: {  	s18 =	spop (v2sf);
	[tilespmem:s31+$0x0] =	vst v4  }
0x3f: {  	v4 =	vld [tilespmem:s18+$0x0]  }
0x40: {  	v5 =	vld [tilespmem:s16+$0xFFFFFFC0]  }
0x41: {  	(v2sf) =	vpush v3, $0x6;
	_ =	sdelay $0x3  }
0x42: {  	v4 =	vadd.f32 v5, v4;
	_ =	sdelay $0x1  }
0x43: {  	s19 =	spop (v2sf);
	[tilespmem:s18+$0x0] =	vst v4  }
0x44: {  	v4 =	vld [tilespmem:s19+$0x0]  }
0x45: {  	v5 =	vld [tilespmem:s16+$0xFFFFFFD0]  }
0x46: {  	(v2sf) =	vpush v3, $0x7;
	_ =	sdelay $0x3  }
0x47: {  	v4 =	vadd.f32 v5, v4;
	_ =	sdelay $0x1  }
0x48: {  	s20 =	spop (v2sf);
	[tilespmem:s19+$0x0] =	vst v4  }
0x49: {  	v4 =	vld [tilespmem:s20+$0x0]  }
0x4a: {  	v5 =	vld [tilespmem:s16+$0xFFFFFFE0]  }
0x4b: {  	(v2sf) =	vpush v3, $0x8;
	_ =	sdelay $0x3  }
0x4c: {  	v4 =	vadd.f32 v5, v4;
	_ =	sdelay $0x1  }
0x4d: {  	s21 =	spop (v2sf);
	[tilespmem:s20+$0x0] =	vst v4  }
0x4e: {  	v4 =	vld [tilespmem:s21+$0x0]  }
0x4f: {  	v5 =	vld [tilespmem:s16+$0xFFFFFFF0]  }
0x50: {  	(v2sf) =	vpush v3, $0x9;
	_ =	sdelay $0x3  }
0x51: {  	v4 =	vadd.f32 v5, v4;
	_ =	sdelay $0x1  }
0x52: {  	s22 =	spop (v2sf);
	[tilespmem:s21+$0x0] =	vst v4  }
0x53: {  	v4 =	vld [tilespmem:s22+$0x0]  }
0x54: {  	v5 =	vld [tilespmem:s16+$0x0]  }
0x55: {  	(v2sf) =	vpush v3, $0xA;
	_ =	sdelay $0x3  }
0x56: {  	v4 =	vadd.f32 v5, v4;
	_ =	sdelay $0x1  }
0x57: {  	s23 =	spop (v2sf);
	[tilespmem:s22+$0x0] =	vst v4  }
0x58: {  	v4 =	vld [tilespmem:s23+$0x0]  }
0x59: {  	v5 =	vld [tilespmem:s16+$0x10]  }
0x5a: {  	(v2sf) =	vpush v3, $0xB;
	_ =	sdelay $0x3  }
0x5b: {  	v4 =	vadd.f32 v5, v4;
	_ =	sdelay $0x1  }
0x5c: {  	s24 =	spop (v2sf);
	[tilespmem:s23+$0x0] =	vst v4  }
0x5d: {  	v4 =	vld [tilespmem:s24+$0x0]  }
0x5e: {  	v5 =	vld [tilespmem:s16+$0x20]  }
0x5f: {  	(v2sf) =	vpush v3, $0xC;
	_ =	sdelay $0x3  }
0x60: {  	v4 =	vadd.f32 v5, v4;
	_ =	sdelay $0x1  }
0x61: {  	s25 =	spop (v2sf);
	[tilespmem:s24+$0x0] =	vst v4  }
0x62: {  	v4 =	vld [tilespmem:s25+$0x0]  }
0x63: {  	v5 =	vld [tilespmem:s16+$0x30]  }
0x64: {  	(v2sf) =	vpush v3, $0xD;
	_ =	sdelay $0x3  }
0x65: {  	v4 =	vadd.f32 v5, v4;
	_ =	sdelay $0x1  }
0x66: {  	s26 =	spop (v2sf);
	[tilespmem:s25+$0x0] =	vst v4  }
0x67: {  	v4 =	vld [tilespmem:s26+$0x0]  }
0x68: {  	v5 =	vld [tilespmem:s16+$0x40]  }
0x69: {  	(v2sf) =	vpush v3, $0xE;
	_ =	sdelay $0x3  }
0x6a: {  	v4 =	vadd.f32 v5, v4;
	_ =	sdelay $0x1  }
0x6b: {  	s28 =	spop (v2sf);
	v5 =	vand.u32 $0xFFFFFFF0, v2;
	[tilespmem:s26+$0x0] =	vst v4  }
0x6c: {  	v4 =	vadd.s32 $0x14900, v5;
	v5 =	vld [tilespmem:s28+$0x0]  }
0x6d: {  	v6 =	vld [tilespmem:s16+$0x50]  }
0x6e: {  	(v2sf) =	vpush v4, $0x0  }
0x6f: {  	(v2sf) =	vpush v3, $0xF;
	_ =	sdelay $0x2  }
0x70: {  	v3 =	vadd.f32 v6, v5;
	_ =	sdelay $0x1  }
0x71: {  	s29 =	spop (v2sf);
	[tilespmem:s28+$0x0] =	vst v3  }
0x72: {  	v3 =	vld [tilespmem:s29+$0x0]  }
0x73: {  	v5 =	vld [tilespmem:s16+$0x60];
	_ =	sdelay $0x4  }
0x74: {  	v3 =	vadd.f32 v5, v3;
	_ =	sdelay $0x1  }
0x75: {  	s30 =	spop (v2sf);
	[tilespmem:s29+$0x0] =	vst v3  }
0x76: {  	s31 =	spop (v2sf);
	v5 =	vld [tilespmem:s16+$0x70]  }
0x77: {  	(v2sf) =	vpush v4, $0x1;
	v3 =	vld [tilespmem:s31+$0x0];
	_ =	sdelay $0x4  }
0x78: {  	v3 =	vadd.f32 v5, v3;
	_ =	sdelay $0x1  }
0x79: {  	[tilespmem:s31+$0x0] =	vst v3  }
0x7a: {  	v2 =	vand.u32 $0xF, v2;
	(v2sf) =	vpush v4, $0x2;
	v3 =	vld [tilespmem:s30+$0x0]  }
0x7b: {  	v5 =	vbroadcast v2, $0x0;
	_ =	sdelay $0x1  }
0x7c: {  	vm0 =	veq.s32 v5, v1  }
0x7d: {  	v5 =	vsel vm0, $0x3F800000, v0  }
0x7e: {  	v3 =	vadd.f32 v3, v5;
	_ =	sdelay $0x1  }
0x7f: {  	s19 =	spop (v2sf);
	[tilespmem:s30+$0x0] =	vst v3  }
0x80: {  	(v2sf) =	vpush v4, $0x3;
	v3 =	vld [tilespmem:s19+$0x0]  }
0x81: {  	v5 =	vbroadcast v2, $0x1;
	_ =	sdelay $0x1  }
0x82: {  	vm14 =	veq.s32 v5, v1  }
0x83: {  	v5 =	vsel vm14, $0x3F800000, v0  }
0x84: {  	v3 =	vadd.f32 v3, v5;
	_ =	sdelay $0x1  }
0x85: {  	s20 =	spop (v2sf);
	[tilespmem:s19+$0x0] =	vst v3  }
0x86: {  	(v2sf) =	vpush v4, $0x4;
	v3 =	vld [tilespmem:s20+$0x0]  }
0x87: {  	v5 =	vbroadcast v2, $0x2;
	_ =	sdelay $0x1  }
0x88: {  	vm15 =	veq.s32 v5, v1  }
0x89: {  	v5 =	vsel vm15, $0x3F800000, v0  }
0x8a: {  	v3 =	vadd.f32 v3, v5;
	_ =	sdelay $0x1  }
0x8b: {  	s21 =	spop (v2sf);
	[tilespmem:s20+$0x0] =	vst v3  }
0x8c: {  	(v2sf) =	vpush v4, $0x5;
	v3 =	vld [tilespmem:s21+$0x0]  }
0x8d: {  	v5 =	vbroadcast v2, $0x3;
	_ =	sdelay $0x1  }
0x8e: {  	vm4 =	veq.s32 v5, v1  }
0x8f: {  	v5 =	vsel vm4, $0x3F800000, v0  }
0x90: {  	v3 =	vadd.f32 v3, v5;
	_ =	sdelay $0x1  }
0x91: {  	s22 =	spop (v2sf);
	[tilespmem:s21+$0x0] =	vst v3  }
0x92: {  	(v2sf) =	vpush v4, $0x6;
	v3 =	vld [tilespmem:s22+$0x0]  }
0x93: {  	v5 =	vbroadcast v2, $0x4;
	_ =	sdelay $0x1  }
0x94: {  	vm5 =	veq.s32 v5, v1  }
0x95: {  	v5 =	vsel vm5, $0x3F800000, v0  }
0x96: {  	v3 =	vadd.f32 v3, v5;
	_ =	sdelay $0x1  }
0x97: {  	s23 =	spop (v2sf);
	[tilespmem:s22+$0x0] =	vst v3  }
0x98: {  	(v2sf) =	vpush v4, $0x7;
	v3 =	vld [tilespmem:s23+$0x0]  }
0x99: {  	v5 =	vbroadcast v2, $0x5;
	_ =	sdelay $0x1  }
0x9a: {  	vm6 =	veq.s32 v5, v1  }
0x9b: {  	v5 =	vsel vm6, $0x3F800000, v0  }
0x9c: {  	v3 =	vadd.f32 v3, v5;
	_ =	sdelay $0x1  }
0x9d: {  	s24 =	spop (v2sf);
	[tilespmem:s23+$0x0] =	vst v3  }
0x9e: {  	(v2sf) =	vpush v4, $0x8;
	v3 =	vld [tilespmem:s24+$0x0]  }
0x9f: {  	v5 =	vbroadcast v2, $0x6;
	_ =	sdelay $0x1  }
0xa0: {  	vm7 =	veq.s32 v5, v1  }
0xa1: {  	v5 =	vsel vm7, $0x3F800000, v0  }
0xa2: {  	v3 =	vadd.f32 v3, v5;
	_ =	sdelay $0x1  }
0xa3: {  	s25 =	spop (v2sf);
	[tilespmem:s24+$0x0] =	vst v3  }
0xa4: {  	(v2sf) =	vpush v4, $0x9;
	v3 =	vld [tilespmem:s25+$0x0]  }
0xa5: {  	v5 =	vbroadcast v2, $0x7;
	_ =	sdelay $0x1  }
0xa6: {  	vm8 =	veq.s32 v5, v1  }
0xa7: {  	v5 =	vsel vm8, $0x3F800000, v0  }
0xa8: {  	v3 =	vadd.f32 v3, v5;
	_ =	sdelay $0x1  }
0xa9: {  	s26 =	spop (v2sf);
	[tilespmem:s25+$0x0] =	vst v3  }
0xaa: {  	(v2sf) =	vpush v4, $0xA;
	v3 =	vld [tilespmem:s26+$0x0]  }
0xab: {  	v5 =	vbroadcast v2, $0x8;
	_ =	sdelay $0x1  }
0xac: {  	vm9 =	veq.s32 v5, v1  }
0xad: {  	v5 =	vsel vm9, $0x3F800000, v0  }
0xae: {  	v3 =	vadd.f32 v3, v5;
	_ =	sdelay $0x1  }
0xaf: {  	s28 =	spop (v2sf);
	[tilespmem:s26+$0x0] =	vst v3  }
0xb0: {  	(v2sf) =	vpush v4, $0xB;
	v3 =	vld [tilespmem:s28+$0x0]  }
0xb1: {  	v5 =	vbroadcast v2, $0x9;
	_ =	sdelay $0x1  }
0xb2: {  	vm10 =	veq.s32 v5, v1  }
0xb3: {  	v5 =	vsel vm10, $0x3F800000, v0  }
0xb4: {  	v3 =	vadd.f32 v3, v5;
	_ =	sdelay $0x1  }
0xb5: {  	s29 =	spop (v2sf);
	[tilespmem:s28+$0x0] =	vst v3  }
0xb6: {  	(v2sf) =	vpush v4, $0xC;
	v3 =	vld [tilespmem:s29+$0x0]  }
0xb7: {  	v5 =	vbroadcast v2, $0xA;
	_ =	sdelay $0x1  }
0xb8: {  	vm11 =	veq.s32 v5, v1  }
0xb9: {  	v5 =	vsel vm11, $0x3F800000, v0  }
0xba: {  	v3 =	vadd.f32 v3, v5;
	_ =	sdelay $0x1  }
0xbb: {  	s30 =	spop (v2sf);
	[tilespmem:s29+$0x0] =	vst v3  }
0xbc: {  	(v2sf) =	vpush v4, $0xD;
	v3 =	vld [tilespmem:s30+$0x0]  }
0xbd: {  	v5 =	vbroadcast v2, $0xB;
	_ =	sdelay $0x1  }
0xbe: {  	vm12 =	veq.s32 v5, v1  }
0xbf: {  	v5 =	vsel vm12, $0x3F800000, v0  }
0xc0: {  	v3 =	vadd.f32 v3, v5;
	_ =	sdelay $0x1  }
0xc1: {  	(v2sf) =	vpush v4, $0xE;
	s31 =	spop (v2sf);
	[tilespmem:s30+$0x0] =	vst v3  }
0xc2: {  	(v2sf) =	vpush v4, $0xF;
	v3 =	vld [tilespmem:s31+$0x0]  }
0xc3: {  	v4 =	vbroadcast v2, $0xC;
	_ =	sdelay $0x1  }
0xc4: {  	vm13 =	veq.s32 v4, v1  }
0xc5: {  	v4 =	vsel vm13, $0x3F800000, v0  }
0xc6: {  	v3 =	vadd.f32 v3, v4;
	_ =	sdelay $0x1  }
0xc7: {  	s20 =	spop (v2sf);
	[tilespmem:s31+$0x0] =	vst v3  }
0xc8: {  	v3 =	vld [tilespmem:s20+$0x0]  }
0xc9: {  	v4 =	vbroadcast v2, $0xD;
	_ =	sdelay $0x1  }
0xca: {  	vm14 =	veq.s32 v4, v1  }
0xcb: {  	v4 =	vbroadcast v2, $0xE;
	v2 =	vbroadcast v2, $0xF;
	v5 =	vsel vm14, $0x3F800000, v0  }
0xcc: {  	v5 =	vadd.f32 v3, v5  }
0xcd: {  	s19 =	spop (v2sf);
	vm15 =	veq.s32 v4, v1;
	vm1 =	veq.s32 v2, v1  }
0xce: {  	s17 =	simm.s32 $0x40;
	s18 =	spop (v2sf);
	v2 =	vsel vm15, $0x3F800000, v0;
	v3 =	vsel vm1, $0x3F800000, v0;
	[tilespmem:s20+$0x0] =	vst v5  }
.LBB2_7:
0xcf: {  	p0 =	sne.s32 s17, $0x1C0  }
0xd0: {  	v4 =	vld [tilespmem:s19+$0x0];
	s16 =	sadd.s32 $0x100, s16;
	s20 =	smov.u32 s17;
	s17 =	sadd.s32 $0x40, s17  }
0xd1: {  	_ =	sdelay $0x3  }
0xd2: {  	v2 =	vadd.f32 v4, v2;
	_ =	sdelay $0x1  }
0xd3: {  	[tilespmem:s19+$0x0] =	vst v2  }
0xd4: {  	v2 =	vld [tilespmem:s18+$0x0];
	_ =	sdelay $0x4  }
0xd5: {  	v2 =	vadd.f32 v2, v3;
	_ =	sdelay $0x1  }
0xd6: {  	s19 =	sshra.s32 s20, $0x2;
	[tilespmem:s18+$0x0] =	vst v2  }
0xd7: {  	v2 =	vld [tilespmem:s19+$0x0];
	_ =	sdelay $0x4  }
0xd8: {  	v3 =	vmin.u32 v2, $0x1400;
	v4 =	vand.u32 $0xFFFFFFF0, v2;
	v5 =	vand.u32 $0xF, v2  }
0xd9: {  	v3 =	vshll.u32 v3, $0x4;
	v6 =	vbroadcast v5, $0x0;
	v2 =	vadd.s32 $0x14900, v4  }
0xda: {  	v4 =	vbroadcast v5, $0x1;
	v7 =	vbroadcast v5, $0x2;
	v3 =	vadd.s32 $0x880, v3  }
0xdb: {  	vm15 =	veq.s32 v6, v1;
	v6 =	vbroadcast v5, $0x3;
	(v2sf) =	vpush v3, $0x0  }
0xdc: {  	vm14 =	veq.s32 v4, v1;
	vm13 =	veq.s32 v7, v1;
	v4 =	vbroadcast v5, $0x4  }
0xdd: {  	v7 =	vbroadcast v5, $0x6;
	vm12 =	veq.s32 v6, v1;
	v6 =	vbroadcast v5, $0x5  }
0xde: {  	v8 =	vbroadcast v5, $0x8;
	vm11 =	veq.s32 v4, v1;
	v4 =	vbroadcast v5, $0x7  }
0xdf: {  	vm9 =	veq.s32 v7, v1;
	vm10 =	veq.s32 v6, v1;
	v6 =	vbroadcast v5, $0x9  }
0xe0: {  	vm7 =	veq.s32 v8, v1;
	vm8 =	veq.s32 v4, v1;
	v4 =	vbroadcast v5, $0xA  }
0xe1: {  	v7 =	vbroadcast v5, $0xC;
	vm6 =	veq.s32 v6, v1;
	v6 =	vbroadcast v5, $0xB  }
0xe2: {  	v8 =	vbroadcast v5, $0xE;
	vm5 =	veq.s32 v4, v1;
	v4 =	vbroadcast v5, $0xD  }
0xe3: {  	vm3 =	veq.s32 v7, v1;
	vm4 =	veq.s32 v6, v1;
	(v2sf) =	vpush v3, $0x1  }
0xe4: {  	vm1 =	veq.s32 v8, v1;
	vm2 =	veq.s32 v4, v1;
	v4 =	vbroadcast v5, $0xF;
	_ =	sdelay $0x1  }
0xe5: {  	vm0 =	veq.s32 v4, v1;
	_ =	sdelay $0x3  }
0xe6: {  	v4 =	vld [tilespmem:s16+$0xFFFFFF80];
	s18 =	spop (v2sf)  }
0xe7: {  	v5 =	vld [tilespmem:s18+$0x0]  }
0xe8: {  	(v2sf) =	vpush v3, $0x2;
	_ =	sdelay $0x3  }
0xe9: {  	v4 =	vadd.f32 v4, v5;
	_ =	sdelay $0x1  }
0xea: {  	[tilespmem:s18+$0x0] =	vst v4;
	s18 =	spop (v2sf)  }
0xeb: {  	v4 =	vld [tilespmem:s18+$0x0]  }
0xec: {  	v5 =	vld [tilespmem:s16+$0xFFFFFF90]  }
0xed: {  	(v2sf) =	vpush v3, $0x3;
	_ =	sdelay $0x3  }
0xee: {  	v4 =	vadd.f32 v5, v4;
	_ =	sdelay $0x1  }
0xef: {  	[tilespmem:s18+$0x0] =	vst v4;
	s18 =	spop (v2sf)  }
0xf0: {  	v4 =	vld [tilespmem:s18+$0x0]  }
0xf1: {  	v5 =	vld [tilespmem:s16+$0xFFFFFFA0]  }
0xf2: {  	(v2sf) =	vpush v3, $0x4;
	_ =	sdelay $0x3  }
0xf3: {  	v4 =	vadd.f32 v5, v4;
	_ =	sdelay $0x1  }
0xf4: {  	[tilespmem:s18+$0x0] =	vst v4;
	s18 =	spop (v2sf)  }
0xf5: {  	v4 =	vld [tilespmem:s18+$0x0]  }
0xf6: {  	v5 =	vld [tilespmem:s16+$0xFFFFFFB0]  }
0xf7: {  	(v2sf) =	vpush v3, $0x5;
	_ =	sdelay $0x3  }
0xf8: {  	v4 =	vadd.f32 v5, v4;
	_ =	sdelay $0x1  }
0xf9: {  	[tilespmem:s18+$0x0] =	vst v4;
	s18 =	spop (v2sf)  }
0xfa: {  	v4 =	vld [tilespmem:s18+$0x0]  }
0xfb: {  	v5 =	vld [tilespmem:s16+$0xFFFFFFC0]  }
0xfc: {  	(v2sf) =	vpush v3, $0x6;
	_ =	sdelay $0x3  }
0xfd: {  	v4 =	vadd.f32 v5, v4;
	_ =	sdelay $0x1  }
0xfe: {  	[tilespmem:s18+$0x0] =	vst v4;
	s18 =	spop (v2sf)  }
0xff: {  	v4 =	vld [tilespmem:s18+$0x0]  }
0x100: {  	v5 =	vld [tilespmem:s16+$0xFFFFFFD0]  }
0x101: {  	(v2sf) =	vpush v3, $0x7;
	_ =	sdelay $0x3  }
0x102: {  	v4 =	vadd.f32 v5, v4;
	_ =	sdelay $0x1  }
0x103: {  	[tilespmem:s18+$0x0] =	vst v4;
	s18 =	spop (v2sf)  }
0x104: {  	v4 =	vld [tilespmem:s18+$0x0]  }
0x105: {  	v5 =	vld [tilespmem:s16+$0xFFFFFFE0]  }
0x106: {  	(v2sf) =	vpush v3, $0x8;
	_ =	sdelay $0x3  }
0x107: {  	v4 =	vadd.f32 v5, v4;
	_ =	sdelay $0x1  }
0x108: {  	[tilespmem:s18+$0x0] =	vst v4;
	s18 =	spop (v2sf)  }
0x109: {  	v4 =	vld [tilespmem:s18+$0x0]  }
0x10a: {  	v5 =	vld [tilespmem:s16+$0xFFFFFFF0]  }
0x10b: {  	(v2sf) =	vpush v3, $0x9;
	_ =	sdelay $0x3  }
0x10c: {  	v4 =	vadd.f32 v5, v4;
	_ =	sdelay $0x1  }
0x10d: {  	[tilespmem:s18+$0x0] =	vst v4;
	s18 =	spop (v2sf)  }
0x10e: {  	v4 =	vld [tilespmem:s18+$0x0]  }
0x10f: {  	v5 =	vld [tilespmem:s16+$0x0]  }
0x110: {  	(v2sf) =	vpush v3, $0xA;
	_ =	sdelay $0x3  }
0x111: {  	v4 =	vadd.f32 v5, v4;
	_ =	sdelay $0x1  }
0x112: {  	[tilespmem:s18+$0x0] =	vst v4;
	s18 =	spop (v2sf)  }
0x113: {  	v4 =	vld [tilespmem:s18+$0x0]  }
0x114: {  	v5 =	vld [tilespmem:s16+$0x10]  }
0x115: {  	(v2sf) =	vpush v3, $0xB;
	_ =	sdelay $0x3  }
0x116: {  	v4 =	vadd.f32 v5, v4;
	_ =	sdelay $0x1  }
0x117: {  	[tilespmem:s18+$0x0] =	vst v4;
	s18 =	spop (v2sf)  }
0x118: {  	v4 =	vld [tilespmem:s18+$0x0]  }
0x119: {  	v5 =	vld [tilespmem:s16+$0x20]  }
0x11a: {  	(v2sf) =	vpush v3, $0xC;
	_ =	sdelay $0x3  }
0x11b: {  	v4 =	vadd.f32 v5, v4;
	_ =	sdelay $0x1  }
0x11c: {  	[tilespmem:s18+$0x0] =	vst v4;
	s18 =	spop (v2sf)  }
0x11d: {  	v4 =	vld [tilespmem:s18+$0x0]  }
0x11e: {  	v5 =	vld [tilespmem:s16+$0x30]  }
0x11f: {  	(v2sf) =	vpush v3, $0xD;
	_ =	sdelay $0x3  }
0x120: {  	v4 =	vadd.f32 v5, v4;
	_ =	sdelay $0x1  }
0x121: {  	[tilespmem:s18+$0x0] =	vst v4;
	s18 =	spop (v2sf)  }
0x122: {  	v4 =	vld [tilespmem:s18+$0x0]  }
0x123: {  	v5 =	vld [tilespmem:s16+$0x40]  }
0x124: {  	(v2sf) =	vpush v3, $0xE;
	_ =	sdelay $0x2  }
0x125: {  	(v2sf) =	vpush v2, $0x0  }
0x126: {  	v4 =	vadd.f32 v5, v4;
	_ =	sdelay $0x1  }
0x127: {  	[tilespmem:s18+$0x0] =	vst v4;
	s18 =	spop (v2sf)  }
0x128: {  	v4 =	vld [tilespmem:s18+$0x0]  }
0x129: {  	v5 =	vld [tilespmem:s16+$0x50]  }
0x12a: {  	(v2sf) =	vpush v3, $0xF;
	_ =	sdelay $0x1  }
0x12b: {  	(v2sf) =	vpush v2, $0x1;
	_ =	sdelay $0x1  }
0x12c: {  	v3 =	vadd.f32 v5, v4;
	_ =	sdelay $0x1  }
0x12d: {  	[tilespmem:s18+$0x0] =	vst v3;
	s18 =	spop (v2sf)  }
0x12e: {  	v3 =	vld [tilespmem:s18+$0x0]  }
0x12f: {  	v4 =	vld [tilespmem:s16+$0x60]  }
0x130: {  	s19 =	spop (v2sf)  }
0x131: {  	(v2sf) =	vpush v2, $0x2;
	_ =	sdelay $0x2  }
0x132: {  	v3 =	vadd.f32 v4, v3  }
0x133: {  	v4 =	vsel vm15, $0x3F800000, v0  }
0x134: {  	[tilespmem:s18+$0x0] =	vst v3;
	s18 =	spop (v2sf)  }
0x135: {  	v3 =	vld [tilespmem:s18+$0x0]  }
0x136: {  	v5 =	vld [tilespmem:s16+$0x70];
	s20 =	spop (v2sf)  }
0x137: {  	(v2sf) =	vpush v2, $0x3;
	_ =	sdelay $0x3  }
0x138: {  	v3 =	vadd.f32 v5, v3;
	v5 =	vsel vm14, $0x3F800000, v0;
	_ =	sdelay $0x1  }
0x139: {  	[tilespmem:s18+$0x0] =	vst v3  }
0x13a: {  	v3 =	vld [tilespmem:s19+$0x0];
	s18 =	spop (v2sf)  }
0x13b: {  	(v2sf) =	vpush v2, $0x4;
	_ =	sdelay $0x3  }
0x13c: {  	v3 =	vadd.f32 v3, v4;
	v4 =	vsel vm13, $0x3F800000, v0;
	_ =	sdelay $0x1  }
0x13d: {  	[tilespmem:s19+$0x0] =	vst v3  }
0x13e: {  	v3 =	vld [tilespmem:s20+$0x0];
	s19 =	spop (v2sf)  }
0x13f: {  	(v2sf) =	vpush v2, $0x5;
	_ =	sdelay $0x3  }
0x140: {  	v3 =	vadd.f32 v3, v5;
	v5 =	vsel vm12, $0x3F800000, v0;
	_ =	sdelay $0x1  }
0x141: {  	[tilespmem:s20+$0x0] =	vst v3  }
0x142: {  	v3 =	vld [tilespmem:s18+$0x0];
	s20 =	spop (v2sf)  }
0x143: {  	(v2sf) =	vpush v2, $0x6;
	_ =	sdelay $0x3  }
0x144: {  	v3 =	vadd.f32 v3, v4;
	v4 =	vsel vm11, $0x3F800000, v0;
	_ =	sdelay $0x1  }
0x145: {  	[tilespmem:s18+$0x0] =	vst v3  }
0x146: {  	v3 =	vld [tilespmem:s19+$0x0];
	s18 =	spop (v2sf)  }
0x147: {  	(v2sf) =	vpush v2, $0x7;
	_ =	sdelay $0x3  }
0x148: {  	v3 =	vadd.f32 v3, v5;
	v5 =	vsel vm10, $0x3F800000, v0;
	_ =	sdelay $0x1  }
0x149: {  	[tilespmem:s19+$0x0] =	vst v3  }
0x14a: {  	v3 =	vld [tilespmem:s20+$0x0];
	s19 =	spop (v2sf)  }
0x14b: {  	(v2sf) =	vpush v2, $0x8;
	_ =	sdelay $0x3  }
0x14c: {  	v3 =	vadd.f32 v3, v4;
	v4 =	vsel vm9, $0x3F800000, v0;
	_ =	sdelay $0x1  }
0x14d: {  	[tilespmem:s20+$0x0] =	vst v3  }
0x14e: {  	v3 =	vld [tilespmem:s18+$0x0];
	s20 =	spop (v2sf)  }
0x14f: {  	(v2sf) =	vpush v2, $0x9;
	_ =	sdelay $0x3  }
0x150: {  	v3 =	vadd.f32 v3, v5;
	v5 =	vsel vm8, $0x3F800000, v0;
	_ =	sdelay $0x1  }
0x151: {  	[tilespmem:s18+$0x0] =	vst v3  }
0x152: {  	v3 =	vld [tilespmem:s19+$0x0];
	s18 =	spop (v2sf)  }
0x153: {  	(v2sf) =	vpush v2, $0xA;
	_ =	sdelay $0x3  }
0x154: {  	v3 =	vadd.f32 v3, v4;
	v4 =	vsel vm7, $0x3F800000, v0;
	_ =	sdelay $0x1  }
0x155: {  	[tilespmem:s19+$0x0] =	vst v3  }
0x156: {  	v3 =	vld [tilespmem:s20+$0x0];
	s19 =	spop (v2sf)  }
0x157: {  	(v2sf) =	vpush v2, $0xB;
	_ =	sdelay $0x3  }
0x158: {  	v3 =	vadd.f32 v3, v5;
	v5 =	vsel vm6, $0x3F800000, v0;
	_ =	sdelay $0x1  }
0x159: {  	[tilespmem:s20+$0x0] =	vst v3  }
0x15a: {  	v3 =	vld [tilespmem:s18+$0x0];
	s20 =	spop (v2sf)  }
0x15b: {  	(v2sf) =	vpush v2, $0xC;
	_ =	sdelay $0x3  }
0x15c: {  	v3 =	vadd.f32 v3, v4;
	v4 =	vsel vm5, $0x3F800000, v0;
	_ =	sdelay $0x1  }
0x15d: {  	[tilespmem:s18+$0x0] =	vst v3  }
0x15e: {  	v3 =	vld [tilespmem:s19+$0x0];
	s18 =	spop (v2sf)  }
0x15f: {  	(v2sf) =	vpush v2, $0xD;
	_ =	sdelay $0x3  }
0x160: {  	v3 =	vadd.f32 v3, v5;
	v5 =	vsel vm4, $0x3F800000, v0;
	_ =	sdelay $0x1  }
0x161: {  	[tilespmem:s19+$0x0] =	vst v3  }
0x162: {  	v3 =	vld [tilespmem:s20+$0x0];
	s21 =	spop (v2sf)  }
0x163: {  	(v2sf) =	vpush v2, $0xE;
	_ =	sdelay $0x3  }
0x164: {  	v3 =	vadd.f32 v3, v4;
	v4 =	vsel vm3, $0x3F800000, v0;
	_ =	sdelay $0x1  }
0x165: {  	[tilespmem:s20+$0x0] =	vst v3  }
0x166: {  	v3 =	vld [tilespmem:s18+$0x0];
	s20 =	spop (v2sf)  }
0x167: {  	(v2sf) =	vpush v2, $0xF;
	_ =	sdelay $0x3  }
0x168: {  	v2 =	vadd.f32 v3, v5;
	v3 =	vsel vm2, $0x3F800000, v0;
	_ =	sdelay $0x1  }
0x169: {  	[tilespmem:s18+$0x0] =	vst v2  }
0x16a: {  	v2 =	vld [tilespmem:s21+$0x0];
	s19 =	spop (v2sf);
	_ =	sdelay $0x4  }
0x16b: {  	v4 =	vadd.f32 v2, v4;
	v2 =	vsel vm1, $0x3F800000, v0;
	_ =	sdelay $0x1  }
0x16c: {  	[tilespmem:s21+$0x0] =	vst v4  }
0x16d: {  	v4 =	vld [tilespmem:s20+$0x0];
	s18 =	spop (v2sf);
	_ =	sdelay $0x2  }
.Ltmp2:
0x16e: {  	(pc) =	sbr.rel @p0 .LBB2_7-.Ltmp2, $3  }
0x16f: {  	_ = 	snop  }
0x170: {  	v4 =	vadd.f32 v4, v3;
	v3 =	vsel vm0, $0x3F800000, v0;
	_ =	sdelay $0x1  }
0x171: {  	[tilespmem:s20+$0x0] =	vst v4  }
0x172: {  	v4 =	vld [tilespmem:s19+$0x0];
	_ =	sdelay $0x4  }
0x173: {  	v2 =	vadd.f32 v4, v2;
	_ =	sdelay $0x1  }
0x174: {  	[tilespmem:s19+$0x0] =	vst v2  }
0x175: {  	v2 =	vld [tilespmem:s18+$0x0]  }
0x176: {  	s15 =	sadd.s32 $0x1, s15  }
0x177: {  	p0 =	sne.s32 s15, $0x28  }
.Ltmp3:
0x178: {  	_ = 	snop;
	(pc) =	sbr.rel @p0 .LBB2_6-.Ltmp3, $3  }
0x179: {  	_ = 	snop  }
0x17a: {  	v2 =	vadd.f32 v2, v3;
	_ =	sdelay $0x1  }
0x17b: {  	[tilespmem:s18+$0x0] =	vst v2  }
0x17c: {  	s15 =	simm.s32 $0x0  }
0x17d: {  	[hbm4b:s6+s15] =	stream.linear.scatter [tilespmem:s12], [sflag:$0x1], $0x14000, $0x38;
	[tilespmem:$0x17100] =	vst v63  }
0x17e: {  	_ =	swait.ge [sflag:s10], $0x14000  }
0x17f: {  	[sflag:s10] =	ssyncset.done $0x0  }
0x180: {  	s16 =	simm.s32 $0x40;
	s17 =	simm.s32 $0x0;
	[sflag:s10] =	ssyncadd.s32 $0xFFFEC000  }
.LBB2_10:
0x181: {  	p0 =	sne.s32 s16, $0x501C0;
	[tilespmem:s17+$0x880] =	vst v0;
	s17 =	smov.u32 s16;
	s16 =	sadd.s32 $0x40, s16  }
.Ltmp4:
0x182: {  	(pc) =	sbr.rel @p0 .LBB2_10-.Ltmp4, $2  }
0x183: {  	_ =	sdelay $0x2  }
0x184: {  	s17 =	sshra.s32 s17, $0x2  }
0x185: {  	[tilespmem:s17+$0x880] =	vst v0  }
.LBB2_12:
0x186: {  	s16 =	sshll.u32 s15, $0x7  }
0x187: {  	s16 =	sadd.s32 s5, s16  }
0x188: {  	s17 =	sshrl.u32 s16, $0x3  }
0x189: {  	s18 =	simm.s32 $0x0;
	s17 =	sadd.s32 s4, s17  }
0x18a: {  	[tilespmem:s18], [sflag:$0x1] =	stream.linear.gather [hbm4b:s17+s18], $0x80, $0x38;
	[tilespmem:$0x17100] =	vst v63  }
0x18b: {  	_ =	swait.ge [sflag:s10], $0x80  }
0x18c: {  	s16 =	sshll.u32 s16, $0x1;
	[sflag:s10] =	ssyncset.done $0x0  }
0x18d: {  	s16 =	sadd.s32 s3, s16;
	[sflag:s10] =	ssyncadd.s32 $0xFFFFFF80  }
0x18e: {  	[tilespmem:s11], [sflag:$0x1] =	stream.linear.gather [hbm4b:s16+s18], $0x800, $0x38;
	[tilespmem:$0x17100] =	vst v63  }
0x18f: {  	_ =	swait.ge [sflag:s10], $0x800  }
0x190: {  	[sflag:s10] =	ssyncset.done $0x0  }
0x191: {  	s30 =	simm.s32 $0x0;
	[sflag:s10] =	ssyncadd.s32 $0xFFFFF800  }
0x192: {  	v2 =	vld [tilespmem:s30+$0x0];
	_ =	sdelay $0x4  }
0x193: {  	v3 =	vadd.s32 $0xFFFFEC00, v2;
	v2 =	vshll.u32 v2, $0x4  }
0x194: {  	vm0 =	vlt.u32 v3, $0x1400;
	v2 =	vadd.s32 $0xFFFEC000, v2  }
0x195: {  	v2 =	vnsel vm0, $0x14000, v2  }
0x196: {  	v3 =	vadd.s32 $0x880, v2  }
0x197: {  	(v2sf) =	vpush v3, $0x0;
	_ =	sdelay $0x7  }
0x198: {  	(v2sf) =	vpush v3, $0x1;
	_ =	sdelay $0x5  }
0x199: {  	s16 =	simm.s32 $0x100  }
0x19a: {  	v2 =	vld [tilespmem:s16+$0xFFFFFF80];
	s31 =	spop (v2sf)  }
0x19b: {  	v4 =	vld [tilespmem:s31+$0x0]  }
0x19c: {  	(v2sf) =	vpush v3, $0x2;
	_ =	sdelay $0x3  }
0x19d: {  	v2 =	vadd.f32 v2, v4;
	_ =	sdelay $0x1  }
0x19e: {  	s18 =	spop (v2sf);
	[tilespmem:s31+$0x0] =	vst v2  }
0x19f: {  	v2 =	vld [tilespmem:s18+$0x0]  }
0x1a0: {  	v4 =	vld [tilespmem:s16+$0xFFFFFF90]  }
0x1a1: {  	(v2sf) =	vpush v3, $0x3;
	_ =	sdelay $0x3  }
0x1a2: {  	v2 =	vadd.f32 v4, v2;
	_ =	sdelay $0x1  }
0x1a3: {  	s19 =	spop (v2sf);
	[tilespmem:s18+$0x0] =	vst v2  }
0x1a4: {  	v2 =	vld [tilespmem:s19+$0x0]  }
0x1a5: {  	v4 =	vld [tilespmem:s16+$0xFFFFFFA0]  }
0x1a6: {  	(v2sf) =	vpush v3, $0x4;
	_ =	sdelay $0x3  }
0x1a7: {  	v2 =	vadd.f32 v4, v2;
	_ =	sdelay $0x1  }
0x1a8: {  	s20 =	spop (v2sf);
	[tilespmem:s19+$0x0] =	vst v2  }
0x1a9: {  	v2 =	vld [tilespmem:s20+$0x0]  }
0x1aa: {  	v4 =	vld [tilespmem:s16+$0xFFFFFFB0]  }
0x1ab: {  	(v2sf) =	vpush v3, $0x5;
	_ =	sdelay $0x3  }
0x1ac: {  	v2 =	vadd.f32 v4, v2;
	_ =	sdelay $0x1  }
0x1ad: {  	s21 =	spop (v2sf);
	[tilespmem:s20+$0x0] =	vst v2  }
0x1ae: {  	v2 =	vld [tilespmem:s21+$0x0]  }
0x1af: {  	v4 =	vld [tilespmem:s16+$0xFFFFFFC0]  }
0x1b0: {  	(v2sf) =	vpush v3, $0x6;
	_ =	sdelay $0x3  }
0x1b1: {  	v2 =	vadd.f32 v4, v2;
	_ =	sdelay $0x1  }
0x1b2: {  	s22 =	spop (v2sf);
	[tilespmem:s21+$0x0] =	vst v2  }
0x1b3: {  	v2 =	vld [tilespmem:s22+$0x0]  }
0x1b4: {  	v4 =	vld [tilespmem:s16+$0xFFFFFFD0]  }
0x1b5: {  	(v2sf) =	vpush v3, $0x7;
	_ =	sdelay $0x3  }
0x1b6: {  	v2 =	vadd.f32 v4, v2;
	_ =	sdelay $0x1  }
0x1b7: {  	s23 =	spop (v2sf);
	[tilespmem:s22+$0x0] =	vst v2  }
0x1b8: {  	v2 =	vld [tilespmem:s23+$0x0]  }
0x1b9: {  	v4 =	vld [tilespmem:s16+$0xFFFFFFE0]  }
0x1ba: {  	(v2sf) =	vpush v3, $0x8;
	_ =	sdelay $0x3  }
0x1bb: {  	v2 =	vadd.f32 v4, v2;
	_ =	sdelay $0x1  }
0x1bc: {  	s24 =	spop (v2sf);
	[tilespmem:s23+$0x0] =	vst v2  }
0x1bd: {  	v2 =	vld [tilespmem:s24+$0x0]  }
0x1be: {  	v4 =	vld [tilespmem:s16+$0xFFFFFFF0]  }
0x1bf: {  	(v2sf) =	vpush v3, $0x9;
	_ =	sdelay $0x3  }
0x1c0: {  	v2 =	vadd.f32 v4, v2;
	_ =	sdelay $0x1  }
0x1c1: {  	s25 =	spop (v2sf);
	[tilespmem:s24+$0x0] =	vst v2  }
0x1c2: {  	v2 =	vld [tilespmem:s25+$0x0]  }
0x1c3: {  	v4 =	vld [tilespmem:s16+$0x0]  }
0x1c4: {  	(v2sf) =	vpush v3, $0xA;
	_ =	sdelay $0x3  }
0x1c5: {  	v2 =	vadd.f32 v4, v2;
	_ =	sdelay $0x1  }
0x1c6: {  	s26 =	spop (v2sf);
	[tilespmem:s25+$0x0] =	vst v2  }
0x1c7: {  	v2 =	vld [tilespmem:s26+$0x0]  }
0x1c8: {  	v4 =	vld [tilespmem:s16+$0x10]  }
0x1c9: {  	(v2sf) =	vpush v3, $0xB;
	_ =	sdelay $0x3  }
0x1ca: {  	v2 =	vadd.f32 v4, v2;
	_ =	sdelay $0x1  }
0x1cb: {  	s28 =	spop (v2sf);
	[tilespmem:s26+$0x0] =	vst v2  }
0x1cc: {  	(v2sf) =	vpush v3, $0xC;
	v2 =	vld [tilespmem:s28+$0x0]  }
0x1cd: {  	v4 =	vld [tilespmem:s16+$0x20];
	_ =	sdelay $0x4  }
0x1ce: {  	v2 =	vadd.f32 v4, v2;
	_ =	sdelay $0x1  }
0x1cf: {  	s29 =	spop (v2sf);
	[tilespmem:s28+$0x0] =	vst v2  }
0x1d0: {  	v2 =	vld [tilespmem:s29+$0x0]  }
0x1d1: {  	v4 =	vld [tilespmem:s16+$0x30]  }
0x1d2: {  	(v2sf) =	vpush v3, $0xD;
	_ =	sdelay $0x3  }
0x1d3: {  	s30 =	spop (v2sf);
	(v2sf) =	vpush v3, $0xE;
	v2 =	vadd.f32 v4, v2;
	_ =	sdelay $0x1  }
0x1d4: {  	[tilespmem:s29+$0x0] =	vst v2  }
0x1d5: {  	v2 =	vld [tilespmem:s30+$0x0]  }
0x1d6: {  	v4 =	vld [tilespmem:s16+$0x40];
	_ =	sdelay $0x4  }
0x1d7: {  	v2 =	vadd.f32 v4, v2;
	_ =	sdelay $0x1  }
0x1d8: {  	s31 =	spop (v2sf);
	[tilespmem:s30+$0x0] =	vst v2  }
0x1d9: {  	v2 =	vld [tilespmem:s31+$0x0]  }
0x1da: {  	v4 =	vld [tilespmem:s16+$0x50];
	_ =	sdelay $0x1  }
0x1db: {  	s19 =	spop (v2sf);
	(v2sf) =	vpush v3, $0xF;
	_ =	sdelay $0x2  }
0x1dc: {  	v2 =	vadd.f32 v4, v2;
	_ =	sdelay $0x1  }
0x1dd: {  	[tilespmem:s31+$0x0] =	vst v2  }
0x1de: {  	v2 =	vld [tilespmem:s19+$0x0]  }
0x1df: {  	s17 =	simm.s32 $0x100;
	s18 =	simm.s32 $0x40;
	v3 =	vld [tilespmem:s16+$0x60]  }
.LBB2_13:
0x1e0: {  	p0 =	sne.s32 s18, $0x1C0  }
0x1e1: {  	s16 =	sadd.s32 $0x100, s16;
	s20 =	smov.u32 s18;
	s18 =	sadd.s32 $0x40, s18  }
0x1e2: {  	_ =	sdelay $0x2  }
0x1e3: {  	v2 =	vadd.f32 v3, v2;
	_ =	sdelay $0x1  }
0x1e4: {  	[tilespmem:s19+$0x0] =	vst v2;
	s19 =	spop (v2sf)  }
0x1e5: {  	v2 =	vld [tilespmem:s19+$0x0]  }
0x1e6: {  	v3 =	vld [tilespmem:s17+$0x70];
	s17 =	smov.u32 s16;
	_ =	sdelay $0x4  }
0x1e7: {  	v2 =	vadd.f32 v3, v2;
	_ =	sdelay $0x1  }
0x1e8: {  	s20 =	sshra.s32 s20, $0x2;
	[tilespmem:s19+$0x0] =	vst v2  }
0x1e9: {  	v2 =	vld [tilespmem:s20+$0x0];
	_ =	sdelay $0x4  }
0x1ea: {  	v3 =	vadd.s32 $0xFFFFEC00, v2;
	v2 =	vshll.u32 v2, $0x4  }
0x1eb: {  	vm0 =	vlt.u32 v3, $0x1400;
	v2 =	vadd.s32 $0xFFFEC000, v2  }
0x1ec: {  	v2 =	vnsel vm0, $0x14000, v2  }
0x1ed: {  	v2 =	vadd.s32 $0x880, v2  }
0x1ee: {  	(v2sf) =	vpush v2, $0x0;
	_ =	sdelay $0x7  }
0x1ef: {  	(v2sf) =	vpush v2, $0x1;
	_ =	sdelay $0x6  }
0x1f0: {  	v3 =	vld [tilespmem:s16+$0xFFFFFF80];
	s19 =	spop (v2sf)  }
0x1f1: {  	v4 =	vld [tilespmem:s19+$0x0]  }
0x1f2: {  	(v2sf) =	vpush v2, $0x2;
	_ =	sdelay $0x3  }
0x1f3: {  	v3 =	vadd.f32 v3, v4;
	_ =	sdelay $0x1  }
0x1f4: {  	[tilespmem:s19+$0x0] =	vst v3;
	s19 =	spop (v2sf)  }
0x1f5: {  	v3 =	vld [tilespmem:s19+$0x0]  }
0x1f6: {  	v4 =	vld [tilespmem:s16+$0xFFFFFF90]  }
0x1f7: {  	(v2sf) =	vpush v2, $0x3;
	_ =	sdelay $0x3  }
0x1f8: {  	v3 =	vadd.f32 v4, v3;
	_ =	sdelay $0x1  }
0x1f9: {  	[tilespmem:s19+$0x0] =	vst v3;
	s19 =	spop (v2sf)  }
0x1fa: {  	v3 =	vld [tilespmem:s19+$0x0]  }
0x1fb: {  	v4 =	vld [tilespmem:s16+$0xFFFFFFA0]  }
0x1fc: {  	(v2sf) =	vpush v2, $0x4;
	_ =	sdelay $0x3  }
0x1fd: {  	v3 =	vadd.f32 v4, v3;
	_ =	sdelay $0x1  }
0x1fe: {  	[tilespmem:s19+$0x0] =	vst v3;
	s19 =	spop (v2sf)  }
0x1ff: {  	v3 =	vld [tilespmem:s19+$0x0]  }
0x200: {  	v4 =	vld [tilespmem:s16+$0xFFFFFFB0]  }
0x201: {  	(v2sf) =	vpush v2, $0x5;
	_ =	sdelay $0x3  }
0x202: {  	v3 =	vadd.f32 v4, v3;
	_ =	sdelay $0x1  }
0x203: {  	[tilespmem:s19+$0x0] =	vst v3;
	s19 =	spop (v2sf)  }
0x204: {  	v3 =	vld [tilespmem:s19+$0x0]  }
0x205: {  	v4 =	vld [tilespmem:s16+$0xFFFFFFC0]  }
0x206: {  	(v2sf) =	vpush v2, $0x6;
	_ =	sdelay $0x3  }
0x207: {  	v3 =	vadd.f32 v4, v3;
	_ =	sdelay $0x1  }
0x208: {  	[tilespmem:s19+$0x0] =	vst v3;
	s19 =	spop (v2sf)  }
0x209: {  	v3 =	vld [tilespmem:s19+$0x0]  }
0x20a: {  	v4 =	vld [tilespmem:s16+$0xFFFFFFD0]  }
0x20b: {  	(v2sf) =	vpush v2, $0x7;
	_ =	sdelay $0x3  }
0x20c: {  	v3 =	vadd.f32 v4, v3;
	_ =	sdelay $0x1  }
0x20d: {  	[tilespmem:s19+$0x0] =	vst v3;
	s19 =	spop (v2sf)  }
0x20e: {  	v3 =	vld [tilespmem:s19+$0x0]  }
0x20f: {  	v4 =	vld [tilespmem:s16+$0xFFFFFFE0]  }
0x210: {  	(v2sf) =	vpush v2, $0x8;
	_ =	sdelay $0x3  }
0x211: {  	v3 =	vadd.f32 v4, v3;
	_ =	sdelay $0x1  }
0x212: {  	[tilespmem:s19+$0x0] =	vst v3;
	s19 =	spop (v2sf)  }
0x213: {  	v3 =	vld [tilespmem:s19+$0x0]  }
0x214: {  	v4 =	vld [tilespmem:s16+$0xFFFFFFF0]  }
0x215: {  	(v2sf) =	vpush v2, $0x9;
	_ =	sdelay $0x3  }
0x216: {  	v3 =	vadd.f32 v4, v3;
	_ =	sdelay $0x1  }
0x217: {  	[tilespmem:s19+$0x0] =	vst v3;
	s19 =	spop (v2sf)  }
0x218: {  	v3 =	vld [tilespmem:s19+$0x0]  }
0x219: {  	v4 =	vld [tilespmem:s16+$0x0]  }
0x21a: {  	(v2sf) =	vpush v2, $0xA;
	_ =	sdelay $0x3  }
0x21b: {  	v3 =	vadd.f32 v4, v3;
	_ =	sdelay $0x1  }
0x21c: {  	[tilespmem:s19+$0x0] =	vst v3;
	s19 =	spop (v2sf)  }
0x21d: {  	v3 =	vld [tilespmem:s19+$0x0]  }
0x21e: {  	v4 =	vld [tilespmem:s16+$0x10]  }
0x21f: {  	(v2sf) =	vpush v2, $0xB;
	_ =	sdelay $0x3  }
0x220: {  	v3 =	vadd.f32 v4, v3;
	_ =	sdelay $0x1  }
0x221: {  	[tilespmem:s19+$0x0] =	vst v3;
	s19 =	spop (v2sf)  }
0x222: {  	v3 =	vld [tilespmem:s19+$0x0]  }
0x223: {  	v4 =	vld [tilespmem:s16+$0x20]  }
0x224: {  	(v2sf) =	vpush v2, $0xC;
	_ =	sdelay $0x3  }
0x225: {  	v3 =	vadd.f32 v4, v3;
	_ =	sdelay $0x1  }
0x226: {  	[tilespmem:s19+$0x0] =	vst v3;
	s19 =	spop (v2sf)  }
0x227: {  	v3 =	vld [tilespmem:s19+$0x0]  }
0x228: {  	v4 =	vld [tilespmem:s16+$0x30]  }
0x229: {  	(v2sf) =	vpush v2, $0xD;
	_ =	sdelay $0x3  }
0x22a: {  	v3 =	vadd.f32 v4, v3;
	_ =	sdelay $0x1  }
0x22b: {  	[tilespmem:s19+$0x0] =	vst v3;
	s19 =	spop (v2sf)  }
0x22c: {  	v3 =	vld [tilespmem:s19+$0x0]  }
0x22d: {  	v4 =	vld [tilespmem:s16+$0x40]  }
0x22e: {  	(v2sf) =	vpush v2, $0xE;
	_ =	sdelay $0x3  }
0x22f: {  	v3 =	vadd.f32 v4, v3;
	_ =	sdelay $0x1  }
0x230: {  	[tilespmem:s19+$0x0] =	vst v3;
	s19 =	spop (v2sf)  }
0x231: {  	v3 =	vld [tilespmem:s19+$0x0]  }
0x232: {  	v4 =	vld [tilespmem:s16+$0x50]  }
0x233: {  	(v2sf) =	vpush v2, $0xF;
	_ =	sdelay $0x3  }
.Ltmp5:
0x234: {  	v2 =	vadd.f32 v4, v3;
	(pc) =	sbr.rel @p0 .LBB2_13-.Ltmp5, $4  }
0x235: {  	_ = 	snop  }
0x236: {  	[tilespmem:s19+$0x0] =	vst v2;
	s19 =	spop (v2sf)  }
0x237: {  	v2 =	vld [tilespmem:s19+$0x0]  }
0x238: {  	v3 =	vld [tilespmem:s16+$0x60]  }
0x239: {  	_ =	sdelay $0x3  }
0x23a: {  	v2 =	vadd.f32 v3, v2;
	_ =	sdelay $0x1  }
0x23b: {  	[tilespmem:s19+$0x0] =	vst v2;
	s16 =	spop (v2sf)  }
0x23c: {  	v2 =	vld [tilespmem:s16+$0x0]  }
0x23d: {  	v3 =	vld [tilespmem:s17+$0x70]  }
0x23e: {  	s15 =	sadd.s32 $0x1, s15  }
0x23f: {  	p0 =	sne.s32 s15, $0x28  }
.Ltmp6:
0x240: {  	_ = 	snop;
	(pc) =	sbr.rel @p0 .LBB2_12-.Ltmp6, $3  }
0x241: {  	_ = 	snop  }
0x242: {  	v2 =	vadd.f32 v3, v2;
	_ =	sdelay $0x1  }
0x243: {  	[tilespmem:s16+$0x0] =	vst v2  }
0x244: {  	[hbm4b:s7+s2] =	stream.linear.scatter [tilespmem:s12], [sflag:$0x1], $0x14000, $0x38;
	[tilespmem:$0x17100] =	vst v63  }
0x245: {  	s14 =	sadd.s32 $0x1, s14;
	_ =	swait.ge [sflag:s10], $0x14000  }
0x246: {  	p0 =	sne.s32 s14, s9;
	[sflag:s10] =	ssyncset.done $0x0  }
.Ltmp7:
0x247: {  	[sflag:s10] =	ssyncadd.s32 $0xFFFEC000;
	(pc) =	sbr.rel @p0 .LBB2_1-.Ltmp7, $4  }
0x248: {  	[hbm4b:s8+s2] =	stream.linear.scatter [tilespmem:s13], [sflag:$0x1], $0x2800, $0x38;
	[tilespmem:$0x17100] =	vst v63  }
0x249: {  	_ =	swait.ge [sflag:s10], $0x2800  }
0x24a: {  	[sflag:s10] =	ssyncset.done $0x0  }
0x24b: {  	[sflag:s10] =	ssyncadd.s32 $0xFFFFD800  }
0x24c: {  	_ =	sfence.sel $0x180000  }
0x24d: {  	[bflag:$0x0] =	sbarrier.arrive $0xFFFF  }
0x24e: {  	p0 =	sne.s32 s1, $0x0;
	_ =	strace $0x90000050  }
0x24f: {  	s0 =	sadd.s32 @!p0 $0x100000, s0;
	[bflag:$0x2] =	sbarrier.arrive $0xFFFF  }
0x250: {  	[sflag:s0] =	ssyncadd.tile.s32 @!p0 $0x1;
	_ =	shalt  }
.Lfunc_end2:
_tile_overlayer_lowered:
.L_overlay_start_2:
0x251: {  	(tag) =	ssettag $0x2  }
0x252: {  	s0 =	rddreg [dreg:$0x0];
	s2 =	stileid.u32  }
0x253: {  	s1 =	rddreg [dreg:$0x1];
	p0 =	sne.s32 s2, $0x0  }
0x254: {  	s3 =	rddreg [dreg:$0x2];
	[bflag:$0x3] =	sbarrier.arrive $0xFFFF;
	s2 =	simm.s32 @!p0 $0x1C01  }
0x255: {  	[timem:s3], [sflag:s2] =	dma.local @!p0 [hbm:s0], s1  }
0x256: {  	s0 =	simm.s32 @!p0 $0x1  }
0x257: {  	_ =	swait.ge @!p0 [sflag:s0], s1  }
0x258: {  	s1 =	ssub.s32 @!p0 $0x0, s1;
	[sflag:s0] =	ssyncset.done @!p0 $0x0  }
0x259: {  	[sflag:s0] =	ssyncadd.s32 @!p0 s1  }
0x25a: {  	[bflag:$0x3] =	sbarrier.arrive $0xFFFF  }
0x25b: {  	_ =	shalt  }

</sc_bundles>
